<compile_context>
chip_gen: v7x
topology: tpu7x:2x2x1
jax: 0.10.2.dev20260603
libtpu: 0.0.44.dev20260713+nightly
codegen_flags: <defaults>
</compile_context>

<pallas_src>
import functools

import jax
import jax.numpy as jnp
from jax import lax
from jax.experimental import pallas as pl
from jax.experimental.pallas import tpu as pltpu
from jax.experimental.pallas import tpu_sc as plsc

_PI1 = 774363409
_PI2 = -1640531535
_PI3 = 100000007

_NC = 2
_NS = 16
_NW = _NC * _NS

_SPP = 16
_NB = 3


def _gen_kernel(inp_t, hist_flat, params, table_size):
    R, _, P = inp_t.shape
    rpw = R // _NW
    F = rpw * 4 // _SPP
    pi1 = jnp.int32(_PI1)
    pi2 = jnp.int32(_PI2)
    pi3 = jnp.int32(_PI3)
    mask = jnp.int32(table_size - 1)
    mesh = plsc.VectorSubcoreMesh(core_axis_name="c", subcore_axis_name="s",
                                  num_cores=_NC, num_subcores=_NS)

    @functools.partial(
        pl.kernel,
        out_type=(jax.ShapeDtypeStruct((R * 4 * 8 * P,), jnp.int32),
                  jax.ShapeDtypeStruct((R * 4 * 8 * P,), jnp.float32)),
        mesh=mesh,
        scratch_types=[
            pltpu.VMEM((rpw, 3, P), jnp.float32),
            pltpu.VMEM((rpw * 4,), jnp.int32),
            pltpu.VMEM((2, _SPP, 16), jnp.float32),
            pltpu.VMEM((2, _SPP * 8 * P), jnp.int32),
            pltpu.VMEM((2, _SPP * 8 * P), jnp.float32),
            pltpu.SemaphoreType.DMA,
            pltpu.SemaphoreType.DMA,
            pltpu.SemaphoreType.DMA,
        ],
        compiler_params=pltpu.CompilerParams(use_tc_tiling_on_sc=False,
                                             needs_layout_passes=False),
    )
    def k(inp_hbm, hist_hbm, par_hbm, oidx_hbm, ow_hbm,
          inp_all, hist_all, params_v, idx_v, w_v, psem, isem, wsem):
        wid = lax.axis_index("s") * _NC + lax.axis_index("c")
        ray0_t = wid * rpw
        seg0_t = ray0_t * 4

        pltpu.sync_copy(inp_hbm.at[pl.ds(ray0_t, rpw)], inp_all)
        pltpu.sync_copy(hist_hbm.at[pl.ds(seg0_t, rpw * 4)], hist_all)

        def pslot(p):
            return p % 2 if isinstance(p, int) else lax.bitwise_and(p, 1)

        def issue_params(p):
            pltpu.async_copy(par_hbm.at[hist_all.at[pl.ds(p * _SPP, _SPP)]],
                             params_v.at[pslot(p)], psem)

        def wait_params(p):
            pltpu.make_async_copy(
                par_hbm.at[hist_all.at[pl.ds(p * _SPP, _SPP)]],
                params_v.at[pslot(p)], psem).wait()

        def stage_slice(hbm, p):
            return hbm.at[pl.ds((seg0_t + p * _SPP) * (8 * P), _SPP * 8 * P)]

        def gen(p):
            rb = pslot(p)

            def seg_body(j, carry):
                s = p * _SPP + j
                rl = lax.shift_right_logical(s, 2)
                pr = params_v[rb, j, :]
                mn0 = pr[0]
                mn1 = pr[1]
                mn2 = pr[2]
                ex0 = pr[3]
                ex1 = pr[4]
                ex2 = pr[5]
                bd0 = pr[6]
                bd1 = pr[7]
                bd2 = pr[8]
                b = pr[9].astype(jnp.int32)
                px = inp_all[rl, 0, :]
                py = inp_all[rl, 1, :]
                pz = inp_all[rl, 2, :]

                def axis(pp, mn, ex, bd):
                    v = (pp - mn) / ex
                    v = jnp.clip(v, 1e-6, 1.0 - 1e-6) * bd
                    i0 = v.astype(jnp.int32)
                    f0 = i0.astype(jnp.float32)
                    fr = v - f0
                    i1 = jnp.where(v > f0, i0 + 1, i0)
                    return i0, i1, fr

                x0, x1, fx = axis(px, mn0, ex0, bd0)
                y0, y1, fy = axis(py, mn1, ex1, bd1)
                z0, z1, fz = axis(pz, mn2, ex2, bd2)
                hy0 = y0 * pi1
                hy1 = y1 * pi1
                zb0 = (z0 * pi2) ^ (b * pi3)
                zb1 = (z1 * pi2) ^ (b * pi3)
                t00 = x0 ^ hy0
                t01 = x0 ^ hy1
                t10 = x1 ^ hy0
                t11 = x1 ^ hy1
                wx0 = 1.0 - fx
                wy0 = 1.0 - fy
                wz0 = 1.0 - fz
                wxy00 = wx0 * wy0
                wxy01 = wx0 * fy
                wxy10 = fx * wy0
                wxy11 = fx * fy
                idxs = (t00 ^ zb0, t00 ^ zb1, t01 ^ zb0, t01 ^ zb1,
                        t10 ^ zb0, t10 ^ zb1, t11 ^ zb0, t11 ^ zb1)
                ws = (wxy00 * wz0, wxy00 * fz, wxy01 * wz0, wxy01 * fz,
                      wxy10 * wz0, wxy10 * fz, wxy11 * wz0, wxy11 * fz)
                jb = j * (8 * P)
                for c in range(8):
                    idx_v[rb, pl.ds(jb + c * P, P)] = idxs[c] & mask
                    w_v[rb, pl.ds(jb + c * P, P)] = ws[c]
                return carry

            lax.fori_loop(0, _SPP, seg_body, 0)

        issue_params(0)
        wait_params(0)
        gen(0)
        pltpu.async_copy(idx_v.at[0], stage_slice(oidx_hbm, 0), isem)
        pltpu.async_copy(w_v.at[0], stage_slice(ow_hbm, 0), wsem)
        issue_params(1)

        def body(f, carry):
            @pl.when(f + 1 < F)
            def _():
                wait_params(f + 1)
                gen(f + 1)

            @pl.when(f + 2 < F)
            def _():
                issue_params(f + 2)

            pltpu.make_async_copy(idx_v.at[pslot(f)],
                                  stage_slice(oidx_hbm, f), isem).wait()
            pltpu.make_async_copy(w_v.at[pslot(f)],
                                  stage_slice(ow_hbm, f), wsem).wait()

            @pl.when(f + 1 < F)
            def _():
                pltpu.async_copy(idx_v.at[pslot(f + 1)],
                                 stage_slice(oidx_hbm, f + 1), isem)
                pltpu.async_copy(w_v.at[pslot(f + 1)],
                                 stage_slice(ow_hbm, f + 1), wsem)
            return carry

        lax.fori_loop(0, F, body, 0)

    return k(inp_t, hist_flat, params)


def _lookup_kernel(bbox_emb, idx_all, w_all, R, P):
    T, D = bbox_emb.shape
    rpw = R // _NW
    F = rpw * 4 // _SPP
    mesh = plsc.VectorSubcoreMesh(core_axis_name="c", subcore_axis_name="s",
                                  num_cores=_NC, num_subcores=_NS)

    @functools.partial(
        pl.kernel,
        out_type=jax.ShapeDtypeStruct((R * 4 * P * D,), jnp.float32),
        mesh=mesh,
        scratch_types=[
            pltpu.VMEM((_NB, _SPP * 8 * P), jnp.int32),
            pltpu.VMEM((_NB, _SPP * 8 * P), jnp.float32),
            pltpu.VMEM((_NB * _SPP * 8 * P, D), jnp.float32),
            pltpu.VMEM((_SPP * P * D,), jnp.float32),
            pltpu.SemaphoreType.DMA,
            pltpu.SemaphoreType.DMA,
            pltpu.SemaphoreType.DMA,
            pltpu.SemaphoreType.DMA,
            pltpu.SemaphoreType.DMA,
            pltpu.SemaphoreType.DMA,
        ],
        compiler_params=pltpu.CompilerParams(use_tc_tiling_on_sc=False,
                                             needs_layout_passes=False),
    )
    def k(emb_hbm, iall_hbm, wall_hbm, out_hbm,
          idx_v, w_v, gath_v, out_v,
          sem0, sem1, sem2, sem3, insem, osem):
        wid = lax.axis_index("s") * _NC + lax.axis_index("c")
        seg0_t = wid * rpw * 4
        sems = [sem0, sem1, sem2, sem3]
        iot = lax.iota(jnp.int32, 16)
        iot16 = iot * D

        def rslot(p):
            return p % _NB if isinstance(p, int) else lax.rem(p, _NB)

        def stage_slice(hbm, p):
            return hbm.at[pl.ds((seg0_t + p * _SPP) * (8 * P), _SPP * 8 * P)]

        def fire(p):
            rb = rslot(p)

            def seg_body(j, carry):
                src = emb_hbm.at[idx_v.at[rb, pl.ds(j * (8 * P), 8 * P)]]
                dst = gath_v.at[pl.ds((rb * _SPP + j) * (8 * P), 8 * P)]
                if isinstance(p, int):
                    pltpu.async_copy(src, dst, sems[rb])
                else:
                    for bb in range(_NB):
                        @pl.when(rb == bb)
                        def _():
                            pltpu.async_copy(src, dst, sems[bb])
                return carry

            lax.fori_loop(0, _SPP, seg_body, 0)

        def combine(p):
            rb = rslot(p)

            def drain(bb, rbv):
                for j in range(_SPP):
                    pltpu.make_async_copy(
                        emb_hbm.at[idx_v.at[rbv, pl.ds(j * (8 * P), 8 * P)]],
                        gath_v.at[pl.ds((rbv * _SPP + j) * (8 * P), 8 * P)],
                        sems[bb]).wait()

            if isinstance(p, int):
                drain(p % _NB, rb)
            else:
                for bb in range(_NB):
                    @pl.when(rb == bb)
                    def _():
                        drain(bb, rb)

            def seg_body(j, carry):
                jb = j * (8 * P)
                wrows = [w_v[rb, pl.ds(jb + c * P, P)] for c in range(8)]
                rowp = (rb * _SPP + j) * (8 * P) + iot
                acc = [None] * D
                for c in range(8):
                    rowc = rowp + c * P
                    for d in range(D):
                        gv = plsc.load_gather(
                            gath_v, [rowc, jnp.full((16,), d, jnp.int32)])
                        if c == 0:
                            acc[d] = wrows[0] * gv
                        else:
                            acc[d] = acc[d] + wrows[c] * gv
                ob = j * (P * D) + iot16
                for d in range(D):
                    plsc.store_scatter(out_v, [ob + d], acc[d])
                return carry

            lax.fori_loop(0, _SPP, seg_body, 0)

        def out_slice(p):
            return out_hbm.at[pl.ds((seg0_t + p * _SPP) * (P * D),
                                    _SPP * P * D)]

        for p in (0, 1):
            rb = p % _NB
            pltpu.sync_copy(stage_slice(iall_hbm, p),
                            idx_v.at[rb])
            pltpu.sync_copy(stage_slice(wall_hbm, p),
                            w_v.at[rb])
            fire(p)

        def body(f, carry):
            @pl.when(f + 2 < F)
            def _():
                rb2 = lax.rem(f + 2, _NB)
                pltpu.make_async_copy(
                    stage_slice(iall_hbm, f + 2),
                    idx_v.at[rb2], insem).wait()
                pltpu.make_async_copy(
                    stage_slice(wall_hbm, f + 2),
                    w_v.at[rb2], insem).wait()
                fire(f + 2)

            @pl.when(f >= 1)
            def _():
                pltpu.make_async_copy(out_v, out_slice(f - 1), osem).wait()

            combine(f)
            pltpu.async_copy(out_v, out_slice(f), osem)

            @pl.when(f + 3 < F)
            def _():
                rb3 = lax.rem(f + 3, _NB)
                pltpu.async_copy(stage_slice(iall_hbm, f + 3),
                                 idx_v.at[rb3], insem)
                pltpu.async_copy(stage_slice(wall_hbm, f + 3),
                                 w_v.at[rb3], insem)
            return carry

        @pl.when(2 < F)
        def _():
            rb2 = 2 % _NB
            pltpu.async_copy(stage_slice(iall_hbm, 2),
                             idx_v.at[rb2], insem)
            pltpu.async_copy(stage_slice(wall_hbm, 2),
                             w_v.at[rb2], insem)

        lax.fori_loop(0, F, body, 0)
        pltpu.make_async_copy(out_v, out_slice(F - 1), osem).wait()

    return k(bbox_emb, idx_all, w_all)


@functools.partial(jax.jit, static_argnums=(4, 5))
def _sc_encode(inp_t, hist_flat, bbox_emb, params, R, P):
    idx_all, w_all = _gen_kernel(inp_t, hist_flat, params, bbox_emb.shape[0])
    return _lookup_kernel(bbox_emb, idx_all, w_all, R, P)


def kernel(inp, history, bbox_emb, nodes_min, nodes_extent, bbox_dims):
    n_rays, n_points, _ = inp.shape
    n_nodes = nodes_min.shape[0]
    emb_flat = jax.lax.optimization_barrier(bbox_emb.reshape(-1))
    bbox_emb = emb_flat.reshape(bbox_emb.shape)
    inp_t = jnp.transpose(inp, (0, 2, 1))
    hist_flat = history.reshape(-1).astype(jnp.int32)
    params = jnp.concatenate(
        [nodes_min, nodes_extent, bbox_dims,
         jnp.arange(n_nodes, dtype=jnp.float32)[:, None],
         jnp.zeros((n_nodes, 6), jnp.float32)], axis=1)
    out = _sc_encode(inp_t, hist_flat, bbox_emb, params, n_rays, n_points)
    return out.reshape(n_rays, 4 * n_points * bbox_emb.shape[1])

# --- scband reference (transcript-rebuilt; emitter-appended) ---
"""Pipeline reference for scband-hash-multi-bbox-encoder-25821343383808 (READ-ONLY COPY).

The authoritative reference and input builder live on the scoring server;
editing this copy changes nothing except your own understanding.
"""

import jax, jax.numpy as jnp
import numpy as np

TABLE_SIZE = 2097152
ENC_DIM = 16
ENC_DEPTH = 4
N_NODES = 100000
N_RAYS = 16384
N_POINTS = 16

PIS = jnp.array([1, 774363409, 2654435761, 100000007], dtype=jnp.uint32)


def setup_inputs(seed: int = 0) -> dict:
    key = jax.random.key(seed)
    k1, k2, k3, k4, k5 = jax.random.split(key, 5)
    inp = jax.random.uniform(k1, (N_RAYS, N_POINTS, 3), dtype=jnp.float32)
    # history: BVH path node indices per ray per depth level (stand-in for bvh.fill_history)
    history = jax.random.randint(k2, (N_RAYS, ENC_DEPTH), 0, N_NODES, dtype=jnp.int32)
    # learned hash-grid embedding table, init uniform(-1e-4, 1e-4) as in the module
    bbox_emb = jax.random.uniform(k3, (TABLE_SIZE, ENC_DIM), minval=-0.0001, maxval=0.0001, dtype=jnp.float32)
    nodes_min = jax.random.uniform(k4, (N_NODES, 3), dtype=jnp.float32) * 2.0 - 1.0
    nodes_extent = jax.random.uniform(k5, (N_NODES, 3), dtype=jnp.float32) + 0.1
    bbox_dims = jnp.ones((N_NODES, 3), dtype=jnp.float32) * 4.0
    return {"inp": inp, "history": history, "bbox_emb": bbox_emb, "nodes_min": nodes_min, "nodes_extent": nodes_extent, "bbox_dims": bbox_dims}


def _hash(x, y, z, b):
    a = x * PIS[0] ^ y * PIS[1] ^ z * PIS[2] ^ b * PIS[3]
    return (a % jnp.uint32(TABLE_SIZE)).astype(jnp.int32)


def _encode_bbox(pts, bbox_idxs, bbox_emb, bbox_dims):
    bd = jnp.take(bbox_dims, bbox_idxs, axis=0)
    p = jnp.clip(pts, 1e-6, 1.0 - 1e-6) * bd
    x0f = jnp.floor(p[:, 0]); x1f = jnp.ceil(p[:, 0]); x = p[:, 0] - x0f
    y0f = jnp.floor(p[:, 1]); y1f = jnp.ceil(p[:, 1]); y = p[:, 1] - y0f
    z0f = jnp.floor(p[:, 2]); z1f = jnp.ceil(p[:, 2]); z = p[:, 2] - z0f
    x0 = x0f.astype(jnp.uint32); x1 = x1f.astype(jnp.uint32)
    y0 = y0f.astype(jnp.uint32); y1 = y1f.astype(jnp.uint32)
    z0 = z0f.astype(jnp.uint32); z1 = z1f.astype(jnp.uint32)
    b = bbox_idxs.astype(jnp.uint32)
    i000 = _hash(x0, y0, z0, b)
    i001 = _hash(x0, y0, z1, b)
    i010 = _hash(x0, y1, z0, b)
    i011 = _hash(x0, y1, z1, b)
    i100 = _hash(x1, y0, z0, b)
    i101 = _hash(x1, y0, z1, b)
    i110 = _hash(x1, y1, z0, b)
    i111 = _hash(x1, y1, z1, b)
    w000 = (1 - x) * (1 - y) * (1 - z)
    w100 = x * (1 - y) * (1 - z)
    w010 = (1 - x) * y * (1 - z)
    w001 = (1 - x) * (1 - y) * z
    w101 = x * (1 - y) * z
    w011 = (1 - x) * y * z
    w110 = x * y * (1 - z)
    w111 = x * y * z
    f000 = jnp.take(bbox_emb, i000, axis=0)
    f100 = jnp.take(bbox_emb, i100, axis=0)
    f010 = jnp.take(bbox_emb, i010, axis=0)
    f001 = jnp.take(bbox_emb, i001, axis=0)
    f101 = jnp.take(bbox_emb, i101, axis=0)
    f011 = jnp.take(bbox_emb, i011, axis=0)
    f110 = jnp.take(bbox_emb, i110, axis=0)
    f111 = jnp.take(bbox_emb, i111, axis=0)
    return (w000[:, None] * f000 + w100[:, None] * f100 + w010[:, None] * f010
            + w001[:, None] * f001 + w101[:, None] * f101 + w011[:, None] * f011
            + w110[:, None] * f110 + w111[:, None] * f111)


def reference(inp, history, bbox_emb, nodes_min, nodes_extent, bbox_dims):
    n_rays, n_points, _ = inp.shape
    feats = []
    for i in range(ENC_DEPTH):
        path_bbox_idxs = history[:, i]
        path_nodes_min = jnp.take(nodes_min, path_bbox_idxs, axis=0)
        extent = jnp.take(nodes_extent, path_bbox_idxs, axis=0)
        path_inp = (inp - path_nodes_min[:, None, :]) / extent[:, None, :]
        path_inp = jnp.clip(path_inp, 0.0, 1.0)
        inp_packed = path_inp.reshape(-1, 3)
        flat_idxs = jnp.repeat(path_bbox_idxs, n_points)
        f = _encode_bbox(inp_packed, flat_idxs, bbox_emb, bbox_dims)
        feats.append(f.reshape(n_rays, -1))
    return jnp.concatenate(feats, axis=1)

if __name__ == "__main__":
    import jax
    _d = setup_inputs()
    print(jax.jit(kernel)(*tuple(_d.values())))

</pallas_src>

<mosaic_0001>
#map = affine_map<(d0, d1) -> (0, 0, 0)>
#map1 = affine_map<(d0, d1) -> (0)>
#map2 = affine_map<(d0, d1) -> (0, 0)>
module attributes {stable_mosaic.version = 14 : i64} {
  func.func @_rewritten_body(%arg0: i32, %arg1: i32, %arg2: memref<16384x3x16xf32, #tpu.memory_space<hbm>>, %arg3: memref<65536xi32, #tpu.memory_space<hbm>>, %arg4: memref<100000x16xf32, #tpu.memory_space<hbm>>, %arg5: memref<1xi32, #tpu.memory_space<hbm>>, %arg6: memref<1xi32, #tpu.memory_space<hbm>>, %arg7: memref<1xi32, #tpu.memory_space<hbm>>, %arg8: memref<1xi32, #tpu.memory_space<hbm>>, %arg9: memref<8388608xi32, #tpu.memory_space<hbm>>, %arg10: memref<8388608xf32, #tpu.memory_space<hbm>>, %arg11: memref<512x3x16xf32, #tpu.memory_space<vmem>>, %arg12: memref<2048xi32, #tpu.memory_space<vmem>>, %arg13: memref<2x16x16xf32, #tpu.memory_space<vmem>>, %arg14: memref<2x2048xi32, #tpu.memory_space<vmem>>, %arg15: memref<2x2048xf32, #tpu.memory_space<vmem>>, %arg16: memref<!tpu.dma_semaphore, #tpu.memory_space<semaphore_mem>>, %arg17: memref<!tpu.dma_semaphore, #tpu.memory_space<semaphore_mem>>, %arg18: memref<!tpu.dma_semaphore, #tpu.memory_space<semaphore_mem>>) attributes {dimension_semantics = [#tpu.dimension_semantics<core_parallel>, #tpu.dimension_semantics<subcore_parallel>], iteration_bounds = array<i64: 2, 16>, scalar_prefetch = 0 : i64, scratch_operands = 8 : i64, tpu.core_type = #tpu.core_type<sc_vector_subcore>, window_params = [{transform_indices = #map}, {transform_indices = #map1}, {transform_indices = #map2}, {transform_indices = #map1}, {transform_indices = #map1}, {transform_indices = #map1}, {transform_indices = #map1}, {transform_indices = #map1}, {transform_indices = #map1}]} {
    %empty_ref3A = memref.alloca() : memref<16xi32, #tpu.memory_space<vmem>>
    %empty_ref3A_0 = memref.alloca() : memref<16xi32, #tpu.memory_space<vmem>>
    %empty_ref3A_1 = memref.alloca() : memref<16xi32, #tpu.memory_space<vmem>>
    %empty_ref3A_2 = memref.alloca() : memref<16xi32, #tpu.memory_space<vmem>>
    "tpu.region"() ({
      %run_scoped3A = tpu.sem_alloc : memref<!tpu.dma_semaphore, #tpu.memory_space<semaphore_mem>>
      %dma_start3A_86 = arith.constant 0 : i32
      %dma_start3A_87 = tpu.memref_slice %empty_ref3A[%dma_start3A_86] : memref<16xi32, #tpu.memory_space<vmem>> -> memref<1xi32, #tpu.memory_space<vmem>>
      %dma_start3A_88 = arith.constant 0 : i32
      %dma_start3A_89 = tpu.memref_slice %empty_ref3A[%dma_start3A_88] : memref<16xi32, #tpu.memory_space<vmem>> -> memref<1xi32, #tpu.memory_space<vmem>>
      tpu.enqueue_dma source(%arg5 : memref<1xi32, #tpu.memory_space<hbm>>) target(%dma_start3A_89 : memref<1xi32, #tpu.memory_space<vmem>>) target_semaphore(%run_scoped3A : memref<!tpu.dma_semaphore, #tpu.memory_space<semaphore_mem>>)
      %dma_start3A_90 = arith.constant 0 : i32
      %dma_start3A_91 = tpu.memref_slice %empty_ref3A_0[%dma_start3A_90] : memref<16xi32, #tpu.memory_space<vmem>> -> memref<1xi32, #tpu.memory_space<vmem>>
      %dma_start3A_92 = arith.constant 0 : i32
      %dma_start3A_93 = tpu.memref_slice %empty_ref3A_0[%dma_start3A_92] : memref<16xi32, #tpu.memory_space<vmem>> -> memref<1xi32, #tpu.memory_space<vmem>>
      tpu.enqueue_dma source(%arg6 : memref<1xi32, #tpu.memory_space<hbm>>) target(%dma_start3A_93 : memref<1xi32, #tpu.memory_space<vmem>>) target_semaphore(%run_scoped3A : memref<!tpu.dma_semaphore, #tpu.memory_space<semaphore_mem>>)
      %dma_start3A_94 = arith.constant 0 : i32
      %dma_start3A_95 = tpu.memref_slice %empty_ref3A_1[%dma_start3A_94] : memref<16xi32, #tpu.memory_space<vmem>> -> memref<1xi32, #tpu.memory_space<vmem>>
      %dma_start3A_96 = arith.constant 0 : i32
      %dma_start3A_97 = tpu.memref_slice %empty_ref3A_1[%dma_start3A_96] : memref<16xi32, #tpu.memory_space<vmem>> -> memref<1xi32, #tpu.memory_space<vmem>>
      tpu.enqueue_dma source(%arg7 : memref<1xi32, #tpu.memory_space<hbm>>) target(%dma_start3A_97 : memref<1xi32, #tpu.memory_space<vmem>>) target_semaphore(%run_scoped3A : memref<!tpu.dma_semaphore, #tpu.memory_space<semaphore_mem>>)
      %dma_start3A_98 = arith.constant 0 : i32
      %dma_start3A_99 = tpu.memref_slice %empty_ref3A_2[%dma_start3A_98] : memref<16xi32, #tpu.memory_space<vmem>> -> memref<1xi32, #tpu.memory_space<vmem>>
      %dma_start3A_100 = arith.constant 0 : i32
      %dma_start3A_101 = tpu.memref_slice %empty_ref3A_2[%dma_start3A_100] : memref<16xi32, #tpu.memory_space<vmem>> -> memref<1xi32, #tpu.memory_space<vmem>>
      tpu.enqueue_dma source(%arg8 : memref<1xi32, #tpu.memory_space<hbm>>) target(%dma_start3A_101 : memref<1xi32, #tpu.memory_space<vmem>>) target_semaphore(%run_scoped3A : memref<!tpu.dma_semaphore, #tpu.memory_space<semaphore_mem>>)
      %dma_wait3A_102 = arith.constant 0 : i32
      %dma_wait3A_103 = tpu.memref_slice %empty_ref3A[%dma_wait3A_102] : memref<16xi32, #tpu.memory_space<vmem>> -> memref<1xi32, #tpu.memory_space<vmem>>
      %dma_wait3A_104 = arith.constant 0 : i32
      %dma_wait3A_105 = tpu.memref_slice %empty_ref3A[%dma_wait3A_104] : memref<16xi32, #tpu.memory_space<vmem>> -> memref<1xi32, #tpu.memory_space<vmem>>
      tpu.wait_dma2 semaphore(%run_scoped3A : memref<!tpu.dma_semaphore, #tpu.memory_space<semaphore_mem>>) src(%arg5 : memref<1xi32, #tpu.memory_space<hbm>>) dst(%dma_wait3A_105 : memref<1xi32, #tpu.memory_space<vmem>>)
      %dma_wait3A_106 = arith.constant 0 : i32
      %dma_wait3A_107 = tpu.memref_slice %empty_ref3A_0[%dma_wait3A_106] : memref<16xi32, #tpu.memory_space<vmem>> -> memref<1xi32, #tpu.memory_space<vmem>>
      %dma_wait3A_108 = arith.constant 0 : i32
      %dma_wait3A_109 = tpu.memref_slice %empty_ref3A_0[%dma_wait3A_108] : memref<16xi32, #tpu.memory_space<vmem>> -> memref<1xi32, #tpu.memory_space<vmem>>
      tpu.wait_dma2 semaphore(%run_scoped3A : memref<!tpu.dma_semaphore, #tpu.memory_space<semaphore_mem>>) src(%arg6 : memref<1xi32, #tpu.memory_space<hbm>>) dst(%dma_wait3A_109 : memref<1xi32, #tpu.memory_space<vmem>>)
      %dma_wait3A_110 = arith.constant 0 : i32
      %dma_wait3A_111 = tpu.memref_slice %empty_ref3A_1[%dma_wait3A_110] : memref<16xi32, #tpu.memory_space<vmem>> -> memref<1xi32, #tpu.memory_space<vmem>>
      %dma_wait3A_112 = arith.constant 0 : i32
      %dma_wait3A_113 = tpu.memref_slice %empty_ref3A_1[%dma_wait3A_112] : memref<16xi32, #tpu.memory_space<vmem>> -> memref<1xi32, #tpu.memory_space<vmem>>
      tpu.wait_dma2 semaphore(%run_scoped3A : memref<!tpu.dma_semaphore, #tpu.memory_space<semaphore_mem>>) src(%arg7 : memref<1xi32, #tpu.memory_space<hbm>>) dst(%dma_wait3A_113 : memref<1xi32, #tpu.memory_space<vmem>>)
      %dma_wait3A_114 = arith.constant 0 : i32
      %dma_wait3A_115 = tpu.memref_slice %empty_ref3A_2[%dma_wait3A_114] : memref<16xi32, #tpu.memory_space<vmem>> -> memref<1xi32, #tpu.memory_space<vmem>>
      %dma_wait3A_116 = arith.constant 0 : i32
      %dma_wait3A_117 = tpu.memref_slice %empty_ref3A_2[%dma_wait3A_116] : memref<16xi32, #tpu.memory_space<vmem>> -> memref<1xi32, #tpu.memory_space<vmem>>
      tpu.wait_dma2 semaphore(%run_scoped3A : memref<!tpu.dma_semaphore, #tpu.memory_space<semaphore_mem>>) src(%arg8 : memref<1xi32, #tpu.memory_space<hbm>>) dst(%dma_wait3A_117 : memref<1xi32, #tpu.memory_space<vmem>>)
      tpu.yield
    }) : () -> ()
    %get3A = arith.constant 0 : index
    %get3A_3 = tpu.vector_load %empty_ref3A[%get3A] {strides = array<i32>} : memref<16xi32, #tpu.memory_space<vmem>>, vector<16xi32>,
    %slice3A = vector.extract_strided_slice %get3A_3 {offsets = [0], sizes = [1], strides = [1]} : vector<16xi32> to vector<1xi32>
    %squeeze3A = vector.extract %slice3A[0] : i32 from vector<1xi32>
    %get3A_4 = arith.constant 0 : index
    %get3A_5 = tpu.vector_load %empty_ref3A_0[%get3A_4] {strides = array<i32>} : memref<16xi32, #tpu.memory_space<vmem>>, vector<16xi32>,
    %slice3A_6 = vector.extract_strided_slice %get3A_5 {offsets = [0], sizes = [1], strides = [1]} : vector<16xi32> to vector<1xi32>
    %squeeze3A_7 = vector.extract %slice3A_6[0] : i32 from vector<1xi32>
    %get3A_8 = arith.constant 0 : index
    %get3A_9 = tpu.vector_load %empty_ref3A_1[%get3A_8] {strides = array<i32>} : memref<16xi32, #tpu.memory_space<vmem>>, vector<16xi32>,
    %slice3A_10 = vector.extract_strided_slice %get3A_9 {offsets = [0], sizes = [1], strides = [1]} : vector<16xi32> to vector<1xi32>
    %squeeze3A_11 = vector.extract %slice3A_10[0] : i32 from vector<1xi32>
    %get3A_12 = arith.constant 0 : index
    %get3A_13 = tpu.vector_load %empty_ref3A_2[%get3A_12] {strides = array<i32>} : memref<16xi32, #tpu.memory_space<vmem>>, vector<16xi32>,
    %slice3A_14 = vector.extract_strided_slice %get3A_13 {offsets = [0], sizes = [1], strides = [1]} : vector<16xi32> to vector<1xi32>
    %squeeze3A_15 = vector.extract %slice3A_14[0] : i32 from vector<1xi32>
    %mul3A = arith.constant 2 : i32
    %mul3A_16 = arith.muli %arg1, %mul3A : i32
    %add3A = arith.addi %mul3A_16, %arg0 : i32
    %mul3A_17 = arith.constant 512 : i32
    %mul3A_18 = arith.muli %add3A, %mul3A_17 : i32
    %mul3A_19 = arith.constant 4 : i32
    %mul3A_20 = arith.muli %mul3A_18, %mul3A_19 : i32
    "tpu.region"() ({
      %run_scoped3A = tpu.sem_alloc : memref<!tpu.dma_semaphore, #tpu.memory_space<semaphore_mem>>
      %dma_start3A_86 = arith.constant 0 : i32
      %dma_start3A_87 = arith.constant 0 : i32
      %dma_start3A_88 = tpu.memref_slice %arg2[%mul3A_18, %dma_start3A_86, %dma_start3A_87] : memref<16384x3x16xf32, #tpu.memory_space<hbm>> -> memref<512x3x16xf32, #tpu.memory_space<hbm>>
      %dma_start3A_89 = arith.constant 0 : i32
      %dma_start3A_90 = arith.constant 0 : i32
      %dma_start3A_91 = tpu.memref_slice %arg2[%mul3A_18, %dma_start3A_89, %dma_start3A_90] : memref<16384x3x16xf32, #tpu.memory_space<hbm>> -> memref<512x3x16xf32, #tpu.memory_space<hbm>>
      tpu.enqueue_dma source(%dma_start3A_91 : memref<512x3x16xf32, #tpu.memory_space<hbm>>) target(%arg11 : memref<512x3x16xf32, #tpu.memory_space<vmem>>) target_semaphore(%run_scoped3A : memref<!tpu.dma_semaphore, #tpu.memory_space<semaphore_mem>>)
      %dma_wait3A_92 = arith.constant 0 : i32
      %dma_wait3A_93 = arith.constant 0 : i32
      %dma_wait3A_94 = tpu.memref_slice %arg2[%mul3A_18, %dma_wait3A_92, %dma_wait3A_93] : memref<16384x3x16xf32, #tpu.memory_space<hbm>> -> memref<512x3x16xf32, #tpu.memory_space<hbm>>
      %dma_wait3A_95 = arith.constant 0 : i32
      %dma_wait3A_96 = arith.constant 0 : i32
      %dma_wait3A_97 = tpu.memref_slice %arg2[%mul3A_18, %dma_wait3A_95, %dma_wait3A_96] : memref<16384x3x16xf32, #tpu.memory_space<hbm>> -> memref<512x3x16xf32, #tpu.memory_space<hbm>>
      tpu.wait_dma2 semaphore(%run_scoped3A : memref<!tpu.dma_semaphore, #tpu.memory_space<semaphore_mem>>) src(%dma_wait3A_97 : memref<512x3x16xf32, #tpu.memory_space<hbm>>) dst(%arg11 : memref<512x3x16xf32, #tpu.memory_space<vmem>>)
      tpu.yield
    }) : () -> ()
    "tpu.region"() ({
      %run_scoped3A = tpu.sem_alloc : memref<!tpu.dma_semaphore, #tpu.memory_space<semaphore_mem>>
      %dma_start3A_86 = tpu.memref_slice %arg3[%mul3A_20] : memref<65536xi32, #tpu.memory_space<hbm>> -> memref<2048xi32, #tpu.memory_space<hbm>>
      %dma_start3A_87 = tpu.memref_slice %arg3[%mul3A_20] : memref<65536xi32, #tpu.memory_space<hbm>> -> memref<2048xi32, #tpu.memory_space<hbm>>
      tpu.enqueue_dma source(%dma_start3A_87 : memref<2048xi32, #tpu.memory_space<hbm>>) target(%arg12 : memref<2048xi32, #tpu.memory_space<vmem>>) target_semaphore(%run_scoped3A : memref<!tpu.dma_semaphore, #tpu.memory_space<semaphore_mem>>)
      %dma_wait3A_88 = tpu.memref_slice %arg3[%mul3A_20] : memref<65536xi32, #tpu.memory_space<hbm>> -> memref<2048xi32, #tpu.memory_space<hbm>>
      %dma_wait3A_89 = tpu.memref_slice %arg3[%mul3A_20] : memref<65536xi32, #tpu.memory_space<hbm>> -> memref<2048xi32, #tpu.memory_space<hbm>>
      tpu.wait_dma2 semaphore(%run_scoped3A : memref<!tpu.dma_semaphore, #tpu.memory_space<semaphore_mem>>) src(%dma_wait3A_89 : memref<2048xi32, #tpu.memory_space<hbm>>) dst(%arg12 : memref<2048xi32, #tpu.memory_space<vmem>>)
      tpu.yield
    }) : () -> ()
    %dma_start3A = arith.constant 0 : i32
    %dma_start3A_21 = arith.constant 0 : i32
    %dma_start3A_22 = arith.constant 0 : i32
    %dma_start3A_23 = tpu.memref_slice %arg13[%dma_start3A, %dma_start3A_21, %dma_start3A_22] : memref<2x16x16xf32, #tpu.memory_space<vmem>> -> memref<1x16x16xf32, #tpu.memory_space<vmem>>
    %dma_start3A_24 = tpu.memref_squeeze %dma_start3A_23 : memref<1x16x16xf32, #tpu.memory_space<vmem>> -> memref<16x16xf32, #tpu.memory_space<vmem>>
    %dma_start3A_25 = arith.constant 0 : i32
    %dma_start3A_26 = tpu.memref_slice %arg12[%dma_start3A_25] : memref<2048xi32, #tpu.memory_space<vmem>> -> memref<16xi32, #tpu.memory_space<vmem>>
    %dma_start3A_27 = arith.constant 0 : i32
    %dma_start3A_28 = arith.constant 0 : i32
    %dma_start3A_29 = tpu.memref_slice %arg4[%dma_start3A_27, %dma_start3A_28] : memref<100000x16xf32, #tpu.memory_space<hbm>> -> memref<100000x16xf32, #tpu.memory_space<hbm>>
    tpu.enqueue_indirect_dma source(%dma_start3A_29 : memref<100000x16xf32, #tpu.memory_space<hbm>>) target(%dma_start3A_24 : memref<16x16xf32, #tpu.memory_space<vmem>>) offsets(%dma_start3A_26 : memref<16xi32, #tpu.memory_space<vmem>>) semaphore(%arg16 : memref<!tpu.dma_semaphore, #tpu.memory_space<semaphore_mem>>)
    %dma_wait3A = arith.constant 0 : i32
    %dma_wait3A_30 = arith.constant 0 : i32
    %dma_wait3A_31 = arith.constant 0 : i32
    %dma_wait3A_32 = tpu.memref_slice %arg13[%dma_wait3A, %dma_wait3A_30, %dma_wait3A_31] : memref<2x16x16xf32, #tpu.memory_space<vmem>> -> memref<1x16x16xf32, #tpu.memory_space<vmem>>
    %dma_wait3A_33 = tpu.memref_squeeze %dma_wait3A_32 : memref<1x16x16xf32, #tpu.memory_space<vmem>> -> memref<16x16xf32, #tpu.memory_space<vmem>>
    %dma_wait3A_34 = arith.constant 0 : i32
    %dma_wait3A_35 = tpu.memref_slice %arg12[%dma_wait3A_34] : memref<2048xi32, #tpu.memory_space<vmem>> -> memref<16xi32, #tpu.memory_space<vmem>>
    %dma_wait3A_36 = arith.constant 0 : i32
    %dma_wait3A_37 = arith.constant 0 : i32
    %dma_wait3A_38 = tpu.memref_slice %arg4[%dma_wait3A_36, %dma_wait3A_37] : memref<100000x16xf32, #tpu.memory_space<hbm>> -> memref<100000x16xf32, #tpu.memory_space<hbm>>
    tpu.wait_indirect_dma semaphore(%arg16 : memref<!tpu.dma_semaphore, #tpu.memory_space<semaphore_mem>>) src(%dma_wait3A_38 : memref<100000x16xf32, #tpu.memory_space<hbm>>) dst(%dma_wait3A_33 : memref<16x16xf32, #tpu.memory_space<vmem>>)
    %scan3A = arith.constant 0 : i32
    %scan3A_39 = arith.constant 0 : i32
    %scan3A_40 = arith.constant 16 : i32
    %scan3A_41 = arith.addi %scan3A_39, %scan3A_40 : i32
    %scan3A_42 = arith.constant 1 : i32
    scf.for %scan3A_86 = %scan3A_39 to %scan3A_41 step %scan3A_42  : i32 {
      %add3A_87 = arith.constant 0 : i32
      %add3A_88 = arith.addi %add3A_87, %scan3A_86 : i32
      %shift_right_logical3A = arith.constant 2 : i32
      %shift_right_logical3A_89 = arith.shrui %add3A_88, %shift_right_logical3A : i32
      %get3A_90 = arith.constant 0 : i32
      %get3A_91 = arith.index_cast %get3A_90 : i32 to index
      %get3A_92 = arith.index_cast %scan3A_86 : i32 to index
      %get3A_93 = arith.constant 0 : index
      %get3A_94 = tpu.vector_load %arg13[%get3A_91, %get3A_92, %get3A_93] {strides = array<i32>} : memref<2x16x16xf32, #tpu.memory_space<vmem>>, vector<16xf32>,
      %slice3A_95 = vector.extract_strided_slice %get3A_94 {offsets = [0], sizes = [1], strides = [1]} : vector<16xf32> to vector<1xf32>
      %squeeze3A_96 = vector.extract %slice3A_95[0] : f32 from vector<1xf32>
      %slice3A_97 = vector.extract_strided_slice %get3A_94 {offsets = [1], sizes = [1], strides = [1]} : vector<16xf32> to vector<1xf32>
      %squeeze3A_98 = vector.extract %slice3A_97[0] : f32 from vector<1xf32>
      %slice3A_99 = vector.extract_strided_slice %get3A_94 {offsets = [2], sizes = [1], strides = [1]} : vector<16xf32> to vector<1xf32>
      %squeeze3A_100 = vector.extract %slice3A_99[0] : f32 from vector<1xf32>
      %slice3A_101 = vector.extract_strided_slice %get3A_94 {offsets = [3], sizes = [1], strides = [1]} : vector<16xf32> to vector<1xf32>
      %squeeze3A_102 = vector.extract %slice3A_101[0] : f32 from vector<1xf32>
      %slice3A_103 = vector.extract_strided_slice %get3A_94 {offsets = [4], sizes = [1], strides = [1]} : vector<16xf32> to vector<1xf32>
      %squeeze3A_104 = vector.extract %slice3A_103[0] : f32 from vector<1xf32>
      %slice3A_105 = vector.extract_strided_slice %get3A_94 {offsets = [5], sizes = [1], strides = [1]} : vector<16xf32> to vector<1xf32>
      %squeeze3A_106 = vector.extract %slice3A_105[0] : f32 from vector<1xf32>
      %slice3A_107 = vector.extract_strided_slice %get3A_94 {offsets = [6], sizes = [1], strides = [1]} : vector<16xf32> to vector<1xf32>
      %squeeze3A_108 = vector.extract %slice3A_107[0] : f32 from vector<1xf32>
      %slice3A_109 = vector.extract_strided_slice %get3A_94 {offsets = [7], sizes = [1], strides = [1]} : vector<16xf32> to vector<1xf32>
      %squeeze3A_110 = vector.extract %slice3A_109[0] : f32 from vector<1xf32>
      %slice3A_111 = vector.extract_strided_slice %get3A_94 {offsets = [8], sizes = [1], strides = [1]} : vector<16xf32> to vector<1xf32>
      %squeeze3A_112 = vector.extract %slice3A_111[0] : f32 from vector<1xf32>
      %slice3A_113 = vector.extract_strided_slice %get3A_94 {offsets = [9], sizes = [1], strides = [1]} : vector<16xf32> to vector<1xf32>
      %squeeze3A_114 = vector.extract %slice3A_113[0] : f32 from vector<1xf32>
      %convert_element_type3A = arith.fptosi %squeeze3A_114 : f32 to i32
      %get3A_115 = arith.constant 0 : i32
      %get3A_116 = arith.index_cast %shift_right_logical3A_89 : i32 to index
      %get3A_117 = arith.index_cast %get3A_115 : i32 to index
      %get3A_118 = arith.constant 0 : index
      %get3A_119 = tpu.vector_load %arg11[%get3A_116, %get3A_117, %get3A_118] {strides = array<i32>} : memref<512x3x16xf32, #tpu.memory_space<vmem>>, vector<16xf32>,
      %get3A_120 = arith.constant 1 : i32
      %get3A_121 = arith.index_cast %shift_right_logical3A_89 : i32 to index
      %get3A_122 = arith.index_cast %get3A_120 : i32 to index
      %get3A_123 = arith.constant 0 : index
      %get3A_124 = tpu.vector_load %arg11[%get3A_121, %get3A_122, %get3A_123] {strides = array<i32>} : memref<512x3x16xf32, #tpu.memory_space<vmem>>, vector<16xf32>,
      %get3A_125 = arith.constant 2 : i32
      %get3A_126 = arith.index_cast %shift_right_logical3A_89 : i32 to index
      %get3A_127 = arith.index_cast %get3A_125 : i32 to index
      %get3A_128 = arith.constant 0 : index
      %get3A_129 = tpu.vector_load %arg11[%get3A_126, %get3A_127, %get3A_128] {strides = array<i32>} : memref<512x3x16xf32, #tpu.memory_space<vmem>>, vector<16xf32>,
      %sub3A = vector.broadcast %squeeze3A_96 : f32 to vector<16xf32>
      %sub3A_130 = arith.subf %get3A_119, %sub3A : vector<16xf32>
      %div3A = vector.broadcast %squeeze3A_102 : f32 to vector<16xf32>
      %div3A_131 = arith.divf %sub3A_130, %div3A : vector<16xf32>
      %jit3A = arith.constant 9.99999997E-7 : f32
      %jit3A_132 = arith.constant 0.999998986 : f32
      %max3A = vector.broadcast %jit3A : f32 to vector<16xf32>
      %max3A_133 = arith.maximumf %max3A, %div3A_131 : vector<16xf32>
      %min3A = vector.broadcast %jit3A_132 : f32 to vector<16xf32>
      %min3A_134 = arith.minimumf %min3A, %max3A_133 : vector<16xf32>
      %mul3A_135 = vector.broadcast %squeeze3A_108 : f32 to vector<16xf32>
      %mul3A_136 = arith.mulf %min3A_134, %mul3A_135 : vector<16xf32>
      %convert_element_type3A_137 = arith.fptosi %mul3A_136 : vector<16xf32> to vector<16xi32>
      %convert_element_type3A_138 = arith.sitofp %convert_element_type3A_137 : vector<16xi32> to vector<16xf32>
      %sub3A_139 = arith.subf %mul3A_136, %convert_element_type3A_138 : vector<16xf32>
      %gt3A = arith.cmpf ogt, %mul3A_136, %convert_element_type3A_138 : vector<16xf32>
      %add3A_140 = arith.constant 1 : i32
      %add3A_141 = vector.broadcast %add3A_140 : i32 to vector<16xi32>
      %add3A_142 = arith.addi %convert_element_type3A_137, %add3A_141 : vector<16xi32>
      %select_n3A = arith.select %gt3A, %add3A_142, %convert_element_type3A_137 : vector<16xi1>, vector<16xi32>
      %sub3A_143 = vector.broadcast %squeeze3A_98 : f32 to vector<16xf32>
      %sub3A_144 = arith.subf %get3A_124, %sub3A_143 : vector<16xf32>
      %div3A_145 = vector.broadcast %squeeze3A_104 : f32 to vector<16xf32>
      %div3A_146 = arith.divf %sub3A_144, %div3A_145 : vector<16xf32>
      %jit3A_147 = arith.constant 9.99999997E-7 : f32
      %jit3A_148 = arith.constant 0.999998986 : f32
      %max3A_149 = vector.broadcast %jit3A_147 : f32 to vector<16xf32>
      %max3A_150 = arith.maximumf %max3A_149, %div3A_146 : vector<16xf32>
      %min3A_151 = vector.broadcast %jit3A_148 : f32 to vector<16xf32>
      %min3A_152 = arith.minimumf %min3A_151, %max3A_150 : vector<16xf32>
      %mul3A_153 = vector.broadcast %squeeze3A_110 : f32 to vector<16xf32>
      %mul3A_154 = arith.mulf %min3A_152, %mul3A_153 : vector<16xf32>
      %convert_element_type3A_155 = arith.fptosi %mul3A_154 : vector<16xf32> to vector<16xi32>
      %convert_element_type3A_156 = arith.sitofp %convert_element_type3A_155 : vector<16xi32> to vector<16xf32>
      %sub3A_157 = arith.subf %mul3A_154, %convert_element_type3A_156 : vector<16xf32>
      %gt3A_158 = arith.cmpf ogt, %mul3A_154, %convert_element_type3A_156 : vector<16xf32>
      %add3A_159 = arith.constant 1 : i32
      %add3A_160 = vector.broadcast %add3A_159 : i32 to vector<16xi32>
      %add3A_161 = arith.addi %convert_element_type3A_155, %add3A_160 : vector<16xi32>
      %select_n3A_162 = arith.select %gt3A_158, %add3A_161, %convert_element_type3A_155 : vector<16xi1>, vector<16xi32>
      %sub3A_163 = vector.broadcast %squeeze3A_100 : f32 to vector<16xf32>
      %sub3A_164 = arith.subf %get3A_129, %sub3A_163 : vector<16xf32>
      %div3A_165 = vector.broadcast %squeeze3A_106 : f32 to vector<16xf32>
      %div3A_166 = arith.divf %sub3A_164, %div3A_165 : vector<16xf32>
      %jit3A_167 = arith.constant 9.99999997E-7 : f32
      %jit3A_168 = arith.constant 0.999998986 : f32
      %max3A_169 = vector.broadcast %jit3A_167 : f32 to vector<16xf32>
      %max3A_170 = arith.maximumf %max3A_169, %div3A_166 : vector<16xf32>
      %min3A_171 = vector.broadcast %jit3A_168 : f32 to vector<16xf32>
      %min3A_172 = arith.minimumf %min3A_171, %max3A_170 : vector<16xf32>
      %mul3A_173 = vector.broadcast %squeeze3A_112 : f32 to vector<16xf32>
      %mul3A_174 = arith.mulf %min3A_172, %mul3A_173 : vector<16xf32>
      %convert_element_type3A_175 = arith.fptosi %mul3A_174 : vector<16xf32> to vector<16xi32>
      %convert_element_type3A_176 = arith.sitofp %convert_element_type3A_175 : vector<16xi32> to vector<16xf32>
      %sub3A_177 = arith.subf %mul3A_174, %convert_element_type3A_176 : vector<16xf32>
      %gt3A_178 = arith.cmpf ogt, %mul3A_174, %convert_element_type3A_176 : vector<16xf32>
      %add3A_179 = arith.constant 1 : i32
      %add3A_180 = vector.broadcast %add3A_179 : i32 to vector<16xi32>
      %add3A_181 = arith.addi %convert_element_type3A_175, %add3A_180 : vector<16xi32>
      %select_n3A_182 = arith.select %gt3A_178, %add3A_181, %convert_element_type3A_175 : vector<16xi1>, vector<16xi32>
      %mul3A_183 = vector.broadcast %squeeze3A : i32 to vector<16xi32>
      %mul3A_184 = arith.muli %convert_element_type3A_155, %mul3A_183 : vector<16xi32>
      %mul3A_185 = vector.broadcast %squeeze3A : i32 to vector<16xi32>
      %mul3A_186 = arith.muli %select_n3A_162, %mul3A_185 : vector<16xi32>
      %mul3A_187 = vector.broadcast %squeeze3A_7 : i32 to vector<16xi32>
      %mul3A_188 = arith.muli %convert_element_type3A_175, %mul3A_187 : vector<16xi32>
      %mul3A_189 = arith.muli %convert_element_type3A, %squeeze3A_11 : i32
      %xor3A = vector.broadcast %mul3A_189 : i32 to vector<16xi32>
      %xor3A_190 = arith.xori %mul3A_188, %xor3A : vector<16xi32>
      %mul3A_191 = vector.broadcast %squeeze3A_7 : i32 to vector<16xi32>
      %mul3A_192 = arith.muli %select_n3A_182, %mul3A_191 : vector<16xi32>
      %mul3A_193 = arith.muli %convert_element_type3A, %squeeze3A_11 : i32
      %xor3A_194 = vector.broadcast %mul3A_193 : i32 to vector<16xi32>
      %xor3A_195 = arith.xori %mul3A_192, %xor3A_194 : vector<16xi32>
      %xor3A_196 = arith.xori %convert_element_type3A_137, %mul3A_184 : vector<16xi32>
      %xor3A_197 = arith.xori %convert_element_type3A_137, %mul3A_186 : vector<16xi32>
      %xor3A_198 = arith.xori %select_n3A, %mul3A_184 : vector<16xi32>
      %xor3A_199 = arith.xori %select_n3A, %mul3A_186 : vector<16xi32>
      %sub3A_200 = arith.constant 1.000000e+00 : f32
      %sub3A_201 = vector.broadcast %sub3A_200 : f32 to vector<16xf32>
      %sub3A_202 = arith.subf %sub3A_201, %sub3A_139 : vector<16xf32>
      %sub3A_203 = arith.constant 1.000000e+00 : f32
      %sub3A_204 = vector.broadcast %sub3A_203 : f32 to vector<16xf32>
      %sub3A_205 = arith.subf %sub3A_204, %sub3A_157 : vector<16xf32>
      %sub3A_206 = arith.constant 1.000000e+00 : f32
      %sub3A_207 = vector.broadcast %sub3A_206 : f32 to vector<16xf32>
      %sub3A_208 = arith.subf %sub3A_207, %sub3A_177 : vector<16xf32>
      %mul3A_209 = arith.mulf %sub3A_202, %sub3A_205 : vector<16xf32>
      %mul3A_210 = arith.mulf %sub3A_202, %sub3A_157 : vector<16xf32>
      %mul3A_211 = arith.mulf %sub3A_139, %sub3A_205 : vector<16xf32>
      %mul3A_212 = arith.mulf %sub3A_139, %sub3A_157 : vector<16xf32>
      %xor3A_213 = arith.xori %xor3A_196, %xor3A_190 : vector<16xi32>
      %xor3A_214 = arith.xori %xor3A_196, %xor3A_195 : vector<16xi32>
      %xor3A_215 = arith.xori %xor3A_197, %xor3A_190 : vector<16xi32>
      %xor3A_216 = arith.xori %xor3A_197, %xor3A_195 : vector<16xi32>
      %xor3A_217 = arith.xori %xor3A_198, %xor3A_190 : vector<16xi32>
      %xor3A_218 = arith.xori %xor3A_198, %xor3A_195 : vector<16xi32>
      %xor3A_219 = arith.xori %xor3A_199, %xor3A_190 : vector<16xi32>
      %xor3A_220 = arith.xori %xor3A_199, %xor3A_195 : vector<16xi32>
      %mul3A_221 = arith.mulf %mul3A_209, %sub3A_208 : vector<16xf32>
      %mul3A_222 = arith.mulf %mul3A_209, %sub3A_177 : vector<16xf32>
      %mul3A_223 = arith.mulf %mul3A_210, %sub3A_208 : vector<16xf32>
      %mul3A_224 = arith.mulf %mul3A_210, %sub3A_177 : vector<16xf32>
      %mul3A_225 = arith.mulf %mul3A_211, %sub3A_208 : vector<16xf32>
      %mul3A_226 = arith.mulf %mul3A_211, %sub3A_177 : vector<16xf32>
      %mul3A_227 = arith.mulf %mul3A_212, %sub3A_208 : vector<16xf32>
      %mul3A_228 = arith.mulf %mul3A_212, %sub3A_177 : vector<16xf32>
      %mul3A_229 = arith.constant 128 : i32
      %mul3A_230 = arith.muli %scan3A_86, %mul3A_229 : i32
      %and3A = vector.broadcast %squeeze3A_15 : i32 to vector<16xi32>
      %and3A_231 = arith.andi %xor3A_213, %and3A : vector<16xi32>
      %add3A_232 = arith.constant 0 : i32
      %add3A_233 = arith.addi %mul3A_230, %add3A_232 : i32
      %swap3A = arith.constant 0 : i32
      %swap3A_234 = arith.index_cast %swap3A : i32 to index
      %swap3A_235 = arith.index_cast %add3A_233 : i32 to index
      %swap3A_236 = tpu.vector_load %arg14[%swap3A_234, %swap3A_235] {strides = array<i32>} : memref<2x2048xi32, #tpu.memory_space<vmem>>, vector<16xi32>,
      tpu.vector_store %arg14[%swap3A_234, %swap3A_235], %and3A_231 {strides = array<i32>} : memref<2x2048xi32, #tpu.memory_space<vmem>>, vector<16xi32>,
      %add3A_237 = arith.constant 0 : i32
      %add3A_238 = arith.addi %mul3A_230, %add3A_237 : i32
      %swap3A_239 = arith.constant 0 : i32
      %swap3A_240 = arith.index_cast %swap3A_239 : i32 to index
      %swap3A_241 = arith.index_cast %add3A_238 : i32 to index
      %swap3A_242 = tpu.vector_load %arg15[%swap3A_240, %swap3A_241] {strides = array<i32>} : memref<2x2048xf32, #tpu.memory_space<vmem>>, vector<16xf32>,
      tpu.vector_store %arg15[%swap3A_240, %swap3A_241], %mul3A_221 {strides = array<i32>} : memref<2x2048xf32, #tpu.memory_space<vmem>>, vector<16xf32>,
      %and3A_243 = vector.broadcast %squeeze3A_15 : i32 to vector<16xi32>
      %and3A_244 = arith.andi %xor3A_214, %and3A_243 : vector<16xi32>
      %add3A_245 = arith.constant 16 : i32
      %add3A_246 = arith.addi %mul3A_230, %add3A_245 : i32
      %swap3A_247 = arith.constant 0 : i32
      %swap3A_248 = arith.index_cast %swap3A_247 : i32 to index
      %swap3A_249 = arith.index_cast %add3A_246 : i32 to index
      %swap3A_250 = tpu.vector_load %arg14[%swap3A_248, %swap3A_249] {strides = array<i32>} : memref<2x2048xi32, #tpu.memory_space<vmem>>, vector<16xi32>,
      tpu.vector_store %arg14[%swap3A_248, %swap3A_249], %and3A_244 {strides = array<i32>} : memref<2x2048xi32, #tpu.memory_space<vmem>>, vector<16xi32>,
      %add3A_251 = arith.constant 16 : i32
      %add3A_252 = arith.addi %mul3A_230, %add3A_251 : i32
      %swap3A_253 = arith.constant 0 : i32
      %swap3A_254 = arith.index_cast %swap3A_253 : i32 to index
      %swap3A_255 = arith.index_cast %add3A_252 : i32 to index
      %swap3A_256 = tpu.vector_load %arg15[%swap3A_254, %swap3A_255] {strides = array<i32>} : memref<2x2048xf32, #tpu.memory_space<vmem>>, vector<16xf32>,
      tpu.vector_store %arg15[%swap3A_254, %swap3A_255], %mul3A_222 {strides = array<i32>} : memref<2x2048xf32, #tpu.memory_space<vmem>>, vector<16xf32>,
      %and3A_257 = vector.broadcast %squeeze3A_15 : i32 to vector<16xi32>
      %and3A_258 = arith.andi %xor3A_215, %and3A_257 : vector<16xi32>
      %add3A_259 = arith.constant 32 : i32
      %add3A_260 = arith.addi %mul3A_230, %add3A_259 : i32
      %swap3A_261 = arith.constant 0 : i32
      %swap3A_262 = arith.index_cast %swap3A_261 : i32 to index
      %swap3A_263 = arith.index_cast %add3A_260 : i32 to index
      %swap3A_264 = tpu.vector_load %arg14[%swap3A_262, %swap3A_263] {strides = array<i32>} : memref<2x2048xi32, #tpu.memory_space<vmem>>, vector<16xi32>,
      tpu.vector_store %arg14[%swap3A_262, %swap3A_263], %and3A_258 {strides = array<i32>} : memref<2x2048xi32, #tpu.memory_space<vmem>>, vector<16xi32>,
      %add3A_265 = arith.constant 32 : i32
      %add3A_266 = arith.addi %mul3A_230, %add3A_265 : i32
      %swap3A_267 = arith.constant 0 : i32
      %swap3A_268 = arith.index_cast %swap3A_267 : i32 to index
      %swap3A_269 = arith.index_cast %add3A_266 : i32 to index
      %swap3A_270 = tpu.vector_load %arg15[%swap3A_268, %swap3A_269] {strides = array<i32>} : memref<2x2048xf32, #tpu.memory_space<vmem>>, vector<16xf32>,
      tpu.vector_store %arg15[%swap3A_268, %swap3A_269], %mul3A_223 {strides = array<i32>} : memref<2x2048xf32, #tpu.memory_space<vmem>>, vector<16xf32>,
      %and3A_271 = vector.broadcast %squeeze3A_15 : i32 to vector<16xi32>
      %and3A_272 = arith.andi %xor3A_216, %and3A_271 : vector<16xi32>
      %add3A_273 = arith.constant 48 : i32
      %add3A_274 = arith.addi %mul3A_230, %add3A_273 : i32
      %swap3A_275 = arith.constant 0 : i32
      %swap3A_276 = arith.index_cast %swap3A_275 : i32 to index
      %swap3A_277 = arith.index_cast %add3A_274 : i32 to index
      %swap3A_278 = tpu.vector_load %arg14[%swap3A_276, %swap3A_277] {strides = array<i32>} : memref<2x2048xi32, #tpu.memory_space<vmem>>, vector<16xi32>,
      tpu.vector_store %arg14[%swap3A_276, %swap3A_277], %and3A_272 {strides = array<i32>} : memref<2x2048xi32, #tpu.memory_space<vmem>>, vector<16xi32>,
      %add3A_279 = arith.constant 48 : i32
      %add3A_280 = arith.addi %mul3A_230, %add3A_279 : i32
      %swap3A_281 = arith.constant 0 : i32
      %swap3A_282 = arith.index_cast %swap3A_281 : i32 to index
      %swap3A_283 = arith.index_cast %add3A_280 : i32 to index
      %swap3A_284 = tpu.vector_load %arg15[%swap3A_282, %swap3A_283] {strides = array<i32>} : memref<2x2048xf32, #tpu.memory_space<vmem>>, vector<16xf32>,
      tpu.vector_store %arg15[%swap3A_282, %swap3A_283], %mul3A_224 {strides = array<i32>} : memref<2x2048xf32, #tpu.memory_space<vmem>>, vector<16xf32>,
      %and3A_285 = vector.broadcast %squeeze3A_15 : i32 to vector<16xi32>
      %and3A_286 = arith.andi %xor3A_217, %and3A_285 : vector<16xi32>
      %add3A_287 = arith.constant 64 : i32
      %add3A_288 = arith.addi %mul3A_230, %add3A_287 : i32
      %swap3A_289 = arith.constant 0 : i32
      %swap3A_290 = arith.index_cast %swap3A_289 : i32 to index
      %swap3A_291 = arith.index_cast %add3A_288 : i32 to index
      %swap3A_292 = tpu.vector_load %arg14[%swap3A_290, %swap3A_291] {strides = array<i32>} : memref<2x2048xi32, #tpu.memory_space<vmem>>, vector<16xi32>,
      tpu.vector_store %arg14[%swap3A_290, %swap3A_291], %and3A_286 {strides = array<i32>} : memref<2x2048xi32, #tpu.memory_space<vmem>>, vector<16xi32>,
      %add3A_293 = arith.constant 64 : i32
      %add3A_294 = arith.addi %mul3A_230, %add3A_293 : i32
      %swap3A_295 = arith.constant 0 : i32
      %swap3A_296 = arith.index_cast %swap3A_295 : i32 to index
      %swap3A_297 = arith.index_cast %add3A_294 : i32 to index
      %swap3A_298 = tpu.vector_load %arg15[%swap3A_296, %swap3A_297] {strides = array<i32>} : memref<2x2048xf32, #tpu.memory_space<vmem>>, vector<16xf32>,
      tpu.vector_store %arg15[%swap3A_296, %swap3A_297], %mul3A_225 {strides = array<i32>} : memref<2x2048xf32, #tpu.memory_space<vmem>>, vector<16xf32>,
      %and3A_299 = vector.broadcast %squeeze3A_15 : i32 to vector<16xi32>
      %and3A_300 = arith.andi %xor3A_218, %and3A_299 : vector<16xi32>
      %add3A_301 = arith.constant 80 : i32
      %add3A_302 = arith.addi %mul3A_230, %add3A_301 : i32
      %swap3A_303 = arith.constant 0 : i32
      %swap3A_304 = arith.index_cast %swap3A_303 : i32 to index
      %swap3A_305 = arith.index_cast %add3A_302 : i32 to index
      %swap3A_306 = tpu.vector_load %arg14[%swap3A_304, %swap3A_305] {strides = array<i32>} : memref<2x2048xi32, #tpu.memory_space<vmem>>, vector<16xi32>,
      tpu.vector_store %arg14[%swap3A_304, %swap3A_305], %and3A_300 {strides = array<i32>} : memref<2x2048xi32, #tpu.memory_space<vmem>>, vector<16xi32>,
      %add3A_307 = arith.constant 80 : i32
      %add3A_308 = arith.addi %mul3A_230, %add3A_307 : i32
      %swap3A_309 = arith.constant 0 : i32
      %swap3A_310 = arith.index_cast %swap3A_309 : i32 to index
      %swap3A_311 = arith.index_cast %add3A_308 : i32 to index
      %swap3A_312 = tpu.vector_load %arg15[%swap3A_310, %swap3A_311] {strides = array<i32>} : memref<2x2048xf32, #tpu.memory_space<vmem>>, vector<16xf32>,
      tpu.vector_store %arg15[%swap3A_310, %swap3A_311], %mul3A_226 {strides = array<i32>} : memref<2x2048xf32, #tpu.memory_space<vmem>>, vector<16xf32>,
      %and3A_313 = vector.broadcast %squeeze3A_15 : i32 to vector<16xi32>
      %and3A_314 = arith.andi %xor3A_219, %and3A_313 : vector<16xi32>
      %add3A_315 = arith.constant 96 : i32
      %add3A_316 = arith.addi %mul3A_230, %add3A_315 : i32
      %swap3A_317 = arith.constant 0 : i32
      %swap3A_318 = arith.index_cast %swap3A_317 : i32 to index
      %swap3A_319 = arith.index_cast %add3A_316 : i32 to index
      %swap3A_320 = tpu.vector_load %arg14[%swap3A_318, %swap3A_319] {strides = array<i32>} : memref<2x2048xi32, #tpu.memory_space<vmem>>, vector<16xi32>,
      tpu.vector_store %arg14[%swap3A_318, %swap3A_319], %and3A_314 {strides = array<i32>} : memref<2x2048xi32, #tpu.memory_space<vmem>>, vector<16xi32>,
      %add3A_321 = arith.constant 96 : i32
      %add3A_322 = arith.addi %mul3A_230, %add3A_321 : i32
      %swap3A_323 = arith.constant 0 : i32
      %swap3A_324 = arith.index_cast %swap3A_323 : i32 to index
      %swap3A_325 = arith.index_cast %add3A_322 : i32 to index
      %swap3A_326 = tpu.vector_load %arg15[%swap3A_324, %swap3A_325] {strides = array<i32>} : memref<2x2048xf32, #tpu.memory_space<vmem>>, vector<16xf32>,
      tpu.vector_store %arg15[%swap3A_324, %swap3A_325], %mul3A_227 {strides = array<i32>} : memref<2x2048xf32, #tpu.memory_space<vmem>>, vector<16xf32>,
      %and3A_327 = vector.broadcast %squeeze3A_15 : i32 to vector<16xi32>
      %and3A_328 = arith.andi %xor3A_220, %and3A_327 : vector<16xi32>
      %add3A_329 = arith.constant 112 : i32
      %add3A_330 = arith.addi %mul3A_230, %add3A_329 : i32
      %swap3A_331 = arith.constant 0 : i32
      %swap3A_332 = arith.index_cast %swap3A_331 : i32 to index
      %swap3A_333 = arith.index_cast %add3A_330 : i32 to index
      %swap3A_334 = tpu.vector_load %arg14[%swap3A_332, %swap3A_333] {strides = array<i32>} : memref<2x2048xi32, #tpu.memory_space<vmem>>, vector<16xi32>,
      tpu.vector_store %arg14[%swap3A_332, %swap3A_333], %and3A_328 {strides = array<i32>} : memref<2x2048xi32, #tpu.memory_space<vmem>>, vector<16xi32>,
      %add3A_335 = arith.constant 112 : i32
      %add3A_336 = arith.addi %mul3A_230, %add3A_335 : i32
      %swap3A_337 = arith.constant 0 : i32
      %swap3A_338 = arith.index_cast %swap3A_337 : i32 to index
      %swap3A_339 = arith.index_cast %add3A_336 : i32 to index
      %swap3A_340 = tpu.vector_load %arg15[%swap3A_338, %swap3A_339] {strides = array<i32>} : memref<2x2048xf32, #tpu.memory_space<vmem>>, vector<16xf32>,
      tpu.vector_store %arg15[%swap3A_338, %swap3A_339], %mul3A_228 {strides = array<i32>} : memref<2x2048xf32, #tpu.memory_space<vmem>>, vector<16xf32>,
    }
    %scan3A_43 = arith.constant 16 : i32
    %add3A_44 = arith.constant 0 : i32
    %add3A_45 = arith.addi %mul3A_20, %add3A_44 : i32
    %mul3A_46 = arith.constant 128 : i32
    %mul3A_47 = arith.muli %add3A_45, %mul3A_46 : i32
    %dma_start3A_48 = arith.constant 0 : i32
    %dma_start3A_49 = arith.constant 0 : i32
    %dma_start3A_50 = tpu.memref_slice %arg14[%dma_start3A_48, %dma_start3A_49] : memref<2x2048xi32, #tpu.memory_space<vmem>> -> memref<1x2048xi32, #tpu.memory_space<vmem>>
    %dma_start3A_51 = tpu.memref_squeeze %dma_start3A_50 : memref<1x2048xi32, #tpu.memory_space<vmem>> -> memref<2048xi32, #tpu.memory_space<vmem>>
    %dma_start3A_52 = tpu.memref_slice %arg9[%mul3A_47] : memref<8388608xi32, #tpu.memory_space<hbm>> -> memref<2048xi32, #tpu.memory_space<hbm>>
    %dma_start3A_53 = tpu.memref_slice %arg9[%mul3A_47] : memref<8388608xi32, #tpu.memory_space<hbm>> -> memref<2048xi32, #tpu.memory_space<hbm>>
    %dma_start3A_54 = arith.constant 0 : i32
    %dma_start3A_55 = tpu.memref_slice %arg14[%dma_start3A_48, %dma_start3A_54] : memref<2x2048xi32, #tpu.memory_space<vmem>> -> memref<1x2048xi32, #tpu.memory_space<vmem>>
    %dma_start3A_56 = tpu.memref_squeeze %dma_start3A_55 : memref<1x2048xi32, #tpu.memory_space<vmem>> -> memref<2048xi32, #tpu.memory_space<vmem>>
    tpu.enqueue_dma source(%dma_start3A_56 : memref<2048xi32, #tpu.memory_space<vmem>>) target(%dma_start3A_53 : memref<2048xi32, #tpu.memory_space<hbm>>) target_semaphore(%arg17 : memref<!tpu.dma_semaphore, #tpu.memory_space<semaphore_mem>>)
    %add3A_57 = arith.constant 0 : i32
    %add3A_58 = arith.addi %mul3A_20, %add3A_57 : i32
    %mul3A_59 = arith.constant 128 : i32
    %mul3A_60 = arith.muli %add3A_58, %mul3A_59 : i32
    %dma_start3A_61 = arith.constant 0 : i32
    %dma_start3A_62 = arith.constant 0 : i32
    %dma_start3A_63 = tpu.memref_slice %arg15[%dma_start3A_61, %dma_start3A_62] : memref<2x2048xf32, #tpu.memory_space<vmem>> -> memref<1x2048xf32, #tpu.memory_space<vmem>>
    %dma_start3A_64 = tpu.memref_squeeze %dma_start3A_63 : memref<1x2048xf32, #tpu.memory_space<vmem>> -> memref<2048xf32, #tpu.memory_space<vmem>>
    %dma_start3A_65 = tpu.memref_slice %arg10[%mul3A_60] : memref<8388608xf32, #tpu.memory_space<hbm>> -> memref<2048xf32, #tpu.memory_space<hbm>>
    %dma_start3A_66 = tpu.memref_slice %arg10[%mul3A_60] : memref<8388608xf32, #tpu.memory_space<hbm>> -> memref<2048xf32, #tpu.memory_space<hbm>>
    %dma_start3A_67 = arith.constant 0 : i32
    %dma_start3A_68 = tpu.memref_slice %arg15[%dma_start3A_61, %dma_start3A_67] : memref<2x2048xf32, #tpu.memory_space<vmem>> -> memref<1x2048xf32, #tpu.memory_space<vmem>>
    %dma_start3A_69 = tpu.memref_squeeze %dma_start3A_68 : memref<1x2048xf32, #tpu.memory_space<vmem>> -> memref<2048xf32, #tpu.memory_space<vmem>>
    tpu.enqueue_dma source(%dma_start3A_69 : memref<2048xf32, #tpu.memory_space<vmem>>) target(%dma_start3A_66 : memref<2048xf32, #tpu.memory_space<hbm>>) target_semaphore(%arg18 : memref<!tpu.dma_semaphore, #tpu.memory_space<semaphore_mem>>)
    %dma_start3A_70 = arith.constant 1 : i32
    %dma_start3A_71 = arith.constant 0 : i32
    %dma_start3A_72 = arith.constant 0 : i32
    %dma_start3A_73 = tpu.memref_slice %arg13[%dma_start3A_70, %dma_start3A_71, %dma_start3A_72] : memref<2x16x16xf32, #tpu.memory_space<vmem>> -> memref<1x16x16xf32, #tpu.memory_space<vmem>>
    %dma_start3A_74 = tpu.memref_squeeze %dma_start3A_73 : memref<1x16x16xf32, #tpu.memory_space<vmem>> -> memref<16x16xf32, #tpu.memory_space<vmem>>
    %dma_start3A_75 = arith.constant 16 : i32
    %dma_start3A_76 = tpu.memref_slice %arg12[%dma_start3A_75] : memref<2048xi32, #tpu.memory_space<vmem>> -> memref<16xi32, #tpu.memory_space<vmem>>
    %dma_start3A_77 = arith.constant 0 : i32
    %dma_start3A_78 = arith.constant 0 : i32
    %dma_start3A_79 = tpu.memref_slice %arg4[%dma_start3A_77, %dma_start3A_78] : memref<100000x16xf32, #tpu.memory_space<hbm>> -> memref<100000x16xf32, #tpu.memory_space<hbm>>
    tpu.enqueue_indirect_dma source(%dma_start3A_79 : memref<100000x16xf32, #tpu.memory_space<hbm>>) target(%dma_start3A_74 : memref<16x16xf32, #tpu.memory_space<vmem>>) offsets(%dma_start3A_76 : memref<16xi32, #tpu.memory_space<vmem>>) semaphore(%arg16 : memref<!tpu.dma_semaphore, #tpu.memory_space<semaphore_mem>>)
    %scan3A_80 = arith.constant 0 : i32
    %scan3A_81 = arith.constant 0 : i32
    %scan3A_82 = arith.constant 128 : i32
    %scan3A_83 = arith.addi %scan3A_81, %scan3A_82 : i32
    %scan3A_84 = arith.constant 1 : i32
    scf.for %scan3A_86 = %scan3A_81 to %scan3A_83 step %scan3A_84  : i32 {
      %add3A_87 = arith.constant 1 : i32
      %add3A_88 = arith.addi %scan3A_86, %add3A_87 : i32
      %lt3A = arith.constant 128 : i32
      %lt3A_89 = arith.cmpi slt, %add3A_88, %lt3A : i32
      %convert_element_type3A = arith.extui %lt3A_89 : i1 to i32
      %cond3A = arith.constant 0 : i32
      %cond3A_90 = arith.cmpi ne, %convert_element_type3A, %cond3A : i32
      scf.if %cond3A_90 {
        %add3A_134 = arith.constant 1 : i32
        %add3A_135 = arith.addi %scan3A_86, %add3A_134 : i32
        %mul3A_136 = arith.constant 16 : i32
        %mul3A_137 = arith.muli %add3A_135, %mul3A_136 : i32
        %and3A_138 = arith.constant 1 : i32
        %and3A_139 = arith.andi %add3A_135, %and3A_138 : i32
        %dma_wait3A_140 = arith.constant 0 : i32
        %dma_wait3A_141 = arith.constant 0 : i32
        %dma_wait3A_142 = tpu.memref_slice %arg13[%and3A_139, %dma_wait3A_140, %dma_wait3A_141] : memref<2x16x16xf32, #tpu.memory_space<vmem>> -> memref<1x16x16xf32, #tpu.memory_space<vmem>>
        %dma_wait3A_143 = tpu.memref_squeeze %dma_wait3A_142 : memref<1x16x16xf32, #tpu.memory_space<vmem>> -> memref<16x16xf32, #tpu.memory_space<vmem>>
        %dma_wait3A_144 = tpu.memref_slice %arg12[%mul3A_137] : memref<2048xi32, #tpu.memory_space<vmem>> -> memref<16xi32, #tpu.memory_space<vmem>>
        %dma_wait3A_145 = arith.constant 0 : i32
        %dma_wait3A_146 = arith.constant 0 : i32
        %dma_wait3A_147 = tpu.memref_slice %arg4[%dma_wait3A_145, %dma_wait3A_146] : memref<100000x16xf32, #tpu.memory_space<hbm>> -> memref<100000x16xf32, #tpu.memory_space<hbm>>
        tpu.wait_indirect_dma semaphore(%arg16 : memref<!tpu.dma_semaphore, #tpu.memory_space<semaphore_mem>>) src(%dma_wait3A_147 : memref<100000x16xf32, #tpu.memory_space<hbm>>) dst(%dma_wait3A_143 : memref<16x16xf32, #tpu.memory_space<vmem>>)
        %add3A_148 = arith.constant 1 : i32
        %add3A_149 = arith.addi %scan3A_86, %add3A_148 : i32
        %and3A_150 = arith.constant 1 : i32
        %and3A_151 = arith.andi %add3A_149, %and3A_150 : i32
        %scan3A_152 = arith.constant 0 : i32
        %scan3A_153 = arith.constant 0 : i32
        %scan3A_154 = arith.constant 16 : i32
        %scan3A_155 = arith.addi %scan3A_153, %scan3A_154 : i32
        %scan3A_156 = arith.constant 1 : i32
        scf.for %scan3A_158 = %scan3A_153 to %scan3A_155 step %scan3A_156  : i32 {
          %mul3A_159 = arith.constant 16 : i32
          %mul3A_160 = arith.muli %add3A_149, %mul3A_159 : i32
          %add3A_161 = arith.addi %mul3A_160, %scan3A_158 : i32
          %shift_right_logical3A = arith.constant 2 : i32
          %shift_right_logical3A_162 = arith.shrui %add3A_161, %shift_right_logical3A : i32
          %get3A_163 = arith.index_cast %and3A_151 : i32 to index
          %get3A_164 = arith.index_cast %scan3A_158 : i32 to index
          %get3A_165 = arith.constant 0 : index
          %get3A_166 = tpu.vector_load %arg13[%get3A_163, %get3A_164, %get3A_165] {strides = array<i32>} : memref<2x16x16xf32, #tpu.memory_space<vmem>>, vector<16xf32>,
          %slice3A_167 = vector.extract_strided_slice %get3A_166 {offsets = [0], sizes = [1], strides = [1]} : vector<16xf32> to vector<1xf32>
          %squeeze3A_168 = vector.extract %slice3A_167[0] : f32 from vector<1xf32>
          %slice3A_169 = vector.extract_strided_slice %get3A_166 {offsets = [1], sizes = [1], strides = [1]} : vector<16xf32> to vector<1xf32>
          %squeeze3A_170 = vector.extract %slice3A_169[0] : f32 from vector<1xf32>
          %slice3A_171 = vector.extract_strided_slice %get3A_166 {offsets = [2], sizes = [1], strides = [1]} : vector<16xf32> to vector<1xf32>
          %squeeze3A_172 = vector.extract %slice3A_171[0] : f32 from vector<1xf32>
          %slice3A_173 = vector.extract_strided_slice %get3A_166 {offsets = [3], sizes = [1], strides = [1]} : vector<16xf32> to vector<1xf32>
          %squeeze3A_174 = vector.extract %slice3A_173[0] : f32 from vector<1xf32>
          %slice3A_175 = vector.extract_strided_slice %get3A_166 {offsets = [4], sizes = [1], strides = [1]} : vector<16xf32> to vector<1xf32>
          %squeeze3A_176 = vector.extract %slice3A_175[0] : f32 from vector<1xf32>
          %slice3A_177 = vector.extract_strided_slice %get3A_166 {offsets = [5], sizes = [1], strides = [1]} : vector<16xf32> to vector<1xf32>
          %squeeze3A_178 = vector.extract %slice3A_177[0] : f32 from vector<1xf32>
          %slice3A_179 = vector.extract_strided_slice %get3A_166 {offsets = [6], sizes = [1], strides = [1]} : vector<16xf32> to vector<1xf32>
          %squeeze3A_180 = vector.extract %slice3A_179[0] : f32 from vector<1xf32>
          %slice3A_181 = vector.extract_strided_slice %get3A_166 {offsets = [7], sizes = [1], strides = [1]} : vector<16xf32> to vector<1xf32>
          %squeeze3A_182 = vector.extract %slice3A_181[0] : f32 from vector<1xf32>
          %slice3A_183 = vector.extract_strided_slice %get3A_166 {offsets = [8], sizes = [1], strides = [1]} : vector<16xf32> to vector<1xf32>
          %squeeze3A_184 = vector.extract %slice3A_183[0] : f32 from vector<1xf32>
          %slice3A_185 = vector.extract_strided_slice %get3A_166 {offsets = [9], sizes = [1], strides = [1]} : vector<16xf32> to vector<1xf32>
          %squeeze3A_186 = vector.extract %slice3A_185[0] : f32 from vector<1xf32>
          %convert_element_type3A_187 = arith.fptosi %squeeze3A_186 : f32 to i32
          %get3A_188 = arith.constant 0 : i32
          %get3A_189 = arith.index_cast %shift_right_logical3A_162 : i32 to index
          %get3A_190 = arith.index_cast %get3A_188 : i32 to index
          %get3A_191 = arith.constant 0 : index
          %get3A_192 = tpu.vector_load %arg11[%get3A_189, %get3A_190, %get3A_191] {strides = array<i32>} : memref<512x3x16xf32, #tpu.memory_space<vmem>>, vector<16xf32>,
          %get3A_193 = arith.constant 1 : i32
          %get3A_194 = arith.index_cast %shift_right_logical3A_162 : i32 to index
          %get3A_195 = arith.index_cast %get3A_193 : i32 to index
          %get3A_196 = arith.constant 0 : index
          %get3A_197 = tpu.vector_load %arg11[%get3A_194, %get3A_195, %get3A_196] {strides = array<i32>} : memref<512x3x16xf32, #tpu.memory_space<vmem>>, vector<16xf32>,
          %get3A_198 = arith.constant 2 : i32
          %get3A_199 = arith.index_cast %shift_right_logical3A_162 : i32 to index
          %get3A_200 = arith.index_cast %get3A_198 : i32 to index
          %get3A_201 = arith.constant 0 : index
          %get3A_202 = tpu.vector_load %arg11[%get3A_199, %get3A_200, %get3A_201] {strides = array<i32>} : memref<512x3x16xf32, #tpu.memory_space<vmem>>, vector<16xf32>,
          %sub3A = vector.broadcast %squeeze3A_168 : f32 to vector<16xf32>
          %sub3A_203 = arith.subf %get3A_192, %sub3A : vector<16xf32>
          %div3A = vector.broadcast %squeeze3A_174 : f32 to vector<16xf32>
          %div3A_204 = arith.divf %sub3A_203, %div3A : vector<16xf32>
          %jit3A = arith.constant 9.99999997E-7 : f32
          %jit3A_205 = arith.constant 0.999998986 : f32
          %max3A = vector.broadcast %jit3A : f32 to vector<16xf32>
          %max3A_206 = arith.maximumf %max3A, %div3A_204 : vector<16xf32>
          %min3A = vector.broadcast %jit3A_205 : f32 to vector<16xf32>
          %min3A_207 = arith.minimumf %min3A, %max3A_206 : vector<16xf32>
          %mul3A_208 = vector.broadcast %squeeze3A_180 : f32 to vector<16xf32>
          %mul3A_209 = arith.mulf %min3A_207, %mul3A_208 : vector<16xf32>
          %convert_element_type3A_210 = arith.fptosi %mul3A_209 : vector<16xf32> to vector<16xi32>
          %convert_element_type3A_211 = arith.sitofp %convert_element_type3A_210 : vector<16xi32> to vector<16xf32>
          %sub3A_212 = arith.subf %mul3A_209, %convert_element_type3A_211 : vector<16xf32>
          %gt3A = arith.cmpf ogt, %mul3A_209, %convert_element_type3A_211 : vector<16xf32>
          %add3A_213 = arith.constant 1 : i32
          %add3A_214 = vector.broadcast %add3A_213 : i32 to vector<16xi32>
          %add3A_215 = arith.addi %convert_element_type3A_210, %add3A_214 : vector<16xi32>
          %select_n3A = arith.select %gt3A, %add3A_215, %convert_element_type3A_210 : vector<16xi1>, vector<16xi32>
          %sub3A_216 = vector.broadcast %squeeze3A_170 : f32 to vector<16xf32>
          %sub3A_217 = arith.subf %get3A_197, %sub3A_216 : vector<16xf32>
          %div3A_218 = vector.broadcast %squeeze3A_176 : f32 to vector<16xf32>
          %div3A_219 = arith.divf %sub3A_217, %div3A_218 : vector<16xf32>
          %jit3A_220 = arith.constant 9.99999997E-7 : f32
          %jit3A_221 = arith.constant 0.999998986 : f32
          %max3A_222 = vector.broadcast %jit3A_220 : f32 to vector<16xf32>
          %max3A_223 = arith.maximumf %max3A_222, %div3A_219 : vector<16xf32>
          %min3A_224 = vector.broadcast %jit3A_221 : f32 to vector<16xf32>
          %min3A_225 = arith.minimumf %min3A_224, %max3A_223 : vector<16xf32>
          %mul3A_226 = vector.broadcast %squeeze3A_182 : f32 to vector<16xf32>
          %mul3A_227 = arith.mulf %min3A_225, %mul3A_226 : vector<16xf32>
          %convert_element_type3A_228 = arith.fptosi %mul3A_227 : vector<16xf32> to vector<16xi32>
          %convert_element_type3A_229 = arith.sitofp %convert_element_type3A_228 : vector<16xi32> to vector<16xf32>
          %sub3A_230 = arith.subf %mul3A_227, %convert_element_type3A_229 : vector<16xf32>
          %gt3A_231 = arith.cmpf ogt, %mul3A_227, %convert_element_type3A_229 : vector<16xf32>
          %add3A_232 = arith.constant 1 : i32
          %add3A_233 = vector.broadcast %add3A_232 : i32 to vector<16xi32>
          %add3A_234 = arith.addi %convert_element_type3A_228, %add3A_233 : vector<16xi32>
          %select_n3A_235 = arith.select %gt3A_231, %add3A_234, %convert_element_type3A_228 : vector<16xi1>, vector<16xi32>
          %sub3A_236 = vector.broadcast %squeeze3A_172 : f32 to vector<16xf32>
          %sub3A_237 = arith.subf %get3A_202, %sub3A_236 : vector<16xf32>
          %div3A_238 = vector.broadcast %squeeze3A_178 : f32 to vector<16xf32>
          %div3A_239 = arith.divf %sub3A_237, %div3A_238 : vector<16xf32>
          %jit3A_240 = arith.constant 9.99999997E-7 : f32
          %jit3A_241 = arith.constant 0.999998986 : f32
          %max3A_242 = vector.broadcast %jit3A_240 : f32 to vector<16xf32>
          %max3A_243 = arith.maximumf %max3A_242, %div3A_239 : vector<16xf32>
          %min3A_244 = vector.broadcast %jit3A_241 : f32 to vector<16xf32>
          %min3A_245 = arith.minimumf %min3A_244, %max3A_243 : vector<16xf32>
          %mul3A_246 = vector.broadcast %squeeze3A_184 : f32 to vector<16xf32>
          %mul3A_247 = arith.mulf %min3A_245, %mul3A_246 : vector<16xf32>
          %convert_element_type3A_248 = arith.fptosi %mul3A_247 : vector<16xf32> to vector<16xi32>
          %convert_element_type3A_249 = arith.sitofp %convert_element_type3A_248 : vector<16xi32> to vector<16xf32>
          %sub3A_250 = arith.subf %mul3A_247, %convert_element_type3A_249 : vector<16xf32>
          %gt3A_251 = arith.cmpf ogt, %mul3A_247, %convert_element_type3A_249 : vector<16xf32>
          %add3A_252 = arith.constant 1 : i32
          %add3A_253 = vector.broadcast %add3A_252 : i32 to vector<16xi32>
          %add3A_254 = arith.addi %convert_element_type3A_248, %add3A_253 : vector<16xi32>
          %select_n3A_255 = arith.select %gt3A_251, %add3A_254, %convert_element_type3A_248 : vector<16xi1>, vector<16xi32>
          %mul3A_256 = vector.broadcast %squeeze3A : i32 to vector<16xi32>
          %mul3A_257 = arith.muli %convert_element_type3A_228, %mul3A_256 : vector<16xi32>
          %mul3A_258 = vector.broadcast %squeeze3A : i32 to vector<16xi32>
          %mul3A_259 = arith.muli %select_n3A_235, %mul3A_258 : vector<16xi32>
          %mul3A_260 = vector.broadcast %squeeze3A_7 : i32 to vector<16xi32>
          %mul3A_261 = arith.muli %convert_element_type3A_248, %mul3A_260 : vector<16xi32>
          %mul3A_262 = arith.muli %convert_element_type3A_187, %squeeze3A_11 : i32
          %xor3A = vector.broadcast %mul3A_262 : i32 to vector<16xi32>
          %xor3A_263 = arith.xori %mul3A_261, %xor3A : vector<16xi32>
          %mul3A_264 = vector.broadcast %squeeze3A_7 : i32 to vector<16xi32>
          %mul3A_265 = arith.muli %select_n3A_255, %mul3A_264 : vector<16xi32>
          %mul3A_266 = arith.muli %convert_element_type3A_187, %squeeze3A_11 : i32
          %xor3A_267 = vector.broadcast %mul3A_266 : i32 to vector<16xi32>
          %xor3A_268 = arith.xori %mul3A_265, %xor3A_267 : vector<16xi32>
          %xor3A_269 = arith.xori %convert_element_type3A_210, %mul3A_257 : vector<16xi32>
          %xor3A_270 = arith.xori %convert_element_type3A_210, %mul3A_259 : vector<16xi32>
          %xor3A_271 = arith.xori %select_n3A, %mul3A_257 : vector<16xi32>
          %xor3A_272 = arith.xori %select_n3A, %mul3A_259 : vector<16xi32>
          %sub3A_273 = arith.constant 1.000000e+00 : f32
          %sub3A_274 = vector.broadcast %sub3A_273 : f32 to vector<16xf32>
          %sub3A_275 = arith.subf %sub3A_274, %sub3A_212 : vector<16xf32>
          %sub3A_276 = arith.constant 1.000000e+00 : f32
          %sub3A_277 = vector.broadcast %sub3A_276 : f32 to vector<16xf32>
          %sub3A_278 = arith.subf %sub3A_277, %sub3A_230 : vector<16xf32>
          %sub3A_279 = arith.constant 1.000000e+00 : f32
          %sub3A_280 = vector.broadcast %sub3A_279 : f32 to vector<16xf32>
          %sub3A_281 = arith.subf %sub3A_280, %sub3A_250 : vector<16xf32>
          %mul3A_282 = arith.mulf %sub3A_275, %sub3A_278 : vector<16xf32>
          %mul3A_283 = arith.mulf %sub3A_275, %sub3A_230 : vector<16xf32>
          %mul3A_284 = arith.mulf %sub3A_212, %sub3A_278 : vector<16xf32>
          %mul3A_285 = arith.mulf %sub3A_212, %sub3A_230 : vector<16xf32>
          %xor3A_286 = arith.xori %xor3A_269, %xor3A_263 : vector<16xi32>
          %xor3A_287 = arith.xori %xor3A_269, %xor3A_268 : vector<16xi32>
          %xor3A_288 = arith.xori %xor3A_270, %xor3A_263 : vector<16xi32>
          %xor3A_289 = arith.xori %xor3A_270, %xor3A_268 : vector<16xi32>
          %xor3A_290 = arith.xori %xor3A_271, %xor3A_263 : vector<16xi32>
          %xor3A_291 = arith.xori %xor3A_271, %xor3A_268 : vector<16xi32>
          %xor3A_292 = arith.xori %xor3A_272, %xor3A_263 : vector<16xi32>
          %xor3A_293 = arith.xori %xor3A_272, %xor3A_268 : vector<16xi32>
          %mul3A_294 = arith.mulf %mul3A_282, %sub3A_281 : vector<16xf32>
          %mul3A_295 = arith.mulf %mul3A_282, %sub3A_250 : vector<16xf32>
          %mul3A_296 = arith.mulf %mul3A_283, %sub3A_281 : vector<16xf32>
          %mul3A_297 = arith.mulf %mul3A_283, %sub3A_250 : vector<16xf32>
          %mul3A_298 = arith.mulf %mul3A_284, %sub3A_281 : vector<16xf32>
          %mul3A_299 = arith.mulf %mul3A_284, %sub3A_250 : vector<16xf32>
          %mul3A_300 = arith.mulf %mul3A_285, %sub3A_281 : vector<16xf32>
          %mul3A_301 = arith.mulf %mul3A_285, %sub3A_250 : vector<16xf32>
          %mul3A_302 = arith.constant 128 : i32
          %mul3A_303 = arith.muli %scan3A_158, %mul3A_302 : i32
          %and3A_304 = vector.broadcast %squeeze3A_15 : i32 to vector<16xi32>
          %and3A_305 = arith.andi %xor3A_286, %and3A_304 : vector<16xi32>
          %add3A_306 = arith.constant 0 : i32
          %add3A_307 = arith.addi %mul3A_303, %add3A_306 : i32
          %swap3A = arith.index_cast %and3A_151 : i32 to index
          %swap3A_308 = arith.index_cast %add3A_307 : i32 to index
          %swap3A_309 = tpu.vector_load %arg14[%swap3A, %swap3A_308] {strides = array<i32>} : memref<2x2048xi32, #tpu.memory_space<vmem>>, vector<16xi32>,
          tpu.vector_store %arg14[%swap3A, %swap3A_308], %and3A_305 {strides = array<i32>} : memref<2x2048xi32, #tpu.memory_space<vmem>>, vector<16xi32>,
          %add3A_310 = arith.constant 0 : i32
          %add3A_311 = arith.addi %mul3A_303, %add3A_310 : i32
          %swap3A_312 = arith.index_cast %and3A_151 : i32 to index
          %swap3A_313 = arith.index_cast %add3A_311 : i32 to index
          %swap3A_314 = tpu.vector_load %arg15[%swap3A_312, %swap3A_313] {strides = array<i32>} : memref<2x2048xf32, #tpu.memory_space<vmem>>, vector<16xf32>,
          tpu.vector_store %arg15[%swap3A_312, %swap3A_313], %mul3A_294 {strides = array<i32>} : memref<2x2048xf32, #tpu.memory_space<vmem>>, vector<16xf32>,
          %and3A_315 = vector.broadcast %squeeze3A_15 : i32 to vector<16xi32>
          %and3A_316 = arith.andi %xor3A_287, %and3A_315 : vector<16xi32>
          %add3A_317 = arith.constant 16 : i32
          %add3A_318 = arith.addi %mul3A_303, %add3A_317 : i32
          %swap3A_319 = arith.index_cast %and3A_151 : i32 to index
          %swap3A_320 = arith.index_cast %add3A_318 : i32 to index
          %swap3A_321 = tpu.vector_load %arg14[%swap3A_319, %swap3A_320] {strides = array<i32>} : memref<2x2048xi32, #tpu.memory_space<vmem>>, vector<16xi32>,
          tpu.vector_store %arg14[%swap3A_319, %swap3A_320], %and3A_316 {strides = array<i32>} : memref<2x2048xi32, #tpu.memory_space<vmem>>, vector<16xi32>,
          %add3A_322 = arith.constant 16 : i32
          %add3A_323 = arith.addi %mul3A_303, %add3A_322 : i32
          %swap3A_324 = arith.index_cast %and3A_151 : i32 to index
          %swap3A_325 = arith.index_cast %add3A_323 : i32 to index
          %swap3A_326 = tpu.vector_load %arg15[%swap3A_324, %swap3A_325] {strides = array<i32>} : memref<2x2048xf32, #tpu.memory_space<vmem>>, vector<16xf32>,
          tpu.vector_store %arg15[%swap3A_324, %swap3A_325], %mul3A_295 {strides = array<i32>} : memref<2x2048xf32, #tpu.memory_space<vmem>>, vector<16xf32>,
          %and3A_327 = vector.broadcast %squeeze3A_15 : i32 to vector<16xi32>
          %and3A_328 = arith.andi %xor3A_288, %and3A_327 : vector<16xi32>
          %add3A_329 = arith.constant 32 : i32
          %add3A_330 = arith.addi %mul3A_303, %add3A_329 : i32
          %swap3A_331 = arith.index_cast %and3A_151 : i32 to index
          %swap3A_332 = arith.index_cast %add3A_330 : i32 to index
          %swap3A_333 = tpu.vector_load %arg14[%swap3A_331, %swap3A_332] {strides = array<i32>} : memref<2x2048xi32, #tpu.memory_space<vmem>>, vector<16xi32>,
          tpu.vector_store %arg14[%swap3A_331, %swap3A_332], %and3A_328 {strides = array<i32>} : memref<2x2048xi32, #tpu.memory_space<vmem>>, vector<16xi32>,
          %add3A_334 = arith.constant 32 : i32
          %add3A_335 = arith.addi %mul3A_303, %add3A_334 : i32
          %swap3A_336 = arith.index_cast %and3A_151 : i32 to index
          %swap3A_337 = arith.index_cast %add3A_335 : i32 to index
          %swap3A_338 = tpu.vector_load %arg15[%swap3A_336, %swap3A_337] {strides = array<i32>} : memref<2x2048xf32, #tpu.memory_space<vmem>>, vector<16xf32>,
          tpu.vector_store %arg15[%swap3A_336, %swap3A_337], %mul3A_296 {strides = array<i32>} : memref<2x2048xf32, #tpu.memory_space<vmem>>, vector<16xf32>,
          %and3A_339 = vector.broadcast %squeeze3A_15 : i32 to vector<16xi32>
          %and3A_340 = arith.andi %xor3A_289, %and3A_339 : vector<16xi32>
          %add3A_341 = arith.constant 48 : i32
          %add3A_342 = arith.addi %mul3A_303, %add3A_341 : i32
          %swap3A_343 = arith.index_cast %and3A_151 : i32 to index
          %swap3A_344 = arith.index_cast %add3A_342 : i32 to index
          %swap3A_345 = tpu.vector_load %arg14[%swap3A_343, %swap3A_344] {strides = array<i32>} : memref<2x2048xi32, #tpu.memory_space<vmem>>, vector<16xi32>,
          tpu.vector_store %arg14[%swap3A_343, %swap3A_344], %and3A_340 {strides = array<i32>} : memref<2x2048xi32, #tpu.memory_space<vmem>>, vector<16xi32>,
          %add3A_346 = arith.constant 48 : i32
          %add3A_347 = arith.addi %mul3A_303, %add3A_346 : i32
          %swap3A_348 = arith.index_cast %and3A_151 : i32 to index
          %swap3A_349 = arith.index_cast %add3A_347 : i32 to index
          %swap3A_350 = tpu.vector_load %arg15[%swap3A_348, %swap3A_349] {strides = array<i32>} : memref<2x2048xf32, #tpu.memory_space<vmem>>, vector<16xf32>,
          tpu.vector_store %arg15[%swap3A_348, %swap3A_349], %mul3A_297 {strides = array<i32>} : memref<2x2048xf32, #tpu.memory_space<vmem>>, vector<16xf32>,
          %and3A_351 = vector.broadcast %squeeze3A_15 : i32 to vector<16xi32>
          %and3A_352 = arith.andi %xor3A_290, %and3A_351 : vector<16xi32>
          %add3A_353 = arith.constant 64 : i32
          %add3A_354 = arith.addi %mul3A_303, %add3A_353 : i32
          %swap3A_355 = arith.index_cast %and3A_151 : i32 to index
          %swap3A_356 = arith.index_cast %add3A_354 : i32 to index
          %swap3A_357 = tpu.vector_load %arg14[%swap3A_355, %swap3A_356] {strides = array<i32>} : memref<2x2048xi32, #tpu.memory_space<vmem>>, vector<16xi32>,
          tpu.vector_store %arg14[%swap3A_355, %swap3A_356], %and3A_352 {strides = array<i32>} : memref<2x2048xi32, #tpu.memory_space<vmem>>, vector<16xi32>,
          %add3A_358 = arith.constant 64 : i32
          %add3A_359 = arith.addi %mul3A_303, %add3A_358 : i32
          %swap3A_360 = arith.index_cast %and3A_151 : i32 to index
          %swap3A_361 = arith.index_cast %add3A_359 : i32 to index
          %swap3A_362 = tpu.vector_load %arg15[%swap3A_360, %swap3A_361] {strides = array<i32>} : memref<2x2048xf32, #tpu.memory_space<vmem>>, vector<16xf32>,
          tpu.vector_store %arg15[%swap3A_360, %swap3A_361], %mul3A_298 {strides = array<i32>} : memref<2x2048xf32, #tpu.memory_space<vmem>>, vector<16xf32>,
          %and3A_363 = vector.broadcast %squeeze3A_15 : i32 to vector<16xi32>
          %and3A_364 = arith.andi %xor3A_291, %and3A_363 : vector<16xi32>
          %add3A_365 = arith.constant 80 : i32
          %add3A_366 = arith.addi %mul3A_303, %add3A_365 : i32
          %swap3A_367 = arith.index_cast %and3A_151 : i32 to index
          %swap3A_368 = arith.index_cast %add3A_366 : i32 to index
          %swap3A_369 = tpu.vector_load %arg14[%swap3A_367, %swap3A_368] {strides = array<i32>} : memref<2x2048xi32, #tpu.memory_space<vmem>>, vector<16xi32>,
          tpu.vector_store %arg14[%swap3A_367, %swap3A_368], %and3A_364 {strides = array<i32>} : memref<2x2048xi32, #tpu.memory_space<vmem>>, vector<16xi32>,
          %add3A_370 = arith.constant 80 : i32
          %add3A_371 = arith.addi %mul3A_303, %add3A_370 : i32
          %swap3A_372 = arith.index_cast %and3A_151 : i32 to index
          %swap3A_373 = arith.index_cast %add3A_371 : i32 to index
          %swap3A_374 = tpu.vector_load %arg15[%swap3A_372, %swap3A_373] {strides = array<i32>} : memref<2x2048xf32, #tpu.memory_space<vmem>>, vector<16xf32>,
          tpu.vector_store %arg15[%swap3A_372, %swap3A_373], %mul3A_299 {strides = array<i32>} : memref<2x2048xf32, #tpu.memory_space<vmem>>, vector<16xf32>,
          %and3A_375 = vector.broadcast %squeeze3A_15 : i32 to vector<16xi32>
          %and3A_376 = arith.andi %xor3A_292, %and3A_375 : vector<16xi32>
          %add3A_377 = arith.constant 96 : i32
          %add3A_378 = arith.addi %mul3A_303, %add3A_377 : i32
          %swap3A_379 = arith.index_cast %and3A_151 : i32 to index
          %swap3A_380 = arith.index_cast %add3A_378 : i32 to index
          %swap3A_381 = tpu.vector_load %arg14[%swap3A_379, %swap3A_380] {strides = array<i32>} : memref<2x2048xi32, #tpu.memory_space<vmem>>, vector<16xi32>,
          tpu.vector_store %arg14[%swap3A_379, %swap3A_380], %and3A_376 {strides = array<i32>} : memref<2x2048xi32, #tpu.memory_space<vmem>>, vector<16xi32>,
          %add3A_382 = arith.constant 96 : i32
          %add3A_383 = arith.addi %mul3A_303, %add3A_382 : i32
          %swap3A_384 = arith.index_cast %and3A_151 : i32 to index
          %swap3A_385 = arith.index_cast %add3A_383 : i32 to index
          %swap3A_386 = tpu.vector_load %arg15[%swap3A_384, %swap3A_385] {strides = array<i32>} : memref<2x2048xf32, #tpu.memory_space<vmem>>, vector<16xf32>,
          tpu.vector_store %arg15[%swap3A_384, %swap3A_385], %mul3A_300 {strides = array<i32>} : memref<2x2048xf32, #tpu.memory_space<vmem>>, vector<16xf32>,
          %and3A_387 = vector.broadcast %squeeze3A_15 : i32 to vector<16xi32>
          %and3A_388 = arith.andi %xor3A_293, %and3A_387 : vector<16xi32>
          %add3A_389 = arith.constant 112 : i32
          %add3A_390 = arith.addi %mul3A_303, %add3A_389 : i32
          %swap3A_391 = arith.index_cast %and3A_151 : i32 to index
          %swap3A_392 = arith.index_cast %add3A_390 : i32 to index
          %swap3A_393 = tpu.vector_load %arg14[%swap3A_391, %swap3A_392] {strides = array<i32>} : memref<2x2048xi32, #tpu.memory_space<vmem>>, vector<16xi32>,
          tpu.vector_store %arg14[%swap3A_391, %swap3A_392], %and3A_388 {strides = array<i32>} : memref<2x2048xi32, #tpu.memory_space<vmem>>, vector<16xi32>,
          %add3A_394 = arith.constant 112 : i32
          %add3A_395 = arith.addi %mul3A_303, %add3A_394 : i32
          %swap3A_396 = arith.index_cast %and3A_151 : i32 to index
          %swap3A_397 = arith.index_cast %add3A_395 : i32 to index
          %swap3A_398 = tpu.vector_load %arg15[%swap3A_396, %swap3A_397] {strides = array<i32>} : memref<2x2048xf32, #tpu.memory_space<vmem>>, vector<16xf32>,
          tpu.vector_store %arg15[%swap3A_396, %swap3A_397], %mul3A_301 {strides = array<i32>} : memref<2x2048xf32, #tpu.memory_space<vmem>>, vector<16xf32>,
        }
        %scan3A_157 = arith.constant 16 : i32
      } else {
      }
      %add3A_91 = arith.constant 2 : i32
      %add3A_92 = arith.addi %scan3A_86, %add3A_91 : i32
      %lt3A_93 = arith.constant 128 : i32
      %lt3A_94 = arith.cmpi slt, %add3A_92, %lt3A_93 : i32
      %convert_element_type3A_95 = arith.extui %lt3A_94 : i1 to i32
      %cond3A_96 = arith.constant 0 : i32
      %cond3A_97 = arith.cmpi ne, %convert_element_type3A_95, %cond3A_96 : i32
      scf.if %cond3A_97 {
        %add3A_134 = arith.constant 2 : i32
        %add3A_135 = arith.addi %scan3A_86, %add3A_134 : i32
        %mul3A_136 = arith.constant 16 : i32
        %mul3A_137 = arith.muli %add3A_135, %mul3A_136 : i32
        %and3A_138 = arith.constant 1 : i32
        %and3A_139 = arith.andi %add3A_135, %and3A_138 : i32
        %dma_start3A_140 = arith.constant 0 : i32
        %dma_start3A_141 = arith.constant 0 : i32
        %dma_start3A_142 = tpu.memref_slice %arg13[%and3A_139, %dma_start3A_140, %dma_start3A_141] : memref<2x16x16xf32, #tpu.memory_space<vmem>> -> memref<1x16x16xf32, #tpu.memory_space<vmem>>
        %dma_start3A_143 = tpu.memref_squeeze %dma_start3A_142 : memref<1x16x16xf32, #tpu.memory_space<vmem>> -> memref<16x16xf32, #tpu.memory_space<vmem>>
        %dma_start3A_144 = tpu.memref_slice %arg12[%mul3A_137] : memref<2048xi32, #tpu.memory_space<vmem>> -> memref<16xi32, #tpu.memory_space<vmem>>
        %dma_start3A_145 = arith.constant 0 : i32
        %dma_start3A_146 = arith.constant 0 : i32
        %dma_start3A_147 = tpu.memref_slice %arg4[%dma_start3A_145, %dma_start3A_146] : memref<100000x16xf32, #tpu.memory_space<hbm>> -> memref<100000x16xf32, #tpu.memory_space<hbm>>
        tpu.enqueue_indirect_dma source(%dma_start3A_147 : memref<100000x16xf32, #tpu.memory_space<hbm>>) target(%dma_start3A_143 : memref<16x16xf32, #tpu.memory_space<vmem>>) offsets(%dma_start3A_144 : memref<16xi32, #tpu.memory_space<vmem>>) semaphore(%arg16 : memref<!tpu.dma_semaphore, #tpu.memory_space<semaphore_mem>>)
      } else {
      }
      %and3A = arith.constant 1 : i32
      %and3A_98 = arith.andi %scan3A_86, %and3A : i32
      %mul3A_99 = arith.constant 16 : i32
      %mul3A_100 = arith.muli %scan3A_86, %mul3A_99 : i32
      %add3A_101 = arith.addi %mul3A_20, %mul3A_100 : i32
      %mul3A_102 = arith.constant 128 : i32
      %mul3A_103 = arith.muli %add3A_101, %mul3A_102 : i32
      %dma_wait3A_104 = arith.constant 0 : i32
      %dma_wait3A_105 = tpu.memref_slice %arg14[%and3A_98, %dma_wait3A_104] : memref<2x2048xi32, #tpu.memory_space<vmem>> -> memref<1x2048xi32, #tpu.memory_space<vmem>>
      %dma_wait3A_106 = tpu.memref_squeeze %dma_wait3A_105 : memref<1x2048xi32, #tpu.memory_space<vmem>> -> memref<2048xi32, #tpu.memory_space<vmem>>
      %dma_wait3A_107 = tpu.memref_slice %arg9[%mul3A_103] : memref<8388608xi32, #tpu.memory_space<hbm>> -> memref<2048xi32, #tpu.memory_space<hbm>>
      %dma_wait3A_108 = tpu.memref_slice %arg9[%mul3A_103] : memref<8388608xi32, #tpu.memory_space<hbm>> -> memref<2048xi32, #tpu.memory_space<hbm>>
      %dma_wait3A_109 = arith.constant 0 : i32
      %dma_wait3A_110 = tpu.memref_slice %arg14[%and3A_98, %dma_wait3A_109] : memref<2x2048xi32, #tpu.memory_space<vmem>> -> memref<1x2048xi32, #tpu.memory_space<vmem>>
      %dma_wait3A_111 = tpu.memref_squeeze %dma_wait3A_110 : memref<1x2048xi32, #tpu.memory_space<vmem>> -> memref<2048xi32, #tpu.memory_space<vmem>>
      tpu.wait_dma2 semaphore(%arg17 : memref<!tpu.dma_semaphore, #tpu.memory_space<semaphore_mem>>) src(%dma_wait3A_111 : memref<2048xi32, #tpu.memory_space<vmem>>) dst(%dma_wait3A_108 : memref<2048xi32, #tpu.memory_space<hbm>>)
      %and3A_112 = arith.constant 1 : i32
      %and3A_113 = arith.andi %scan3A_86, %and3A_112 : i32
      %mul3A_114 = arith.constant 16 : i32
      %mul3A_115 = arith.muli %scan3A_86, %mul3A_114 : i32
      %add3A_116 = arith.addi %mul3A_20, %mul3A_115 : i32
      %mul3A_117 = arith.constant 128 : i32
      %mul3A_118 = arith.muli %add3A_116, %mul3A_117 : i32
      %dma_wait3A_119 = arith.constant 0 : i32
      %dma_wait3A_120 = tpu.memref_slice %arg15[%and3A_113, %dma_wait3A_119] : memref<2x2048xf32, #tpu.memory_space<vmem>> -> memref<1x2048xf32, #tpu.memory_space<vmem>>
      %dma_wait3A_121 = tpu.memref_squeeze %dma_wait3A_120 : memref<1x2048xf32, #tpu.memory_space<vmem>> -> memref<2048xf32, #tpu.memory_space<vmem>>
      %dma_wait3A_122 = tpu.memref_slice %arg10[%mul3A_118] : memref<8388608xf32, #tpu.memory_space<hbm>> -> memref<2048xf32, #tpu.memory_space<hbm>>
      %dma_wait3A_123 = tpu.memref_slice %arg10[%mul3A_118] : memref<8388608xf32, #tpu.memory_space<hbm>> -> memref<2048xf32, #tpu.memory_space<hbm>>
      %dma_wait3A_124 = arith.constant 0 : i32
      %dma_wait3A_125 = tpu.memref_slice %arg15[%and3A_113, %dma_wait3A_124] : memref<2x2048xf32, #tpu.memory_space<vmem>> -> memref<1x2048xf32, #tpu.memory_space<vmem>>
      %dma_wait3A_126 = tpu.memref_squeeze %dma_wait3A_125 : memref<1x2048xf32, #tpu.memory_space<vmem>> -> memref<2048xf32, #tpu.memory_space<vmem>>
      tpu.wait_dma2 semaphore(%arg18 : memref<!tpu.dma_semaphore, #tpu.memory_space<semaphore_mem>>) src(%dma_wait3A_126 : memref<2048xf32, #tpu.memory_space<vmem>>) dst(%dma_wait3A_123 : memref<2048xf32, #tpu.memory_space<hbm>>)
      %add3A_127 = arith.constant 1 : i32
      %add3A_128 = arith.addi %scan3A_86, %add3A_127 : i32
      %lt3A_129 = arith.constant 128 : i32
      %lt3A_130 = arith.cmpi slt, %add3A_128, %lt3A_129 : i32
      %convert_element_type3A_131 = arith.extui %lt3A_130 : i1 to i32
      %cond3A_132 = arith.constant 0 : i32
      %cond3A_133 = arith.cmpi ne, %convert_element_type3A_131, %cond3A_132 : i32
      scf.if %cond3A_133 {
        %add3A_134 = arith.constant 1 : i32
        %add3A_135 = arith.addi %scan3A_86, %add3A_134 : i32
        %and3A_136 = arith.constant 1 : i32
        %and3A_137 = arith.andi %add3A_135, %and3A_136 : i32
        %add3A_138 = arith.constant 1 : i32
        %add3A_139 = arith.addi %scan3A_86, %add3A_138 : i32
        %mul3A_140 = arith.constant 16 : i32
        %mul3A_141 = arith.muli %add3A_139, %mul3A_140 : i32
        %add3A_142 = arith.addi %mul3A_20, %mul3A_141 : i32
        %mul3A_143 = arith.constant 128 : i32
        %mul3A_144 = arith.muli %add3A_142, %mul3A_143 : i32
        %dma_start3A_145 = arith.constant 0 : i32
        %dma_start3A_146 = tpu.memref_slice %arg14[%and3A_137, %dma_start3A_145] : memref<2x2048xi32, #tpu.memory_space<vmem>> -> memref<1x2048xi32, #tpu.memory_space<vmem>>
        %dma_start3A_147 = tpu.memref_squeeze %dma_start3A_146 : memref<1x2048xi32, #tpu.memory_space<vmem>> -> memref<2048xi32, #tpu.memory_space<vmem>>
        %dma_start3A_148 = tpu.memref_slice %arg9[%mul3A_144] : memref<8388608xi32, #tpu.memory_space<hbm>> -> memref<2048xi32, #tpu.memory_space<hbm>>
        %dma_start3A_149 = tpu.memref_slice %arg9[%mul3A_144] : memref<8388608xi32, #tpu.memory_space<hbm>> -> memref<2048xi32, #tpu.memory_space<hbm>>
        %dma_start3A_150 = arith.constant 0 : i32
        %dma_start3A_151 = tpu.memref_slice %arg14[%and3A_137, %dma_start3A_150] : memref<2x2048xi32, #tpu.memory_space<vmem>> -> memref<1x2048xi32, #tpu.memory_space<vmem>>
        %dma_start3A_152 = tpu.memref_squeeze %dma_start3A_151 : memref<1x2048xi32, #tpu.memory_space<vmem>> -> memref<2048xi32, #tpu.memory_space<vmem>>
        tpu.enqueue_dma source(%dma_start3A_152 : memref<2048xi32, #tpu.memory_space<vmem>>) target(%dma_start3A_149 : memref<2048xi32, #tpu.memory_space<hbm>>) target_semaphore(%arg17 : memref<!tpu.dma_semaphore, #tpu.memory_space<semaphore_mem>>)
        %add3A_153 = arith.constant 1 : i32
        %add3A_154 = arith.addi %scan3A_86, %add3A_153 : i32
        %and3A_155 = arith.constant 1 : i32
        %and3A_156 = arith.andi %add3A_154, %and3A_155 : i32
        %add3A_157 = arith.constant 1 : i32
        %add3A_158 = arith.addi %scan3A_86, %add3A_157 : i32
        %mul3A_159 = arith.constant 16 : i32
        %mul3A_160 = arith.muli %add3A_158, %mul3A_159 : i32
        %add3A_161 = arith.addi %mul3A_20, %mul3A_160 : i32
        %mul3A_162 = arith.constant 128 : i32
        %mul3A_163 = arith.muli %add3A_161, %mul3A_162 : i32
        %dma_start3A_164 = arith.constant 0 : i32
        %dma_start3A_165 = tpu.memref_slice %arg15[%and3A_156, %dma_start3A_164] : memref<2x2048xf32, #tpu.memory_space<vmem>> -> memref<1x2048xf32, #tpu.memory_space<vmem>>
        %dma_start3A_166 = tpu.memref_squeeze %dma_start3A_165 : memref<1x2048xf32, #tpu.memory_space<vmem>> -> memref<2048xf32, #tpu.memory_space<vmem>>
        %dma_start3A_167 = tpu.memref_slice %arg10[%mul3A_163] : memref<8388608xf32, #tpu.memory_space<hbm>> -> memref<2048xf32, #tpu.memory_space<hbm>>
        %dma_start3A_168 = tpu.memref_slice %arg10[%mul3A_163] : memref<8388608xf32, #tpu.memory_space<hbm>> -> memref<2048xf32, #tpu.memory_space<hbm>>
        %dma_start3A_169 = arith.constant 0 : i32
        %dma_start3A_170 = tpu.memref_slice %arg15[%and3A_156, %dma_start3A_169] : memref<2x2048xf32, #tpu.memory_space<vmem>> -> memref<1x2048xf32, #tpu.memory_space<vmem>>
        %dma_start3A_171 = tpu.memref_squeeze %dma_start3A_170 : memref<1x2048xf32, #tpu.memory_space<vmem>> -> memref<2048xf32, #tpu.memory_space<vmem>>
        tpu.enqueue_dma source(%dma_start3A_171 : memref<2048xf32, #tpu.memory_space<vmem>>) target(%dma_start3A_168 : memref<2048xf32, #tpu.memory_space<hbm>>) target_semaphore(%arg18 : memref<!tpu.dma_semaphore, #tpu.memory_space<semaphore_mem>>)
      } else {
      }
    }
    %scan3A_85 = arith.constant 128 : i32
    return
  }
}

#map = affine_map<(d0, d1) -> (0, 0)>
#map1 = affine_map<(d0, d1) -> (0)>
module attributes {stable_mosaic.version = 14 : i64} {
  func.func @k(%arg0: i32, %arg1: i32, %arg2: memref<2097152x16xf32, #tpu.memory_space<hbm>>, %arg3: memref<8388608xi32, #tpu.memory_space<hbm>>, %arg4: memref<8388608xf32, #tpu.memory_space<hbm>>, %arg5: memref<16777216xf32, #tpu.memory_space<hbm>>, %arg6: memref<3x2048xi32, #tpu.memory_space<vmem>>, %arg7: memref<3x2048xf32, #tpu.memory_space<vmem>>, %arg8: memref<6144x16xf32, #tpu.memory_space<vmem>>, %arg9: memref<4096xf32, #tpu.memory_space<vmem>>, %arg10: memref<!tpu.dma_semaphore, #tpu.memory_space<semaphore_mem>>, %arg11: memref<!tpu.dma_semaphore, #tpu.memory_space<semaphore_mem>>, %arg12: memref<!tpu.dma_semaphore, #tpu.memory_space<semaphore_mem>>, %arg13: memref<!tpu.dma_semaphore, #tpu.memory_space<semaphore_mem>>, %arg14: memref<!tpu.dma_semaphore, #tpu.memory_space<semaphore_mem>>, %arg15: memref<!tpu.dma_semaphore, #tpu.memory_space<semaphore_mem>>) attributes {dimension_semantics = [#tpu.dimension_semantics<core_parallel>, #tpu.dimension_semantics<subcore_parallel>], iteration_bounds = array<i64: 2, 16>, scalar_prefetch = 0 : i64, scratch_operands = 10 : i64, tpu.core_type = #tpu.core_type<sc_vector_subcore>, window_params = [{transform_indices = #map}, {transform_indices = #map1}, {transform_indices = #map1}, {transform_indices = #map1}]} {
    %mul3A = arith.constant 2 : i32
    %mul3A_0 = arith.muli %arg1, %mul3A : i32
    %add3A = arith.addi %mul3A_0, %arg0 : i32
    %mul3A_1 = arith.constant 512 : i32
    %mul3A_2 = arith.muli %add3A, %mul3A_1 : i32
    %mul3A_3 = arith.constant 4 : i32
    %mul3A_4 = arith.muli %mul3A_2, %mul3A_3 : i32
    %iota3A = tpu.iota {dimensions = array<i32: 0>} : vector<16xi32>
    %mul3A_5 = arith.constant 16 : i32
    %mul3A_6 = vector.broadcast %mul3A_5 : i32 to vector<16xi32>
    %mul3A_7 = arith.muli %iota3A, %mul3A_6 : vector<16xi32>
    %add3A_8 = arith.constant 0 : i32
    %add3A_9 = arith.addi %mul3A_4, %add3A_8 : i32
    %mul3A_10 = arith.constant 128 : i32
    %mul3A_11 = arith.muli %add3A_9, %mul3A_10 : i32
    %run_scoped3A = arith.constant 0 : i32
    "tpu.region"() ({
      %run_scoped3A_74 = tpu.sem_alloc : memref<!tpu.dma_semaphore, #tpu.memory_space<semaphore_mem>>
      %dma_start3A_75 = arith.constant 0 : i32
      %dma_start3A_76 = tpu.memref_slice %arg6[%run_scoped3A, %dma_start3A_75] : memref<3x2048xi32, #tpu.memory_space<vmem>> -> memref<1x2048xi32, #tpu.memory_space<vmem>>
      %dma_start3A_77 = tpu.memref_squeeze %dma_start3A_76 : memref<1x2048xi32, #tpu.memory_space<vmem>> -> memref<2048xi32, #tpu.memory_space<vmem>>
      %dma_start3A_78 = tpu.memref_slice %arg3[%mul3A_11] : memref<8388608xi32, #tpu.memory_space<hbm>> -> memref<2048xi32, #tpu.memory_space<hbm>>
      %dma_start3A_79 = arith.constant 0 : i32
      %dma_start3A_80 = tpu.memref_slice %arg6[%run_scoped3A, %dma_start3A_79] : memref<3x2048xi32, #tpu.memory_space<vmem>> -> memref<1x2048xi32, #tpu.memory_space<vmem>>
      %dma_start3A_81 = tpu.memref_squeeze %dma_start3A_80 : memref<1x2048xi32, #tpu.memory_space<vmem>> -> memref<2048xi32, #tpu.memory_space<vmem>>
      %dma_start3A_82 = tpu.memref_slice %arg3[%mul3A_11] : memref<8388608xi32, #tpu.memory_space<hbm>> -> memref<2048xi32, #tpu.memory_space<hbm>>
      tpu.enqueue_dma source(%dma_start3A_82 : memref<2048xi32, #tpu.memory_space<hbm>>) target(%dma_start3A_81 : memref<2048xi32, #tpu.memory_space<vmem>>) target_semaphore(%run_scoped3A_74 : memref<!tpu.dma_semaphore, #tpu.memory_space<semaphore_mem>>)
      %dma_wait3A_83 = arith.constant 0 : i32
      %dma_wait3A_84 = tpu.memref_slice %arg6[%run_scoped3A, %dma_wait3A_83] : memref<3x2048xi32, #tpu.memory_space<vmem>> -> memref<1x2048xi32, #tpu.memory_space<vmem>>
      %dma_wait3A_85 = tpu.memref_squeeze %dma_wait3A_84 : memref<1x2048xi32, #tpu.memory_space<vmem>> -> memref<2048xi32, #tpu.memory_space<vmem>>
      %dma_wait3A_86 = tpu.memref_slice %arg3[%mul3A_11] : memref<8388608xi32, #tpu.memory_space<hbm>> -> memref<2048xi32, #tpu.memory_space<hbm>>
      %dma_wait3A_87 = arith.constant 0 : i32
      %dma_wait3A_88 = tpu.memref_slice %arg6[%run_scoped3A, %dma_wait3A_87] : memref<3x2048xi32, #tpu.memory_space<vmem>> -> memref<1x2048xi32, #tpu.memory_space<vmem>>
      %dma_wait3A_89 = tpu.memref_squeeze %dma_wait3A_88 : memref<1x2048xi32, #tpu.memory_space<vmem>> -> memref<2048xi32, #tpu.memory_space<vmem>>
      %dma_wait3A_90 = tpu.memref_slice %arg3[%mul3A_11] : memref<8388608xi32, #tpu.memory_space<hbm>> -> memref<2048xi32, #tpu.memory_space<hbm>>
      tpu.wait_dma2 semaphore(%run_scoped3A_74 : memref<!tpu.dma_semaphore, #tpu.memory_space<semaphore_mem>>) src(%dma_wait3A_90 : memref<2048xi32, #tpu.memory_space<hbm>>) dst(%dma_wait3A_89 : memref<2048xi32, #tpu.memory_space<vmem>>)
      tpu.yield
    }) : () -> ()
    %add3A_12 = arith.constant 0 : i32
    %add3A_13 = arith.addi %mul3A_4, %add3A_12 : i32
    %mul3A_14 = arith.constant 128 : i32
    %mul3A_15 = arith.muli %add3A_13, %mul3A_14 : i32
    %run_scoped3A_16 = arith.constant 0 : i32
    "tpu.region"() ({
      %run_scoped3A_74 = tpu.sem_alloc : memref<!tpu.dma_semaphore, #tpu.memory_space<semaphore_mem>>
      %dma_start3A_75 = arith.constant 0 : i32
      %dma_start3A_76 = tpu.memref_slice %arg7[%run_scoped3A_16, %dma_start3A_75] : memref<3x2048xf32, #tpu.memory_space<vmem>> -> memref<1x2048xf32, #tpu.memory_space<vmem>>
      %dma_start3A_77 = tpu.memref_squeeze %dma_start3A_76 : memref<1x2048xf32, #tpu.memory_space<vmem>> -> memref<2048xf32, #tpu.memory_space<vmem>>
      %dma_start3A_78 = tpu.memref_slice %arg4[%mul3A_15] : memref<8388608xf32, #tpu.memory_space<hbm>> -> memref<2048xf32, #tpu.memory_space<hbm>>
      %dma_start3A_79 = arith.constant 0 : i32
      %dma_start3A_80 = tpu.memref_slice %arg7[%run_scoped3A_16, %dma_start3A_79] : memref<3x2048xf32, #tpu.memory_space<vmem>> -> memref<1x2048xf32, #tpu.memory_space<vmem>>
      %dma_start3A_81 = tpu.memref_squeeze %dma_start3A_80 : memref<1x2048xf32, #tpu.memory_space<vmem>> -> memref<2048xf32, #tpu.memory_space<vmem>>
      %dma_start3A_82 = tpu.memref_slice %arg4[%mul3A_15] : memref<8388608xf32, #tpu.memory_space<hbm>> -> memref<2048xf32, #tpu.memory_space<hbm>>
      tpu.enqueue_dma source(%dma_start3A_82 : memref<2048xf32, #tpu.memory_space<hbm>>) target(%dma_start3A_81 : memref<2048xf32, #tpu.memory_space<vmem>>) target_semaphore(%run_scoped3A_74 : memref<!tpu.dma_semaphore, #tpu.memory_space<semaphore_mem>>)
      %dma_wait3A_83 = arith.constant 0 : i32
      %dma_wait3A_84 = tpu.memref_slice %arg7[%run_scoped3A_16, %dma_wait3A_83] : memref<3x2048xf32, #tpu.memory_space<vmem>> -> memref<1x2048xf32, #tpu.memory_space<vmem>>
      %dma_wait3A_85 = tpu.memref_squeeze %dma_wait3A_84 : memref<1x2048xf32, #tpu.memory_space<vmem>> -> memref<2048xf32, #tpu.memory_space<vmem>>
      %dma_wait3A_86 = tpu.memref_slice %arg4[%mul3A_15] : memref<8388608xf32, #tpu.memory_space<hbm>> -> memref<2048xf32, #tpu.memory_space<hbm>>
      %dma_wait3A_87 = arith.constant 0 : i32
      %dma_wait3A_88 = tpu.memref_slice %arg7[%run_scoped3A_16, %dma_wait3A_87] : memref<3x2048xf32, #tpu.memory_space<vmem>> -> memref<1x2048xf32, #tpu.memory_space<vmem>>
      %dma_wait3A_89 = tpu.memref_squeeze %dma_wait3A_88 : memref<1x2048xf32, #tpu.memory_space<vmem>> -> memref<2048xf32, #tpu.memory_space<vmem>>
      %dma_wait3A_90 = tpu.memref_slice %arg4[%mul3A_15] : memref<8388608xf32, #tpu.memory_space<hbm>> -> memref<2048xf32, #tpu.memory_space<hbm>>
      tpu.wait_dma2 semaphore(%run_scoped3A_74 : memref<!tpu.dma_semaphore, #tpu.memory_space<semaphore_mem>>) src(%dma_wait3A_90 : memref<2048xf32, #tpu.memory_space<hbm>>) dst(%dma_wait3A_89 : memref<2048xf32, #tpu.memory_space<vmem>>)
      tpu.yield
    }) : () -> ()
    %scan3A = arith.constant 0 : i32
    %scan3A_17 = arith.constant 0 : i32
    %scan3A_18 = arith.constant 16 : i32
    %scan3A_19 = arith.addi %scan3A_17, %scan3A_18 : i32
    %scan3A_20 = arith.constant 1 : i32
    scf.for %scan3A_74 = %scan3A_17 to %scan3A_19 step %scan3A_20  : i32 {
      %mul3A_75 = arith.constant 128 : i32
      %mul3A_76 = arith.muli %scan3A_74, %mul3A_75 : i32
      %add3A_77 = arith.constant 0 : i32
      %add3A_78 = arith.addi %add3A_77, %scan3A_74 : i32
      %mul3A_79 = arith.constant 128 : i32
      %mul3A_80 = arith.muli %add3A_78, %mul3A_79 : i32
      %dma_start3A_81 = arith.constant 0 : i32
      %dma_start3A_82 = arith.constant 0 : i32
      %dma_start3A_83 = tpu.memref_slice %arg8[%mul3A_80, %dma_start3A_82] : memref<6144x16xf32, #tpu.memory_space<vmem>> -> memref<128x16xf32, #tpu.memory_space<vmem>>
      %dma_start3A_84 = tpu.memref_slice %arg6[%dma_start3A_81, %mul3A_76] : memref<3x2048xi32, #tpu.memory_space<vmem>> -> memref<1x128xi32, #tpu.memory_space<vmem>>
      %dma_start3A_85 = tpu.memref_squeeze %dma_start3A_84 : memref<1x128xi32, #tpu.memory_space<vmem>> -> memref<128xi32, #tpu.memory_space<vmem>>
      %dma_start3A_86 = arith.constant 0 : i32
      %dma_start3A_87 = arith.constant 0 : i32
      %dma_start3A_88 = tpu.memref_slice %arg2[%dma_start3A_86, %dma_start3A_87] : memref<2097152x16xf32, #tpu.memory_space<hbm>> -> memref<2097152x16xf32, #tpu.memory_space<hbm>>
      tpu.enqueue_indirect_dma source(%dma_start3A_88 : memref<2097152x16xf32, #tpu.memory_space<hbm>>) target(%dma_start3A_83 : memref<128x16xf32, #tpu.memory_space<vmem>>) offsets(%dma_start3A_85 : memref<128xi32, #tpu.memory_space<vmem>>) semaphore(%arg10 : memref<!tpu.dma_semaphore, #tpu.memory_space<semaphore_mem>>)
    }
    %scan3A_21 = arith.constant 16 : i32
    %add3A_22 = arith.constant 16 : i32
    %add3A_23 = arith.addi %mul3A_4, %add3A_22 : i32
    %mul3A_24 = arith.constant 128 : i32
    %mul3A_25 = arith.muli %add3A_23, %mul3A_24 : i32
    %run_scoped3A_26 = arith.constant 1 : i32
    "tpu.region"() ({
      %run_scoped3A_74 = tpu.sem_alloc : memref<!tpu.dma_semaphore, #tpu.memory_space<semaphore_mem>>
      %dma_start3A_75 = arith.constant 0 : i32
      %dma_start3A_76 = tpu.memref_slice %arg6[%run_scoped3A_26, %dma_start3A_75] : memref<3x2048xi32, #tpu.memory_space<vmem>> -> memref<1x2048xi32, #tpu.memory_space<vmem>>
      %dma_start3A_77 = tpu.memref_squeeze %dma_start3A_76 : memref<1x2048xi32, #tpu.memory_space<vmem>> -> memref<2048xi32, #tpu.memory_space<vmem>>
      %dma_start3A_78 = tpu.memref_slice %arg3[%mul3A_25] : memref<8388608xi32, #tpu.memory_space<hbm>> -> memref<2048xi32, #tpu.memory_space<hbm>>
      %dma_start3A_79 = arith.constant 0 : i32
      %dma_start3A_80 = tpu.memref_slice %arg6[%run_scoped3A_26, %dma_start3A_79] : memref<3x2048xi32, #tpu.memory_space<vmem>> -> memref<1x2048xi32, #tpu.memory_space<vmem>>
      %dma_start3A_81 = tpu.memref_squeeze %dma_start3A_80 : memref<1x2048xi32, #tpu.memory_space<vmem>> -> memref<2048xi32, #tpu.memory_space<vmem>>
      %dma_start3A_82 = tpu.memref_slice %arg3[%mul3A_25] : memref<8388608xi32, #tpu.memory_space<hbm>> -> memref<2048xi32, #tpu.memory_space<hbm>>
      tpu.enqueue_dma source(%dma_start3A_82 : memref<2048xi32, #tpu.memory_space<hbm>>) target(%dma_start3A_81 : memref<2048xi32, #tpu.memory_space<vmem>>) target_semaphore(%run_scoped3A_74 : memref<!tpu.dma_semaphore, #tpu.memory_space<semaphore_mem>>)
      %dma_wait3A_83 = arith.constant 0 : i32
      %dma_wait3A_84 = tpu.memref_slice %arg6[%run_scoped3A_26, %dma_wait3A_83] : memref<3x2048xi32, #tpu.memory_space<vmem>> -> memref<1x2048xi32, #tpu.memory_space<vmem>>
      %dma_wait3A_85 = tpu.memref_squeeze %dma_wait3A_84 : memref<1x2048xi32, #tpu.memory_space<vmem>> -> memref<2048xi32, #tpu.memory_space<vmem>>
      %dma_wait3A_86 = tpu.memref_slice %arg3[%mul3A_25] : memref<8388608xi32, #tpu.memory_space<hbm>> -> memref<2048xi32, #tpu.memory_space<hbm>>
      %dma_wait3A_87 = arith.constant 0 : i32
      %dma_wait3A_88 = tpu.memref_slice %arg6[%run_scoped3A_26, %dma_wait3A_87] : memref<3x2048xi32, #tpu.memory_space<vmem>> -> memref<1x2048xi32, #tpu.memory_space<vmem>>
      %dma_wait3A_89 = tpu.memref_squeeze %dma_wait3A_88 : memref<1x2048xi32, #tpu.memory_space<vmem>> -> memref<2048xi32, #tpu.memory_space<vmem>>
      %dma_wait3A_90 = tpu.memref_slice %arg3[%mul3A_25] : memref<8388608xi32, #tpu.memory_space<hbm>> -> memref<2048xi32, #tpu.memory_space<hbm>>
      tpu.wait_dma2 semaphore(%run_scoped3A_74 : memref<!tpu.dma_semaphore, #tpu.memory_space<semaphore_mem>>) src(%dma_wait3A_90 : memref<2048xi32, #tpu.memory_space<hbm>>) dst(%dma_wait3A_89 : memref<2048xi32, #tpu.memory_space<vmem>>)
      tpu.yield
    }) : () -> ()
    %add3A_27 = arith.constant 16 : i32
    %add3A_28 = arith.addi %mul3A_4, %add3A_27 : i32
    %mul3A_29 = arith.constant 128 : i32
    %mul3A_30 = arith.muli %add3A_28, %mul3A_29 : i32
    %run_scoped3A_31 = arith.constant 1 : i32
    "tpu.region"() ({
      %run_scoped3A_74 = tpu.sem_alloc : memref<!tpu.dma_semaphore, #tpu.memory_space<semaphore_mem>>
      %dma_start3A_75 = arith.constant 0 : i32
      %dma_start3A_76 = tpu.memref_slice %arg7[%run_scoped3A_31, %dma_start3A_75] : memref<3x2048xf32, #tpu.memory_space<vmem>> -> memref<1x2048xf32, #tpu.memory_space<vmem>>
      %dma_start3A_77 = tpu.memref_squeeze %dma_start3A_76 : memref<1x2048xf32, #tpu.memory_space<vmem>> -> memref<2048xf32, #tpu.memory_space<vmem>>
      %dma_start3A_78 = tpu.memref_slice %arg4[%mul3A_30] : memref<8388608xf32, #tpu.memory_space<hbm>> -> memref<2048xf32, #tpu.memory_space<hbm>>
      %dma_start3A_79 = arith.constant 0 : i32
      %dma_start3A_80 = tpu.memref_slice %arg7[%run_scoped3A_31, %dma_start3A_79] : memref<3x2048xf32, #tpu.memory_space<vmem>> -> memref<1x2048xf32, #tpu.memory_space<vmem>>
      %dma_start3A_81 = tpu.memref_squeeze %dma_start3A_80 : memref<1x2048xf32, #tpu.memory_space<vmem>> -> memref<2048xf32, #tpu.memory_space<vmem>>
      %dma_start3A_82 = tpu.memref_slice %arg4[%mul3A_30] : memref<8388608xf32, #tpu.memory_space<hbm>> -> memref<2048xf32, #tpu.memory_space<hbm>>
      tpu.enqueue_dma source(%dma_start3A_82 : memref<2048xf32, #tpu.memory_space<hbm>>) target(%dma_start3A_81 : memref<2048xf32, #tpu.memory_space<vmem>>) target_semaphore(%run_scoped3A_74 : memref<!tpu.dma_semaphore, #tpu.memory_space<semaphore_mem>>)
      %dma_wait3A_83 = arith.constant 0 : i32
      %dma_wait3A_84 = tpu.memref_slice %arg7[%run_scoped3A_31, %dma_wait3A_83] : memref<3x2048xf32, #tpu.memory_space<vmem>> -> memref<1x2048xf32, #tpu.memory_space<vmem>>
      %dma_wait3A_85 = tpu.memref_squeeze %dma_wait3A_84 : memref<1x2048xf32, #tpu.memory_space<vmem>> -> memref<2048xf32, #tpu.memory_space<vmem>>
      %dma_wait3A_86 = tpu.memref_slice %arg4[%mul3A_30] : memref<8388608xf32, #tpu.memory_space<hbm>> -> memref<2048xf32, #tpu.memory_space<hbm>>
      %dma_wait3A_87 = arith.constant 0 : i32
      %dma_wait3A_88 = tpu.memref_slice %arg7[%run_scoped3A_31, %dma_wait3A_87] : memref<3x2048xf32, #tpu.memory_space<vmem>> -> memref<1x2048xf32, #tpu.memory_space<vmem>>
      %dma_wait3A_89 = tpu.memref_squeeze %dma_wait3A_88 : memref<1x2048xf32, #tpu.memory_space<vmem>> -> memref<2048xf32, #tpu.memory_space<vmem>>
      %dma_wait3A_90 = tpu.memref_slice %arg4[%mul3A_30] : memref<8388608xf32, #tpu.memory_space<hbm>> -> memref<2048xf32, #tpu.memory_space<hbm>>
      tpu.wait_dma2 semaphore(%run_scoped3A_74 : memref<!tpu.dma_semaphore, #tpu.memory_space<semaphore_mem>>) src(%dma_wait3A_90 : memref<2048xf32, #tpu.memory_space<hbm>>) dst(%dma_wait3A_89 : memref<2048xf32, #tpu.memory_space<vmem>>)
      tpu.yield
    }) : () -> ()
    %scan3A_32 = arith.constant 0 : i32
    %scan3A_33 = arith.constant 0 : i32
    %scan3A_34 = arith.constant 16 : i32
    %scan3A_35 = arith.addi %scan3A_33, %scan3A_34 : i32
    %scan3A_36 = arith.constant 1 : i32
    scf.for %scan3A_74 = %scan3A_33 to %scan3A_35 step %scan3A_36  : i32 {
      %mul3A_75 = arith.constant 128 : i32
      %mul3A_76 = arith.muli %scan3A_74, %mul3A_75 : i32
      %add3A_77 = arith.constant 16 : i32
      %add3A_78 = arith.addi %add3A_77, %scan3A_74 : i32
      %mul3A_79 = arith.constant 128 : i32
      %mul3A_80 = arith.muli %add3A_78, %mul3A_79 : i32
      %dma_start3A_81 = arith.constant 1 : i32
      %dma_start3A_82 = arith.constant 0 : i32
      %dma_start3A_83 = tpu.memref_slice %arg8[%mul3A_80, %dma_start3A_82] : memref<6144x16xf32, #tpu.memory_space<vmem>> -> memref<128x16xf32, #tpu.memory_space<vmem>>
      %dma_start3A_84 = tpu.memref_slice %arg6[%dma_start3A_81, %mul3A_76] : memref<3x2048xi32, #tpu.memory_space<vmem>> -> memref<1x128xi32, #tpu.memory_space<vmem>>
      %dma_start3A_85 = tpu.memref_squeeze %dma_start3A_84 : memref<1x128xi32, #tpu.memory_space<vmem>> -> memref<128xi32, #tpu.memory_space<vmem>>
      %dma_start3A_86 = arith.constant 0 : i32
      %dma_start3A_87 = arith.constant 0 : i32
      %dma_start3A_88 = tpu.memref_slice %arg2[%dma_start3A_86, %dma_start3A_87] : memref<2097152x16xf32, #tpu.memory_space<hbm>> -> memref<2097152x16xf32, #tpu.memory_space<hbm>>
      tpu.enqueue_indirect_dma source(%dma_start3A_88 : memref<2097152x16xf32, #tpu.memory_space<hbm>>) target(%dma_start3A_83 : memref<128x16xf32, #tpu.memory_space<vmem>>) offsets(%dma_start3A_85 : memref<128xi32, #tpu.memory_space<vmem>>) semaphore(%arg11 : memref<!tpu.dma_semaphore, #tpu.memory_space<semaphore_mem>>)
    }
    %scan3A_37 = arith.constant 16 : i32
    %add3A_38 = arith.constant 32 : i32
    %add3A_39 = arith.addi %mul3A_4, %add3A_38 : i32
    %mul3A_40 = arith.constant 128 : i32
    %mul3A_41 = arith.muli %add3A_39, %mul3A_40 : i32
    %dma_start3A = arith.constant 2 : i32
    %dma_start3A_42 = arith.constant 0 : i32
    %dma_start3A_43 = tpu.memref_slice %arg6[%dma_start3A, %dma_start3A_42] : memref<3x2048xi32, #tpu.memory_space<vmem>> -> memref<1x2048xi32, #tpu.memory_space<vmem>>
    %dma_start3A_44 = tpu.memref_squeeze %dma_start3A_43 : memref<1x2048xi32, #tpu.memory_space<vmem>> -> memref<2048xi32, #tpu.memory_space<vmem>>
    %dma_start3A_45 = tpu.memref_slice %arg3[%mul3A_41] : memref<8388608xi32, #tpu.memory_space<hbm>> -> memref<2048xi32, #tpu.memory_space<hbm>>
    %dma_start3A_46 = arith.constant 0 : i32
    %dma_start3A_47 = tpu.memref_slice %arg6[%dma_start3A, %dma_start3A_46] : memref<3x2048xi32, #tpu.memory_space<vmem>> -> memref<1x2048xi32, #tpu.memory_space<vmem>>
    %dma_start3A_48 = tpu.memref_squeeze %dma_start3A_47 : memref<1x2048xi32, #tpu.memory_space<vmem>> -> memref<2048xi32, #tpu.memory_space<vmem>>
    %dma_start3A_49 = tpu.memref_slice %arg3[%mul3A_41] : memref<8388608xi32, #tpu.memory_space<hbm>> -> memref<2048xi32, #tpu.memory_space<hbm>>
    tpu.enqueue_dma source(%dma_start3A_49 : memref<2048xi32, #tpu.memory_space<hbm>>) target(%dma_start3A_48 : memref<2048xi32, #tpu.memory_space<vmem>>) target_semaphore(%arg14 : memref<!tpu.dma_semaphore, #tpu.memory_space<semaphore_mem>>)
    %add3A_50 = arith.constant 32 : i32
    %add3A_51 = arith.addi %mul3A_4, %add3A_50 : i32
    %mul3A_52 = arith.constant 128 : i32
    %mul3A_53 = arith.muli %add3A_51, %mul3A_52 : i32
    %dma_start3A_54 = arith.constant 2 : i32
    %dma_start3A_55 = arith.constant 0 : i32
    %dma_start3A_56 = tpu.memref_slice %arg7[%dma_start3A_54, %dma_start3A_55] : memref<3x2048xf32, #tpu.memory_space<vmem>> -> memref<1x2048xf32, #tpu.memory_space<vmem>>
    %dma_start3A_57 = tpu.memref_squeeze %dma_start3A_56 : memref<1x2048xf32, #tpu.memory_space<vmem>> -> memref<2048xf32, #tpu.memory_space<vmem>>
    %dma_start3A_58 = tpu.memref_slice %arg4[%mul3A_53] : memref<8388608xf32, #tpu.memory_space<hbm>> -> memref<2048xf32, #tpu.memory_space<hbm>>
    %dma_start3A_59 = arith.constant 0 : i32
    %dma_start3A_60 = tpu.memref_slice %arg7[%dma_start3A_54, %dma_start3A_59] : memref<3x2048xf32, #tpu.memory_space<vmem>> -> memref<1x2048xf32, #tpu.memory_space<vmem>>
    %dma_start3A_61 = tpu.memref_squeeze %dma_start3A_60 : memref<1x2048xf32, #tpu.memory_space<vmem>> -> memref<2048xf32, #tpu.memory_space<vmem>>
    %dma_start3A_62 = tpu.memref_slice %arg4[%mul3A_53] : memref<8388608xf32, #tpu.memory_space<hbm>> -> memref<2048xf32, #tpu.memory_space<hbm>>
    tpu.enqueue_dma source(%dma_start3A_62 : memref<2048xf32, #tpu.memory_space<hbm>>) target(%dma_start3A_61 : memref<2048xf32, #tpu.memory_space<vmem>>) target_semaphore(%arg14 : memref<!tpu.dma_semaphore, #tpu.memory_space<semaphore_mem>>)
    %scan3A_63 = arith.constant 0 : i32
    %scan3A_64 = arith.constant 0 : i32
    %scan3A_65 = arith.constant 128 : i32
    %scan3A_66 = arith.addi %scan3A_64, %scan3A_65 : i32
    %scan3A_67 = arith.constant 1 : i32
    scf.for %scan3A_74 = %scan3A_64 to %scan3A_66 step %scan3A_67  : i32 {
      %add3A_75 = arith.constant 2 : i32
      %add3A_76 = arith.addi %scan3A_74, %add3A_75 : i32
      %lt3A = arith.constant 128 : i32
      %lt3A_77 = arith.cmpi slt, %add3A_76, %lt3A : i32
      %convert_element_type3A = arith.extui %lt3A_77 : i1 to i32
      %cond3A = arith.constant 0 : i32
      %cond3A_78 = arith.cmpi ne, %convert_element_type3A, %cond3A : i32
      scf.if %cond3A_78 {
        %add3A_118 = arith.constant 2 : i32
        %add3A_119 = arith.addi %scan3A_74, %add3A_118 : i32
        %rem3A_120 = arith.constant 3 : i32
        %rem3A_121 = arith.remsi %add3A_119, %rem3A_120 : i32
        %add3A_122 = arith.constant 2 : i32
        %add3A_123 = arith.addi %scan3A_74, %add3A_122 : i32
        %mul3A_124 = arith.constant 16 : i32
        %mul3A_125 = arith.muli %add3A_123, %mul3A_124 : i32
        %add3A_126 = arith.addi %mul3A_4, %mul3A_125 : i32
        %mul3A_127 = arith.constant 128 : i32
        %mul3A_128 = arith.muli %add3A_126, %mul3A_127 : i32
        %dma_wait3A_129 = arith.constant 0 : i32
        %dma_wait3A_130 = tpu.memref_slice %arg6[%rem3A_121, %dma_wait3A_129] : memref<3x2048xi32, #tpu.memory_space<vmem>> -> memref<1x2048xi32, #tpu.memory_space<vmem>>
        %dma_wait3A_131 = tpu.memref_squeeze %dma_wait3A_130 : memref<1x2048xi32, #tpu.memory_space<vmem>> -> memref<2048xi32, #tpu.memory_space<vmem>>
        %dma_wait3A_132 = tpu.memref_slice %arg3[%mul3A_128] : memref<8388608xi32, #tpu.memory_space<hbm>> -> memref<2048xi32, #tpu.memory_space<hbm>>
        %dma_wait3A_133 = arith.constant 0 : i32
        %dma_wait3A_134 = tpu.memref_slice %arg6[%rem3A_121, %dma_wait3A_133] : memref<3x2048xi32, #tpu.memory_space<vmem>> -> memref<1x2048xi32, #tpu.memory_space<vmem>>
        %dma_wait3A_135 = tpu.memref_squeeze %dma_wait3A_134 : memref<1x2048xi32, #tpu.memory_space<vmem>> -> memref<2048xi32, #tpu.memory_space<vmem>>
        %dma_wait3A_136 = tpu.memref_slice %arg3[%mul3A_128] : memref<8388608xi32, #tpu.memory_space<hbm>> -> memref<2048xi32, #tpu.memory_space<hbm>>
        tpu.wait_dma2 semaphore(%arg14 : memref<!tpu.dma_semaphore, #tpu.memory_space<semaphore_mem>>) src(%dma_wait3A_136 : memref<2048xi32, #tpu.memory_space<hbm>>) dst(%dma_wait3A_135 : memref<2048xi32, #tpu.memory_space<vmem>>)
        %add3A_137 = arith.constant 2 : i32
        %add3A_138 = arith.addi %scan3A_74, %add3A_137 : i32
        %mul3A_139 = arith.constant 16 : i32
        %mul3A_140 = arith.muli %add3A_138, %mul3A_139 : i32
        %add3A_141 = arith.addi %mul3A_4, %mul3A_140 : i32
        %mul3A_142 = arith.constant 128 : i32
        %mul3A_143 = arith.muli %add3A_141, %mul3A_142 : i32
        %dma_wait3A_144 = arith.constant 0 : i32
        %dma_wait3A_145 = tpu.memref_slice %arg7[%rem3A_121, %dma_wait3A_144] : memref<3x2048xf32, #tpu.memory_space<vmem>> -> memref<1x2048xf32, #tpu.memory_space<vmem>>
        %dma_wait3A_146 = tpu.memref_squeeze %dma_wait3A_145 : memref<1x2048xf32, #tpu.memory_space<vmem>> -> memref<2048xf32, #tpu.memory_space<vmem>>
        %dma_wait3A_147 = tpu.memref_slice %arg4[%mul3A_143] : memref<8388608xf32, #tpu.memory_space<hbm>> -> memref<2048xf32, #tpu.memory_space<hbm>>
        %dma_wait3A_148 = arith.constant 0 : i32
        %dma_wait3A_149 = tpu.memref_slice %arg7[%rem3A_121, %dma_wait3A_148] : memref<3x2048xf32, #tpu.memory_space<vmem>> -> memref<1x2048xf32, #tpu.memory_space<vmem>>
        %dma_wait3A_150 = tpu.memref_squeeze %dma_wait3A_149 : memref<1x2048xf32, #tpu.memory_space<vmem>> -> memref<2048xf32, #tpu.memory_space<vmem>>
        %dma_wait3A_151 = tpu.memref_slice %arg4[%mul3A_143] : memref<8388608xf32, #tpu.memory_space<hbm>> -> memref<2048xf32, #tpu.memory_space<hbm>>
        tpu.wait_dma2 semaphore(%arg14 : memref<!tpu.dma_semaphore, #tpu.memory_space<semaphore_mem>>) src(%dma_wait3A_151 : memref<2048xf32, #tpu.memory_space<hbm>>) dst(%dma_wait3A_150 : memref<2048xf32, #tpu.memory_space<vmem>>)
        %add3A_152 = arith.constant 2 : i32
        %add3A_153 = arith.addi %scan3A_74, %add3A_152 : i32
        %rem3A_154 = arith.constant 3 : i32
        %rem3A_155 = arith.remsi %add3A_153, %rem3A_154 : i32
        %scan3A_156 = arith.constant 0 : i32
        %scan3A_157 = arith.constant 0 : i32
        %scan3A_158 = arith.constant 16 : i32
        %scan3A_159 = arith.addi %scan3A_157, %scan3A_158 : i32
        %scan3A_160 = arith.constant 1 : i32
        scf.for %scan3A_162 = %scan3A_157 to %scan3A_159 step %scan3A_160  : i32 {
          %mul3A_163 = arith.constant 128 : i32
          %mul3A_164 = arith.muli %scan3A_162, %mul3A_163 : i32
          %mul3A_165 = arith.constant 16 : i32
          %mul3A_166 = arith.muli %rem3A_155, %mul3A_165 : i32
          %add3A_167 = arith.addi %mul3A_166, %scan3A_162 : i32
          %mul3A_168 = arith.constant 128 : i32
          %mul3A_169 = arith.muli %add3A_167, %mul3A_168 : i32
          %eq3A_170 = arith.constant 0 : i32
          %eq3A_171 = arith.cmpi eq, %rem3A_155, %eq3A_170 : i32
          %convert_element_type3A_172 = arith.extui %eq3A_171 : i1 to i32
          %cond3A_173 = arith.constant 0 : i32
          %cond3A_174 = arith.cmpi ne, %convert_element_type3A_172, %cond3A_173 : i32
          scf.if %cond3A_174 {
            %dma_start3A_185 = arith.constant 0 : i32
            %dma_start3A_186 = tpu.memref_slice %arg8[%mul3A_169, %dma_start3A_185] : memref<6144x16xf32, #tpu.memory_space<vmem>> -> memref<128x16xf32, #tpu.memory_space<vmem>>
            %dma_start3A_187 = tpu.memref_slice %arg6[%rem3A_155, %mul3A_164] : memref<3x2048xi32, #tpu.memory_space<vmem>> -> memref<1x128xi32, #tpu.memory_space<vmem>>
            %dma_start3A_188 = tpu.memref_squeeze %dma_start3A_187 : memref<1x128xi32, #tpu.memory_space<vmem>> -> memref<128xi32, #tpu.memory_space<vmem>>
            %dma_start3A_189 = arith.constant 0 : i32
            %dma_start3A_190 = arith.constant 0 : i32
            %dma_start3A_191 = tpu.memref_slice %arg2[%dma_start3A_189, %dma_start3A_190] : memref<2097152x16xf32, #tpu.memory_space<hbm>> -> memref<2097152x16xf32, #tpu.memory_space<hbm>>
            tpu.enqueue_indirect_dma source(%dma_start3A_191 : memref<2097152x16xf32, #tpu.memory_space<hbm>>) target(%dma_start3A_186 : memref<128x16xf32, #tpu.memory_space<vmem>>) offsets(%dma_start3A_188 : memref<128xi32, #tpu.memory_space<vmem>>) semaphore(%arg10 : memref<!tpu.dma_semaphore, #tpu.memory_space<semaphore_mem>>)
          } else {
          }
          %eq3A_175 = arith.constant 1 : i32
          %eq3A_176 = arith.cmpi eq, %rem3A_155, %eq3A_175 : i32
          %convert_element_type3A_177 = arith.extui %eq3A_176 : i1 to i32
          %cond3A_178 = arith.constant 0 : i32
          %cond3A_179 = arith.cmpi ne, %convert_element_type3A_177, %cond3A_178 : i32
          scf.if %cond3A_179 {
            %dma_start3A_185 = arith.constant 0 : i32
            %dma_start3A_186 = tpu.memref_slice %arg8[%mul3A_169, %dma_start3A_185] : memref<6144x16xf32, #tpu.memory_space<vmem>> -> memref<128x16xf32, #tpu.memory_space<vmem>>
            %dma_start3A_187 = tpu.memref_slice %arg6[%rem3A_155, %mul3A_164] : memref<3x2048xi32, #tpu.memory_space<vmem>> -> memref<1x128xi32, #tpu.memory_space<vmem>>
            %dma_start3A_188 = tpu.memref_squeeze %dma_start3A_187 : memref<1x128xi32, #tpu.memory_space<vmem>> -> memref<128xi32, #tpu.memory_space<vmem>>
            %dma_start3A_189 = arith.constant 0 : i32
            %dma_start3A_190 = arith.constant 0 : i32
            %dma_start3A_191 = tpu.memref_slice %arg2[%dma_start3A_189, %dma_start3A_190] : memref<2097152x16xf32, #tpu.memory_space<hbm>> -> memref<2097152x16xf32, #tpu.memory_space<hbm>>
            tpu.enqueue_indirect_dma source(%dma_start3A_191 : memref<2097152x16xf32, #tpu.memory_space<hbm>>) target(%dma_start3A_186 : memref<128x16xf32, #tpu.memory_space<vmem>>) offsets(%dma_start3A_188 : memref<128xi32, #tpu.memory_space<vmem>>) semaphore(%arg11 : memref<!tpu.dma_semaphore, #tpu.memory_space<semaphore_mem>>)
          } else {
          }
          %eq3A_180 = arith.constant 2 : i32
          %eq3A_181 = arith.cmpi eq, %rem3A_155, %eq3A_180 : i32
          %convert_element_type3A_182 = arith.extui %eq3A_181 : i1 to i32
          %cond3A_183 = arith.constant 0 : i32
          %cond3A_184 = arith.cmpi ne, %convert_element_type3A_182, %cond3A_183 : i32
          scf.if %cond3A_184 {
            %dma_start3A_185 = arith.constant 0 : i32
            %dma_start3A_186 = tpu.memref_slice %arg8[%mul3A_169, %dma_start3A_185] : memref<6144x16xf32, #tpu.memory_space<vmem>> -> memref<128x16xf32, #tpu.memory_space<vmem>>
            %dma_start3A_187 = tpu.memref_slice %arg6[%rem3A_155, %mul3A_164] : memref<3x2048xi32, #tpu.memory_space<vmem>> -> memref<1x128xi32, #tpu.memory_space<vmem>>
            %dma_start3A_188 = tpu.memref_squeeze %dma_start3A_187 : memref<1x128xi32, #tpu.memory_space<vmem>> -> memref<128xi32, #tpu.memory_space<vmem>>
            %dma_start3A_189 = arith.constant 0 : i32
            %dma_start3A_190 = arith.constant 0 : i32
            %dma_start3A_191 = tpu.memref_slice %arg2[%dma_start3A_189, %dma_start3A_190] : memref<2097152x16xf32, #tpu.memory_space<hbm>> -> memref<2097152x16xf32, #tpu.memory_space<hbm>>
            tpu.enqueue_indirect_dma source(%dma_start3A_191 : memref<2097152x16xf32, #tpu.memory_space<hbm>>) target(%dma_start3A_186 : memref<128x16xf32, #tpu.memory_space<vmem>>) offsets(%dma_start3A_188 : memref<128xi32, #tpu.memory_space<vmem>>) semaphore(%arg12 : memref<!tpu.dma_semaphore, #tpu.memory_space<semaphore_mem>>)
          } else {
          }
        }
        %scan3A_161 = arith.constant 16 : i32
      } else {
      }
      %ge3A = arith.constant 1 : i32
      %ge3A_79 = arith.cmpi sge, %scan3A_74, %ge3A : i32
      %convert_element_type3A_80 = arith.extui %ge3A_79 : i1 to i32
      %cond3A_81 = arith.constant 0 : i32
      %cond3A_82 = arith.cmpi ne, %convert_element_type3A_80, %cond3A_81 : i32
      scf.if %cond3A_82 {
        %sub3A = arith.constant 1 : i32
        %sub3A_118 = arith.subi %scan3A_74, %sub3A : i32
        %mul3A_119 = arith.constant 16 : i32
        %mul3A_120 = arith.muli %sub3A_118, %mul3A_119 : i32
        %add3A_121 = arith.addi %mul3A_4, %mul3A_120 : i32
        %mul3A_122 = arith.constant 256 : i32
        %mul3A_123 = arith.muli %add3A_121, %mul3A_122 : i32
        %dma_wait3A_124 = tpu.memref_slice %arg5[%mul3A_123] : memref<16777216xf32, #tpu.memory_space<hbm>> -> memref<4096xf32, #tpu.memory_space<hbm>>
        %dma_wait3A_125 = tpu.memref_slice %arg5[%mul3A_123] : memref<16777216xf32, #tpu.memory_space<hbm>> -> memref<4096xf32, #tpu.memory_space<hbm>>
        tpu.wait_dma2 semaphore(%arg15 : memref<!tpu.dma_semaphore, #tpu.memory_space<semaphore_mem>>) src(%arg9 : memref<4096xf32, #tpu.memory_space<vmem>>) dst(%dma_wait3A_125 : memref<4096xf32, #tpu.memory_space<hbm>>)
      } else {
      }
      %rem3A = arith.constant 3 : i32
      %rem3A_83 = arith.remsi %scan3A_74, %rem3A : i32
      %eq3A = arith.constant 0 : i32
      %eq3A_84 = arith.cmpi eq, %rem3A_83, %eq3A : i32
      %convert_element_type3A_85 = arith.extui %eq3A_84 : i1 to i32
      %cond3A_86 = arith.constant 0 : i32
      %cond3A_87 = arith.cmpi ne, %convert_element_type3A_85, %cond3A_86 : i32
      scf.if %cond3A_87 {
        %mul3A_118 = arith.constant 16 : i32
        %mul3A_119 = arith.muli %rem3A_83, %mul3A_118 : i32
        %add3A_120 = arith.constant 0 : i32
        %add3A_121 = arith.addi %mul3A_119, %add3A_120 : i32
        %mul3A_122 = arith.constant 128 : i32
        %mul3A_123 = arith.muli %add3A_121, %mul3A_122 : i32
        %dma_wait3A_124 = arith.constant 0 : i32
        %dma_wait3A_125 = tpu.memref_slice %arg8[%mul3A_123, %dma_wait3A_124] : memref<6144x16xf32, #tpu.memory_space<vmem>> -> memref<128x16xf32, #tpu.memory_space<vmem>>
        %dma_wait3A_126 = arith.constant 0 : i32
        %dma_wait3A_127 = tpu.memref_slice %arg6[%rem3A_83, %dma_wait3A_126] : memref<3x2048xi32, #tpu.memory_space<vmem>> -> memref<1x128xi32, #tpu.memory_space<vmem>>
        %dma_wait3A_128 = tpu.memref_squeeze %dma_wait3A_127 : memref<1x128xi32, #tpu.memory_space<vmem>> -> memref<128xi32, #tpu.memory_space<vmem>>
        %dma_wait3A_129 = arith.constant 0 : i32
        %dma_wait3A_130 = arith.constant 0 : i32
        %dma_wait3A_131 = tpu.memref_slice %arg2[%dma_wait3A_129, %dma_wait3A_130] : memref<2097152x16xf32, #tpu.memory_space<hbm>> -> memref<2097152x16xf32, #tpu.memory_space<hbm>>
        tpu.wait_indirect_dma semaphore(%arg10 : memref<!tpu.dma_semaphore, #tpu.memory_space<semaphore_mem>>) src(%dma_wait3A_131 : memref<2097152x16xf32, #tpu.memory_space<hbm>>) dst(%dma_wait3A_125 : memref<128x16xf32, #tpu.memory_space<vmem>>)
        %mul3A_132 = arith.constant 16 : i32
        %mul3A_133 = arith.muli %rem3A_83, %mul3A_132 : i32
        %add3A_134 = arith.constant 1 : i32
        %add3A_135 = arith.addi %mul3A_133, %add3A_134 : i32
        %mul3A_136 = arith.constant 128 : i32
        %mul3A_137 = arith.muli %add3A_135, %mul3A_136 : i32
        %dma_wait3A_138 = arith.constant 0 : i32
        %dma_wait3A_139 = tpu.memref_slice %arg8[%mul3A_137, %dma_wait3A_138] : memref<6144x16xf32, #tpu.memory_space<vmem>> -> memref<128x16xf32, #tpu.memory_space<vmem>>
        %dma_wait3A_140 = arith.constant 128 : i32
        %dma_wait3A_141 = tpu.memref_slice %arg6[%rem3A_83, %dma_wait3A_140] : memref<3x2048xi32, #tpu.memory_space<vmem>> -> memref<1x128xi32, #tpu.memory_space<vmem>>
        %dma_wait3A_142 = tpu.memref_squeeze %dma_wait3A_141 : memref<1x128xi32, #tpu.memory_space<vmem>> -> memref<128xi32, #tpu.memory_space<vmem>>
        %dma_wait3A_143 = arith.constant 0 : i32
        %dma_wait3A_144 = arith.constant 0 : i32
        %dma_wait3A_145 = tpu.memref_slice %arg2[%dma_wait3A_143, %dma_wait3A_144] : memref<2097152x16xf32, #tpu.memory_space<hbm>> -> memref<2097152x16xf32, #tpu.memory_space<hbm>>
        tpu.wait_indirect_dma semaphore(%arg10 : memref<!tpu.dma_semaphore, #tpu.memory_space<semaphore_mem>>) src(%dma_wait3A_145 : memref<2097152x16xf32, #tpu.memory_space<hbm>>) dst(%dma_wait3A_139 : memref<128x16xf32, #tpu.memory_space<vmem>>)
        %mul3A_146 = arith.constant 16 : i32
        %mul3A_147 = arith.muli %rem3A_83, %mul3A_146 : i32
        %add3A_148 = arith.constant 2 : i32
        %add3A_149 = arith.addi %mul3A_147, %add3A_148 : i32
        %mul3A_150 = arith.constant 128 : i32
        %mul3A_151 = arith.muli %add3A_149, %mul3A_150 : i32
        %dma_wait3A_152 = arith.constant 0 : i32
        %dma_wait3A_153 = tpu.memref_slice %arg8[%mul3A_151, %dma_wait3A_152] : memref<6144x16xf32, #tpu.memory_space<vmem>> -> memref<128x16xf32, #tpu.memory_space<vmem>>
        %dma_wait3A_154 = arith.constant 256 : i32
        %dma_wait3A_155 = tpu.memref_slice %arg6[%rem3A_83, %dma_wait3A_154] : memref<3x2048xi32, #tpu.memory_space<vmem>> -> memref<1x128xi32, #tpu.memory_space<vmem>>
        %dma_wait3A_156 = tpu.memref_squeeze %dma_wait3A_155 : memref<1x128xi32, #tpu.memory_space<vmem>> -> memref<128xi32, #tpu.memory_space<vmem>>
        %dma_wait3A_157 = arith.constant 0 : i32
        %dma_wait3A_158 = arith.constant 0 : i32
        %dma_wait3A_159 = tpu.memref_slice %arg2[%dma_wait3A_157, %dma_wait3A_158] : memref<2097152x16xf32, #tpu.memory_space<hbm>> -> memref<2097152x16xf32, #tpu.memory_space<hbm>>
        tpu.wait_indirect_dma semaphore(%arg10 : memref<!tpu.dma_semaphore, #tpu.memory_space<semaphore_mem>>) src(%dma_wait3A_159 : memref<2097152x16xf32, #tpu.memory_space<hbm>>) dst(%dma_wait3A_153 : memref<128x16xf32, #tpu.memory_space<vmem>>)
        %mul3A_160 = arith.constant 16 : i32
        %mul3A_161 = arith.muli %rem3A_83, %mul3A_160 : i32
        %add3A_162 = arith.constant 3 : i32
        %add3A_163 = arith.addi %mul3A_161, %add3A_162 : i32
        %mul3A_164 = arith.constant 128 : i32
        %mul3A_165 = arith.muli %add3A_163, %mul3A_164 : i32
        %dma_wait3A_166 = arith.constant 0 : i32
        %dma_wait3A_167 = tpu.memref_slice %arg8[%mul3A_165, %dma_wait3A_166] : memref<6144x16xf32, #tpu.memory_space<vmem>> -> memref<128x16xf32, #tpu.memory_space<vmem>>
        %dma_wait3A_168 = arith.constant 384 : i32
        %dma_wait3A_169 = tpu.memref_slice %arg6[%rem3A_83, %dma_wait3A_168] : memref<3x2048xi32, #tpu.memory_space<vmem>> -> memref<1x128xi32, #tpu.memory_space<vmem>>
        %dma_wait3A_170 = tpu.memref_squeeze %dma_wait3A_169 : memref<1x128xi32, #tpu.memory_space<vmem>> -> memref<128xi32, #tpu.memory_space<vmem>>
        %dma_wait3A_171 = arith.constant 0 : i32
        %dma_wait3A_172 = arith.constant 0 : i32
        %dma_wait3A_173 = tpu.memref_slice %arg2[%dma_wait3A_171, %dma_wait3A_172] : memref<2097152x16xf32, #tpu.memory_space<hbm>> -> memref<2097152x16xf32, #tpu.memory_space<hbm>>
        tpu.wait_indirect_dma semaphore(%arg10 : memref<!tpu.dma_semaphore, #tpu.memory_space<semaphore_mem>>) src(%dma_wait3A_173 : memref<2097152x16xf32, #tpu.memory_space<hbm>>) dst(%dma_wait3A_167 : memref<128x16xf32, #tpu.memory_space<vmem>>)
        %mul3A_174 = arith.constant 16 : i32
        %mul3A_175 = arith.muli %rem3A_83, %mul3A_174 : i32
        %add3A_176 = arith.constant 4 : i32
        %add3A_177 = arith.addi %mul3A_175, %add3A_176 : i32
        %mul3A_178 = arith.constant 128 : i32
        %mul3A_179 = arith.muli %add3A_177, %mul3A_178 : i32
        %dma_wait3A_180 = arith.constant 0 : i32
        %dma_wait3A_181 = tpu.memref_slice %arg8[%mul3A_179, %dma_wait3A_180] : memref<6144x16xf32, #tpu.memory_space<vmem>> -> memref<128x16xf32, #tpu.memory_space<vmem>>
        %dma_wait3A_182 = arith.constant 512 : i32
        %dma_wait3A_183 = tpu.memref_slice %arg6[%rem3A_83, %dma_wait3A_182] : memref<3x2048xi32, #tpu.memory_space<vmem>> -> memref<1x128xi32, #tpu.memory_space<vmem>>
        %dma_wait3A_184 = tpu.memref_squeeze %dma_wait3A_183 : memref<1x128xi32, #tpu.memory_space<vmem>> -> memref<128xi32, #tpu.memory_space<vmem>>
        %dma_wait3A_185 = arith.constant 0 : i32
        %dma_wait3A_186 = arith.constant 0 : i32
        %dma_wait3A_187 = tpu.memref_slice %arg2[%dma_wait3A_185, %dma_wait3A_186] : memref<2097152x16xf32, #tpu.memory_space<hbm>> -> memref<2097152x16xf32, #tpu.memory_space<hbm>>
        tpu.wait_indirect_dma semaphore(%arg10 : memref<!tpu.dma_semaphore, #tpu.memory_space<semaphore_mem>>) src(%dma_wait3A_187 : memref<2097152x16xf32, #tpu.memory_space<hbm>>) dst(%dma_wait3A_181 : memref<128x16xf32, #tpu.memory_space<vmem>>)
        %mul3A_188 = arith.constant 16 : i32
        %mul3A_189 = arith.muli %rem3A_83, %mul3A_188 : i32
        %add3A_190 = arith.constant 5 : i32
        %add3A_191 = arith.addi %mul3A_189, %add3A_190 : i32
        %mul3A_192 = arith.constant 128 : i32
        %mul3A_193 = arith.muli %add3A_191, %mul3A_192 : i32
        %dma_wait3A_194 = arith.constant 0 : i32
        %dma_wait3A_195 = tpu.memref_slice %arg8[%mul3A_193, %dma_wait3A_194] : memref<6144x16xf32, #tpu.memory_space<vmem>> -> memref<128x16xf32, #tpu.memory_space<vmem>>
        %dma_wait3A_196 = arith.constant 640 : i32
        %dma_wait3A_197 = tpu.memref_slice %arg6[%rem3A_83, %dma_wait3A_196] : memref<3x2048xi32, #tpu.memory_space<vmem>> -> memref<1x128xi32, #tpu.memory_space<vmem>>
        %dma_wait3A_198 = tpu.memref_squeeze %dma_wait3A_197 : memref<1x128xi32, #tpu.memory_space<vmem>> -> memref<128xi32, #tpu.memory_space<vmem>>
        %dma_wait3A_199 = arith.constant 0 : i32
        %dma_wait3A_200 = arith.constant 0 : i32
        %dma_wait3A_201 = tpu.memref_slice %arg2[%dma_wait3A_199, %dma_wait3A_200] : memref<2097152x16xf32, #tpu.memory_space<hbm>> -> memref<2097152x16xf32, #tpu.memory_space<hbm>>
        tpu.wait_indirect_dma semaphore(%arg10 : memref<!tpu.dma_semaphore, #tpu.memory_space<semaphore_mem>>) src(%dma_wait3A_201 : memref<2097152x16xf32, #tpu.memory_space<hbm>>) dst(%dma_wait3A_195 : memref<128x16xf32, #tpu.memory_space<vmem>>)
        %mul3A_202 = arith.constant 16 : i32
        %mul3A_203 = arith.muli %rem3A_83, %mul3A_202 : i32
        %add3A_204 = arith.constant 6 : i32
        %add3A_205 = arith.addi %mul3A_203, %add3A_204 : i32
        %mul3A_206 = arith.constant 128 : i32
        %mul3A_207 = arith.muli %add3A_205, %mul3A_206 : i32
        %dma_wait3A_208 = arith.constant 0 : i32
        %dma_wait3A_209 = tpu.memref_slice %arg8[%mul3A_207, %dma_wait3A_208] : memref<6144x16xf32, #tpu.memory_space<vmem>> -> memref<128x16xf32, #tpu.memory_space<vmem>>
        %dma_wait3A_210 = arith.constant 768 : i32
        %dma_wait3A_211 = tpu.memref_slice %arg6[%rem3A_83, %dma_wait3A_210] : memref<3x2048xi32, #tpu.memory_space<vmem>> -> memref<1x128xi32, #tpu.memory_space<vmem>>
        %dma_wait3A_212 = tpu.memref_squeeze %dma_wait3A_211 : memref<1x128xi32, #tpu.memory_space<vmem>> -> memref<128xi32, #tpu.memory_space<vmem>>
        %dma_wait3A_213 = arith.constant 0 : i32
        %dma_wait3A_214 = arith.constant 0 : i32
        %dma_wait3A_215 = tpu.memref_slice %arg2[%dma_wait3A_213, %dma_wait3A_214] : memref<2097152x16xf32, #tpu.memory_space<hbm>> -> memref<2097152x16xf32, #tpu.memory_space<hbm>>
        tpu.wait_indirect_dma semaphore(%arg10 : memref<!tpu.dma_semaphore, #tpu.memory_space<semaphore_mem>>) src(%dma_wait3A_215 : memref<2097152x16xf32, #tpu.memory_space<hbm>>) dst(%dma_wait3A_209 : memref<128x16xf32, #tpu.memory_space<vmem>>)
        %mul3A_216 = arith.constant 16 : i32
        %mul3A_217 = arith.muli %rem3A_83, %mul3A_216 : i32
        %add3A_218 = arith.constant 7 : i32
        %add3A_219 = arith.addi %mul3A_217, %add3A_218 : i32
        %mul3A_220 = arith.constant 128 : i32
        %mul3A_221 = arith.muli %add3A_219, %mul3A_220 : i32
        %dma_wait3A_222 = arith.constant 0 : i32
        %dma_wait3A_223 = tpu.memref_slice %arg8[%mul3A_221, %dma_wait3A_222] : memref<6144x16xf32, #tpu.memory_space<vmem>> -> memref<128x16xf32, #tpu.memory_space<vmem>>
        %dma_wait3A_224 = arith.constant 896 : i32
        %dma_wait3A_225 = tpu.memref_slice %arg6[%rem3A_83, %dma_wait3A_224] : memref<3x2048xi32, #tpu.memory_space<vmem>> -> memref<1x128xi32, #tpu.memory_space<vmem>>
        %dma_wait3A_226 = tpu.memref_squeeze %dma_wait3A_225 : memref<1x128xi32, #tpu.memory_space<vmem>> -> memref<128xi32, #tpu.memory_space<vmem>>
        %dma_wait3A_227 = arith.constant 0 : i32
        %dma_wait3A_228 = arith.constant 0 : i32
        %dma_wait3A_229 = tpu.memref_slice %arg2[%dma_wait3A_227, %dma_wait3A_228] : memref<2097152x16xf32, #tpu.memory_space<hbm>> -> memref<2097152x16xf32, #tpu.memory_space<hbm>>
        tpu.wait_indirect_dma semaphore(%arg10 : memref<!tpu.dma_semaphore, #tpu.memory_space<semaphore_mem>>) src(%dma_wait3A_229 : memref<2097152x16xf32, #tpu.memory_space<hbm>>) dst(%dma_wait3A_223 : memref<128x16xf32, #tpu.memory_space<vmem>>)
        %mul3A_230 = arith.constant 16 : i32
        %mul3A_231 = arith.muli %rem3A_83, %mul3A_230 : i32
        %add3A_232 = arith.constant 8 : i32
        %add3A_233 = arith.addi %mul3A_231, %add3A_232 : i32
        %mul3A_234 = arith.constant 128 : i32
        %mul3A_235 = arith.muli %add3A_233, %mul3A_234 : i32
        %dma_wait3A_236 = arith.constant 0 : i32
        %dma_wait3A_237 = tpu.memref_slice %arg8[%mul3A_235, %dma_wait3A_236] : memref<6144x16xf32, #tpu.memory_space<vmem>> -> memref<128x16xf32, #tpu.memory_space<vmem>>
        %dma_wait3A_238 = arith.constant 1024 : i32
        %dma_wait3A_239 = tpu.memref_slice %arg6[%rem3A_83, %dma_wait3A_238] : memref<3x2048xi32, #tpu.memory_space<vmem>> -> memref<1x128xi32, #tpu.memory_space<vmem>>
        %dma_wait3A_240 = tpu.memref_squeeze %dma_wait3A_239 : memref<1x128xi32, #tpu.memory_space<vmem>> -> memref<128xi32, #tpu.memory_space<vmem>>
        %dma_wait3A_241 = arith.constant 0 : i32
        %dma_wait3A_242 = arith.constant 0 : i32
        %dma_wait3A_243 = tpu.memref_slice %arg2[%dma_wait3A_241, %dma_wait3A_242] : memref<2097152x16xf32, #tpu.memory_space<hbm>> -> memref<2097152x16xf32, #tpu.memory_space<hbm>>
        tpu.wait_indirect_dma semaphore(%arg10 : memref<!tpu.dma_semaphore, #tpu.memory_space<semaphore_mem>>) src(%dma_wait3A_243 : memref<2097152x16xf32, #tpu.memory_space<hbm>>) dst(%dma_wait3A_237 : memref<128x16xf32, #tpu.memory_space<vmem>>)
        %mul3A_244 = arith.constant 16 : i32
        %mul3A_245 = arith.muli %rem3A_83, %mul3A_244 : i32
        %add3A_246 = arith.constant 9 : i32
        %add3A_247 = arith.addi %mul3A_245, %add3A_246 : i32
        %mul3A_248 = arith.constant 128 : i32
        %mul3A_249 = arith.muli %add3A_247, %mul3A_248 : i32
        %dma_wait3A_250 = arith.constant 0 : i32
        %dma_wait3A_251 = tpu.memref_slice %arg8[%mul3A_249, %dma_wait3A_250] : memref<6144x16xf32, #tpu.memory_space<vmem>> -> memref<128x16xf32, #tpu.memory_space<vmem>>
        %dma_wait3A_252 = arith.constant 1152 : i32
        %dma_wait3A_253 = tpu.memref_slice %arg6[%rem3A_83, %dma_wait3A_252] : memref<3x2048xi32, #tpu.memory_space<vmem>> -> memref<1x128xi32, #tpu.memory_space<vmem>>
        %dma_wait3A_254 = tpu.memref_squeeze %dma_wait3A_253 : memref<1x128xi32, #tpu.memory_space<vmem>> -> memref<128xi32, #tpu.memory_space<vmem>>
        %dma_wait3A_255 = arith.constant 0 : i32
        %dma_wait3A_256 = arith.constant 0 : i32
        %dma_wait3A_257 = tpu.memref_slice %arg2[%dma_wait3A_255, %dma_wait3A_256] : memref<2097152x16xf32, #tpu.memory_space<hbm>> -> memref<2097152x16xf32, #tpu.memory_space<hbm>>
        tpu.wait_indirect_dma semaphore(%arg10 : memref<!tpu.dma_semaphore, #tpu.memory_space<semaphore_mem>>) src(%dma_wait3A_257 : memref<2097152x16xf32, #tpu.memory_space<hbm>>) dst(%dma_wait3A_251 : memref<128x16xf32, #tpu.memory_space<vmem>>)
        %mul3A_258 = arith.constant 16 : i32
        %mul3A_259 = arith.muli %rem3A_83, %mul3A_258 : i32
        %add3A_260 = arith.constant 10 : i32
        %add3A_261 = arith.addi %mul3A_259, %add3A_260 : i32
        %mul3A_262 = arith.constant 128 : i32
        %mul3A_263 = arith.muli %add3A_261, %mul3A_262 : i32
        %dma_wait3A_264 = arith.constant 0 : i32
        %dma_wait3A_265 = tpu.memref_slice %arg8[%mul3A_263, %dma_wait3A_264] : memref<6144x16xf32, #tpu.memory_space<vmem>> -> memref<128x16xf32, #tpu.memory_space<vmem>>
        %dma_wait3A_266 = arith.constant 1280 : i32
        %dma_wait3A_267 = tpu.memref_slice %arg6[%rem3A_83, %dma_wait3A_266] : memref<3x2048xi32, #tpu.memory_space<vmem>> -> memref<1x128xi32, #tpu.memory_space<vmem>>
        %dma_wait3A_268 = tpu.memref_squeeze %dma_wait3A_267 : memref<1x128xi32, #tpu.memory_space<vmem>> -> memref<128xi32, #tpu.memory_space<vmem>>
        %dma_wait3A_269 = arith.constant 0 : i32
        %dma_wait3A_270 = arith.constant 0 : i32
        %dma_wait3A_271 = tpu.memref_slice %arg2[%dma_wait3A_269, %dma_wait3A_270] : memref<2097152x16xf32, #tpu.memory_space<hbm>> -> memref<2097152x16xf32, #tpu.memory_space<hbm>>
        tpu.wait_indirect_dma semaphore(%arg10 : memref<!tpu.dma_semaphore, #tpu.memory_space<semaphore_mem>>) src(%dma_wait3A_271 : memref<2097152x16xf32, #tpu.memory_space<hbm>>) dst(%dma_wait3A_265 : memref<128x16xf32, #tpu.memory_space<vmem>>)
        %mul3A_272 = arith.constant 16 : i32
        %mul3A_273 = arith.muli %rem3A_83, %mul3A_272 : i32
        %add3A_274 = arith.constant 11 : i32
        %add3A_275 = arith.addi %mul3A_273, %add3A_274 : i32
        %mul3A_276 = arith.constant 128 : i32
        %mul3A_277 = arith.muli %add3A_275, %mul3A_276 : i32
        %dma_wait3A_278 = arith.constant 0 : i32
        %dma_wait3A_279 = tpu.memref_slice %arg8[%mul3A_277, %dma_wait3A_278] : memref<6144x16xf32, #tpu.memory_space<vmem>> -> memref<128x16xf32, #tpu.memory_space<vmem>>
        %dma_wait3A_280 = arith.constant 1408 : i32
        %dma_wait3A_281 = tpu.memref_slice %arg6[%rem3A_83, %dma_wait3A_280] : memref<3x2048xi32, #tpu.memory_space<vmem>> -> memref<1x128xi32, #tpu.memory_space<vmem>>
        %dma_wait3A_282 = tpu.memref_squeeze %dma_wait3A_281 : memref<1x128xi32, #tpu.memory_space<vmem>> -> memref<128xi32, #tpu.memory_space<vmem>>
        %dma_wait3A_283 = arith.constant 0 : i32
        %dma_wait3A_284 = arith.constant 0 : i32
        %dma_wait3A_285 = tpu.memref_slice %arg2[%dma_wait3A_283, %dma_wait3A_284] : memref<2097152x16xf32, #tpu.memory_space<hbm>> -> memref<2097152x16xf32, #tpu.memory_space<hbm>>
        tpu.wait_indirect_dma semaphore(%arg10 : memref<!tpu.dma_semaphore, #tpu.memory_space<semaphore_mem>>) src(%dma_wait3A_285 : memref<2097152x16xf32, #tpu.memory_space<hbm>>) dst(%dma_wait3A_279 : memref<128x16xf32, #tpu.memory_space<vmem>>)
        %mul3A_286 = arith.constant 16 : i32
        %mul3A_287 = arith.muli %rem3A_83, %mul3A_286 : i32
        %add3A_288 = arith.constant 12 : i32
        %add3A_289 = arith.addi %mul3A_287, %add3A_288 : i32
        %mul3A_290 = arith.constant 128 : i32
        %mul3A_291 = arith.muli %add3A_289, %mul3A_290 : i32
        %dma_wait3A_292 = arith.constant 0 : i32
        %dma_wait3A_293 = tpu.memref_slice %arg8[%mul3A_291, %dma_wait3A_292] : memref<6144x16xf32, #tpu.memory_space<vmem>> -> memref<128x16xf32, #tpu.memory_space<vmem>>
        %dma_wait3A_294 = arith.constant 1536 : i32
        %dma_wait3A_295 = tpu.memref_slice %arg6[%rem3A_83, %dma_wait3A_294] : memref<3x2048xi32, #tpu.memory_space<vmem>> -> memref<1x128xi32, #tpu.memory_space<vmem>>
        %dma_wait3A_296 = tpu.memref_squeeze %dma_wait3A_295 : memref<1x128xi32, #tpu.memory_space<vmem>> -> memref<128xi32, #tpu.memory_space<vmem>>
        %dma_wait3A_297 = arith.constant 0 : i32
        %dma_wait3A_298 = arith.constant 0 : i32
        %dma_wait3A_299 = tpu.memref_slice %arg2[%dma_wait3A_297, %dma_wait3A_298] : memref<2097152x16xf32, #tpu.memory_space<hbm>> -> memref<2097152x16xf32, #tpu.memory_space<hbm>>
        tpu.wait_indirect_dma semaphore(%arg10 : memref<!tpu.dma_semaphore, #tpu.memory_space<semaphore_mem>>) src(%dma_wait3A_299 : memref<2097152x16xf32, #tpu.memory_space<hbm>>) dst(%dma_wait3A_293 : memref<128x16xf32, #tpu.memory_space<vmem>>)
        %mul3A_300 = arith.constant 16 : i32
        %mul3A_301 = arith.muli %rem3A_83, %mul3A_300 : i32
        %add3A_302 = arith.constant 13 : i32
        %add3A_303 = arith.addi %mul3A_301, %add3A_302 : i32
        %mul3A_304 = arith.constant 128 : i32
        %mul3A_305 = arith.muli %add3A_303, %mul3A_304 : i32
        %dma_wait3A_306 = arith.constant 0 : i32
        %dma_wait3A_307 = tpu.memref_slice %arg8[%mul3A_305, %dma_wait3A_306] : memref<6144x16xf32, #tpu.memory_space<vmem>> -> memref<128x16xf32, #tpu.memory_space<vmem>>
        %dma_wait3A_308 = arith.constant 1664 : i32
        %dma_wait3A_309 = tpu.memref_slice %arg6[%rem3A_83, %dma_wait3A_308] : memref<3x2048xi32, #tpu.memory_space<vmem>> -> memref<1x128xi32, #tpu.memory_space<vmem>>
        %dma_wait3A_310 = tpu.memref_squeeze %dma_wait3A_309 : memref<1x128xi32, #tpu.memory_space<vmem>> -> memref<128xi32, #tpu.memory_space<vmem>>
        %dma_wait3A_311 = arith.constant 0 : i32
        %dma_wait3A_312 = arith.constant 0 : i32
        %dma_wait3A_313 = tpu.memref_slice %arg2[%dma_wait3A_311, %dma_wait3A_312] : memref<2097152x16xf32, #tpu.memory_space<hbm>> -> memref<2097152x16xf32, #tpu.memory_space<hbm>>
        tpu.wait_indirect_dma semaphore(%arg10 : memref<!tpu.dma_semaphore, #tpu.memory_space<semaphore_mem>>) src(%dma_wait3A_313 : memref<2097152x16xf32, #tpu.memory_space<hbm>>) dst(%dma_wait3A_307 : memref<128x16xf32, #tpu.memory_space<vmem>>)
        %mul3A_314 = arith.constant 16 : i32
        %mul3A_315 = arith.muli %rem3A_83, %mul3A_314 : i32
        %add3A_316 = arith.constant 14 : i32
        %add3A_317 = arith.addi %mul3A_315, %add3A_316 : i32
        %mul3A_318 = arith.constant 128 : i32
        %mul3A_319 = arith.muli %add3A_317, %mul3A_318 : i32
        %dma_wait3A_320 = arith.constant 0 : i32
        %dma_wait3A_321 = tpu.memref_slice %arg8[%mul3A_319, %dma_wait3A_320] : memref<6144x16xf32, #tpu.memory_space<vmem>> -> memref<128x16xf32, #tpu.memory_space<vmem>>
        %dma_wait3A_322 = arith.constant 1792 : i32
        %dma_wait3A_323 = tpu.memref_slice %arg6[%rem3A_83, %dma_wait3A_322] : memref<3x2048xi32, #tpu.memory_space<vmem>> -> memref<1x128xi32, #tpu.memory_space<vmem>>
        %dma_wait3A_324 = tpu.memref_squeeze %dma_wait3A_323 : memref<1x128xi32, #tpu.memory_space<vmem>> -> memref<128xi32, #tpu.memory_space<vmem>>
        %dma_wait3A_325 = arith.constant 0 : i32
        %dma_wait3A_326 = arith.constant 0 : i32
        %dma_wait3A_327 = tpu.memref_slice %arg2[%dma_wait3A_325, %dma_wait3A_326] : memref<2097152x16xf32, #tpu.memory_space<hbm>> -> memref<2097152x16xf32, #tpu.memory_space<hbm>>
        tpu.wait_indirect_dma semaphore(%arg10 : memref<!tpu.dma_semaphore, #tpu.memory_space<semaphore_mem>>) src(%dma_wait3A_327 : memref<2097152x16xf32, #tpu.memory_space<hbm>>) dst(%dma_wait3A_321 : memref<128x16xf32, #tpu.memory_space<vmem>>)
        %mul3A_328 = arith.constant 16 : i32
        %mul3A_329 = arith.muli %rem3A_83, %mul3A_328 : i32
        %add3A_330 = arith.constant 15 : i32
        %add3A_331 = arith.addi %mul3A_329, %add3A_330 : i32
        %mul3A_332 = arith.constant 128 : i32
        %mul3A_333 = arith.muli %add3A_331, %mul3A_332 : i32
        %dma_wait3A_334 = arith.constant 0 : i32
        %dma_wait3A_335 = tpu.memref_slice %arg8[%mul3A_333, %dma_wait3A_334] : memref<6144x16xf32, #tpu.memory_space<vmem>> -> memref<128x16xf32, #tpu.memory_space<vmem>>
        %dma_wait3A_336 = arith.constant 1920 : i32
        %dma_wait3A_337 = tpu.memref_slice %arg6[%rem3A_83, %dma_wait3A_336] : memref<3x2048xi32, #tpu.memory_space<vmem>> -> memref<1x128xi32, #tpu.memory_space<vmem>>
        %dma_wait3A_338 = tpu.memref_squeeze %dma_wait3A_337 : memref<1x128xi32, #tpu.memory_space<vmem>> -> memref<128xi32, #tpu.memory_space<vmem>>
        %dma_wait3A_339 = arith.constant 0 : i32
        %dma_wait3A_340 = arith.constant 0 : i32
        %dma_wait3A_341 = tpu.memref_slice %arg2[%dma_wait3A_339, %dma_wait3A_340] : memref<2097152x16xf32, #tpu.memory_space<hbm>> -> memref<2097152x16xf32, #tpu.memory_space<hbm>>
        tpu.wait_indirect_dma semaphore(%arg10 : memref<!tpu.dma_semaphore, #tpu.memory_space<semaphore_mem>>) src(%dma_wait3A_341 : memref<2097152x16xf32, #tpu.memory_space<hbm>>) dst(%dma_wait3A_335 : memref<128x16xf32, #tpu.memory_space<vmem>>)
      } else {
      }
      %eq3A_88 = arith.constant 1 : i32
      %eq3A_89 = arith.cmpi eq, %rem3A_83, %eq3A_88 : i32
      %convert_element_type3A_90 = arith.extui %eq3A_89 : i1 to i32
      %cond3A_91 = arith.constant 0 : i32
      %cond3A_92 = arith.cmpi ne, %convert_element_type3A_90, %cond3A_91 : i32
      scf.if %cond3A_92 {
        %mul3A_118 = arith.constant 16 : i32
        %mul3A_119 = arith.muli %rem3A_83, %mul3A_118 : i32
        %add3A_120 = arith.constant 0 : i32
        %add3A_121 = arith.addi %mul3A_119, %add3A_120 : i32
        %mul3A_122 = arith.constant 128 : i32
        %mul3A_123 = arith.muli %add3A_121, %mul3A_122 : i32
        %dma_wait3A_124 = arith.constant 0 : i32
        %dma_wait3A_125 = tpu.memref_slice %arg8[%mul3A_123, %dma_wait3A_124] : memref<6144x16xf32, #tpu.memory_space<vmem>> -> memref<128x16xf32, #tpu.memory_space<vmem>>
        %dma_wait3A_126 = arith.constant 0 : i32
        %dma_wait3A_127 = tpu.memref_slice %arg6[%rem3A_83, %dma_wait3A_126] : memref<3x2048xi32, #tpu.memory_space<vmem>> -> memref<1x128xi32, #tpu.memory_space<vmem>>
        %dma_wait3A_128 = tpu.memref_squeeze %dma_wait3A_127 : memref<1x128xi32, #tpu.memory_space<vmem>> -> memref<128xi32, #tpu.memory_space<vmem>>
        %dma_wait3A_129 = arith.constant 0 : i32
        %dma_wait3A_130 = arith.constant 0 : i32
        %dma_wait3A_131 = tpu.memref_slice %arg2[%dma_wait3A_129, %dma_wait3A_130] : memref<2097152x16xf32, #tpu.memory_space<hbm>> -> memref<2097152x16xf32, #tpu.memory_space<hbm>>
        tpu.wait_indirect_dma semaphore(%arg11 : memref<!tpu.dma_semaphore, #tpu.memory_space<semaphore_mem>>) src(%dma_wait3A_131 : memref<2097152x16xf32, #tpu.memory_space<hbm>>) dst(%dma_wait3A_125 : memref<128x16xf32, #tpu.memory_space<vmem>>)
        %mul3A_132 = arith.constant 16 : i32
        %mul3A_133 = arith.muli %rem3A_83, %mul3A_132 : i32
        %add3A_134 = arith.constant 1 : i32
        %add3A_135 = arith.addi %mul3A_133, %add3A_134 : i32
        %mul3A_136 = arith.constant 128 : i32
        %mul3A_137 = arith.muli %add3A_135, %mul3A_136 : i32
        %dma_wait3A_138 = arith.constant 0 : i32
        %dma_wait3A_139 = tpu.memref_slice %arg8[%mul3A_137, %dma_wait3A_138] : memref<6144x16xf32, #tpu.memory_space<vmem>> -> memref<128x16xf32, #tpu.memory_space<vmem>>
        %dma_wait3A_140 = arith.constant 128 : i32
        %dma_wait3A_141 = tpu.memref_slice %arg6[%rem3A_83, %dma_wait3A_140] : memref<3x2048xi32, #tpu.memory_space<vmem>> -> memref<1x128xi32, #tpu.memory_space<vmem>>
        %dma_wait3A_142 = tpu.memref_squeeze %dma_wait3A_141 : memref<1x128xi32, #tpu.memory_space<vmem>> -> memref<128xi32, #tpu.memory_space<vmem>>
        %dma_wait3A_143 = arith.constant 0 : i32
        %dma_wait3A_144 = arith.constant 0 : i32
        %dma_wait3A_145 = tpu.memref_slice %arg2[%dma_wait3A_143, %dma_wait3A_144] : memref<2097152x16xf32, #tpu.memory_space<hbm>> -> memref<2097152x16xf32, #tpu.memory_space<hbm>>
        tpu.wait_indirect_dma semaphore(%arg11 : memref<!tpu.dma_semaphore, #tpu.memory_space<semaphore_mem>>) src(%dma_wait3A_145 : memref<2097152x16xf32, #tpu.memory_space<hbm>>) dst(%dma_wait3A_139 : memref<128x16xf32, #tpu.memory_space<vmem>>)
        %mul3A_146 = arith.constant 16 : i32
        %mul3A_147 = arith.muli %rem3A_83, %mul3A_146 : i32
        %add3A_148 = arith.constant 2 : i32
        %add3A_149 = arith.addi %mul3A_147, %add3A_148 : i32
        %mul3A_150 = arith.constant 128 : i32
        %mul3A_151 = arith.muli %add3A_149, %mul3A_150 : i32
        %dma_wait3A_152 = arith.constant 0 : i32
        %dma_wait3A_153 = tpu.memref_slice %arg8[%mul3A_151, %dma_wait3A_152] : memref<6144x16xf32, #tpu.memory_space<vmem>> -> memref<128x16xf32, #tpu.memory_space<vmem>>
        %dma_wait3A_154 = arith.constant 256 : i32
        %dma_wait3A_155 = tpu.memref_slice %arg6[%rem3A_83, %dma_wait3A_154] : memref<3x2048xi32, #tpu.memory_space<vmem>> -> memref<1x128xi32, #tpu.memory_space<vmem>>
        %dma_wait3A_156 = tpu.memref_squeeze %dma_wait3A_155 : memref<1x128xi32, #tpu.memory_space<vmem>> -> memref<128xi32, #tpu.memory_space<vmem>>
        %dma_wait3A_157 = arith.constant 0 : i32
        %dma_wait3A_158 = arith.constant 0 : i32
        %dma_wait3A_159 = tpu.memref_slice %arg2[%dma_wait3A_157, %dma_wait3A_158] : memref<2097152x16xf32, #tpu.memory_space<hbm>> -> memref<2097152x16xf32, #tpu.memory_space<hbm>>
        tpu.wait_indirect_dma semaphore(%arg11 : memref<!tpu.dma_semaphore, #tpu.memory_space<semaphore_mem>>) src(%dma_wait3A_159 : memref<2097152x16xf32, #tpu.memory_space<hbm>>) dst(%dma_wait3A_153 : memref<128x16xf32, #tpu.memory_space<vmem>>)
        %mul3A_160 = arith.constant 16 : i32
        %mul3A_161 = arith.muli %rem3A_83, %mul3A_160 : i32
        %add3A_162 = arith.constant 3 : i32
        %add3A_163 = arith.addi %mul3A_161, %add3A_162 : i32
        %mul3A_164 = arith.constant 128 : i32
        %mul3A_165 = arith.muli %add3A_163, %mul3A_164 : i32
        %dma_wait3A_166 = arith.constant 0 : i32
        %dma_wait3A_167 = tpu.memref_slice %arg8[%mul3A_165, %dma_wait3A_166] : memref<6144x16xf32, #tpu.memory_space<vmem>> -> memref<128x16xf32, #tpu.memory_space<vmem>>
        %dma_wait3A_168 = arith.constant 384 : i32
        %dma_wait3A_169 = tpu.memref_slice %arg6[%rem3A_83, %dma_wait3A_168] : memref<3x2048xi32, #tpu.memory_space<vmem>> -> memref<1x128xi32, #tpu.memory_space<vmem>>
        %dma_wait3A_170 = tpu.memref_squeeze %dma_wait3A_169 : memref<1x128xi32, #tpu.memory_space<vmem>> -> memref<128xi32, #tpu.memory_space<vmem>>
        %dma_wait3A_171 = arith.constant 0 : i32
        %dma_wait3A_172 = arith.constant 0 : i32
        %dma_wait3A_173 = tpu.memref_slice %arg2[%dma_wait3A_171, %dma_wait3A_172] : memref<2097152x16xf32, #tpu.memory_space<hbm>> -> memref<2097152x16xf32, #tpu.memory_space<hbm>>
        tpu.wait_indirect_dma semaphore(%arg11 : memref<!tpu.dma_semaphore, #tpu.memory_space<semaphore_mem>>) src(%dma_wait3A_173 : memref<2097152x16xf32, #tpu.memory_space<hbm>>) dst(%dma_wait3A_167 : memref<128x16xf32, #tpu.memory_space<vmem>>)
        %mul3A_174 = arith.constant 16 : i32
        %mul3A_175 = arith.muli %rem3A_83, %mul3A_174 : i32
        %add3A_176 = arith.constant 4 : i32
        %add3A_177 = arith.addi %mul3A_175, %add3A_176 : i32
        %mul3A_178 = arith.constant 128 : i32
        %mul3A_179 = arith.muli %add3A_177, %mul3A_178 : i32
        %dma_wait3A_180 = arith.constant 0 : i32
        %dma_wait3A_181 = tpu.memref_slice %arg8[%mul3A_179, %dma_wait3A_180] : memref<6144x16xf32, #tpu.memory_space<vmem>> -> memref<128x16xf32, #tpu.memory_space<vmem>>
        %dma_wait3A_182 = arith.constant 512 : i32
        %dma_wait3A_183 = tpu.memref_slice %arg6[%rem3A_83, %dma_wait3A_182] : memref<3x2048xi32, #tpu.memory_space<vmem>> -> memref<1x128xi32, #tpu.memory_space<vmem>>
        %dma_wait3A_184 = tpu.memref_squeeze %dma_wait3A_183 : memref<1x128xi32, #tpu.memory_space<vmem>> -> memref<128xi32, #tpu.memory_space<vmem>>
        %dma_wait3A_185 = arith.constant 0 : i32
        %dma_wait3A_186 = arith.constant 0 : i32
        %dma_wait3A_187 = tpu.memref_slice %arg2[%dma_wait3A_185, %dma_wait3A_186] : memref<2097152x16xf32, #tpu.memory_space<hbm>> -> memref<2097152x16xf32, #tpu.memory_space<hbm>>
        tpu.wait_indirect_dma semaphore(%arg11 : memref<!tpu.dma_semaphore, #tpu.memory_space<semaphore_mem>>) src(%dma_wait3A_187 : memref<2097152x16xf32, #tpu.memory_space<hbm>>) dst(%dma_wait3A_181 : memref<128x16xf32, #tpu.memory_space<vmem>>)
        %mul3A_188 = arith.constant 16 : i32
        %mul3A_189 = arith.muli %rem3A_83, %mul3A_188 : i32
        %add3A_190 = arith.constant 5 : i32
        %add3A_191 = arith.addi %mul3A_189, %add3A_190 : i32
        %mul3A_192 = arith.constant 128 : i32
        %mul3A_193 = arith.muli %add3A_191, %mul3A_192 : i32
        %dma_wait3A_194 = arith.constant 0 : i32
        %dma_wait3A_195 = tpu.memref_slice %arg8[%mul3A_193, %dma_wait3A_194] : memref<6144x16xf32, #tpu.memory_space<vmem>> -> memref<128x16xf32, #tpu.memory_space<vmem>>
        %dma_wait3A_196 = arith.constant 640 : i32
        %dma_wait3A_197 = tpu.memref_slice %arg6[%rem3A_83, %dma_wait3A_196] : memref<3x2048xi32, #tpu.memory_space<vmem>> -> memref<1x128xi32, #tpu.memory_space<vmem>>
        %dma_wait3A_198 = tpu.memref_squeeze %dma_wait3A_197 : memref<1x128xi32, #tpu.memory_space<vmem>> -> memref<128xi32, #tpu.memory_space<vmem>>
        %dma_wait3A_199 = arith.constant 0 : i32
        %dma_wait3A_200 = arith.constant 0 : i32
        %dma_wait3A_201 = tpu.memref_slice %arg2[%dma_wait3A_199, %dma_wait3A_200] : memref<2097152x16xf32, #tpu.memory_space<hbm>> -> memref<2097152x16xf32, #tpu.memory_space<hbm>>
        tpu.wait_indirect_dma semaphore(%arg11 : memref<!tpu.dma_semaphore, #tpu.memory_space<semaphore_mem>>) src(%dma_wait3A_201 : memref<2097152x16xf32, #tpu.memory_space<hbm>>) dst(%dma_wait3A_195 : memref<128x16xf32, #tpu.memory_space<vmem>>)
        %mul3A_202 = arith.constant 16 : i32
        %mul3A_203 = arith.muli %rem3A_83, %mul3A_202 : i32
        %add3A_204 = arith.constant 6 : i32
        %add3A_205 = arith.addi %mul3A_203, %add3A_204 : i32
        %mul3A_206 = arith.constant 128 : i32
        %mul3A_207 = arith.muli %add3A_205, %mul3A_206 : i32
        %dma_wait3A_208 = arith.constant 0 : i32
        %dma_wait3A_209 = tpu.memref_slice %arg8[%mul3A_207, %dma_wait3A_208] : memref<6144x16xf32, #tpu.memory_space<vmem>> -> memref<128x16xf32, #tpu.memory_space<vmem>>
        %dma_wait3A_210 = arith.constant 768 : i32
        %dma_wait3A_211 = tpu.memref_slice %arg6[%rem3A_83, %dma_wait3A_210] : memref<3x2048xi32, #tpu.memory_space<vmem>> -> memref<1x128xi32, #tpu.memory_space<vmem>>
        %dma_wait3A_212 = tpu.memref_squeeze %dma_wait3A_211 : memref<1x128xi32, #tpu.memory_space<vmem>> -> memref<128xi32, #tpu.memory_space<vmem>>
        %dma_wait3A_213 = arith.constant 0 : i32
        %dma_wait3A_214 = arith.constant 0 : i32
        %dma_wait3A_215 = tpu.memref_slice %arg2[%dma_wait3A_213, %dma_wait3A_214] : memref<2097152x16xf32, #tpu.memory_space<hbm>> -> memref<2097152x16xf32, #tpu.memory_space<hbm>>
        tpu.wait_indirect_dma semaphore(%arg11 : memref<!tpu.dma_semaphore, #tpu.memory_space<semaphore_mem>>) src(%dma_wait3A_215 : memref<2097152x16xf32, #tpu.memory_space<hbm>>) dst(%dma_wait3A_209 : memref<128x16xf32, #tpu.memory_space<vmem>>)
        %mul3A_216 = arith.constant 16 : i32
        %mul3A_217 = arith.muli %rem3A_83, %mul3A_216 : i32
        %add3A_218 = arith.constant 7 : i32
        %add3A_219 = arith.addi %mul3A_217, %add3A_218 : i32
        %mul3A_220 = arith.constant 128 : i32
        %mul3A_221 = arith.muli %add3A_219, %mul3A_220 : i32
        %dma_wait3A_222 = arith.constant 0 : i32
        %dma_wait3A_223 = tpu.memref_slice %arg8[%mul3A_221, %dma_wait3A_222] : memref<6144x16xf32, #tpu.memory_space<vmem>> -> memref<128x16xf32, #tpu.memory_space<vmem>>
        %dma_wait3A_224 = arith.constant 896 : i32
        %dma_wait3A_225 = tpu.memref_slice %arg6[%rem3A_83, %dma_wait3A_224] : memref<3x2048xi32, #tpu.memory_space<vmem>> -> memref<1x128xi32, #tpu.memory_space<vmem>>
        %dma_wait3A_226 = tpu.memref_squeeze %dma_wait3A_225 : memref<1x128xi32, #tpu.memory_space<vmem>> -> memref<128xi32, #tpu.memory_space<vmem>>
        %dma_wait3A_227 = arith.constant 0 : i32
        %dma_wait3A_228 = arith.constant 0 : i32
        %dma_wait3A_229 = tpu.memref_slice %arg2[%dma_wait3A_227, %dma_wait3A_228] : memref<2097152x16xf32, #tpu.memory_space<hbm>> -> memref<2097152x16xf32, #tpu.memory_space<hbm>>
        tpu.wait_indirect_dma semaphore(%arg11 : memref<!tpu.dma_semaphore, #tpu.memory_space<semaphore_mem>>) src(%dma_wait3A_229 : memref<2097152x16xf32, #tpu.memory_space<hbm>>) dst(%dma_wait3A_223 : memref<128x16xf32, #tpu.memory_space<vmem>>)
        %mul3A_230 = arith.constant 16 : i32
        %mul3A_231 = arith.muli %rem3A_83, %mul3A_230 : i32
        %add3A_232 = arith.constant 8 : i32
        %add3A_233 = arith.addi %mul3A_231, %add3A_232 : i32
        %mul3A_234 = arith.constant 128 : i32
        %mul3A_235 = arith.muli %add3A_233, %mul3A_234 : i32
        %dma_wait3A_236 = arith.constant 0 : i32
        %dma_wait3A_237 = tpu.memref_slice %arg8[%mul3A_235, %dma_wait3A_236] : memref<6144x16xf32, #tpu.memory_space<vmem>> -> memref<128x16xf32, #tpu.memory_space<vmem>>
        %dma_wait3A_238 = arith.constant 1024 : i32
        %dma_wait3A_239 = tpu.memref_slice %arg6[%rem3A_83, %dma_wait3A_238] : memref<3x2048xi32, #tpu.memory_space<vmem>> -> memref<1x128xi32, #tpu.memory_space<vmem>>
        %dma_wait3A_240 = tpu.memref_squeeze %dma_wait3A_239 : memref<1x128xi32, #tpu.memory_space<vmem>> -> memref<128xi32, #tpu.memory_space<vmem>>
        %dma_wait3A_241 = arith.constant 0 : i32
        %dma_wait3A_242 = arith.constant 0 : i32
        %dma_wait3A_243 = tpu.memref_slice %arg2[%dma_wait3A_241, %dma_wait3A_242] : memref<2097152x16xf32, #tpu.memory_space<hbm>> -> memref<2097152x16xf32, #tpu.memory_space<hbm>>
        tpu.wait_indirect_dma semaphore(%arg11 : memref<!tpu.dma_semaphore, #tpu.memory_space<semaphore_mem>>) src(%dma_wait3A_243 : memref<2097152x16xf32, #tpu.memory_space<hbm>>) dst(%dma_wait3A_237 : memref<128x16xf32, #tpu.memory_space<vmem>>)
        %mul3A_244 = arith.constant 16 : i32
        %mul3A_245 = arith.muli %rem3A_83, %mul3A_244 : i32
        %add3A_246 = arith.constant 9 : i32
        %add3A_247 = arith.addi %mul3A_245, %add3A_246 : i32
        %mul3A_248 = arith.constant 128 : i32
        %mul3A_249 = arith.muli %add3A_247, %mul3A_248 : i32
        %dma_wait3A_250 = arith.constant 0 : i32
        %dma_wait3A_251 = tpu.memref_slice %arg8[%mul3A_249, %dma_wait3A_250] : memref<6144x16xf32, #tpu.memory_space<vmem>> -> memref<128x16xf32, #tpu.memory_space<vmem>>
        %dma_wait3A_252 = arith.constant 1152 : i32
        %dma_wait3A_253 = tpu.memref_slice %arg6[%rem3A_83, %dma_wait3A_252] : memref<3x2048xi32, #tpu.memory_space<vmem>> -> memref<1x128xi32, #tpu.memory_space<vmem>>
        %dma_wait3A_254 = tpu.memref_squeeze %dma_wait3A_253 : memref<1x128xi32, #tpu.memory_space<vmem>> -> memref<128xi32, #tpu.memory_space<vmem>>
        %dma_wait3A_255 = arith.constant 0 : i32
        %dma_wait3A_256 = arith.constant 0 : i32
        %dma_wait3A_257 = tpu.memref_slice %arg2[%dma_wait3A_255, %dma_wait3A_256] : memref<2097152x16xf32, #tpu.memory_space<hbm>> -> memref<2097152x16xf32, #tpu.memory_space<hbm>>
        tpu.wait_indirect_dma semaphore(%arg11 : memref<!tpu.dma_semaphore, #tpu.memory_space<semaphore_mem>>) src(%dma_wait3A_257 : memref<2097152x16xf32, #tpu.memory_space<hbm>>) dst(%dma_wait3A_251 : memref<128x16xf32, #tpu.memory_space<vmem>>)
        %mul3A_258 = arith.constant 16 : i32
        %mul3A_259 = arith.muli %rem3A_83, %mul3A_258 : i32
        %add3A_260 = arith.constant 10 : i32
        %add3A_261 = arith.addi %mul3A_259, %add3A_260 : i32
        %mul3A_262 = arith.constant 128 : i32
        %mul3A_263 = arith.muli %add3A_261, %mul3A_262 : i32
        %dma_wait3A_264 = arith.constant 0 : i32
        %dma_wait3A_265 = tpu.memref_slice %arg8[%mul3A_263, %dma_wait3A_264] : memref<6144x16xf32, #tpu.memory_space<vmem>> -> memref<128x16xf32, #tpu.memory_space<vmem>>
        %dma_wait3A_266 = arith.constant 1280 : i32
        %dma_wait3A_267 = tpu.memref_slice %arg6[%rem3A_83, %dma_wait3A_266] : memref<3x2048xi32, #tpu.memory_space<vmem>> -> memref<1x128xi32, #tpu.memory_space<vmem>>
        %dma_wait3A_268 = tpu.memref_squeeze %dma_wait3A_267 : memref<1x128xi32, #tpu.memory_space<vmem>> -> memref<128xi32, #tpu.memory_space<vmem>>
        %dma_wait3A_269 = arith.constant 0 : i32
        %dma_wait3A_270 = arith.constant 0 : i32
        %dma_wait3A_271 = tpu.memref_slice %arg2[%dma_wait3A_269, %dma_wait3A_270] : memref<2097152x16xf32, #tpu.memory_space<hbm>> -> memref<2097152x16xf32, #tpu.memory_space<hbm>>
        tpu.wait_indirect_dma semaphore(%arg11 : memref<!tpu.dma_semaphore, #tpu.memory_space<semaphore_mem>>) src(%dma_wait3A_271 : memref<2097152x16xf32, #tpu.memory_space<hbm>>) dst(%dma_wait3A_265 : memref<128x16xf32, #tpu.memory_space<vmem>>)
        %mul3A_272 = arith.constant 16 : i32
        %mul3A_273 = arith.muli %rem3A_83, %mul3A_272 : i32
        %add3A_274 = arith.constant 11 : i32
        %add3A_275 = arith.addi %mul3A_273, %add3A_274 : i32
        %mul3A_276 = arith.constant 128 : i32
        %mul3A_277 = arith.muli %add3A_275, %mul3A_276 : i32
        %dma_wait3A_278 = arith.constant 0 : i32
        %dma_wait3A_279 = tpu.memref_slice %arg8[%mul3A_277, %dma_wait3A_278] : memref<6144x16xf32, #tpu.memory_space<vmem>> -> memref<128x16xf32, #tpu.memory_space<vmem>>
        %dma_wait3A_280 = arith.constant 1408 : i32
        %dma_wait3A_281 = tpu.memref_slice %arg6[%rem3A_83, %dma_wait3A_280] : memref<3x2048xi32, #tpu.memory_space<vmem>> -> memref<1x128xi32, #tpu.memory_space<vmem>>
        %dma_wait3A_282 = tpu.memref_squeeze %dma_wait3A_281 : memref<1x128xi32, #tpu.memory_space<vmem>> -> memref<128xi32, #tpu.memory_space<vmem>>
        %dma_wait3A_283 = arith.constant 0 : i32
        %dma_wait3A_284 = arith.constant 0 : i32
        %dma_wait3A_285 = tpu.memref_slice %arg2[%dma_wait3A_283, %dma_wait3A_284] : memref<2097152x16xf32, #tpu.memory_space<hbm>> -> memref<2097152x16xf32, #tpu.memory_space<hbm>>
        tpu.wait_indirect_dma semaphore(%arg11 : memref<!tpu.dma_semaphore, #tpu.memory_space<semaphore_mem>>) src(%dma_wait3A_285 : memref<2097152x16xf32, #tpu.memory_space<hbm>>) dst(%dma_wait3A_279 : memref<128x16xf32, #tpu.memory_space<vmem>>)
        %mul3A_286 = arith.constant 16 : i32
        %mul3A_287 = arith.muli %rem3A_83, %mul3A_286 : i32
        %add3A_288 = arith.constant 12 : i32
        %add3A_289 = arith.addi %mul3A_287, %add3A_288 : i32
        %mul3A_290 = arith.constant 128 : i32
        %mul3A_291 = arith.muli %add3A_289, %mul3A_290 : i32
        %dma_wait3A_292 = arith.constant 0 : i32
        %dma_wait3A_293 = tpu.memref_slice %arg8[%mul3A_291, %dma_wait3A_292] : memref<6144x16xf32, #tpu.memory_space<vmem>> -> memref<128x16xf32, #tpu.memory_space<vmem>>
        %dma_wait3A_294 = arith.constant 1536 : i32
        %dma_wait3A_295 = tpu.memref_slice %arg6[%rem3A_83, %dma_wait3A_294] : memref<3x2048xi32, #tpu.memory_space<vmem>> -> memref<1x128xi32, #tpu.memory_space<vmem>>
        %dma_wait3A_296 = tpu.memref_squeeze %dma_wait3A_295 : memref<1x128xi32, #tpu.memory_space<vmem>> -> memref<128xi32, #tpu.memory_space<vmem>>
        %dma_wait3A_297 = arith.constant 0 : i32
        %dma_wait3A_298 = arith.constant 0 : i32
        %dma_wait3A_299 = tpu.memref_slice %arg2[%dma_wait3A_297, %dma_wait3A_298] : memref<2097152x16xf32, #tpu.memory_space<hbm>> -> memref<2097152x16xf32, #tpu.memory_space<hbm>>
        tpu.wait_indirect_dma semaphore(%arg11 : memref<!tpu.dma_semaphore, #tpu.memory_space<semaphore_mem>>) src(%dma_wait3A_299 : memref<2097152x16xf32, #tpu.memory_space<hbm>>) dst(%dma_wait3A_293 : memref<128x16xf32, #tpu.memory_space<vmem>>)
        %mul3A_300 = arith.constant 16 : i32
        %mul3A_301 = arith.muli %rem3A_83, %mul3A_300 : i32
        %add3A_302 = arith.constant 13 : i32
        %add3A_303 = arith.addi %mul3A_301, %add3A_302 : i32
        %mul3A_304 = arith.constant 128 : i32
        %mul3A_305 = arith.muli %add3A_303, %mul3A_304 : i32
        %dma_wait3A_306 = arith.constant 0 : i32
        %dma_wait3A_307 = tpu.memref_slice %arg8[%mul3A_305, %dma_wait3A_306] : memref<6144x16xf32, #tpu.memory_space<vmem>> -> memref<128x16xf32, #tpu.memory_space<vmem>>
        %dma_wait3A_308 = arith.constant 1664 : i32
        %dma_wait3A_309 = tpu.memref_slice %arg6[%rem3A_83, %dma_wait3A_308] : memref<3x2048xi32, #tpu.memory_space<vmem>> -> memref<1x128xi32, #tpu.memory_space<vmem>>
        %dma_wait3A_310 = tpu.memref_squeeze %dma_wait3A_309 : memref<1x128xi32, #tpu.memory_space<vmem>> -> memref<128xi32, #tpu.memory_space<vmem>>
        %dma_wait3A_311 = arith.constant 0 : i32
        %dma_wait3A_312 = arith.constant 0 : i32
        %dma_wait3A_313 = tpu.memref_slice %arg2[%dma_wait3A_311, %dma_wait3A_312] : memref<2097152x16xf32, #tpu.memory_space<hbm>> -> memref<2097152x16xf32, #tpu.memory_space<hbm>>
        tpu.wait_indirect_dma semaphore(%arg11 : memref<!tpu.dma_semaphore, #tpu.memory_space<semaphore_mem>>) src(%dma_wait3A_313 : memref<2097152x16xf32, #tpu.memory_space<hbm>>) dst(%dma_wait3A_307 : memref<128x16xf32, #tpu.memory_space<vmem>>)
        %mul3A_314 = arith.constant 16 : i32
        %mul3A_315 = arith.muli %rem3A_83, %mul3A_314 : i32
        %add3A_316 = arith.constant 14 : i32
        %add3A_317 = arith.addi %mul3A_315, %add3A_316 : i32
        %mul3A_318 = arith.constant 128 : i32
        %mul3A_319 = arith.muli %add3A_317, %mul3A_318 : i32
        %dma_wait3A_320 = arith.constant 0 : i32
        %dma_wait3A_321 = tpu.memref_slice %arg8[%mul3A_319, %dma_wait3A_320] : memref<6144x16xf32, #tpu.memory_space<vmem>> -> memref<128x16xf32, #tpu.memory_space<vmem>>
        %dma_wait3A_322 = arith.constant 1792 : i32
        %dma_wait3A_323 = tpu.memref_slice %arg6[%rem3A_83, %dma_wait3A_322] : memref<3x2048xi32, #tpu.memory_space<vmem>> -> memref<1x128xi32, #tpu.memory_space<vmem>>
        %dma_wait3A_324 = tpu.memref_squeeze %dma_wait3A_323 : memref<1x128xi32, #tpu.memory_space<vmem>> -> memref<128xi32, #tpu.memory_space<vmem>>
        %dma_wait3A_325 = arith.constant 0 : i32
        %dma_wait3A_326 = arith.constant 0 : i32
        %dma_wait3A_327 = tpu.memref_slice %arg2[%dma_wait3A_325, %dma_wait3A_326] : memref<2097152x16xf32, #tpu.memory_space<hbm>> -> memref<2097152x16xf32, #tpu.memory_space<hbm>>
        tpu.wait_indirect_dma semaphore(%arg11 : memref<!tpu.dma_semaphore, #tpu.memory_space<semaphore_mem>>) src(%dma_wait3A_327 : memref<2097152x16xf32, #tpu.memory_space<hbm>>) dst(%dma_wait3A_321 : memref<128x16xf32, #tpu.memory_space<vmem>>)
        %mul3A_328 = arith.constant 16 : i32
        %mul3A_329 = arith.muli %rem3A_83, %mul3A_328 : i32
        %add3A_330 = arith.constant 15 : i32
        %add3A_331 = arith.addi %mul3A_329, %add3A_330 : i32
        %mul3A_332 = arith.constant 128 : i32
        %mul3A_333 = arith.muli %add3A_331, %mul3A_332 : i32
        %dma_wait3A_334 = arith.constant 0 : i32
        %dma_wait3A_335 = tpu.memref_slice %arg8[%mul3A_333, %dma_wait3A_334] : memref<6144x16xf32, #tpu.memory_space<vmem>> -> memref<128x16xf32, #tpu.memory_space<vmem>>
        %dma_wait3A_336 = arith.constant 1920 : i32
        %dma_wait3A_337 = tpu.memref_slice %arg6[%rem3A_83, %dma_wait3A_336] : memref<3x2048xi32, #tpu.memory_space<vmem>> -> memref<1x128xi32, #tpu.memory_space<vmem>>
        %dma_wait3A_338 = tpu.memref_squeeze %dma_wait3A_337 : memref<1x128xi32, #tpu.memory_space<vmem>> -> memref<128xi32, #tpu.memory_space<vmem>>
        %dma_wait3A_339 = arith.constant 0 : i32
        %dma_wait3A_340 = arith.constant 0 : i32
        %dma_wait3A_341 = tpu.memref_slice %arg2[%dma_wait3A_339, %dma_wait3A_340] : memref<2097152x16xf32, #tpu.memory_space<hbm>> -> memref<2097152x16xf32, #tpu.memory_space<hbm>>
        tpu.wait_indirect_dma semaphore(%arg11 : memref<!tpu.dma_semaphore, #tpu.memory_space<semaphore_mem>>) src(%dma_wait3A_341 : memref<2097152x16xf32, #tpu.memory_space<hbm>>) dst(%dma_wait3A_335 : memref<128x16xf32, #tpu.memory_space<vmem>>)
      } else {
      }
      %eq3A_93 = arith.constant 2 : i32
      %eq3A_94 = arith.cmpi eq, %rem3A_83, %eq3A_93 : i32
      %convert_element_type3A_95 = arith.extui %eq3A_94 : i1 to i32
      %cond3A_96 = arith.constant 0 : i32
      %cond3A_97 = arith.cmpi ne, %convert_element_type3A_95, %cond3A_96 : i32
      scf.if %cond3A_97 {
        %mul3A_118 = arith.constant 16 : i32
        %mul3A_119 = arith.muli %rem3A_83, %mul3A_118 : i32
        %add3A_120 = arith.constant 0 : i32
        %add3A_121 = arith.addi %mul3A_119, %add3A_120 : i32
        %mul3A_122 = arith.constant 128 : i32
        %mul3A_123 = arith.muli %add3A_121, %mul3A_122 : i32
        %dma_wait3A_124 = arith.constant 0 : i32
        %dma_wait3A_125 = tpu.memref_slice %arg8[%mul3A_123, %dma_wait3A_124] : memref<6144x16xf32, #tpu.memory_space<vmem>> -> memref<128x16xf32, #tpu.memory_space<vmem>>
        %dma_wait3A_126 = arith.constant 0 : i32
        %dma_wait3A_127 = tpu.memref_slice %arg6[%rem3A_83, %dma_wait3A_126] : memref<3x2048xi32, #tpu.memory_space<vmem>> -> memref<1x128xi32, #tpu.memory_space<vmem>>
        %dma_wait3A_128 = tpu.memref_squeeze %dma_wait3A_127 : memref<1x128xi32, #tpu.memory_space<vmem>> -> memref<128xi32, #tpu.memory_space<vmem>>
        %dma_wait3A_129 = arith.constant 0 : i32
        %dma_wait3A_130 = arith.constant 0 : i32
        %dma_wait3A_131 = tpu.memref_slice %arg2[%dma_wait3A_129, %dma_wait3A_130] : memref<2097152x16xf32, #tpu.memory_space<hbm>> -> memref<2097152x16xf32, #tpu.memory_space<hbm>>
        tpu.wait_indirect_dma semaphore(%arg12 : memref<!tpu.dma_semaphore, #tpu.memory_space<semaphore_mem>>) src(%dma_wait3A_131 : memref<2097152x16xf32, #tpu.memory_space<hbm>>) dst(%dma_wait3A_125 : memref<128x16xf32, #tpu.memory_space<vmem>>)
        %mul3A_132 = arith.constant 16 : i32
        %mul3A_133 = arith.muli %rem3A_83, %mul3A_132 : i32
        %add3A_134 = arith.constant 1 : i32
        %add3A_135 = arith.addi %mul3A_133, %add3A_134 : i32
        %mul3A_136 = arith.constant 128 : i32
        %mul3A_137 = arith.muli %add3A_135, %mul3A_136 : i32
        %dma_wait3A_138 = arith.constant 0 : i32
        %dma_wait3A_139 = tpu.memref_slice %arg8[%mul3A_137, %dma_wait3A_138] : memref<6144x16xf32, #tpu.memory_space<vmem>> -> memref<128x16xf32, #tpu.memory_space<vmem>>
        %dma_wait3A_140 = arith.constant 128 : i32
        %dma_wait3A_141 = tpu.memref_slice %arg6[%rem3A_83, %dma_wait3A_140] : memref<3x2048xi32, #tpu.memory_space<vmem>> -> memref<1x128xi32, #tpu.memory_space<vmem>>
        %dma_wait3A_142 = tpu.memref_squeeze %dma_wait3A_141 : memref<1x128xi32, #tpu.memory_space<vmem>> -> memref<128xi32, #tpu.memory_space<vmem>>
        %dma_wait3A_143 = arith.constant 0 : i32
        %dma_wait3A_144 = arith.constant 0 : i32
        %dma_wait3A_145 = tpu.memref_slice %arg2[%dma_wait3A_143, %dma_wait3A_144] : memref<2097152x16xf32, #tpu.memory_space<hbm>> -> memref<2097152x16xf32, #tpu.memory_space<hbm>>
        tpu.wait_indirect_dma semaphore(%arg12 : memref<!tpu.dma_semaphore, #tpu.memory_space<semaphore_mem>>) src(%dma_wait3A_145 : memref<2097152x16xf32, #tpu.memory_space<hbm>>) dst(%dma_wait3A_139 : memref<128x16xf32, #tpu.memory_space<vmem>>)
        %mul3A_146 = arith.constant 16 : i32
        %mul3A_147 = arith.muli %rem3A_83, %mul3A_146 : i32
        %add3A_148 = arith.constant 2 : i32
        %add3A_149 = arith.addi %mul3A_147, %add3A_148 : i32
        %mul3A_150 = arith.constant 128 : i32
        %mul3A_151 = arith.muli %add3A_149, %mul3A_150 : i32
        %dma_wait3A_152 = arith.constant 0 : i32
        %dma_wait3A_153 = tpu.memref_slice %arg8[%mul3A_151, %dma_wait3A_152] : memref<6144x16xf32, #tpu.memory_space<vmem>> -> memref<128x16xf32, #tpu.memory_space<vmem>>
        %dma_wait3A_154 = arith.constant 256 : i32
        %dma_wait3A_155 = tpu.memref_slice %arg6[%rem3A_83, %dma_wait3A_154] : memref<3x2048xi32, #tpu.memory_space<vmem>> -> memref<1x128xi32, #tpu.memory_space<vmem>>
        %dma_wait3A_156 = tpu.memref_squeeze %dma_wait3A_155 : memref<1x128xi32, #tpu.memory_space<vmem>> -> memref<128xi32, #tpu.memory_space<vmem>>
        %dma_wait3A_157 = arith.constant 0 : i32
        %dma_wait3A_158 = arith.constant 0 : i32
        %dma_wait3A_159 = tpu.memref_slice %arg2[%dma_wait3A_157, %dma_wait3A_158] : memref<2097152x16xf32, #tpu.memory_space<hbm>> -> memref<2097152x16xf32, #tpu.memory_space<hbm>>
        tpu.wait_indirect_dma semaphore(%arg12 : memref<!tpu.dma_semaphore, #tpu.memory_space<semaphore_mem>>) src(%dma_wait3A_159 : memref<2097152x16xf32, #tpu.memory_space<hbm>>) dst(%dma_wait3A_153 : memref<128x16xf32, #tpu.memory_space<vmem>>)
        %mul3A_160 = arith.constant 16 : i32
        %mul3A_161 = arith.muli %rem3A_83, %mul3A_160 : i32
        %add3A_162 = arith.constant 3 : i32
        %add3A_163 = arith.addi %mul3A_161, %add3A_162 : i32
        %mul3A_164 = arith.constant 128 : i32
        %mul3A_165 = arith.muli %add3A_163, %mul3A_164 : i32
        %dma_wait3A_166 = arith.constant 0 : i32
        %dma_wait3A_167 = tpu.memref_slice %arg8[%mul3A_165, %dma_wait3A_166] : memref<6144x16xf32, #tpu.memory_space<vmem>> -> memref<128x16xf32, #tpu.memory_space<vmem>>
        %dma_wait3A_168 = arith.constant 384 : i32
        %dma_wait3A_169 = tpu.memref_slice %arg6[%rem3A_83, %dma_wait3A_168] : memref<3x2048xi32, #tpu.memory_space<vmem>> -> memref<1x128xi32, #tpu.memory_space<vmem>>
        %dma_wait3A_170 = tpu.memref_squeeze %dma_wait3A_169 : memref<1x128xi32, #tpu.memory_space<vmem>> -> memref<128xi32, #tpu.memory_space<vmem>>
        %dma_wait3A_171 = arith.constant 0 : i32
        %dma_wait3A_172 = arith.constant 0 : i32
        %dma_wait3A_173 = tpu.memref_slice %arg2[%dma_wait3A_171, %dma_wait3A_172] : memref<2097152x16xf32, #tpu.memory_space<hbm>> -> memref<2097152x16xf32, #tpu.memory_space<hbm>>
        tpu.wait_indirect_dma semaphore(%arg12 : memref<!tpu.dma_semaphore, #tpu.memory_space<semaphore_mem>>) src(%dma_wait3A_173 : memref<2097152x16xf32, #tpu.memory_space<hbm>>) dst(%dma_wait3A_167 : memref<128x16xf32, #tpu.memory_space<vmem>>)
        %mul3A_174 = arith.constant 16 : i32
        %mul3A_175 = arith.muli %rem3A_83, %mul3A_174 : i32
        %add3A_176 = arith.constant 4 : i32
        %add3A_177 = arith.addi %mul3A_175, %add3A_176 : i32
        %mul3A_178 = arith.constant 128 : i32
        %mul3A_179 = arith.muli %add3A_177, %mul3A_178 : i32
        %dma_wait3A_180 = arith.constant 0 : i32
        %dma_wait3A_181 = tpu.memref_slice %arg8[%mul3A_179, %dma_wait3A_180] : memref<6144x16xf32, #tpu.memory_space<vmem>> -> memref<128x16xf32, #tpu.memory_space<vmem>>
        %dma_wait3A_182 = arith.constant 512 : i32
        %dma_wait3A_183 = tpu.memref_slice %arg6[%rem3A_83, %dma_wait3A_182] : memref<3x2048xi32, #tpu.memory_space<vmem>> -> memref<1x128xi32, #tpu.memory_space<vmem>>
        %dma_wait3A_184 = tpu.memref_squeeze %dma_wait3A_183 : memref<1x128xi32, #tpu.memory_space<vmem>> -> memref<128xi32, #tpu.memory_space<vmem>>
        %dma_wait3A_185 = arith.constant 0 : i32
        %dma_wait3A_186 = arith.constant 0 : i32
        %dma_wait3A_187 = tpu.memref_slice %arg2[%dma_wait3A_185, %dma_wait3A_186] : memref<2097152x16xf32, #tpu.memory_space<hbm>> -> memref<2097152x16xf32, #tpu.memory_space<hbm>>
        tpu.wait_indirect_dma semaphore(%arg12 : memref<!tpu.dma_semaphore, #tpu.memory_space<semaphore_mem>>) src(%dma_wait3A_187 : memref<2097152x16xf32, #tpu.memory_space<hbm>>) dst(%dma_wait3A_181 : memref<128x16xf32, #tpu.memory_space<vmem>>)
        %mul3A_188 = arith.constant 16 : i32
        %mul3A_189 = arith.muli %rem3A_83, %mul3A_188 : i32
        %add3A_190 = arith.constant 5 : i32
        %add3A_191 = arith.addi %mul3A_189, %add3A_190 : i32
        %mul3A_192 = arith.constant 128 : i32
        %mul3A_193 = arith.muli %add3A_191, %mul3A_192 : i32
        %dma_wait3A_194 = arith.constant 0 : i32
        %dma_wait3A_195 = tpu.memref_slice %arg8[%mul3A_193, %dma_wait3A_194] : memref<6144x16xf32, #tpu.memory_space<vmem>> -> memref<128x16xf32, #tpu.memory_space<vmem>>
        %dma_wait3A_196 = arith.constant 640 : i32
        %dma_wait3A_197 = tpu.memref_slice %arg6[%rem3A_83, %dma_wait3A_196] : memref<3x2048xi32, #tpu.memory_space<vmem>> -> memref<1x128xi32, #tpu.memory_space<vmem>>
        %dma_wait3A_198 = tpu.memref_squeeze %dma_wait3A_197 : memref<1x128xi32, #tpu.memory_space<vmem>> -> memref<128xi32, #tpu.memory_space<vmem>>
        %dma_wait3A_199 = arith.constant 0 : i32
        %dma_wait3A_200 = arith.constant 0 : i32
        %dma_wait3A_201 = tpu.memref_slice %arg2[%dma_wait3A_199, %dma_wait3A_200] : memref<2097152x16xf32, #tpu.memory_space<hbm>> -> memref<2097152x16xf32, #tpu.memory_space<hbm>>
        tpu.wait_indirect_dma semaphore(%arg12 : memref<!tpu.dma_semaphore, #tpu.memory_space<semaphore_mem>>) src(%dma_wait3A_201 : memref<2097152x16xf32, #tpu.memory_space<hbm>>) dst(%dma_wait3A_195 : memref<128x16xf32, #tpu.memory_space<vmem>>)
        %mul3A_202 = arith.constant 16 : i32
        %mul3A_203 = arith.muli %rem3A_83, %mul3A_202 : i32
        %add3A_204 = arith.constant 6 : i32
        %add3A_205 = arith.addi %mul3A_203, %add3A_204 : i32
        %mul3A_206 = arith.constant 128 : i32
        %mul3A_207 = arith.muli %add3A_205, %mul3A_206 : i32
        %dma_wait3A_208 = arith.constant 0 : i32
        %dma_wait3A_209 = tpu.memref_slice %arg8[%mul3A_207, %dma_wait3A_208] : memref<6144x16xf32, #tpu.memory_space<vmem>> -> memref<128x16xf32, #tpu.memory_space<vmem>>
        %dma_wait3A_210 = arith.constant 768 : i32
        %dma_wait3A_211 = tpu.memref_slice %arg6[%rem3A_83, %dma_wait3A_210] : memref<3x2048xi32, #tpu.memory_space<vmem>> -> memref<1x128xi32, #tpu.memory_space<vmem>>
        %dma_wait3A_212 = tpu.memref_squeeze %dma_wait3A_211 : memref<1x128xi32, #tpu.memory_space<vmem>> -> memref<128xi32, #tpu.memory_space<vmem>>
        %dma_wait3A_213 = arith.constant 0 : i32
        %dma_wait3A_214 = arith.constant 0 : i32
        %dma_wait3A_215 = tpu.memref_slice %arg2[%dma_wait3A_213, %dma_wait3A_214] : memref<2097152x16xf32, #tpu.memory_space<hbm>> -> memref<2097152x16xf32, #tpu.memory_space<hbm>>
        tpu.wait_indirect_dma semaphore(%arg12 : memref<!tpu.dma_semaphore, #tpu.memory_space<semaphore_mem>>) src(%dma_wait3A_215 : memref<2097152x16xf32, #tpu.memory_space<hbm>>) dst(%dma_wait3A_209 : memref<128x16xf32, #tpu.memory_space<vmem>>)
        %mul3A_216 = arith.constant 16 : i32
        %mul3A_217 = arith.muli %rem3A_83, %mul3A_216 : i32
        %add3A_218 = arith.constant 7 : i32
        %add3A_219 = arith.addi %mul3A_217, %add3A_218 : i32
        %mul3A_220 = arith.constant 128 : i32
        %mul3A_221 = arith.muli %add3A_219, %mul3A_220 : i32
        %dma_wait3A_222 = arith.constant 0 : i32
        %dma_wait3A_223 = tpu.memref_slice %arg8[%mul3A_221, %dma_wait3A_222] : memref<6144x16xf32, #tpu.memory_space<vmem>> -> memref<128x16xf32, #tpu.memory_space<vmem>>
        %dma_wait3A_224 = arith.constant 896 : i32
        %dma_wait3A_225 = tpu.memref_slice %arg6[%rem3A_83, %dma_wait3A_224] : memref<3x2048xi32, #tpu.memory_space<vmem>> -> memref<1x128xi32, #tpu.memory_space<vmem>>
        %dma_wait3A_226 = tpu.memref_squeeze %dma_wait3A_225 : memref<1x128xi32, #tpu.memory_space<vmem>> -> memref<128xi32, #tpu.memory_space<vmem>>
        %dma_wait3A_227 = arith.constant 0 : i32
        %dma_wait3A_228 = arith.constant 0 : i32
        %dma_wait3A_229 = tpu.memref_slice %arg2[%dma_wait3A_227, %dma_wait3A_228] : memref<2097152x16xf32, #tpu.memory_space<hbm>> -> memref<2097152x16xf32, #tpu.memory_space<hbm>>
        tpu.wait_indirect_dma semaphore(%arg12 : memref<!tpu.dma_semaphore, #tpu.memory_space<semaphore_mem>>) src(%dma_wait3A_229 : memref<2097152x16xf32, #tpu.memory_space<hbm>>) dst(%dma_wait3A_223 : memref<128x16xf32, #tpu.memory_space<vmem>>)
        %mul3A_230 = arith.constant 16 : i32
        %mul3A_231 = arith.muli %rem3A_83, %mul3A_230 : i32
        %add3A_232 = arith.constant 8 : i32
        %add3A_233 = arith.addi %mul3A_231, %add3A_232 : i32
        %mul3A_234 = arith.constant 128 : i32
        %mul3A_235 = arith.muli %add3A_233, %mul3A_234 : i32
        %dma_wait3A_236 = arith.constant 0 : i32
        %dma_wait3A_237 = tpu.memref_slice %arg8[%mul3A_235, %dma_wait3A_236] : memref<6144x16xf32, #tpu.memory_space<vmem>> -> memref<128x16xf32, #tpu.memory_space<vmem>>
        %dma_wait3A_238 = arith.constant 1024 : i32
        %dma_wait3A_239 = tpu.memref_slice %arg6[%rem3A_83, %dma_wait3A_238] : memref<3x2048xi32, #tpu.memory_space<vmem>> -> memref<1x128xi32, #tpu.memory_space<vmem>>
        %dma_wait3A_240 = tpu.memref_squeeze %dma_wait3A_239 : memref<1x128xi32, #tpu.memory_space<vmem>> -> memref<128xi32, #tpu.memory_space<vmem>>
        %dma_wait3A_241 = arith.constant 0 : i32
        %dma_wait3A_242 = arith.constant 0 : i32
        %dma_wait3A_243 = tpu.memref_slice %arg2[%dma_wait3A_241, %dma_wait3A_242] : memref<2097152x16xf32, #tpu.memory_space<hbm>> -> memref<2097152x16xf32, #tpu.memory_space<hbm>>
        tpu.wait_indirect_dma semaphore(%arg12 : memref<!tpu.dma_semaphore, #tpu.memory_space<semaphore_mem>>) src(%dma_wait3A_243 : memref<2097152x16xf32, #tpu.memory_space<hbm>>) dst(%dma_wait3A_237 : memref<128x16xf32, #tpu.memory_space<vmem>>)
        %mul3A_244 = arith.constant 16 : i32
        %mul3A_245 = arith.muli %rem3A_83, %mul3A_244 : i32
        %add3A_246 = arith.constant 9 : i32
        %add3A_247 = arith.addi %mul3A_245, %add3A_246 : i32
        %mul3A_248 = arith.constant 128 : i32
        %mul3A_249 = arith.muli %add3A_247, %mul3A_248 : i32
        %dma_wait3A_250 = arith.constant 0 : i32
        %dma_wait3A_251 = tpu.memref_slice %arg8[%mul3A_249, %dma_wait3A_250] : memref<6144x16xf32, #tpu.memory_space<vmem>> -> memref<128x16xf32, #tpu.memory_space<vmem>>
        %dma_wait3A_252 = arith.constant 1152 : i32
        %dma_wait3A_253 = tpu.memref_slice %arg6[%rem3A_83, %dma_wait3A_252] : memref<3x2048xi32, #tpu.memory_space<vmem>> -> memref<1x128xi32, #tpu.memory_space<vmem>>
        %dma_wait3A_254 = tpu.memref_squeeze %dma_wait3A_253 : memref<1x128xi32, #tpu.memory_space<vmem>> -> memref<128xi32, #tpu.memory_space<vmem>>
        %dma_wait3A_255 = arith.constant 0 : i32
        %dma_wait3A_256 = arith.constant 0 : i32
        %dma_wait3A_257 = tpu.memref_slice %arg2[%dma_wait3A_255, %dma_wait3A_256] : memref<2097152x16xf32, #tpu.memory_space<hbm>> -> memref<2097152x16xf32, #tpu.memory_space<hbm>>
        tpu.wait_indirect_dma semaphore(%arg12 : memref<!tpu.dma_semaphore, #tpu.memory_space<semaphore_mem>>) src(%dma_wait3A_257 : memref<2097152x16xf32, #tpu.memory_space<hbm>>) dst(%dma_wait3A_251 : memref<128x16xf32, #tpu.memory_space<vmem>>)
        %mul3A_258 = arith.constant 16 : i32
        %mul3A_259 = arith.muli %rem3A_83, %mul3A_258 : i32
        %add3A_260 = arith.constant 10 : i32
        %add3A_261 = arith.addi %mul3A_259, %add3A_260 : i32
        %mul3A_262 = arith.constant 128 : i32
        %mul3A_263 = arith.muli %add3A_261, %mul3A_262 : i32
        %dma_wait3A_264 = arith.constant 0 : i32
        %dma_wait3A_265 = tpu.memref_slice %arg8[%mul3A_263, %dma_wait3A_264] : memref<6144x16xf32, #tpu.memory_space<vmem>> -> memref<128x16xf32, #tpu.memory_space<vmem>>
        %dma_wait3A_266 = arith.constant 1280 : i32
        %dma_wait3A_267 = tpu.memref_slice %arg6[%rem3A_83, %dma_wait3A_266] : memref<3x2048xi32, #tpu.memory_space<vmem>> -> memref<1x128xi32, #tpu.memory_space<vmem>>
        %dma_wait3A_268 = tpu.memref_squeeze %dma_wait3A_267 : memref<1x128xi32, #tpu.memory_space<vmem>> -> memref<128xi32, #tpu.memory_space<vmem>>
        %dma_wait3A_269 = arith.constant 0 : i32
        %dma_wait3A_270 = arith.constant 0 : i32
        %dma_wait3A_271 = tpu.memref_slice %arg2[%dma_wait3A_269, %dma_wait3A_270] : memref<2097152x16xf32, #tpu.memory_space<hbm>> -> memref<2097152x16xf32, #tpu.memory_space<hbm>>
        tpu.wait_indirect_dma semaphore(%arg12 : memref<!tpu.dma_semaphore, #tpu.memory_space<semaphore_mem>>) src(%dma_wait3A_271 : memref<2097152x16xf32, #tpu.memory_space<hbm>>) dst(%dma_wait3A_265 : memref<128x16xf32, #tpu.memory_space<vmem>>)
        %mul3A_272 = arith.constant 16 : i32
        %mul3A_273 = arith.muli %rem3A_83, %mul3A_272 : i32
        %add3A_274 = arith.constant 11 : i32
        %add3A_275 = arith.addi %mul3A_273, %add3A_274 : i32
        %mul3A_276 = arith.constant 128 : i32
        %mul3A_277 = arith.muli %add3A_275, %mul3A_276 : i32
        %dma_wait3A_278 = arith.constant 0 : i32
        %dma_wait3A_279 = tpu.memref_slice %arg8[%mul3A_277, %dma_wait3A_278] : memref<6144x16xf32, #tpu.memory_space<vmem>> -> memref<128x16xf32, #tpu.memory_space<vmem>>
        %dma_wait3A_280 = arith.constant 1408 : i32
        %dma_wait3A_281 = tpu.memref_slice %arg6[%rem3A_83, %dma_wait3A_280] : memref<3x2048xi32, #tpu.memory_space<vmem>> -> memref<1x128xi32, #tpu.memory_space<vmem>>
        %dma_wait3A_282 = tpu.memref_squeeze %dma_wait3A_281 : memref<1x128xi32, #tpu.memory_space<vmem>> -> memref<128xi32, #tpu.memory_space<vmem>>
        %dma_wait3A_283 = arith.constant 0 : i32
        %dma_wait3A_284 = arith.constant 0 : i32
        %dma_wait3A_285 = tpu.memref_slice %arg2[%dma_wait3A_283, %dma_wait3A_284] : memref<2097152x16xf32, #tpu.memory_space<hbm>> -> memref<2097152x16xf32, #tpu.memory_space<hbm>>
        tpu.wait_indirect_dma semaphore(%arg12 : memref<!tpu.dma_semaphore, #tpu.memory_space<semaphore_mem>>) src(%dma_wait3A_285 : memref<2097152x16xf32, #tpu.memory_space<hbm>>) dst(%dma_wait3A_279 : memref<128x16xf32, #tpu.memory_space<vmem>>)
        %mul3A_286 = arith.constant 16 : i32
        %mul3A_287 = arith.muli %rem3A_83, %mul3A_286 : i32
        %add3A_288 = arith.constant 12 : i32
        %add3A_289 = arith.addi %mul3A_287, %add3A_288 : i32
        %mul3A_290 = arith.constant 128 : i32
        %mul3A_291 = arith.muli %add3A_289, %mul3A_290 : i32
        %dma_wait3A_292 = arith.constant 0 : i32
        %dma_wait3A_293 = tpu.memref_slice %arg8[%mul3A_291, %dma_wait3A_292] : memref<6144x16xf32, #tpu.memory_space<vmem>> -> memref<128x16xf32, #tpu.memory_space<vmem>>
        %dma_wait3A_294 = arith.constant 1536 : i32
        %dma_wait3A_295 = tpu.memref_slice %arg6[%rem3A_83, %dma_wait3A_294] : memref<3x2048xi32, #tpu.memory_space<vmem>> -> memref<1x128xi32, #tpu.memory_space<vmem>>
        %dma_wait3A_296 = tpu.memref_squeeze %dma_wait3A_295 : memref<1x128xi32, #tpu.memory_space<vmem>> -> memref<128xi32, #tpu.memory_space<vmem>>
        %dma_wait3A_297 = arith.constant 0 : i32
        %dma_wait3A_298 = arith.constant 0 : i32
        %dma_wait3A_299 = tpu.memref_slice %arg2[%dma_wait3A_297, %dma_wait3A_298] : memref<2097152x16xf32, #tpu.memory_space<hbm>> -> memref<2097152x16xf32, #tpu.memory_space<hbm>>
        tpu.wait_indirect_dma semaphore(%arg12 : memref<!tpu.dma_semaphore, #tpu.memory_space<semaphore_mem>>) src(%dma_wait3A_299 : memref<2097152x16xf32, #tpu.memory_space<hbm>>) dst(%dma_wait3A_293 : memref<128x16xf32, #tpu.memory_space<vmem>>)
        %mul3A_300 = arith.constant 16 : i32
        %mul3A_301 = arith.muli %rem3A_83, %mul3A_300 : i32
        %add3A_302 = arith.constant 13 : i32
        %add3A_303 = arith.addi %mul3A_301, %add3A_302 : i32
        %mul3A_304 = arith.constant 128 : i32
        %mul3A_305 = arith.muli %add3A_303, %mul3A_304 : i32
        %dma_wait3A_306 = arith.constant 0 : i32
        %dma_wait3A_307 = tpu.memref_slice %arg8[%mul3A_305, %dma_wait3A_306] : memref<6144x16xf32, #tpu.memory_space<vmem>> -> memref<128x16xf32, #tpu.memory_space<vmem>>
        %dma_wait3A_308 = arith.constant 1664 : i32
        %dma_wait3A_309 = tpu.memref_slice %arg6[%rem3A_83, %dma_wait3A_308] : memref<3x2048xi32, #tpu.memory_space<vmem>> -> memref<1x128xi32, #tpu.memory_space<vmem>>
        %dma_wait3A_310 = tpu.memref_squeeze %dma_wait3A_309 : memref<1x128xi32, #tpu.memory_space<vmem>> -> memref<128xi32, #tpu.memory_space<vmem>>
        %dma_wait3A_311 = arith.constant 0 : i32
        %dma_wait3A_312 = arith.constant 0 : i32
        %dma_wait3A_313 = tpu.memref_slice %arg2[%dma_wait3A_311, %dma_wait3A_312] : memref<2097152x16xf32, #tpu.memory_space<hbm>> -> memref<2097152x16xf32, #tpu.memory_space<hbm>>
        tpu.wait_indirect_dma semaphore(%arg12 : memref<!tpu.dma_semaphore, #tpu.memory_space<semaphore_mem>>) src(%dma_wait3A_313 : memref<2097152x16xf32, #tpu.memory_space<hbm>>) dst(%dma_wait3A_307 : memref<128x16xf32, #tpu.memory_space<vmem>>)
        %mul3A_314 = arith.constant 16 : i32
        %mul3A_315 = arith.muli %rem3A_83, %mul3A_314 : i32
        %add3A_316 = arith.constant 14 : i32
        %add3A_317 = arith.addi %mul3A_315, %add3A_316 : i32
        %mul3A_318 = arith.constant 128 : i32
        %mul3A_319 = arith.muli %add3A_317, %mul3A_318 : i32
        %dma_wait3A_320 = arith.constant 0 : i32
        %dma_wait3A_321 = tpu.memref_slice %arg8[%mul3A_319, %dma_wait3A_320] : memref<6144x16xf32, #tpu.memory_space<vmem>> -> memref<128x16xf32, #tpu.memory_space<vmem>>
        %dma_wait3A_322 = arith.constant 1792 : i32
        %dma_wait3A_323 = tpu.memref_slice %arg6[%rem3A_83, %dma_wait3A_322] : memref<3x2048xi32, #tpu.memory_space<vmem>> -> memref<1x128xi32, #tpu.memory_space<vmem>>
        %dma_wait3A_324 = tpu.memref_squeeze %dma_wait3A_323 : memref<1x128xi32, #tpu.memory_space<vmem>> -> memref<128xi32, #tpu.memory_space<vmem>>
        %dma_wait3A_325 = arith.constant 0 : i32
        %dma_wait3A_326 = arith.constant 0 : i32
        %dma_wait3A_327 = tpu.memref_slice %arg2[%dma_wait3A_325, %dma_wait3A_326] : memref<2097152x16xf32, #tpu.memory_space<hbm>> -> memref<2097152x16xf32, #tpu.memory_space<hbm>>
        tpu.wait_indirect_dma semaphore(%arg12 : memref<!tpu.dma_semaphore, #tpu.memory_space<semaphore_mem>>) src(%dma_wait3A_327 : memref<2097152x16xf32, #tpu.memory_space<hbm>>) dst(%dma_wait3A_321 : memref<128x16xf32, #tpu.memory_space<vmem>>)
        %mul3A_328 = arith.constant 16 : i32
        %mul3A_329 = arith.muli %rem3A_83, %mul3A_328 : i32
        %add3A_330 = arith.constant 15 : i32
        %add3A_331 = arith.addi %mul3A_329, %add3A_330 : i32
        %mul3A_332 = arith.constant 128 : i32
        %mul3A_333 = arith.muli %add3A_331, %mul3A_332 : i32
        %dma_wait3A_334 = arith.constant 0 : i32
        %dma_wait3A_335 = tpu.memref_slice %arg8[%mul3A_333, %dma_wait3A_334] : memref<6144x16xf32, #tpu.memory_space<vmem>> -> memref<128x16xf32, #tpu.memory_space<vmem>>
        %dma_wait3A_336 = arith.constant 1920 : i32
        %dma_wait3A_337 = tpu.memref_slice %arg6[%rem3A_83, %dma_wait3A_336] : memref<3x2048xi32, #tpu.memory_space<vmem>> -> memref<1x128xi32, #tpu.memory_space<vmem>>
        %dma_wait3A_338 = tpu.memref_squeeze %dma_wait3A_337 : memref<1x128xi32, #tpu.memory_space<vmem>> -> memref<128xi32, #tpu.memory_space<vmem>>
        %dma_wait3A_339 = arith.constant 0 : i32
        %dma_wait3A_340 = arith.constant 0 : i32
        %dma_wait3A_341 = tpu.memref_slice %arg2[%dma_wait3A_339, %dma_wait3A_340] : memref<2097152x16xf32, #tpu.memory_space<hbm>> -> memref<2097152x16xf32, #tpu.memory_space<hbm>>
        tpu.wait_indirect_dma semaphore(%arg12 : memref<!tpu.dma_semaphore, #tpu.memory_space<semaphore_mem>>) src(%dma_wait3A_341 : memref<2097152x16xf32, #tpu.memory_space<hbm>>) dst(%dma_wait3A_335 : memref<128x16xf32, #tpu.memory_space<vmem>>)
      } else {
      }
      %scan3A_98 = arith.constant 0 : i32
      %scan3A_99 = arith.constant 0 : i32
      %scan3A_100 = arith.constant 16 : i32
      %scan3A_101 = arith.addi %scan3A_99, %scan3A_100 : i32
      %scan3A_102 = arith.constant 1 : i32
      scf.for %scan3A_118 = %scan3A_99 to %scan3A_101 step %scan3A_102  : i32 {
        %mul3A_119 = arith.constant 128 : i32
        %mul3A_120 = arith.muli %scan3A_118, %mul3A_119 : i32
        %add3A_121 = arith.constant 0 : i32
        %add3A_122 = arith.addi %mul3A_120, %add3A_121 : i32
        %get3A = arith.index_cast %rem3A_83 : i32 to index
        %get3A_123 = arith.index_cast %add3A_122 : i32 to index
        %get3A_124 = tpu.vector_load %arg7[%get3A, %get3A_123] {strides = array<i32>} : memref<3x2048xf32, #tpu.memory_space<vmem>>, vector<16xf32>,
        %add3A_125 = arith.constant 16 : i32
        %add3A_126 = arith.addi %mul3A_120, %add3A_125 : i32
        %get3A_127 = arith.index_cast %rem3A_83 : i32 to index
        %get3A_128 = arith.index_cast %add3A_126 : i32 to index
        %get3A_129 = tpu.vector_load %arg7[%get3A_127, %get3A_128] {strides = array<i32>} : memref<3x2048xf32, #tpu.memory_space<vmem>>, vector<16xf32>,
        %add3A_130 = arith.constant 32 : i32
        %add3A_131 = arith.addi %mul3A_120, %add3A_130 : i32
        %get3A_132 = arith.index_cast %rem3A_83 : i32 to index
        %get3A_133 = arith.index_cast %add3A_131 : i32 to index
        %get3A_134 = tpu.vector_load %arg7[%get3A_132, %get3A_133] {strides = array<i32>} : memref<3x2048xf32, #tpu.memory_space<vmem>>, vector<16xf32>,
        %add3A_135 = arith.constant 48 : i32
        %add3A_136 = arith.addi %mul3A_120, %add3A_135 : i32
        %get3A_137 = arith.index_cast %rem3A_83 : i32 to index
        %get3A_138 = arith.index_cast %add3A_136 : i32 to index
        %get3A_139 = tpu.vector_load %arg7[%get3A_137, %get3A_138] {strides = array<i32>} : memref<3x2048xf32, #tpu.memory_space<vmem>>, vector<16xf32>,
        %add3A_140 = arith.constant 64 : i32
        %add3A_141 = arith.addi %mul3A_120, %add3A_140 : i32
        %get3A_142 = arith.index_cast %rem3A_83 : i32 to index
        %get3A_143 = arith.index_cast %add3A_141 : i32 to index
        %get3A_144 = tpu.vector_load %arg7[%get3A_142, %get3A_143] {strides = array<i32>} : memref<3x2048xf32, #tpu.memory_space<vmem>>, vector<16xf32>,
        %add3A_145 = arith.constant 80 : i32
        %add3A_146 = arith.addi %mul3A_120, %add3A_145 : i32
        %get3A_147 = arith.index_cast %rem3A_83 : i32 to index
        %get3A_148 = arith.index_cast %add3A_146 : i32 to index
        %get3A_149 = tpu.vector_load %arg7[%get3A_147, %get3A_148] {strides = array<i32>} : memref<3x2048xf32, #tpu.memory_space<vmem>>, vector<16xf32>,
        %add3A_150 = arith.constant 96 : i32
        %add3A_151 = arith.addi %mul3A_120, %add3A_150 : i32
        %get3A_152 = arith.index_cast %rem3A_83 : i32 to index
        %get3A_153 = arith.index_cast %add3A_151 : i32 to index
        %get3A_154 = tpu.vector_load %arg7[%get3A_152, %get3A_153] {strides = array<i32>} : memref<3x2048xf32, #tpu.memory_space<vmem>>, vector<16xf32>,
        %add3A_155 = arith.constant 112 : i32
        %add3A_156 = arith.addi %mul3A_120, %add3A_155 : i32
        %get3A_157 = arith.index_cast %rem3A_83 : i32 to index
        %get3A_158 = arith.index_cast %add3A_156 : i32 to index
        %get3A_159 = tpu.vector_load %arg7[%get3A_157, %get3A_158] {strides = array<i32>} : memref<3x2048xf32, #tpu.memory_space<vmem>>, vector<16xf32>,
        %mul3A_160 = arith.constant 16 : i32
        %mul3A_161 = arith.muli %rem3A_83, %mul3A_160 : i32
        %add3A_162 = arith.addi %mul3A_161, %scan3A_118 : i32
        %mul3A_163 = arith.constant 128 : i32
        %mul3A_164 = arith.muli %add3A_162, %mul3A_163 : i32
        %add3A_165 = vector.broadcast %mul3A_164 : i32 to vector<16xi32>
        %add3A_166 = arith.addi %add3A_165, %iota3A : vector<16xi32>
        %add3A_167 = arith.constant 0 : i32
        %add3A_168 = vector.broadcast %add3A_167 : i32 to vector<16xi32>
        %add3A_169 = arith.addi %add3A_166, %add3A_168 : vector<16xi32>
        %broadcast_in_dim3A = arith.constant 0 : i32
        %broadcast_in_dim3A_170 = vector.broadcast %broadcast_in_dim3A : i32 to vector<16xi32>
        %gather3A = tpu.vector_load_idx %arg8[%add3A_169, %broadcast_in_dim3A_170] : memref<6144x16xf32, #tpu.memory_space<vmem>>[vector<16xi32>, vector<16xi32>], vector<16xf32>,
        %mul3A_171 = arith.mulf %get3A_124, %gather3A : vector<16xf32>
        %broadcast_in_dim3A_172 = arith.constant 1 : i32
        %broadcast_in_dim3A_173 = vector.broadcast %broadcast_in_dim3A_172 : i32 to vector<16xi32>
        %gather3A_174 = tpu.vector_load_idx %arg8[%add3A_169, %broadcast_in_dim3A_173] : memref<6144x16xf32, #tpu.memory_space<vmem>>[vector<16xi32>, vector<16xi32>], vector<16xf32>,
        %mul3A_175 = arith.mulf %get3A_124, %gather3A_174 : vector<16xf32>
        %broadcast_in_dim3A_176 = arith.constant 2 : i32
        %broadcast_in_dim3A_177 = vector.broadcast %broadcast_in_dim3A_176 : i32 to vector<16xi32>
        %gather3A_178 = tpu.vector_load_idx %arg8[%add3A_169, %broadcast_in_dim3A_177] : memref<6144x16xf32, #tpu.memory_space<vmem>>[vector<16xi32>, vector<16xi32>], vector<16xf32>,
        %mul3A_179 = arith.mulf %get3A_124, %gather3A_178 : vector<16xf32>
        %broadcast_in_dim3A_180 = arith.constant 3 : i32
        %broadcast_in_dim3A_181 = vector.broadcast %broadcast_in_dim3A_180 : i32 to vector<16xi32>
        %gather3A_182 = tpu.vector_load_idx %arg8[%add3A_169, %broadcast_in_dim3A_181] : memref<6144x16xf32, #tpu.memory_space<vmem>>[vector<16xi32>, vector<16xi32>], vector<16xf32>,
        %mul3A_183 = arith.mulf %get3A_124, %gather3A_182 : vector<16xf32>
        %broadcast_in_dim3A_184 = arith.constant 4 : i32
        %broadcast_in_dim3A_185 = vector.broadcast %broadcast_in_dim3A_184 : i32 to vector<16xi32>
        %gather3A_186 = tpu.vector_load_idx %arg8[%add3A_169, %broadcast_in_dim3A_185] : memref<6144x16xf32, #tpu.memory_space<vmem>>[vector<16xi32>, vector<16xi32>], vector<16xf32>,
        %mul3A_187 = arith.mulf %get3A_124, %gather3A_186 : vector<16xf32>
        %broadcast_in_dim3A_188 = arith.constant 5 : i32
        %broadcast_in_dim3A_189 = vector.broadcast %broadcast_in_dim3A_188 : i32 to vector<16xi32>
        %gather3A_190 = tpu.vector_load_idx %arg8[%add3A_169, %broadcast_in_dim3A_189] : memref<6144x16xf32, #tpu.memory_space<vmem>>[vector<16xi32>, vector<16xi32>], vector<16xf32>,
        %mul3A_191 = arith.mulf %get3A_124, %gather3A_190 : vector<16xf32>
        %broadcast_in_dim3A_192 = arith.constant 6 : i32
        %broadcast_in_dim3A_193 = vector.broadcast %broadcast_in_dim3A_192 : i32 to vector<16xi32>
        %gather3A_194 = tpu.vector_load_idx %arg8[%add3A_169, %broadcast_in_dim3A_193] : memref<6144x16xf32, #tpu.memory_space<vmem>>[vector<16xi32>, vector<16xi32>], vector<16xf32>,
        %mul3A_195 = arith.mulf %get3A_124, %gather3A_194 : vector<16xf32>
        %broadcast_in_dim3A_196 = arith.constant 7 : i32
        %broadcast_in_dim3A_197 = vector.broadcast %broadcast_in_dim3A_196 : i32 to vector<16xi32>
        %gather3A_198 = tpu.vector_load_idx %arg8[%add3A_169, %broadcast_in_dim3A_197] : memref<6144x16xf32, #tpu.memory_space<vmem>>[vector<16xi32>, vector<16xi32>], vector<16xf32>,
        %mul3A_199 = arith.mulf %get3A_124, %gather3A_198 : vector<16xf32>
        %broadcast_in_dim3A_200 = arith.constant 8 : i32
        %broadcast_in_dim3A_201 = vector.broadcast %broadcast_in_dim3A_200 : i32 to vector<16xi32>
        %gather3A_202 = tpu.vector_load_idx %arg8[%add3A_169, %broadcast_in_dim3A_201] : memref<6144x16xf32, #tpu.memory_space<vmem>>[vector<16xi32>, vector<16xi32>], vector<16xf32>,
        %mul3A_203 = arith.mulf %get3A_124, %gather3A_202 : vector<16xf32>
        %broadcast_in_dim3A_204 = arith.constant 9 : i32
        %broadcast_in_dim3A_205 = vector.broadcast %broadcast_in_dim3A_204 : i32 to vector<16xi32>
        %gather3A_206 = tpu.vector_load_idx %arg8[%add3A_169, %broadcast_in_dim3A_205] : memref<6144x16xf32, #tpu.memory_space<vmem>>[vector<16xi32>, vector<16xi32>], vector<16xf32>,
        %mul3A_207 = arith.mulf %get3A_124, %gather3A_206 : vector<16xf32>
        %broadcast_in_dim3A_208 = arith.constant 10 : i32
        %broadcast_in_dim3A_209 = vector.broadcast %broadcast_in_dim3A_208 : i32 to vector<16xi32>
        %gather3A_210 = tpu.vector_load_idx %arg8[%add3A_169, %broadcast_in_dim3A_209] : memref<6144x16xf32, #tpu.memory_space<vmem>>[vector<16xi32>, vector<16xi32>], vector<16xf32>,
        %mul3A_211 = arith.mulf %get3A_124, %gather3A_210 : vector<16xf32>
        %broadcast_in_dim3A_212 = arith.constant 11 : i32
        %broadcast_in_dim3A_213 = vector.broadcast %broadcast_in_dim3A_212 : i32 to vector<16xi32>
        %gather3A_214 = tpu.vector_load_idx %arg8[%add3A_169, %broadcast_in_dim3A_213] : memref<6144x16xf32, #tpu.memory_space<vmem>>[vector<16xi32>, vector<16xi32>], vector<16xf32>,
        %mul3A_215 = arith.mulf %get3A_124, %gather3A_214 : vector<16xf32>
        %broadcast_in_dim3A_216 = arith.constant 12 : i32
        %broadcast_in_dim3A_217 = vector.broadcast %broadcast_in_dim3A_216 : i32 to vector<16xi32>
        %gather3A_218 = tpu.vector_load_idx %arg8[%add3A_169, %broadcast_in_dim3A_217] : memref<6144x16xf32, #tpu.memory_space<vmem>>[vector<16xi32>, vector<16xi32>], vector<16xf32>,
        %mul3A_219 = arith.mulf %get3A_124, %gather3A_218 : vector<16xf32>
        %broadcast_in_dim3A_220 = arith.constant 13 : i32
        %broadcast_in_dim3A_221 = vector.broadcast %broadcast_in_dim3A_220 : i32 to vector<16xi32>
        %gather3A_222 = tpu.vector_load_idx %arg8[%add3A_169, %broadcast_in_dim3A_221] : memref<6144x16xf32, #tpu.memory_space<vmem>>[vector<16xi32>, vector<16xi32>], vector<16xf32>,
        %mul3A_223 = arith.mulf %get3A_124, %gather3A_222 : vector<16xf32>
        %broadcast_in_dim3A_224 = arith.constant 14 : i32
        %broadcast_in_dim3A_225 = vector.broadcast %broadcast_in_dim3A_224 : i32 to vector<16xi32>
        %gather3A_226 = tpu.vector_load_idx %arg8[%add3A_169, %broadcast_in_dim3A_225] : memref<6144x16xf32, #tpu.memory_space<vmem>>[vector<16xi32>, vector<16xi32>], vector<16xf32>,
        %mul3A_227 = arith.mulf %get3A_124, %gather3A_226 : vector<16xf32>
        %broadcast_in_dim3A_228 = arith.constant 15 : i32
        %broadcast_in_dim3A_229 = vector.broadcast %broadcast_in_dim3A_228 : i32 to vector<16xi32>
        %gather3A_230 = tpu.vector_load_idx %arg8[%add3A_169, %broadcast_in_dim3A_229] : memref<6144x16xf32, #tpu.memory_space<vmem>>[vector<16xi32>, vector<16xi32>], vector<16xf32>,
        %mul3A_231 = arith.mulf %get3A_124, %gather3A_230 : vector<16xf32>
        %add3A_232 = arith.constant 16 : i32
        %add3A_233 = vector.broadcast %add3A_232 : i32 to vector<16xi32>
        %add3A_234 = arith.addi %add3A_166, %add3A_233 : vector<16xi32>
        %broadcast_in_dim3A_235 = arith.constant 0 : i32
        %broadcast_in_dim3A_236 = vector.broadcast %broadcast_in_dim3A_235 : i32 to vector<16xi32>
        %gather3A_237 = tpu.vector_load_idx %arg8[%add3A_234, %broadcast_in_dim3A_236] : memref<6144x16xf32, #tpu.memory_space<vmem>>[vector<16xi32>, vector<16xi32>], vector<16xf32>,
        %mul3A_238 = arith.mulf %get3A_129, %gather3A_237 : vector<16xf32>
        %add3A_239 = arith.addf %mul3A_171, %mul3A_238 : vector<16xf32>
        %broadcast_in_dim3A_240 = arith.constant 1 : i32
        %broadcast_in_dim3A_241 = vector.broadcast %broadcast_in_dim3A_240 : i32 to vector<16xi32>
        %gather3A_242 = tpu.vector_load_idx %arg8[%add3A_234, %broadcast_in_dim3A_241] : memref<6144x16xf32, #tpu.memory_space<vmem>>[vector<16xi32>, vector<16xi32>], vector<16xf32>,
        %mul3A_243 = arith.mulf %get3A_129, %gather3A_242 : vector<16xf32>
        %add3A_244 = arith.addf %mul3A_175, %mul3A_243 : vector<16xf32>
        %broadcast_in_dim3A_245 = arith.constant 2 : i32
        %broadcast_in_dim3A_246 = vector.broadcast %broadcast_in_dim3A_245 : i32 to vector<16xi32>
        %gather3A_247 = tpu.vector_load_idx %arg8[%add3A_234, %broadcast_in_dim3A_246] : memref<6144x16xf32, #tpu.memory_space<vmem>>[vector<16xi32>, vector<16xi32>], vector<16xf32>,
        %mul3A_248 = arith.mulf %get3A_129, %gather3A_247 : vector<16xf32>
        %add3A_249 = arith.addf %mul3A_179, %mul3A_248 : vector<16xf32>
        %broadcast_in_dim3A_250 = arith.constant 3 : i32
        %broadcast_in_dim3A_251 = vector.broadcast %broadcast_in_dim3A_250 : i32 to vector<16xi32>
        %gather3A_252 = tpu.vector_load_idx %arg8[%add3A_234, %broadcast_in_dim3A_251] : memref<6144x16xf32, #tpu.memory_space<vmem>>[vector<16xi32>, vector<16xi32>], vector<16xf32>,
        %mul3A_253 = arith.mulf %get3A_129, %gather3A_252 : vector<16xf32>
        %add3A_254 = arith.addf %mul3A_183, %mul3A_253 : vector<16xf32>
        %broadcast_in_dim3A_255 = arith.constant 4 : i32
        %broadcast_in_dim3A_256 = vector.broadcast %broadcast_in_dim3A_255 : i32 to vector<16xi32>
        %gather3A_257 = tpu.vector_load_idx %arg8[%add3A_234, %broadcast_in_dim3A_256] : memref<6144x16xf32, #tpu.memory_space<vmem>>[vector<16xi32>, vector<16xi32>], vector<16xf32>,
        %mul3A_258 = arith.mulf %get3A_129, %gather3A_257 : vector<16xf32>
        %add3A_259 = arith.addf %mul3A_187, %mul3A_258 : vector<16xf32>
        %broadcast_in_dim3A_260 = arith.constant 5 : i32
        %broadcast_in_dim3A_261 = vector.broadcast %broadcast_in_dim3A_260 : i32 to vector<16xi32>
        %gather3A_262 = tpu.vector_load_idx %arg8[%add3A_234, %broadcast_in_dim3A_261] : memref<6144x16xf32, #tpu.memory_space<vmem>>[vector<16xi32>, vector<16xi32>], vector<16xf32>,
        %mul3A_263 = arith.mulf %get3A_129, %gather3A_262 : vector<16xf32>
        %add3A_264 = arith.addf %mul3A_191, %mul3A_263 : vector<16xf32>
        %broadcast_in_dim3A_265 = arith.constant 6 : i32
        %broadcast_in_dim3A_266 = vector.broadcast %broadcast_in_dim3A_265 : i32 to vector<16xi32>
        %gather3A_267 = tpu.vector_load_idx %arg8[%add3A_234, %broadcast_in_dim3A_266] : memref<6144x16xf32, #tpu.memory_space<vmem>>[vector<16xi32>, vector<16xi32>], vector<16xf32>,
        %mul3A_268 = arith.mulf %get3A_129, %gather3A_267 : vector<16xf32>
        %add3A_269 = arith.addf %mul3A_195, %mul3A_268 : vector<16xf32>
        %broadcast_in_dim3A_270 = arith.constant 7 : i32
        %broadcast_in_dim3A_271 = vector.broadcast %broadcast_in_dim3A_270 : i32 to vector<16xi32>
        %gather3A_272 = tpu.vector_load_idx %arg8[%add3A_234, %broadcast_in_dim3A_271] : memref<6144x16xf32, #tpu.memory_space<vmem>>[vector<16xi32>, vector<16xi32>], vector<16xf32>,
        %mul3A_273 = arith.mulf %get3A_129, %gather3A_272 : vector<16xf32>
        %add3A_274 = arith.addf %mul3A_199, %mul3A_273 : vector<16xf32>
        %broadcast_in_dim3A_275 = arith.constant 8 : i32
        %broadcast_in_dim3A_276 = vector.broadcast %broadcast_in_dim3A_275 : i32 to vector<16xi32>
        %gather3A_277 = tpu.vector_load_idx %arg8[%add3A_234, %broadcast_in_dim3A_276] : memref<6144x16xf32, #tpu.memory_space<vmem>>[vector<16xi32>, vector<16xi32>], vector<16xf32>,
        %mul3A_278 = arith.mulf %get3A_129, %gather3A_277 : vector<16xf32>
        %add3A_279 = arith.addf %mul3A_203, %mul3A_278 : vector<16xf32>
        %broadcast_in_dim3A_280 = arith.constant 9 : i32
        %broadcast_in_dim3A_281 = vector.broadcast %broadcast_in_dim3A_280 : i32 to vector<16xi32>
        %gather3A_282 = tpu.vector_load_idx %arg8[%add3A_234, %broadcast_in_dim3A_281] : memref<6144x16xf32, #tpu.memory_space<vmem>>[vector<16xi32>, vector<16xi32>], vector<16xf32>,
        %mul3A_283 = arith.mulf %get3A_129, %gather3A_282 : vector<16xf32>
        %add3A_284 = arith.addf %mul3A_207, %mul3A_283 : vector<16xf32>
        %broadcast_in_dim3A_285 = arith.constant 10 : i32
        %broadcast_in_dim3A_286 = vector.broadcast %broadcast_in_dim3A_285 : i32 to vector<16xi32>
        %gather3A_287 = tpu.vector_load_idx %arg8[%add3A_234, %broadcast_in_dim3A_286] : memref<6144x16xf32, #tpu.memory_space<vmem>>[vector<16xi32>, vector<16xi32>], vector<16xf32>,
        %mul3A_288 = arith.mulf %get3A_129, %gather3A_287 : vector<16xf32>
        %add3A_289 = arith.addf %mul3A_211, %mul3A_288 : vector<16xf32>
        %broadcast_in_dim3A_290 = arith.constant 11 : i32
        %broadcast_in_dim3A_291 = vector.broadcast %broadcast_in_dim3A_290 : i32 to vector<16xi32>
        %gather3A_292 = tpu.vector_load_idx %arg8[%add3A_234, %broadcast_in_dim3A_291] : memref<6144x16xf32, #tpu.memory_space<vmem>>[vector<16xi32>, vector<16xi32>], vector<16xf32>,
        %mul3A_293 = arith.mulf %get3A_129, %gather3A_292 : vector<16xf32>
        %add3A_294 = arith.addf %mul3A_215, %mul3A_293 : vector<16xf32>
        %broadcast_in_dim3A_295 = arith.constant 12 : i32
        %broadcast_in_dim3A_296 = vector.broadcast %broadcast_in_dim3A_295 : i32 to vector<16xi32>
        %gather3A_297 = tpu.vector_load_idx %arg8[%add3A_234, %broadcast_in_dim3A_296] : memref<6144x16xf32, #tpu.memory_space<vmem>>[vector<16xi32>, vector<16xi32>], vector<16xf32>,
        %mul3A_298 = arith.mulf %get3A_129, %gather3A_297 : vector<16xf32>
        %add3A_299 = arith.addf %mul3A_219, %mul3A_298 : vector<16xf32>
        %broadcast_in_dim3A_300 = arith.constant 13 : i32
        %broadcast_in_dim3A_301 = vector.broadcast %broadcast_in_dim3A_300 : i32 to vector<16xi32>
        %gather3A_302 = tpu.vector_load_idx %arg8[%add3A_234, %broadcast_in_dim3A_301] : memref<6144x16xf32, #tpu.memory_space<vmem>>[vector<16xi32>, vector<16xi32>], vector<16xf32>,
        %mul3A_303 = arith.mulf %get3A_129, %gather3A_302 : vector<16xf32>
        %add3A_304 = arith.addf %mul3A_223, %mul3A_303 : vector<16xf32>
        %broadcast_in_dim3A_305 = arith.constant 14 : i32
        %broadcast_in_dim3A_306 = vector.broadcast %broadcast_in_dim3A_305 : i32 to vector<16xi32>
        %gather3A_307 = tpu.vector_load_idx %arg8[%add3A_234, %broadcast_in_dim3A_306] : memref<6144x16xf32, #tpu.memory_space<vmem>>[vector<16xi32>, vector<16xi32>], vector<16xf32>,
        %mul3A_308 = arith.mulf %get3A_129, %gather3A_307 : vector<16xf32>
        %add3A_309 = arith.addf %mul3A_227, %mul3A_308 : vector<16xf32>
        %broadcast_in_dim3A_310 = arith.constant 15 : i32
        %broadcast_in_dim3A_311 = vector.broadcast %broadcast_in_dim3A_310 : i32 to vector<16xi32>
        %gather3A_312 = tpu.vector_load_idx %arg8[%add3A_234, %broadcast_in_dim3A_311] : memref<6144x16xf32, #tpu.memory_space<vmem>>[vector<16xi32>, vector<16xi32>], vector<16xf32>,
        %mul3A_313 = arith.mulf %get3A_129, %gather3A_312 : vector<16xf32>
        %add3A_314 = arith.addf %mul3A_231, %mul3A_313 : vector<16xf32>
        %add3A_315 = arith.constant 32 : i32
        %add3A_316 = vector.broadcast %add3A_315 : i32 to vector<16xi32>
        %add3A_317 = arith.addi %add3A_166, %add3A_316 : vector<16xi32>
        %broadcast_in_dim3A_318 = arith.constant 0 : i32
        %broadcast_in_dim3A_319 = vector.broadcast %broadcast_in_dim3A_318 : i32 to vector<16xi32>
        %gather3A_320 = tpu.vector_load_idx %arg8[%add3A_317, %broadcast_in_dim3A_319] : memref<6144x16xf32, #tpu.memory_space<vmem>>[vector<16xi32>, vector<16xi32>], vector<16xf32>,
        %mul3A_321 = arith.mulf %get3A_134, %gather3A_320 : vector<16xf32>
        %add3A_322 = arith.addf %add3A_239, %mul3A_321 : vector<16xf32>
        %broadcast_in_dim3A_323 = arith.constant 1 : i32
        %broadcast_in_dim3A_324 = vector.broadcast %broadcast_in_dim3A_323 : i32 to vector<16xi32>
        %gather3A_325 = tpu.vector_load_idx %arg8[%add3A_317, %broadcast_in_dim3A_324] : memref<6144x16xf32, #tpu.memory_space<vmem>>[vector<16xi32>, vector<16xi32>], vector<16xf32>,
        %mul3A_326 = arith.mulf %get3A_134, %gather3A_325 : vector<16xf32>
        %add3A_327 = arith.addf %add3A_244, %mul3A_326 : vector<16xf32>
        %broadcast_in_dim3A_328 = arith.constant 2 : i32
        %broadcast_in_dim3A_329 = vector.broadcast %broadcast_in_dim3A_328 : i32 to vector<16xi32>
        %gather3A_330 = tpu.vector_load_idx %arg8[%add3A_317, %broadcast_in_dim3A_329] : memref<6144x16xf32, #tpu.memory_space<vmem>>[vector<16xi32>, vector<16xi32>], vector<16xf32>,
        %mul3A_331 = arith.mulf %get3A_134, %gather3A_330 : vector<16xf32>
        %add3A_332 = arith.addf %add3A_249, %mul3A_331 : vector<16xf32>
        %broadcast_in_dim3A_333 = arith.constant 3 : i32
        %broadcast_in_dim3A_334 = vector.broadcast %broadcast_in_dim3A_333 : i32 to vector<16xi32>
        %gather3A_335 = tpu.vector_load_idx %arg8[%add3A_317, %broadcast_in_dim3A_334] : memref<6144x16xf32, #tpu.memory_space<vmem>>[vector<16xi32>, vector<16xi32>], vector<16xf32>,
        %mul3A_336 = arith.mulf %get3A_134, %gather3A_335 : vector<16xf32>
        %add3A_337 = arith.addf %add3A_254, %mul3A_336 : vector<16xf32>
        %broadcast_in_dim3A_338 = arith.constant 4 : i32
        %broadcast_in_dim3A_339 = vector.broadcast %broadcast_in_dim3A_338 : i32 to vector<16xi32>
        %gather3A_340 = tpu.vector_load_idx %arg8[%add3A_317, %broadcast_in_dim3A_339] : memref<6144x16xf32, #tpu.memory_space<vmem>>[vector<16xi32>, vector<16xi32>], vector<16xf32>,
        %mul3A_341 = arith.mulf %get3A_134, %gather3A_340 : vector<16xf32>
        %add3A_342 = arith.addf %add3A_259, %mul3A_341 : vector<16xf32>
        %broadcast_in_dim3A_343 = arith.constant 5 : i32
        %broadcast_in_dim3A_344 = vector.broadcast %broadcast_in_dim3A_343 : i32 to vector<16xi32>
        %gather3A_345 = tpu.vector_load_idx %arg8[%add3A_317, %broadcast_in_dim3A_344] : memref<6144x16xf32, #tpu.memory_space<vmem>>[vector<16xi32>, vector<16xi32>], vector<16xf32>,
        %mul3A_346 = arith.mulf %get3A_134, %gather3A_345 : vector<16xf32>
        %add3A_347 = arith.addf %add3A_264, %mul3A_346 : vector<16xf32>
        %broadcast_in_dim3A_348 = arith.constant 6 : i32
        %broadcast_in_dim3A_349 = vector.broadcast %broadcast_in_dim3A_348 : i32 to vector<16xi32>
        %gather3A_350 = tpu.vector_load_idx %arg8[%add3A_317, %broadcast_in_dim3A_349] : memref<6144x16xf32, #tpu.memory_space<vmem>>[vector<16xi32>, vector<16xi32>], vector<16xf32>,
        %mul3A_351 = arith.mulf %get3A_134, %gather3A_350 : vector<16xf32>
        %add3A_352 = arith.addf %add3A_269, %mul3A_351 : vector<16xf32>
        %broadcast_in_dim3A_353 = arith.constant 7 : i32
        %broadcast_in_dim3A_354 = vector.broadcast %broadcast_in_dim3A_353 : i32 to vector<16xi32>
        %gather3A_355 = tpu.vector_load_idx %arg8[%add3A_317, %broadcast_in_dim3A_354] : memref<6144x16xf32, #tpu.memory_space<vmem>>[vector<16xi32>, vector<16xi32>], vector<16xf32>,
        %mul3A_356 = arith.mulf %get3A_134, %gather3A_355 : vector<16xf32>
        %add3A_357 = arith.addf %add3A_274, %mul3A_356 : vector<16xf32>
        %broadcast_in_dim3A_358 = arith.constant 8 : i32
        %broadcast_in_dim3A_359 = vector.broadcast %broadcast_in_dim3A_358 : i32 to vector<16xi32>
        %gather3A_360 = tpu.vector_load_idx %arg8[%add3A_317, %broadcast_in_dim3A_359] : memref<6144x16xf32, #tpu.memory_space<vmem>>[vector<16xi32>, vector<16xi32>], vector<16xf32>,
        %mul3A_361 = arith.mulf %get3A_134, %gather3A_360 : vector<16xf32>
        %add3A_362 = arith.addf %add3A_279, %mul3A_361 : vector<16xf32>
        %broadcast_in_dim3A_363 = arith.constant 9 : i32
        %broadcast_in_dim3A_364 = vector.broadcast %broadcast_in_dim3A_363 : i32 to vector<16xi32>
        %gather3A_365 = tpu.vector_load_idx %arg8[%add3A_317, %broadcast_in_dim3A_364] : memref<6144x16xf32, #tpu.memory_space<vmem>>[vector<16xi32>, vector<16xi32>], vector<16xf32>,
        %mul3A_366 = arith.mulf %get3A_134, %gather3A_365 : vector<16xf32>
        %add3A_367 = arith.addf %add3A_284, %mul3A_366 : vector<16xf32>
        %broadcast_in_dim3A_368 = arith.constant 10 : i32
        %broadcast_in_dim3A_369 = vector.broadcast %broadcast_in_dim3A_368 : i32 to vector<16xi32>
        %gather3A_370 = tpu.vector_load_idx %arg8[%add3A_317, %broadcast_in_dim3A_369] : memref<6144x16xf32, #tpu.memory_space<vmem>>[vector<16xi32>, vector<16xi32>], vector<16xf32>,
        %mul3A_371 = arith.mulf %get3A_134, %gather3A_370 : vector<16xf32>
        %add3A_372 = arith.addf %add3A_289, %mul3A_371 : vector<16xf32>
        %broadcast_in_dim3A_373 = arith.constant 11 : i32
        %broadcast_in_dim3A_374 = vector.broadcast %broadcast_in_dim3A_373 : i32 to vector<16xi32>
        %gather3A_375 = tpu.vector_load_idx %arg8[%add3A_317, %broadcast_in_dim3A_374] : memref<6144x16xf32, #tpu.memory_space<vmem>>[vector<16xi32>, vector<16xi32>], vector<16xf32>,
        %mul3A_376 = arith.mulf %get3A_134, %gather3A_375 : vector<16xf32>
        %add3A_377 = arith.addf %add3A_294, %mul3A_376 : vector<16xf32>
        %broadcast_in_dim3A_378 = arith.constant 12 : i32
        %broadcast_in_dim3A_379 = vector.broadcast %broadcast_in_dim3A_378 : i32 to vector<16xi32>
        %gather3A_380 = tpu.vector_load_idx %arg8[%add3A_317, %broadcast_in_dim3A_379] : memref<6144x16xf32, #tpu.memory_space<vmem>>[vector<16xi32>, vector<16xi32>], vector<16xf32>,
        %mul3A_381 = arith.mulf %get3A_134, %gather3A_380 : vector<16xf32>
        %add3A_382 = arith.addf %add3A_299, %mul3A_381 : vector<16xf32>
        %broadcast_in_dim3A_383 = arith.constant 13 : i32
        %broadcast_in_dim3A_384 = vector.broadcast %broadcast_in_dim3A_383 : i32 to vector<16xi32>
        %gather3A_385 = tpu.vector_load_idx %arg8[%add3A_317, %broadcast_in_dim3A_384] : memref<6144x16xf32, #tpu.memory_space<vmem>>[vector<16xi32>, vector<16xi32>], vector<16xf32>,
        %mul3A_386 = arith.mulf %get3A_134, %gather3A_385 : vector<16xf32>
        %add3A_387 = arith.addf %add3A_304, %mul3A_386 : vector<16xf32>
        %broadcast_in_dim3A_388 = arith.constant 14 : i32
        %broadcast_in_dim3A_389 = vector.broadcast %broadcast_in_dim3A_388 : i32 to vector<16xi32>
        %gather3A_390 = tpu.vector_load_idx %arg8[%add3A_317, %broadcast_in_dim3A_389] : memref<6144x16xf32, #tpu.memory_space<vmem>>[vector<16xi32>, vector<16xi32>], vector<16xf32>,
        %mul3A_391 = arith.mulf %get3A_134, %gather3A_390 : vector<16xf32>
        %add3A_392 = arith.addf %add3A_309, %mul3A_391 : vector<16xf32>
        %broadcast_in_dim3A_393 = arith.constant 15 : i32
        %broadcast_in_dim3A_394 = vector.broadcast %broadcast_in_dim3A_393 : i32 to vector<16xi32>
        %gather3A_395 = tpu.vector_load_idx %arg8[%add3A_317, %broadcast_in_dim3A_394] : memref<6144x16xf32, #tpu.memory_space<vmem>>[vector<16xi32>, vector<16xi32>], vector<16xf32>,
        %mul3A_396 = arith.mulf %get3A_134, %gather3A_395 : vector<16xf32>
        %add3A_397 = arith.addf %add3A_314, %mul3A_396 : vector<16xf32>
        %add3A_398 = arith.constant 48 : i32
        %add3A_399 = vector.broadcast %add3A_398 : i32 to vector<16xi32>
        %add3A_400 = arith.addi %add3A_166, %add3A_399 : vector<16xi32>
        %broadcast_in_dim3A_401 = arith.constant 0 : i32
        %broadcast_in_dim3A_402 = vector.broadcast %broadcast_in_dim3A_401 : i32 to vector<16xi32>
        %gather3A_403 = tpu.vector_load_idx %arg8[%add3A_400, %broadcast_in_dim3A_402] : memref<6144x16xf32, #tpu.memory_space<vmem>>[vector<16xi32>, vector<16xi32>], vector<16xf32>,
        %mul3A_404 = arith.mulf %get3A_139, %gather3A_403 : vector<16xf32>
        %add3A_405 = arith.addf %add3A_322, %mul3A_404 : vector<16xf32>
        %broadcast_in_dim3A_406 = arith.constant 1 : i32
        %broadcast_in_dim3A_407 = vector.broadcast %broadcast_in_dim3A_406 : i32 to vector<16xi32>
        %gather3A_408 = tpu.vector_load_idx %arg8[%add3A_400, %broadcast_in_dim3A_407] : memref<6144x16xf32, #tpu.memory_space<vmem>>[vector<16xi32>, vector<16xi32>], vector<16xf32>,
        %mul3A_409 = arith.mulf %get3A_139, %gather3A_408 : vector<16xf32>
        %add3A_410 = arith.addf %add3A_327, %mul3A_409 : vector<16xf32>
        %broadcast_in_dim3A_411 = arith.constant 2 : i32
        %broadcast_in_dim3A_412 = vector.broadcast %broadcast_in_dim3A_411 : i32 to vector<16xi32>
        %gather3A_413 = tpu.vector_load_idx %arg8[%add3A_400, %broadcast_in_dim3A_412] : memref<6144x16xf32, #tpu.memory_space<vmem>>[vector<16xi32>, vector<16xi32>], vector<16xf32>,
        %mul3A_414 = arith.mulf %get3A_139, %gather3A_413 : vector<16xf32>
        %add3A_415 = arith.addf %add3A_332, %mul3A_414 : vector<16xf32>
        %broadcast_in_dim3A_416 = arith.constant 3 : i32
        %broadcast_in_dim3A_417 = vector.broadcast %broadcast_in_dim3A_416 : i32 to vector<16xi32>
        %gather3A_418 = tpu.vector_load_idx %arg8[%add3A_400, %broadcast_in_dim3A_417] : memref<6144x16xf32, #tpu.memory_space<vmem>>[vector<16xi32>, vector<16xi32>], vector<16xf32>,
        %mul3A_419 = arith.mulf %get3A_139, %gather3A_418 : vector<16xf32>
        %add3A_420 = arith.addf %add3A_337, %mul3A_419 : vector<16xf32>
        %broadcast_in_dim3A_421 = arith.constant 4 : i32
        %broadcast_in_dim3A_422 = vector.broadcast %broadcast_in_dim3A_421 : i32 to vector<16xi32>
        %gather3A_423 = tpu.vector_load_idx %arg8[%add3A_400, %broadcast_in_dim3A_422] : memref<6144x16xf32, #tpu.memory_space<vmem>>[vector<16xi32>, vector<16xi32>], vector<16xf32>,
        %mul3A_424 = arith.mulf %get3A_139, %gather3A_423 : vector<16xf32>
        %add3A_425 = arith.addf %add3A_342, %mul3A_424 : vector<16xf32>
        %broadcast_in_dim3A_426 = arith.constant 5 : i32
        %broadcast_in_dim3A_427 = vector.broadcast %broadcast_in_dim3A_426 : i32 to vector<16xi32>
        %gather3A_428 = tpu.vector_load_idx %arg8[%add3A_400, %broadcast_in_dim3A_427] : memref<6144x16xf32, #tpu.memory_space<vmem>>[vector<16xi32>, vector<16xi32>], vector<16xf32>,
        %mul3A_429 = arith.mulf %get3A_139, %gather3A_428 : vector<16xf32>
        %add3A_430 = arith.addf %add3A_347, %mul3A_429 : vector<16xf32>
        %broadcast_in_dim3A_431 = arith.constant 6 : i32
        %broadcast_in_dim3A_432 = vector.broadcast %broadcast_in_dim3A_431 : i32 to vector<16xi32>
        %gather3A_433 = tpu.vector_load_idx %arg8[%add3A_400, %broadcast_in_dim3A_432] : memref<6144x16xf32, #tpu.memory_space<vmem>>[vector<16xi32>, vector<16xi32>], vector<16xf32>,
        %mul3A_434 = arith.mulf %get3A_139, %gather3A_433 : vector<16xf32>
        %add3A_435 = arith.addf %add3A_352, %mul3A_434 : vector<16xf32>
        %broadcast_in_dim3A_436 = arith.constant 7 : i32
        %broadcast_in_dim3A_437 = vector.broadcast %broadcast_in_dim3A_436 : i32 to vector<16xi32>
        %gather3A_438 = tpu.vector_load_idx %arg8[%add3A_400, %broadcast_in_dim3A_437] : memref<6144x16xf32, #tpu.memory_space<vmem>>[vector<16xi32>, vector<16xi32>], vector<16xf32>,
        %mul3A_439 = arith.mulf %get3A_139, %gather3A_438 : vector<16xf32>
        %add3A_440 = arith.addf %add3A_357, %mul3A_439 : vector<16xf32>
        %broadcast_in_dim3A_441 = arith.constant 8 : i32
        %broadcast_in_dim3A_442 = vector.broadcast %broadcast_in_dim3A_441 : i32 to vector<16xi32>
        %gather3A_443 = tpu.vector_load_idx %arg8[%add3A_400, %broadcast_in_dim3A_442] : memref<6144x16xf32, #tpu.memory_space<vmem>>[vector<16xi32>, vector<16xi32>], vector<16xf32>,
        %mul3A_444 = arith.mulf %get3A_139, %gather3A_443 : vector<16xf32>
        %add3A_445 = arith.addf %add3A_362, %mul3A_444 : vector<16xf32>
        %broadcast_in_dim3A_446 = arith.constant 9 : i32
        %broadcast_in_dim3A_447 = vector.broadcast %broadcast_in_dim3A_446 : i32 to vector<16xi32>
        %gather3A_448 = tpu.vector_load_idx %arg8[%add3A_400, %broadcast_in_dim3A_447] : memref<6144x16xf32, #tpu.memory_space<vmem>>[vector<16xi32>, vector<16xi32>], vector<16xf32>,
        %mul3A_449 = arith.mulf %get3A_139, %gather3A_448 : vector<16xf32>
        %add3A_450 = arith.addf %add3A_367, %mul3A_449 : vector<16xf32>
        %broadcast_in_dim3A_451 = arith.constant 10 : i32
        %broadcast_in_dim3A_452 = vector.broadcast %broadcast_in_dim3A_451 : i32 to vector<16xi32>
        %gather3A_453 = tpu.vector_load_idx %arg8[%add3A_400, %broadcast_in_dim3A_452] : memref<6144x16xf32, #tpu.memory_space<vmem>>[vector<16xi32>, vector<16xi32>], vector<16xf32>,
        %mul3A_454 = arith.mulf %get3A_139, %gather3A_453 : vector<16xf32>
        %add3A_455 = arith.addf %add3A_372, %mul3A_454 : vector<16xf32>
        %broadcast_in_dim3A_456 = arith.constant 11 : i32
        %broadcast_in_dim3A_457 = vector.broadcast %broadcast_in_dim3A_456 : i32 to vector<16xi32>
        %gather3A_458 = tpu.vector_load_idx %arg8[%add3A_400, %broadcast_in_dim3A_457] : memref<6144x16xf32, #tpu.memory_space<vmem>>[vector<16xi32>, vector<16xi32>], vector<16xf32>,
        %mul3A_459 = arith.mulf %get3A_139, %gather3A_458 : vector<16xf32>
        %add3A_460 = arith.addf %add3A_377, %mul3A_459 : vector<16xf32>
        %broadcast_in_dim3A_461 = arith.constant 12 : i32
        %broadcast_in_dim3A_462 = vector.broadcast %broadcast_in_dim3A_461 : i32 to vector<16xi32>
        %gather3A_463 = tpu.vector_load_idx %arg8[%add3A_400, %broadcast_in_dim3A_462] : memref<6144x16xf32, #tpu.memory_space<vmem>>[vector<16xi32>, vector<16xi32>], vector<16xf32>,
        %mul3A_464 = arith.mulf %get3A_139, %gather3A_463 : vector<16xf32>
        %add3A_465 = arith.addf %add3A_382, %mul3A_464 : vector<16xf32>
        %broadcast_in_dim3A_466 = arith.constant 13 : i32
        %broadcast_in_dim3A_467 = vector.broadcast %broadcast_in_dim3A_466 : i32 to vector<16xi32>
        %gather3A_468 = tpu.vector_load_idx %arg8[%add3A_400, %broadcast_in_dim3A_467] : memref<6144x16xf32, #tpu.memory_space<vmem>>[vector<16xi32>, vector<16xi32>], vector<16xf32>,
        %mul3A_469 = arith.mulf %get3A_139, %gather3A_468 : vector<16xf32>
        %add3A_470 = arith.addf %add3A_387, %mul3A_469 : vector<16xf32>
        %broadcast_in_dim3A_471 = arith.constant 14 : i32
        %broadcast_in_dim3A_472 = vector.broadcast %broadcast_in_dim3A_471 : i32 to vector<16xi32>
        %gather3A_473 = tpu.vector_load_idx %arg8[%add3A_400, %broadcast_in_dim3A_472] : memref<6144x16xf32, #tpu.memory_space<vmem>>[vector<16xi32>, vector<16xi32>], vector<16xf32>,
        %mul3A_474 = arith.mulf %get3A_139, %gather3A_473 : vector<16xf32>
        %add3A_475 = arith.addf %add3A_392, %mul3A_474 : vector<16xf32>
        %broadcast_in_dim3A_476 = arith.constant 15 : i32
        %broadcast_in_dim3A_477 = vector.broadcast %broadcast_in_dim3A_476 : i32 to vector<16xi32>
        %gather3A_478 = tpu.vector_load_idx %arg8[%add3A_400, %broadcast_in_dim3A_477] : memref<6144x16xf32, #tpu.memory_space<vmem>>[vector<16xi32>, vector<16xi32>], vector<16xf32>,
        %mul3A_479 = arith.mulf %get3A_139, %gather3A_478 : vector<16xf32>
        %add3A_480 = arith.addf %add3A_397, %mul3A_479 : vector<16xf32>
        %add3A_481 = arith.constant 64 : i32
        %add3A_482 = vector.broadcast %add3A_481 : i32 to vector<16xi32>
        %add3A_483 = arith.addi %add3A_166, %add3A_482 : vector<16xi32>
        %broadcast_in_dim3A_484 = arith.constant 0 : i32
        %broadcast_in_dim3A_485 = vector.broadcast %broadcast_in_dim3A_484 : i32 to vector<16xi32>
        %gather3A_486 = tpu.vector_load_idx %arg8[%add3A_483, %broadcast_in_dim3A_485] : memref<6144x16xf32, #tpu.memory_space<vmem>>[vector<16xi32>, vector<16xi32>], vector<16xf32>,
        %mul3A_487 = arith.mulf %get3A_144, %gather3A_486 : vector<16xf32>
        %add3A_488 = arith.addf %add3A_405, %mul3A_487 : vector<16xf32>
        %broadcast_in_dim3A_489 = arith.constant 1 : i32
        %broadcast_in_dim3A_490 = vector.broadcast %broadcast_in_dim3A_489 : i32 to vector<16xi32>
        %gather3A_491 = tpu.vector_load_idx %arg8[%add3A_483, %broadcast_in_dim3A_490] : memref<6144x16xf32, #tpu.memory_space<vmem>>[vector<16xi32>, vector<16xi32>], vector<16xf32>,
        %mul3A_492 = arith.mulf %get3A_144, %gather3A_491 : vector<16xf32>
        %add3A_493 = arith.addf %add3A_410, %mul3A_492 : vector<16xf32>
        %broadcast_in_dim3A_494 = arith.constant 2 : i32
        %broadcast_in_dim3A_495 = vector.broadcast %broadcast_in_dim3A_494 : i32 to vector<16xi32>
        %gather3A_496 = tpu.vector_load_idx %arg8[%add3A_483, %broadcast_in_dim3A_495] : memref<6144x16xf32, #tpu.memory_space<vmem>>[vector<16xi32>, vector<16xi32>], vector<16xf32>,
        %mul3A_497 = arith.mulf %get3A_144, %gather3A_496 : vector<16xf32>
        %add3A_498 = arith.addf %add3A_415, %mul3A_497 : vector<16xf32>
        %broadcast_in_dim3A_499 = arith.constant 3 : i32
        %broadcast_in_dim3A_500 = vector.broadcast %broadcast_in_dim3A_499 : i32 to vector<16xi32>
        %gather3A_501 = tpu.vector_load_idx %arg8[%add3A_483, %broadcast_in_dim3A_500] : memref<6144x16xf32, #tpu.memory_space<vmem>>[vector<16xi32>, vector<16xi32>], vector<16xf32>,
        %mul3A_502 = arith.mulf %get3A_144, %gather3A_501 : vector<16xf32>
        %add3A_503 = arith.addf %add3A_420, %mul3A_502 : vector<16xf32>
        %broadcast_in_dim3A_504 = arith.constant 4 : i32
        %broadcast_in_dim3A_505 = vector.broadcast %broadcast_in_dim3A_504 : i32 to vector<16xi32>
        %gather3A_506 = tpu.vector_load_idx %arg8[%add3A_483, %broadcast_in_dim3A_505] : memref<6144x16xf32, #tpu.memory_space<vmem>>[vector<16xi32>, vector<16xi32>], vector<16xf32>,
        %mul3A_507 = arith.mulf %get3A_144, %gather3A_506 : vector<16xf32>
        %add3A_508 = arith.addf %add3A_425, %mul3A_507 : vector<16xf32>
        %broadcast_in_dim3A_509 = arith.constant 5 : i32
        %broadcast_in_dim3A_510 = vector.broadcast %broadcast_in_dim3A_509 : i32 to vector<16xi32>
        %gather3A_511 = tpu.vector_load_idx %arg8[%add3A_483, %broadcast_in_dim3A_510] : memref<6144x16xf32, #tpu.memory_space<vmem>>[vector<16xi32>, vector<16xi32>], vector<16xf32>,
        %mul3A_512 = arith.mulf %get3A_144, %gather3A_511 : vector<16xf32>
        %add3A_513 = arith.addf %add3A_430, %mul3A_512 : vector<16xf32>
        %broadcast_in_dim3A_514 = arith.constant 6 : i32
        %broadcast_in_dim3A_515 = vector.broadcast %broadcast_in_dim3A_514 : i32 to vector<16xi32>
        %gather3A_516 = tpu.vector_load_idx %arg8[%add3A_483, %broadcast_in_dim3A_515] : memref<6144x16xf32, #tpu.memory_space<vmem>>[vector<16xi32>, vector<16xi32>], vector<16xf32>,
        %mul3A_517 = arith.mulf %get3A_144, %gather3A_516 : vector<16xf32>
        %add3A_518 = arith.addf %add3A_435, %mul3A_517 : vector<16xf32>
        %broadcast_in_dim3A_519 = arith.constant 7 : i32
        %broadcast_in_dim3A_520 = vector.broadcast %broadcast_in_dim3A_519 : i32 to vector<16xi32>
        %gather3A_521 = tpu.vector_load_idx %arg8[%add3A_483, %broadcast_in_dim3A_520] : memref<6144x16xf32, #tpu.memory_space<vmem>>[vector<16xi32>, vector<16xi32>], vector<16xf32>,
        %mul3A_522 = arith.mulf %get3A_144, %gather3A_521 : vector<16xf32>
        %add3A_523 = arith.addf %add3A_440, %mul3A_522 : vector<16xf32>
        %broadcast_in_dim3A_524 = arith.constant 8 : i32
        %broadcast_in_dim3A_525 = vector.broadcast %broadcast_in_dim3A_524 : i32 to vector<16xi32>
        %gather3A_526 = tpu.vector_load_idx %arg8[%add3A_483, %broadcast_in_dim3A_525] : memref<6144x16xf32, #tpu.memory_space<vmem>>[vector<16xi32>, vector<16xi32>], vector<16xf32>,
        %mul3A_527 = arith.mulf %get3A_144, %gather3A_526 : vector<16xf32>
        %add3A_528 = arith.addf %add3A_445, %mul3A_527 : vector<16xf32>
        %broadcast_in_dim3A_529 = arith.constant 9 : i32
        %broadcast_in_dim3A_530 = vector.broadcast %broadcast_in_dim3A_529 : i32 to vector<16xi32>
        %gather3A_531 = tpu.vector_load_idx %arg8[%add3A_483, %broadcast_in_dim3A_530] : memref<6144x16xf32, #tpu.memory_space<vmem>>[vector<16xi32>, vector<16xi32>], vector<16xf32>,
        %mul3A_532 = arith.mulf %get3A_144, %gather3A_531 : vector<16xf32>
        %add3A_533 = arith.addf %add3A_450, %mul3A_532 : vector<16xf32>
        %broadcast_in_dim3A_534 = arith.constant 10 : i32
        %broadcast_in_dim3A_535 = vector.broadcast %broadcast_in_dim3A_534 : i32 to vector<16xi32>
        %gather3A_536 = tpu.vector_load_idx %arg8[%add3A_483, %broadcast_in_dim3A_535] : memref<6144x16xf32, #tpu.memory_space<vmem>>[vector<16xi32>, vector<16xi32>], vector<16xf32>,
        %mul3A_537 = arith.mulf %get3A_144, %gather3A_536 : vector<16xf32>
        %add3A_538 = arith.addf %add3A_455, %mul3A_537 : vector<16xf32>
        %broadcast_in_dim3A_539 = arith.constant 11 : i32
        %broadcast_in_dim3A_540 = vector.broadcast %broadcast_in_dim3A_539 : i32 to vector<16xi32>
        %gather3A_541 = tpu.vector_load_idx %arg8[%add3A_483, %broadcast_in_dim3A_540] : memref<6144x16xf32, #tpu.memory_space<vmem>>[vector<16xi32>, vector<16xi32>], vector<16xf32>,
        %mul3A_542 = arith.mulf %get3A_144, %gather3A_541 : vector<16xf32>
        %add3A_543 = arith.addf %add3A_460, %mul3A_542 : vector<16xf32>
        %broadcast_in_dim3A_544 = arith.constant 12 : i32
        %broadcast_in_dim3A_545 = vector.broadcast %broadcast_in_dim3A_544 : i32 to vector<16xi32>
        %gather3A_546 = tpu.vector_load_idx %arg8[%add3A_483, %broadcast_in_dim3A_545] : memref<6144x16xf32, #tpu.memory_space<vmem>>[vector<16xi32>, vector<16xi32>], vector<16xf32>,
        %mul3A_547 = arith.mulf %get3A_144, %gather3A_546 : vector<16xf32>
        %add3A_548 = arith.addf %add3A_465, %mul3A_547 : vector<16xf32>
        %broadcast_in_dim3A_549 = arith.constant 13 : i32
        %broadcast_in_dim3A_550 = vector.broadcast %broadcast_in_dim3A_549 : i32 to vector<16xi32>
        %gather3A_551 = tpu.vector_load_idx %arg8[%add3A_483, %broadcast_in_dim3A_550] : memref<6144x16xf32, #tpu.memory_space<vmem>>[vector<16xi32>, vector<16xi32>], vector<16xf32>,
        %mul3A_552 = arith.mulf %get3A_144, %gather3A_551 : vector<16xf32>
        %add3A_553 = arith.addf %add3A_470, %mul3A_552 : vector<16xf32>
        %broadcast_in_dim3A_554 = arith.constant 14 : i32
        %broadcast_in_dim3A_555 = vector.broadcast %broadcast_in_dim3A_554 : i32 to vector<16xi32>
        %gather3A_556 = tpu.vector_load_idx %arg8[%add3A_483, %broadcast_in_dim3A_555] : memref<6144x16xf32, #tpu.memory_space<vmem>>[vector<16xi32>, vector<16xi32>], vector<16xf32>,
        %mul3A_557 = arith.mulf %get3A_144, %gather3A_556 : vector<16xf32>
        %add3A_558 = arith.addf %add3A_475, %mul3A_557 : vector<16xf32>
        %broadcast_in_dim3A_559 = arith.constant 15 : i32
        %broadcast_in_dim3A_560 = vector.broadcast %broadcast_in_dim3A_559 : i32 to vector<16xi32>
        %gather3A_561 = tpu.vector_load_idx %arg8[%add3A_483, %broadcast_in_dim3A_560] : memref<6144x16xf32, #tpu.memory_space<vmem>>[vector<16xi32>, vector<16xi32>], vector<16xf32>,
        %mul3A_562 = arith.mulf %get3A_144, %gather3A_561 : vector<16xf32>
        %add3A_563 = arith.addf %add3A_480, %mul3A_562 : vector<16xf32>
        %add3A_564 = arith.constant 80 : i32
        %add3A_565 = vector.broadcast %add3A_564 : i32 to vector<16xi32>
        %add3A_566 = arith.addi %add3A_166, %add3A_565 : vector<16xi32>
        %broadcast_in_dim3A_567 = arith.constant 0 : i32
        %broadcast_in_dim3A_568 = vector.broadcast %broadcast_in_dim3A_567 : i32 to vector<16xi32>
        %gather3A_569 = tpu.vector_load_idx %arg8[%add3A_566, %broadcast_in_dim3A_568] : memref<6144x16xf32, #tpu.memory_space<vmem>>[vector<16xi32>, vector<16xi32>], vector<16xf32>,
        %mul3A_570 = arith.mulf %get3A_149, %gather3A_569 : vector<16xf32>
        %add3A_571 = arith.addf %add3A_488, %mul3A_570 : vector<16xf32>
        %broadcast_in_dim3A_572 = arith.constant 1 : i32
        %broadcast_in_dim3A_573 = vector.broadcast %broadcast_in_dim3A_572 : i32 to vector<16xi32>
        %gather3A_574 = tpu.vector_load_idx %arg8[%add3A_566, %broadcast_in_dim3A_573] : memref<6144x16xf32, #tpu.memory_space<vmem>>[vector<16xi32>, vector<16xi32>], vector<16xf32>,
        %mul3A_575 = arith.mulf %get3A_149, %gather3A_574 : vector<16xf32>
        %add3A_576 = arith.addf %add3A_493, %mul3A_575 : vector<16xf32>
        %broadcast_in_dim3A_577 = arith.constant 2 : i32
        %broadcast_in_dim3A_578 = vector.broadcast %broadcast_in_dim3A_577 : i32 to vector<16xi32>
        %gather3A_579 = tpu.vector_load_idx %arg8[%add3A_566, %broadcast_in_dim3A_578] : memref<6144x16xf32, #tpu.memory_space<vmem>>[vector<16xi32>, vector<16xi32>], vector<16xf32>,
        %mul3A_580 = arith.mulf %get3A_149, %gather3A_579 : vector<16xf32>
        %add3A_581 = arith.addf %add3A_498, %mul3A_580 : vector<16xf32>
        %broadcast_in_dim3A_582 = arith.constant 3 : i32
        %broadcast_in_dim3A_583 = vector.broadcast %broadcast_in_dim3A_582 : i32 to vector<16xi32>
        %gather3A_584 = tpu.vector_load_idx %arg8[%add3A_566, %broadcast_in_dim3A_583] : memref<6144x16xf32, #tpu.memory_space<vmem>>[vector<16xi32>, vector<16xi32>], vector<16xf32>,
        %mul3A_585 = arith.mulf %get3A_149, %gather3A_584 : vector<16xf32>
        %add3A_586 = arith.addf %add3A_503, %mul3A_585 : vector<16xf32>
        %broadcast_in_dim3A_587 = arith.constant 4 : i32
        %broadcast_in_dim3A_588 = vector.broadcast %broadcast_in_dim3A_587 : i32 to vector<16xi32>
        %gather3A_589 = tpu.vector_load_idx %arg8[%add3A_566, %broadcast_in_dim3A_588] : memref<6144x16xf32, #tpu.memory_space<vmem>>[vector<16xi32>, vector<16xi32>], vector<16xf32>,
        %mul3A_590 = arith.mulf %get3A_149, %gather3A_589 : vector<16xf32>
        %add3A_591 = arith.addf %add3A_508, %mul3A_590 : vector<16xf32>
        %broadcast_in_dim3A_592 = arith.constant 5 : i32
        %broadcast_in_dim3A_593 = vector.broadcast %broadcast_in_dim3A_592 : i32 to vector<16xi32>
        %gather3A_594 = tpu.vector_load_idx %arg8[%add3A_566, %broadcast_in_dim3A_593] : memref<6144x16xf32, #tpu.memory_space<vmem>>[vector<16xi32>, vector<16xi32>], vector<16xf32>,
        %mul3A_595 = arith.mulf %get3A_149, %gather3A_594 : vector<16xf32>
        %add3A_596 = arith.addf %add3A_513, %mul3A_595 : vector<16xf32>
        %broadcast_in_dim3A_597 = arith.constant 6 : i32
        %broadcast_in_dim3A_598 = vector.broadcast %broadcast_in_dim3A_597 : i32 to vector<16xi32>
        %gather3A_599 = tpu.vector_load_idx %arg8[%add3A_566, %broadcast_in_dim3A_598] : memref<6144x16xf32, #tpu.memory_space<vmem>>[vector<16xi32>, vector<16xi32>], vector<16xf32>,
        %mul3A_600 = arith.mulf %get3A_149, %gather3A_599 : vector<16xf32>
        %add3A_601 = arith.addf %add3A_518, %mul3A_600 : vector<16xf32>
        %broadcast_in_dim3A_602 = arith.constant 7 : i32
        %broadcast_in_dim3A_603 = vector.broadcast %broadcast_in_dim3A_602 : i32 to vector<16xi32>
        %gather3A_604 = tpu.vector_load_idx %arg8[%add3A_566, %broadcast_in_dim3A_603] : memref<6144x16xf32, #tpu.memory_space<vmem>>[vector<16xi32>, vector<16xi32>], vector<16xf32>,
        %mul3A_605 = arith.mulf %get3A_149, %gather3A_604 : vector<16xf32>
        %add3A_606 = arith.addf %add3A_523, %mul3A_605 : vector<16xf32>
        %broadcast_in_dim3A_607 = arith.constant 8 : i32
        %broadcast_in_dim3A_608 = vector.broadcast %broadcast_in_dim3A_607 : i32 to vector<16xi32>
        %gather3A_609 = tpu.vector_load_idx %arg8[%add3A_566, %broadcast_in_dim3A_608] : memref<6144x16xf32, #tpu.memory_space<vmem>>[vector<16xi32>, vector<16xi32>], vector<16xf32>,
        %mul3A_610 = arith.mulf %get3A_149, %gather3A_609 : vector<16xf32>
        %add3A_611 = arith.addf %add3A_528, %mul3A_610 : vector<16xf32>
        %broadcast_in_dim3A_612 = arith.constant 9 : i32
        %broadcast_in_dim3A_613 = vector.broadcast %broadcast_in_dim3A_612 : i32 to vector<16xi32>
        %gather3A_614 = tpu.vector_load_idx %arg8[%add3A_566, %broadcast_in_dim3A_613] : memref<6144x16xf32, #tpu.memory_space<vmem>>[vector<16xi32>, vector<16xi32>], vector<16xf32>,
        %mul3A_615 = arith.mulf %get3A_149, %gather3A_614 : vector<16xf32>
        %add3A_616 = arith.addf %add3A_533, %mul3A_615 : vector<16xf32>
        %broadcast_in_dim3A_617 = arith.constant 10 : i32
        %broadcast_in_dim3A_618 = vector.broadcast %broadcast_in_dim3A_617 : i32 to vector<16xi32>
        %gather3A_619 = tpu.vector_load_idx %arg8[%add3A_566, %broadcast_in_dim3A_618] : memref<6144x16xf32, #tpu.memory_space<vmem>>[vector<16xi32>, vector<16xi32>], vector<16xf32>,
        %mul3A_620 = arith.mulf %get3A_149, %gather3A_619 : vector<16xf32>
        %add3A_621 = arith.addf %add3A_538, %mul3A_620 : vector<16xf32>
        %broadcast_in_dim3A_622 = arith.constant 11 : i32
        %broadcast_in_dim3A_623 = vector.broadcast %broadcast_in_dim3A_622 : i32 to vector<16xi32>
        %gather3A_624 = tpu.vector_load_idx %arg8[%add3A_566, %broadcast_in_dim3A_623] : memref<6144x16xf32, #tpu.memory_space<vmem>>[vector<16xi32>, vector<16xi32>], vector<16xf32>,
        %mul3A_625 = arith.mulf %get3A_149, %gather3A_624 : vector<16xf32>
        %add3A_626 = arith.addf %add3A_543, %mul3A_625 : vector<16xf32>
        %broadcast_in_dim3A_627 = arith.constant 12 : i32
        %broadcast_in_dim3A_628 = vector.broadcast %broadcast_in_dim3A_627 : i32 to vector<16xi32>
        %gather3A_629 = tpu.vector_load_idx %arg8[%add3A_566, %broadcast_in_dim3A_628] : memref<6144x16xf32, #tpu.memory_space<vmem>>[vector<16xi32>, vector<16xi32>], vector<16xf32>,
        %mul3A_630 = arith.mulf %get3A_149, %gather3A_629 : vector<16xf32>
        %add3A_631 = arith.addf %add3A_548, %mul3A_630 : vector<16xf32>
        %broadcast_in_dim3A_632 = arith.constant 13 : i32
        %broadcast_in_dim3A_633 = vector.broadcast %broadcast_in_dim3A_632 : i32 to vector<16xi32>
        %gather3A_634 = tpu.vector_load_idx %arg8[%add3A_566, %broadcast_in_dim3A_633] : memref<6144x16xf32, #tpu.memory_space<vmem>>[vector<16xi32>, vector<16xi32>], vector<16xf32>,
        %mul3A_635 = arith.mulf %get3A_149, %gather3A_634 : vector<16xf32>
        %add3A_636 = arith.addf %add3A_553, %mul3A_635 : vector<16xf32>
        %broadcast_in_dim3A_637 = arith.constant 14 : i32
        %broadcast_in_dim3A_638 = vector.broadcast %broadcast_in_dim3A_637 : i32 to vector<16xi32>
        %gather3A_639 = tpu.vector_load_idx %arg8[%add3A_566, %broadcast_in_dim3A_638] : memref<6144x16xf32, #tpu.memory_space<vmem>>[vector<16xi32>, vector<16xi32>], vector<16xf32>,
        %mul3A_640 = arith.mulf %get3A_149, %gather3A_639 : vector<16xf32>
        %add3A_641 = arith.addf %add3A_558, %mul3A_640 : vector<16xf32>
        %broadcast_in_dim3A_642 = arith.constant 15 : i32
        %broadcast_in_dim3A_643 = vector.broadcast %broadcast_in_dim3A_642 : i32 to vector<16xi32>
        %gather3A_644 = tpu.vector_load_idx %arg8[%add3A_566, %broadcast_in_dim3A_643] : memref<6144x16xf32, #tpu.memory_space<vmem>>[vector<16xi32>, vector<16xi32>], vector<16xf32>,
        %mul3A_645 = arith.mulf %get3A_149, %gather3A_644 : vector<16xf32>
        %add3A_646 = arith.addf %add3A_563, %mul3A_645 : vector<16xf32>
        %add3A_647 = arith.constant 96 : i32
        %add3A_648 = vector.broadcast %add3A_647 : i32 to vector<16xi32>
        %add3A_649 = arith.addi %add3A_166, %add3A_648 : vector<16xi32>
        %broadcast_in_dim3A_650 = arith.constant 0 : i32
        %broadcast_in_dim3A_651 = vector.broadcast %broadcast_in_dim3A_650 : i32 to vector<16xi32>
        %gather3A_652 = tpu.vector_load_idx %arg8[%add3A_649, %broadcast_in_dim3A_651] : memref<6144x16xf32, #tpu.memory_space<vmem>>[vector<16xi32>, vector<16xi32>], vector<16xf32>,
        %mul3A_653 = arith.mulf %get3A_154, %gather3A_652 : vector<16xf32>
        %add3A_654 = arith.addf %add3A_571, %mul3A_653 : vector<16xf32>
        %broadcast_in_dim3A_655 = arith.constant 1 : i32
        %broadcast_in_dim3A_656 = vector.broadcast %broadcast_in_dim3A_655 : i32 to vector<16xi32>
        %gather3A_657 = tpu.vector_load_idx %arg8[%add3A_649, %broadcast_in_dim3A_656] : memref<6144x16xf32, #tpu.memory_space<vmem>>[vector<16xi32>, vector<16xi32>], vector<16xf32>,
        %mul3A_658 = arith.mulf %get3A_154, %gather3A_657 : vector<16xf32>
        %add3A_659 = arith.addf %add3A_576, %mul3A_658 : vector<16xf32>
        %broadcast_in_dim3A_660 = arith.constant 2 : i32
        %broadcast_in_dim3A_661 = vector.broadcast %broadcast_in_dim3A_660 : i32 to vector<16xi32>
        %gather3A_662 = tpu.vector_load_idx %arg8[%add3A_649, %broadcast_in_dim3A_661] : memref<6144x16xf32, #tpu.memory_space<vmem>>[vector<16xi32>, vector<16xi32>], vector<16xf32>,
        %mul3A_663 = arith.mulf %get3A_154, %gather3A_662 : vector<16xf32>
        %add3A_664 = arith.addf %add3A_581, %mul3A_663 : vector<16xf32>
        %broadcast_in_dim3A_665 = arith.constant 3 : i32
        %broadcast_in_dim3A_666 = vector.broadcast %broadcast_in_dim3A_665 : i32 to vector<16xi32>
        %gather3A_667 = tpu.vector_load_idx %arg8[%add3A_649, %broadcast_in_dim3A_666] : memref<6144x16xf32, #tpu.memory_space<vmem>>[vector<16xi32>, vector<16xi32>], vector<16xf32>,
        %mul3A_668 = arith.mulf %get3A_154, %gather3A_667 : vector<16xf32>
        %add3A_669 = arith.addf %add3A_586, %mul3A_668 : vector<16xf32>
        %broadcast_in_dim3A_670 = arith.constant 4 : i32
        %broadcast_in_dim3A_671 = vector.broadcast %broadcast_in_dim3A_670 : i32 to vector<16xi32>
        %gather3A_672 = tpu.vector_load_idx %arg8[%add3A_649, %broadcast_in_dim3A_671] : memref<6144x16xf32, #tpu.memory_space<vmem>>[vector<16xi32>, vector<16xi32>], vector<16xf32>,
        %mul3A_673 = arith.mulf %get3A_154, %gather3A_672 : vector<16xf32>
        %add3A_674 = arith.addf %add3A_591, %mul3A_673 : vector<16xf32>
        %broadcast_in_dim3A_675 = arith.constant 5 : i32
        %broadcast_in_dim3A_676 = vector.broadcast %broadcast_in_dim3A_675 : i32 to vector<16xi32>
        %gather3A_677 = tpu.vector_load_idx %arg8[%add3A_649, %broadcast_in_dim3A_676] : memref<6144x16xf32, #tpu.memory_space<vmem>>[vector<16xi32>, vector<16xi32>], vector<16xf32>,
        %mul3A_678 = arith.mulf %get3A_154, %gather3A_677 : vector<16xf32>
        %add3A_679 = arith.addf %add3A_596, %mul3A_678 : vector<16xf32>
        %broadcast_in_dim3A_680 = arith.constant 6 : i32
        %broadcast_in_dim3A_681 = vector.broadcast %broadcast_in_dim3A_680 : i32 to vector<16xi32>
        %gather3A_682 = tpu.vector_load_idx %arg8[%add3A_649, %broadcast_in_dim3A_681] : memref<6144x16xf32, #tpu.memory_space<vmem>>[vector<16xi32>, vector<16xi32>], vector<16xf32>,
        %mul3A_683 = arith.mulf %get3A_154, %gather3A_682 : vector<16xf32>
        %add3A_684 = arith.addf %add3A_601, %mul3A_683 : vector<16xf32>
        %broadcast_in_dim3A_685 = arith.constant 7 : i32
        %broadcast_in_dim3A_686 = vector.broadcast %broadcast_in_dim3A_685 : i32 to vector<16xi32>
        %gather3A_687 = tpu.vector_load_idx %arg8[%add3A_649, %broadcast_in_dim3A_686] : memref<6144x16xf32, #tpu.memory_space<vmem>>[vector<16xi32>, vector<16xi32>], vector<16xf32>,
        %mul3A_688 = arith.mulf %get3A_154, %gather3A_687 : vector<16xf32>
        %add3A_689 = arith.addf %add3A_606, %mul3A_688 : vector<16xf32>
        %broadcast_in_dim3A_690 = arith.constant 8 : i32
        %broadcast_in_dim3A_691 = vector.broadcast %broadcast_in_dim3A_690 : i32 to vector<16xi32>
        %gather3A_692 = tpu.vector_load_idx %arg8[%add3A_649, %broadcast_in_dim3A_691] : memref<6144x16xf32, #tpu.memory_space<vmem>>[vector<16xi32>, vector<16xi32>], vector<16xf32>,
        %mul3A_693 = arith.mulf %get3A_154, %gather3A_692 : vector<16xf32>
        %add3A_694 = arith.addf %add3A_611, %mul3A_693 : vector<16xf32>
        %broadcast_in_dim3A_695 = arith.constant 9 : i32
        %broadcast_in_dim3A_696 = vector.broadcast %broadcast_in_dim3A_695 : i32 to vector<16xi32>
        %gather3A_697 = tpu.vector_load_idx %arg8[%add3A_649, %broadcast_in_dim3A_696] : memref<6144x16xf32, #tpu.memory_space<vmem>>[vector<16xi32>, vector<16xi32>], vector<16xf32>,
        %mul3A_698 = arith.mulf %get3A_154, %gather3A_697 : vector<16xf32>
        %add3A_699 = arith.addf %add3A_616, %mul3A_698 : vector<16xf32>
        %broadcast_in_dim3A_700 = arith.constant 10 : i32
        %broadcast_in_dim3A_701 = vector.broadcast %broadcast_in_dim3A_700 : i32 to vector<16xi32>
        %gather3A_702 = tpu.vector_load_idx %arg8[%add3A_649, %broadcast_in_dim3A_701] : memref<6144x16xf32, #tpu.memory_space<vmem>>[vector<16xi32>, vector<16xi32>], vector<16xf32>,
        %mul3A_703 = arith.mulf %get3A_154, %gather3A_702 : vector<16xf32>
        %add3A_704 = arith.addf %add3A_621, %mul3A_703 : vector<16xf32>
        %broadcast_in_dim3A_705 = arith.constant 11 : i32
        %broadcast_in_dim3A_706 = vector.broadcast %broadcast_in_dim3A_705 : i32 to vector<16xi32>
        %gather3A_707 = tpu.vector_load_idx %arg8[%add3A_649, %broadcast_in_dim3A_706] : memref<6144x16xf32, #tpu.memory_space<vmem>>[vector<16xi32>, vector<16xi32>], vector<16xf32>,
        %mul3A_708 = arith.mulf %get3A_154, %gather3A_707 : vector<16xf32>
        %add3A_709 = arith.addf %add3A_626, %mul3A_708 : vector<16xf32>
        %broadcast_in_dim3A_710 = arith.constant 12 : i32
        %broadcast_in_dim3A_711 = vector.broadcast %broadcast_in_dim3A_710 : i32 to vector<16xi32>
        %gather3A_712 = tpu.vector_load_idx %arg8[%add3A_649, %broadcast_in_dim3A_711] : memref<6144x16xf32, #tpu.memory_space<vmem>>[vector<16xi32>, vector<16xi32>], vector<16xf32>,
        %mul3A_713 = arith.mulf %get3A_154, %gather3A_712 : vector<16xf32>
        %add3A_714 = arith.addf %add3A_631, %mul3A_713 : vector<16xf32>
        %broadcast_in_dim3A_715 = arith.constant 13 : i32
        %broadcast_in_dim3A_716 = vector.broadcast %broadcast_in_dim3A_715 : i32 to vector<16xi32>
        %gather3A_717 = tpu.vector_load_idx %arg8[%add3A_649, %broadcast_in_dim3A_716] : memref<6144x16xf32, #tpu.memory_space<vmem>>[vector<16xi32>, vector<16xi32>], vector<16xf32>,
        %mul3A_718 = arith.mulf %get3A_154, %gather3A_717 : vector<16xf32>
        %add3A_719 = arith.addf %add3A_636, %mul3A_718 : vector<16xf32>
        %broadcast_in_dim3A_720 = arith.constant 14 : i32
        %broadcast_in_dim3A_721 = vector.broadcast %broadcast_in_dim3A_720 : i32 to vector<16xi32>
        %gather3A_722 = tpu.vector_load_idx %arg8[%add3A_649, %broadcast_in_dim3A_721] : memref<6144x16xf32, #tpu.memory_space<vmem>>[vector<16xi32>, vector<16xi32>], vector<16xf32>,
        %mul3A_723 = arith.mulf %get3A_154, %gather3A_722 : vector<16xf32>
        %add3A_724 = arith.addf %add3A_641, %mul3A_723 : vector<16xf32>
        %broadcast_in_dim3A_725 = arith.constant 15 : i32
        %broadcast_in_dim3A_726 = vector.broadcast %broadcast_in_dim3A_725 : i32 to vector<16xi32>
        %gather3A_727 = tpu.vector_load_idx %arg8[%add3A_649, %broadcast_in_dim3A_726] : memref<6144x16xf32, #tpu.memory_space<vmem>>[vector<16xi32>, vector<16xi32>], vector<16xf32>,
        %mul3A_728 = arith.mulf %get3A_154, %gather3A_727 : vector<16xf32>
        %add3A_729 = arith.addf %add3A_646, %mul3A_728 : vector<16xf32>
        %add3A_730 = arith.constant 112 : i32
        %add3A_731 = vector.broadcast %add3A_730 : i32 to vector<16xi32>
        %add3A_732 = arith.addi %add3A_166, %add3A_731 : vector<16xi32>
        %broadcast_in_dim3A_733 = arith.constant 0 : i32
        %broadcast_in_dim3A_734 = vector.broadcast %broadcast_in_dim3A_733 : i32 to vector<16xi32>
        %gather3A_735 = tpu.vector_load_idx %arg8[%add3A_732, %broadcast_in_dim3A_734] : memref<6144x16xf32, #tpu.memory_space<vmem>>[vector<16xi32>, vector<16xi32>], vector<16xf32>,
        %mul3A_736 = arith.mulf %get3A_159, %gather3A_735 : vector<16xf32>
        %add3A_737 = arith.addf %add3A_654, %mul3A_736 : vector<16xf32>
        %broadcast_in_dim3A_738 = arith.constant 1 : i32
        %broadcast_in_dim3A_739 = vector.broadcast %broadcast_in_dim3A_738 : i32 to vector<16xi32>
        %gather3A_740 = tpu.vector_load_idx %arg8[%add3A_732, %broadcast_in_dim3A_739] : memref<6144x16xf32, #tpu.memory_space<vmem>>[vector<16xi32>, vector<16xi32>], vector<16xf32>,
        %mul3A_741 = arith.mulf %get3A_159, %gather3A_740 : vector<16xf32>
        %add3A_742 = arith.addf %add3A_659, %mul3A_741 : vector<16xf32>
        %broadcast_in_dim3A_743 = arith.constant 2 : i32
        %broadcast_in_dim3A_744 = vector.broadcast %broadcast_in_dim3A_743 : i32 to vector<16xi32>
        %gather3A_745 = tpu.vector_load_idx %arg8[%add3A_732, %broadcast_in_dim3A_744] : memref<6144x16xf32, #tpu.memory_space<vmem>>[vector<16xi32>, vector<16xi32>], vector<16xf32>,
        %mul3A_746 = arith.mulf %get3A_159, %gather3A_745 : vector<16xf32>
        %add3A_747 = arith.addf %add3A_664, %mul3A_746 : vector<16xf32>
        %broadcast_in_dim3A_748 = arith.constant 3 : i32
        %broadcast_in_dim3A_749 = vector.broadcast %broadcast_in_dim3A_748 : i32 to vector<16xi32>
        %gather3A_750 = tpu.vector_load_idx %arg8[%add3A_732, %broadcast_in_dim3A_749] : memref<6144x16xf32, #tpu.memory_space<vmem>>[vector<16xi32>, vector<16xi32>], vector<16xf32>,
        %mul3A_751 = arith.mulf %get3A_159, %gather3A_750 : vector<16xf32>
        %add3A_752 = arith.addf %add3A_669, %mul3A_751 : vector<16xf32>
        %broadcast_in_dim3A_753 = arith.constant 4 : i32
        %broadcast_in_dim3A_754 = vector.broadcast %broadcast_in_dim3A_753 : i32 to vector<16xi32>
        %gather3A_755 = tpu.vector_load_idx %arg8[%add3A_732, %broadcast_in_dim3A_754] : memref<6144x16xf32, #tpu.memory_space<vmem>>[vector<16xi32>, vector<16xi32>], vector<16xf32>,
        %mul3A_756 = arith.mulf %get3A_159, %gather3A_755 : vector<16xf32>
        %add3A_757 = arith.addf %add3A_674, %mul3A_756 : vector<16xf32>
        %broadcast_in_dim3A_758 = arith.constant 5 : i32
        %broadcast_in_dim3A_759 = vector.broadcast %broadcast_in_dim3A_758 : i32 to vector<16xi32>
        %gather3A_760 = tpu.vector_load_idx %arg8[%add3A_732, %broadcast_in_dim3A_759] : memref<6144x16xf32, #tpu.memory_space<vmem>>[vector<16xi32>, vector<16xi32>], vector<16xf32>,
        %mul3A_761 = arith.mulf %get3A_159, %gather3A_760 : vector<16xf32>
        %add3A_762 = arith.addf %add3A_679, %mul3A_761 : vector<16xf32>
        %broadcast_in_dim3A_763 = arith.constant 6 : i32
        %broadcast_in_dim3A_764 = vector.broadcast %broadcast_in_dim3A_763 : i32 to vector<16xi32>
        %gather3A_765 = tpu.vector_load_idx %arg8[%add3A_732, %broadcast_in_dim3A_764] : memref<6144x16xf32, #tpu.memory_space<vmem>>[vector<16xi32>, vector<16xi32>], vector<16xf32>,
        %mul3A_766 = arith.mulf %get3A_159, %gather3A_765 : vector<16xf32>
        %add3A_767 = arith.addf %add3A_684, %mul3A_766 : vector<16xf32>
        %broadcast_in_dim3A_768 = arith.constant 7 : i32
        %broadcast_in_dim3A_769 = vector.broadcast %broadcast_in_dim3A_768 : i32 to vector<16xi32>
        %gather3A_770 = tpu.vector_load_idx %arg8[%add3A_732, %broadcast_in_dim3A_769] : memref<6144x16xf32, #tpu.memory_space<vmem>>[vector<16xi32>, vector<16xi32>], vector<16xf32>,
        %mul3A_771 = arith.mulf %get3A_159, %gather3A_770 : vector<16xf32>
        %add3A_772 = arith.addf %add3A_689, %mul3A_771 : vector<16xf32>
        %broadcast_in_dim3A_773 = arith.constant 8 : i32
        %broadcast_in_dim3A_774 = vector.broadcast %broadcast_in_dim3A_773 : i32 to vector<16xi32>
        %gather3A_775 = tpu.vector_load_idx %arg8[%add3A_732, %broadcast_in_dim3A_774] : memref<6144x16xf32, #tpu.memory_space<vmem>>[vector<16xi32>, vector<16xi32>], vector<16xf32>,
        %mul3A_776 = arith.mulf %get3A_159, %gather3A_775 : vector<16xf32>
        %add3A_777 = arith.addf %add3A_694, %mul3A_776 : vector<16xf32>
        %broadcast_in_dim3A_778 = arith.constant 9 : i32
        %broadcast_in_dim3A_779 = vector.broadcast %broadcast_in_dim3A_778 : i32 to vector<16xi32>
        %gather3A_780 = tpu.vector_load_idx %arg8[%add3A_732, %broadcast_in_dim3A_779] : memref<6144x16xf32, #tpu.memory_space<vmem>>[vector<16xi32>, vector<16xi32>], vector<16xf32>,
        %mul3A_781 = arith.mulf %get3A_159, %gather3A_780 : vector<16xf32>
        %add3A_782 = arith.addf %add3A_699, %mul3A_781 : vector<16xf32>
        %broadcast_in_dim3A_783 = arith.constant 10 : i32
        %broadcast_in_dim3A_784 = vector.broadcast %broadcast_in_dim3A_783 : i32 to vector<16xi32>
        %gather3A_785 = tpu.vector_load_idx %arg8[%add3A_732, %broadcast_in_dim3A_784] : memref<6144x16xf32, #tpu.memory_space<vmem>>[vector<16xi32>, vector<16xi32>], vector<16xf32>,
        %mul3A_786 = arith.mulf %get3A_159, %gather3A_785 : vector<16xf32>
        %add3A_787 = arith.addf %add3A_704, %mul3A_786 : vector<16xf32>
        %broadcast_in_dim3A_788 = arith.constant 11 : i32
        %broadcast_in_dim3A_789 = vector.broadcast %broadcast_in_dim3A_788 : i32 to vector<16xi32>
        %gather3A_790 = tpu.vector_load_idx %arg8[%add3A_732, %broadcast_in_dim3A_789] : memref<6144x16xf32, #tpu.memory_space<vmem>>[vector<16xi32>, vector<16xi32>], vector<16xf32>,
        %mul3A_791 = arith.mulf %get3A_159, %gather3A_790 : vector<16xf32>
        %add3A_792 = arith.addf %add3A_709, %mul3A_791 : vector<16xf32>
        %broadcast_in_dim3A_793 = arith.constant 12 : i32
        %broadcast_in_dim3A_794 = vector.broadcast %broadcast_in_dim3A_793 : i32 to vector<16xi32>
        %gather3A_795 = tpu.vector_load_idx %arg8[%add3A_732, %broadcast_in_dim3A_794] : memref<6144x16xf32, #tpu.memory_space<vmem>>[vector<16xi32>, vector<16xi32>], vector<16xf32>,
        %mul3A_796 = arith.mulf %get3A_159, %gather3A_795 : vector<16xf32>
        %add3A_797 = arith.addf %add3A_714, %mul3A_796 : vector<16xf32>
        %broadcast_in_dim3A_798 = arith.constant 13 : i32
        %broadcast_in_dim3A_799 = vector.broadcast %broadcast_in_dim3A_798 : i32 to vector<16xi32>
        %gather3A_800 = tpu.vector_load_idx %arg8[%add3A_732, %broadcast_in_dim3A_799] : memref<6144x16xf32, #tpu.memory_space<vmem>>[vector<16xi32>, vector<16xi32>], vector<16xf32>,
        %mul3A_801 = arith.mulf %get3A_159, %gather3A_800 : vector<16xf32>
        %add3A_802 = arith.addf %add3A_719, %mul3A_801 : vector<16xf32>
        %broadcast_in_dim3A_803 = arith.constant 14 : i32
        %broadcast_in_dim3A_804 = vector.broadcast %broadcast_in_dim3A_803 : i32 to vector<16xi32>
        %gather3A_805 = tpu.vector_load_idx %arg8[%add3A_732, %broadcast_in_dim3A_804] : memref<6144x16xf32, #tpu.memory_space<vmem>>[vector<16xi32>, vector<16xi32>], vector<16xf32>,
        %mul3A_806 = arith.mulf %get3A_159, %gather3A_805 : vector<16xf32>
        %add3A_807 = arith.addf %add3A_724, %mul3A_806 : vector<16xf32>
        %broadcast_in_dim3A_808 = arith.constant 15 : i32
        %broadcast_in_dim3A_809 = vector.broadcast %broadcast_in_dim3A_808 : i32 to vector<16xi32>
        %gather3A_810 = tpu.vector_load_idx %arg8[%add3A_732, %broadcast_in_dim3A_809] : memref<6144x16xf32, #tpu.memory_space<vmem>>[vector<16xi32>, vector<16xi32>], vector<16xf32>,
        %mul3A_811 = arith.mulf %get3A_159, %gather3A_810 : vector<16xf32>
        %add3A_812 = arith.addf %add3A_729, %mul3A_811 : vector<16xf32>
        %mul3A_813 = arith.constant 256 : i32
        %mul3A_814 = arith.muli %scan3A_118, %mul3A_813 : i32
        %add3A_815 = vector.broadcast %mul3A_814 : i32 to vector<16xi32>
        %add3A_816 = arith.addi %add3A_815, %mul3A_7 : vector<16xi32>
        %add3A_817 = arith.constant 0 : i32
        %add3A_818 = vector.broadcast %add3A_817 : i32 to vector<16xi32>
        %add3A_819 = arith.addi %add3A_816, %add3A_818 : vector<16xi32>
        tpu.vector_store_idx %arg9[%add3A_819], %add3A_737 : memref<4096xf32, #tpu.memory_space<vmem>>[vector<16xi32>], vector<16xf32>,
        %add3A_820 = arith.constant 1 : i32
        %add3A_821 = vector.broadcast %add3A_820 : i32 to vector<16xi32>
        %add3A_822 = arith.addi %add3A_816, %add3A_821 : vector<16xi32>
        tpu.vector_store_idx %arg9[%add3A_822], %add3A_742 : memref<4096xf32, #tpu.memory_space<vmem>>[vector<16xi32>], vector<16xf32>,
        %add3A_823 = arith.constant 2 : i32
        %add3A_824 = vector.broadcast %add3A_823 : i32 to vector<16xi32>
        %add3A_825 = arith.addi %add3A_816, %add3A_824 : vector<16xi32>
        tpu.vector_store_idx %arg9[%add3A_825], %add3A_747 : memref<4096xf32, #tpu.memory_space<vmem>>[vector<16xi32>], vector<16xf32>,
        %add3A_826 = arith.constant 3 : i32
        %add3A_827 = vector.broadcast %add3A_826 : i32 to vector<16xi32>
        %add3A_828 = arith.addi %add3A_816, %add3A_827 : vector<16xi32>
        tpu.vector_store_idx %arg9[%add3A_828], %add3A_752 : memref<4096xf32, #tpu.memory_space<vmem>>[vector<16xi32>], vector<16xf32>,
        %add3A_829 = arith.constant 4 : i32
        %add3A_830 = vector.broadcast %add3A_829 : i32 to vector<16xi32>
        %add3A_831 = arith.addi %add3A_816, %add3A_830 : vector<16xi32>
        tpu.vector_store_idx %arg9[%add3A_831], %add3A_757 : memref<4096xf32, #tpu.memory_space<vmem>>[vector<16xi32>], vector<16xf32>,
        %add3A_832 = arith.constant 5 : i32
        %add3A_833 = vector.broadcast %add3A_832 : i32 to vector<16xi32>
        %add3A_834 = arith.addi %add3A_816, %add3A_833 : vector<16xi32>
        tpu.vector_store_idx %arg9[%add3A_834], %add3A_762 : memref<4096xf32, #tpu.memory_space<vmem>>[vector<16xi32>], vector<16xf32>,
        %add3A_835 = arith.constant 6 : i32
        %add3A_836 = vector.broadcast %add3A_835 : i32 to vector<16xi32>
        %add3A_837 = arith.addi %add3A_816, %add3A_836 : vector<16xi32>
        tpu.vector_store_idx %arg9[%add3A_837], %add3A_767 : memref<4096xf32, #tpu.memory_space<vmem>>[vector<16xi32>], vector<16xf32>,
        %add3A_838 = arith.constant 7 : i32
        %add3A_839 = vector.broadcast %add3A_838 : i32 to vector<16xi32>
        %add3A_840 = arith.addi %add3A_816, %add3A_839 : vector<16xi32>
        tpu.vector_store_idx %arg9[%add3A_840], %add3A_772 : memref<4096xf32, #tpu.memory_space<vmem>>[vector<16xi32>], vector<16xf32>,
        %add3A_841 = arith.constant 8 : i32
        %add3A_842 = vector.broadcast %add3A_841 : i32 to vector<16xi32>
        %add3A_843 = arith.addi %add3A_816, %add3A_842 : vector<16xi32>
        tpu.vector_store_idx %arg9[%add3A_843], %add3A_777 : memref<4096xf32, #tpu.memory_space<vmem>>[vector<16xi32>], vector<16xf32>,
        %add3A_844 = arith.constant 9 : i32
        %add3A_845 = vector.broadcast %add3A_844 : i32 to vector<16xi32>
        %add3A_846 = arith.addi %add3A_816, %add3A_845 : vector<16xi32>
        tpu.vector_store_idx %arg9[%add3A_846], %add3A_782 : memref<4096xf32, #tpu.memory_space<vmem>>[vector<16xi32>], vector<16xf32>,
        %add3A_847 = arith.constant 10 : i32
        %add3A_848 = vector.broadcast %add3A_847 : i32 to vector<16xi32>
        %add3A_849 = arith.addi %add3A_816, %add3A_848 : vector<16xi32>
        tpu.vector_store_idx %arg9[%add3A_849], %add3A_787 : memref<4096xf32, #tpu.memory_space<vmem>>[vector<16xi32>], vector<16xf32>,
        %add3A_850 = arith.constant 11 : i32
        %add3A_851 = vector.broadcast %add3A_850 : i32 to vector<16xi32>
        %add3A_852 = arith.addi %add3A_816, %add3A_851 : vector<16xi32>
        tpu.vector_store_idx %arg9[%add3A_852], %add3A_792 : memref<4096xf32, #tpu.memory_space<vmem>>[vector<16xi32>], vector<16xf32>,
        %add3A_853 = arith.constant 12 : i32
        %add3A_854 = vector.broadcast %add3A_853 : i32 to vector<16xi32>
        %add3A_855 = arith.addi %add3A_816, %add3A_854 : vector<16xi32>
        tpu.vector_store_idx %arg9[%add3A_855], %add3A_797 : memref<4096xf32, #tpu.memory_space<vmem>>[vector<16xi32>], vector<16xf32>,
        %add3A_856 = arith.constant 13 : i32
        %add3A_857 = vector.broadcast %add3A_856 : i32 to vector<16xi32>
        %add3A_858 = arith.addi %add3A_816, %add3A_857 : vector<16xi32>
        tpu.vector_store_idx %arg9[%add3A_858], %add3A_802 : memref<4096xf32, #tpu.memory_space<vmem>>[vector<16xi32>], vector<16xf32>,
        %add3A_859 = arith.constant 14 : i32
        %add3A_860 = vector.broadcast %add3A_859 : i32 to vector<16xi32>
        %add3A_861 = arith.addi %add3A_816, %add3A_860 : vector<16xi32>
        tpu.vector_store_idx %arg9[%add3A_861], %add3A_807 : memref<4096xf32, #tpu.memory_space<vmem>>[vector<16xi32>], vector<16xf32>,
        %add3A_862 = arith.constant 15 : i32
        %add3A_863 = vector.broadcast %add3A_862 : i32 to vector<16xi32>
        %add3A_864 = arith.addi %add3A_816, %add3A_863 : vector<16xi32>
        tpu.vector_store_idx %arg9[%add3A_864], %add3A_812 : memref<4096xf32, #tpu.memory_space<vmem>>[vector<16xi32>], vector<16xf32>,
      }
      %scan3A_103 = arith.constant 16 : i32
      %mul3A_104 = arith.constant 16 : i32
      %mul3A_105 = arith.muli %scan3A_74, %mul3A_104 : i32
      %add3A_106 = arith.addi %mul3A_4, %mul3A_105 : i32
      %mul3A_107 = arith.constant 256 : i32
      %mul3A_108 = arith.muli %add3A_106, %mul3A_107 : i32
      %dma_start3A_109 = tpu.memref_slice %arg5[%mul3A_108] : memref<16777216xf32, #tpu.memory_space<hbm>> -> memref<4096xf32, #tpu.memory_space<hbm>>
      %dma_start3A_110 = tpu.memref_slice %arg5[%mul3A_108] : memref<16777216xf32, #tpu.memory_space<hbm>> -> memref<4096xf32, #tpu.memory_space<hbm>>
      tpu.enqueue_dma source(%arg9 : memref<4096xf32, #tpu.memory_space<vmem>>) target(%dma_start3A_110 : memref<4096xf32, #tpu.memory_space<hbm>>) target_semaphore(%arg15 : memref<!tpu.dma_semaphore, #tpu.memory_space<semaphore_mem>>)
      %add3A_111 = arith.constant 3 : i32
      %add3A_112 = arith.addi %scan3A_74, %add3A_111 : i32
      %lt3A_113 = arith.constant 128 : i32
      %lt3A_114 = arith.cmpi slt, %add3A_112, %lt3A_113 : i32
      %convert_element_type3A_115 = arith.extui %lt3A_114 : i1 to i32
      %cond3A_116 = arith.constant 0 : i32
      %cond3A_117 = arith.cmpi ne, %convert_element_type3A_115, %cond3A_116 : i32
      scf.if %cond3A_117 {
        %add3A_118 = arith.constant 3 : i32
        %add3A_119 = arith.addi %scan3A_74, %add3A_118 : i32
        %rem3A_120 = arith.constant 3 : i32
        %rem3A_121 = arith.remsi %add3A_119, %rem3A_120 : i32
        %add3A_122 = arith.constant 3 : i32
        %add3A_123 = arith.addi %scan3A_74, %add3A_122 : i32
        %mul3A_124 = arith.constant 16 : i32
        %mul3A_125 = arith.muli %add3A_123, %mul3A_124 : i32
        %add3A_126 = arith.addi %mul3A_4, %mul3A_125 : i32
        %mul3A_127 = arith.constant 128 : i32
        %mul3A_128 = arith.muli %add3A_126, %mul3A_127 : i32
        %dma_start3A_129 = arith.constant 0 : i32
        %dma_start3A_130 = tpu.memref_slice %arg6[%rem3A_121, %dma_start3A_129] : memref<3x2048xi32, #tpu.memory_space<vmem>> -> memref<1x2048xi32, #tpu.memory_space<vmem>>
        %dma_start3A_131 = tpu.memref_squeeze %dma_start3A_130 : memref<1x2048xi32, #tpu.memory_space<vmem>> -> memref<2048xi32, #tpu.memory_space<vmem>>
        %dma_start3A_132 = tpu.memref_slice %arg3[%mul3A_128] : memref<8388608xi32, #tpu.memory_space<hbm>> -> memref<2048xi32, #tpu.memory_space<hbm>>
        %dma_start3A_133 = arith.constant 0 : i32
        %dma_start3A_134 = tpu.memref_slice %arg6[%rem3A_121, %dma_start3A_133] : memref<3x2048xi32, #tpu.memory_space<vmem>> -> memref<1x2048xi32, #tpu.memory_space<vmem>>
        %dma_start3A_135 = tpu.memref_squeeze %dma_start3A_134 : memref<1x2048xi32, #tpu.memory_space<vmem>> -> memref<2048xi32, #tpu.memory_space<vmem>>
        %dma_start3A_136 = tpu.memref_slice %arg3[%mul3A_128] : memref<8388608xi32, #tpu.memory_space<hbm>> -> memref<2048xi32, #tpu.memory_space<hbm>>
        tpu.enqueue_dma source(%dma_start3A_136 : memref<2048xi32, #tpu.memory_space<hbm>>) target(%dma_start3A_135 : memref<2048xi32, #tpu.memory_space<vmem>>) target_semaphore(%arg14 : memref<!tpu.dma_semaphore, #tpu.memory_space<semaphore_mem>>)
        %add3A_137 = arith.constant 3 : i32
        %add3A_138 = arith.addi %scan3A_74, %add3A_137 : i32
        %mul3A_139 = arith.constant 16 : i32
        %mul3A_140 = arith.muli %add3A_138, %mul3A_139 : i32
        %add3A_141 = arith.addi %mul3A_4, %mul3A_140 : i32
        %mul3A_142 = arith.constant 128 : i32
        %mul3A_143 = arith.muli %add3A_141, %mul3A_142 : i32
        %dma_start3A_144 = arith.constant 0 : i32
        %dma_start3A_145 = tpu.memref_slice %arg7[%rem3A_121, %dma_start3A_144] : memref<3x2048xf32, #tpu.memory_space<vmem>> -> memref<1x2048xf32, #tpu.memory_space<vmem>>
        %dma_start3A_146 = tpu.memref_squeeze %dma_start3A_145 : memref<1x2048xf32, #tpu.memory_space<vmem>> -> memref<2048xf32, #tpu.memory_space<vmem>>
        %dma_start3A_147 = tpu.memref_slice %arg4[%mul3A_143] : memref<8388608xf32, #tpu.memory_space<hbm>> -> memref<2048xf32, #tpu.memory_space<hbm>>
        %dma_start3A_148 = arith.constant 0 : i32
        %dma_start3A_149 = tpu.memref_slice %arg7[%rem3A_121, %dma_start3A_148] : memref<3x2048xf32, #tpu.memory_space<vmem>> -> memref<1x2048xf32, #tpu.memory_space<vmem>>
        %dma_start3A_150 = tpu.memref_squeeze %dma_start3A_149 : memref<1x2048xf32, #tpu.memory_space<vmem>> -> memref<2048xf32, #tpu.memory_space<vmem>>
        %dma_start3A_151 = tpu.memref_slice %arg4[%mul3A_143] : memref<8388608xf32, #tpu.memory_space<hbm>> -> memref<2048xf32, #tpu.memory_space<hbm>>
        tpu.enqueue_dma source(%dma_start3A_151 : memref<2048xf32, #tpu.memory_space<hbm>>) target(%dma_start3A_150 : memref<2048xf32, #tpu.memory_space<vmem>>) target_semaphore(%arg14 : memref<!tpu.dma_semaphore, #tpu.memory_space<semaphore_mem>>)
      } else {
      }
    }
    %scan3A_68 = arith.constant 128 : i32
    %add3A_69 = arith.constant 2032 : i32
    %add3A_70 = arith.addi %mul3A_4, %add3A_69 : i32
    %mul3A_71 = arith.constant 256 : i32
    %mul3A_72 = arith.muli %add3A_70, %mul3A_71 : i32
    %dma_wait3A = tpu.memref_slice %arg5[%mul3A_72] : memref<16777216xf32, #tpu.memory_space<hbm>> -> memref<4096xf32, #tpu.memory_space<hbm>>
    %dma_wait3A_73 = tpu.memref_slice %arg5[%mul3A_72] : memref<16777216xf32, #tpu.memory_space<hbm>> -> memref<4096xf32, #tpu.memory_space<hbm>>
    tpu.wait_dma2 semaphore(%arg15 : memref<!tpu.dma_semaphore, #tpu.memory_space<semaphore_mem>>) src(%arg9 : memref<4096xf32, #tpu.memory_space<vmem>>) dst(%dma_wait3A_73 : memref<4096xf32, #tpu.memory_space<hbm>>)
    return
  }
}

</mosaic_0001>

<sc_bundles>
// kernel: _sc_encode.4.cloned.1.call-start
scs
__scs_entry_jumppad:
0x0: {  	(pc) =	sbr.rel $0x88, $3  }
0x1: {  	(tag) =	ssettag $0x0;
	lr =	simm.s32 $0x1  }
0x2: {  	[smem:$0x3F9D] =	sst lr;
	_ =	strace $0xD0000000  }
0x3: {  	_ = 	snop  }
0x4: {  	_ = 	snop  }
0x5: {  	_ = 	snop  }
0x6: {  	_ = 	snop  }
0x7: {  	_ = 	snop  }
__scs_overlays_trampoline_lowered:
0x8: {  	[smem:$0x3FAC] =	sst s0  }
0x9: {  	[smem:$0x3FAD] =	sst s1  }
0xa: {  	[smem:$0x3FAE] =	sst s2  }
0xb: {  	[smem:$0x3FAF] =	sst s3  }
0xc: {  	[smem:$0x3FB0] =	sst s4  }
0xd: {  	[smem:$0x3FB1] =	sst s5  }
0xe: {  	[smem:$0x3FB2] =	sst s6  }
0xf: {  	[smem:$0x3FB3] =	sst s7  }
0x10: {  	[smem:$0x3FB4] =	sst s8  }
0x11: {  	[smem:$0x3FB5] =	sst s9;
	s0 =	simm.s32 @!p0 $0x0  }
0x12: {  	s1 =	sld [smem:$0x3F9B];
	s0 =	simm.s32 @p0 $0x1  }
0x13: {  	[smem:$0x3FB6] =	sst s0;
	s0 =	simm.s32 @!p1 $0x0  }
0x14: {  	s2 =	sld [smem:$0x3F9A];
	s0 =	simm.s32 @p1 $0x1  }
0x15: {  	[smem:$0x3FB7] =	sst s0;
	s0 =	simm.s32 @!p2 $0x0  }
0x16: {  	s3 =	sld [smem:$0x3FDB];
	s0 =	simm.s32 @p2 $0x1  }
0x17: {  	s4 =	simm.s32 $0x1BF5;
	[smem:$0x3FB9] =	sst s0  }
0x18: {  	s0 =	sld [smem:$0x3F9C];
	_ =	swait.ge [sflag:s4], $0x0  }
0x19: {  	s7 =	sld [smem:$0x3F9D]  }
0x1a: {  	s8 =	sadd.s32 $0xFFFFE003, lr  }
0x1b: {  	s9 =	sadd.s32 $0xFFFFFEF7, lr;
	s5 =	simm.s32 $0xFFFFFFFF;
	p2 =	slt.u32 s8, $0xFFFFF086  }
0x1c: {  	p1 =	slt.u32 s9, $0xF7A;
	s5 =	simm.s32 @!p2 $0x0  }
0x1d: {  	s5 =	simm.s32 @p1 $0x1;
	p0 =	seq.s32 s7, s2  }
0x1e: {  	s7 =	smul.u32 @!p0 $0xF7A, s2;
	p2 =	seq.s32 @!p0 s5, $0x0  }
0x1f: {  	s9 =	smul.u32 $0xF7A, s1;
	s8 =	simm.s32 @!p0 $0x1BF5;
	p2 =	por !p2, p0  }
0x20: {  	[sflag:s8] =	ssyncset.s32 @!p0 $0xFFFFF086;
	s6 =	sadd.s32 @!p0 s3, s7;
	s7 =	simm.s32 @!p0 $0x108  }
0x21: {  	s3 =	sadd.s32 s3, s9;
	s6 =	sadd.s32 @!p0 $0x88, s6;
	s7 =	simm.s32 @p2 $0x1082  }
0x22: {  	[simem:s7], [sflag:s8] =	dma.local @!p0 [hbm:s6], $0xF7A  }
0x23: {  	s9 =	sor.u32 $0xD0000000, s2;
	s6 =	simm.s32 $0x108;
	_ =	swait.ge @!p0 [sflag:s8], $0x0  }
0x24: {  	s3 =	sadd.s32 $0x88, s3;
	s6 =	simm.s32 @!p1 $0x1082;
	[sflag:s4] =	ssyncset.s32 $0xFFFFF086  }
0x25: {  	[simem:s6], [sflag:s4] =	dma.local [hbm:s3], $0xF7A  }
0x26: {  	[smem:$0x3F9D] =	sst s1;
	(tag) =	ssettag s2;
	_ =	strace s9  }
0x27: {  	s1 =	sld [smem:$0x3FAD]  }
0x28: {  	s2 =	sld [smem:$0x3FAE]  }
0x29: {  	s4 =	sld [smem:$0x3FB0]  }
0x2a: {  	p0 =	seq.s32 s5, $0x0;
	s5 =	sld [smem:$0x3FB1]  }
0x2b: {  	s6 =	sld [smem:$0x3FB2]  }
0x2c: {  	s7 =	sld [smem:$0x3FB3]  }
0x2d: {  	s3 =	simm.s32 $0x108;
	s8 =	sld [smem:$0x3FB4]  }
0x2e: {  	s3 =	simm.s32 @!p0 $0x1082;
	s9 =	sld [smem:$0x3FB5]  }
0x2f: {  	lr =	sadd.s32 s0, s3;
	s0 =	sld [smem:$0x3FAC]  }
0x30: {  	s3 =	sld [smem:$0x3FAF]  }
0x31: {  	[smem:$0x3FB8] =	sst s10  }
0x32: {  	s10 =	sld [smem:$0x3FB6];
	_ =	sdelay $0x3  }
0x33: {  	p0 =	seq.s32 s10, $0x1;
	s10 =	sld [smem:$0x3FB8];
	_ =	sdelay $0x3  }
0x34: {  	[smem:$0x3FB8] =	sst s10  }
0x35: {  	s10 =	sld [smem:$0x3FB7];
	_ =	sdelay $0x3  }
0x36: {  	p1 =	seq.s32 s10, $0x1;
	s10 =	sld [smem:$0x3FB8];
	_ =	sdelay $0x3  }
0x37: {  	[smem:$0x3FB8] =	sst s10  }
0x38: {  	s10 =	sld [smem:$0x3FB9]  }
0x39: {  	_ = 	snop;
	(pc) =	sbr.ind lr, $3  }
0x3a: {  	_ = 	snop  }
0x3b: {  	_ = 	snop  }
0x3c: {  	p2 =	seq.s32 s10, $0x1;
	s10 =	sld [smem:$0x3FB8]  }
0x3d: {  	_ =	shalt  }
0x3e: {  	_ =	shalt  }
0x3f: {  	_ =	shalt  }
0x40: {  	_ =	shalt  }
0x41: {  	_ =	shalt  }
0x42: {  	_ =	shalt  }
0x43: {  	_ =	shalt  }
0x44: {  	_ =	shalt  }
0x45: {  	_ =	shalt  }
0x46: {  	_ =	shalt  }
0x47: {  	_ =	shalt  }
0x48: {  	_ =	shalt  }
0x49: {  	_ =	shalt  }
0x4a: {  	_ =	shalt  }
0x4b: {  	_ =	shalt  }
0x4c: {  	_ =	shalt  }
0x4d: {  	_ =	shalt  }
0x4e: {  	_ =	shalt  }
0x4f: {  	_ =	shalt  }
0x50: {  	_ =	shalt  }
0x51: {  	_ =	shalt  }
0x52: {  	_ =	shalt  }
0x53: {  	_ =	shalt  }
0x54: {  	_ =	shalt  }
0x55: {  	_ =	shalt  }
0x56: {  	_ =	shalt  }
0x57: {  	_ =	shalt  }
0x58: {  	_ =	shalt  }
0x59: {  	_ =	shalt  }
0x5a: {  	_ =	shalt  }
0x5b: {  	_ =	shalt  }
0x5c: {  	_ =	shalt  }
0x5d: {  	_ =	shalt  }
0x5e: {  	_ =	shalt  }
0x5f: {  	_ =	shalt  }
0x60: {  	_ =	shalt  }
0x61: {  	_ =	shalt  }
0x62: {  	_ =	shalt  }
0x63: {  	_ =	shalt  }
0x64: {  	_ =	shalt  }
0x65: {  	_ =	shalt  }
0x66: {  	_ =	shalt  }
0x67: {  	_ =	shalt  }
0x68: {  	_ =	shalt  }
0x69: {  	_ =	shalt  }
0x6a: {  	_ =	shalt  }
0x6b: {  	_ =	shalt  }
0x6c: {  	_ =	shalt  }
0x6d: {  	_ =	shalt  }
0x6e: {  	_ =	shalt  }
0x6f: {  	_ =	shalt  }
0x70: {  	_ =	shalt  }
0x71: {  	_ =	shalt  }
0x72: {  	_ =	shalt  }
0x73: {  	_ =	shalt  }
0x74: {  	_ =	shalt  }
0x75: {  	_ =	shalt  }
0x76: {  	_ =	shalt  }
0x77: {  	_ =	shalt  }
0x78: {  	_ =	shalt  }
0x79: {  	_ =	shalt  }
0x7a: {  	_ =	shalt  }
0x7b: {  	_ =	shalt  }
0x7c: {  	_ =	shalt  }
0x7d: {  	_ =	shalt  }
0x7e: {  	_ =	shalt  }
0x7f: {  	_ =	shalt  }
0x80: {  	_ =	shalt  }
0x81: {  	_ =	shalt  }
0x82: {  	_ =	shalt  }
0x83: {  	_ =	shalt  }
0x84: {  	_ =	shalt  }
0x85: {  	_ =	shalt  }
0x86: {  	_ =	shalt  }
0x87: {  	_ =	shalt  }
.Lfunc_end0:
.L_simem_size_0:
called_computation_lowered:
.L_overlay_start_0:
0x88: {  	s2 =	sld [smem:$0x3FD9]  }
0x89: {  	s3 =	sld [smem:$0x3FFE];
	_ =	sdelay $0x1  }
0x8a: {  	s1 =	srdreg.scid  }
0x8b: {  	s0 =	sand.u32 $0x1, s1  }
0x8c: {  	s17 =	sshll.u32 s0, $0xA;
	s2 =	sadd.s32 s3, s2  }
0x8d: {  	s2 =	sadd.s32 s2, s17  }
0x8e: {  	[smem:$0x3FC4] =	sst s2  }
0x8f: {  	_ = 	snop  }
0x90: {  	s2 =	sld [smem:$0x3FC8]  }
0x91: {  	s18 =	sld [smem:$0x3FD0];
	(tm) =	ssettm $0x1  }
0x92: {  	s4 =	sld [smem:$0x3FFB];
	_ =	sdelay $0x3  }
0x93: {  	_ =	strace s4  }
0x94: {  	s4 =	sld [smem:$0x3FFC];
	_ =	sdelay $0x3  }
0x95: {  	_ =	strace s4  }
0x96: {  	s4 =	sld [smem:$0x3FFD];
	_ =	sdelay $0x3  }
0x97: {  	_ =	strace s4  }
0x98: {  	_ =	strace $0x8FFFFFFF  }
0x99: {  	s19 =	sld [smem:$0x3FDB];
	_ =	sdelay $0x1  }
0x9a: {  	s5 =	simm.s32 $_scs_section_size  }
0x9b: {  	s6 =	simm.s32 $_size__tile_overlayer_lowered;
	s7 =	simm.s32 $_tile_overlayer_lowered  }
0x9c: {  	s22 =	simm.s32 $0x1BFF;
	s21 =	sshll.u32 s7, $0x1;
	s4 =	sadd.s32 s5, s19  }
0x9d: {  	s8 =	simm.s32 $0x0;
	s20 =	sshll.u32 s6, $0x1;
	s6 =	sadd.s32 s21, s4  }
0x9e: {  	[timem:s8], [sflag:s22] =	dma.local [hbm:s6], s20  }
0x9f: {  	_ =	swait.ge [sflag:s22], s20  }
0xa0: {  	s5 =	ssub.s32 $0x0, s20;
	[sflag:s22] =	ssyncset.done $0x0  }
0xa1: {  	[sflag:s22] =	ssyncadd.s32 s5;
	_ =	sdelay $0x1  }
0xa2: {  	s23 =	simm.s32 $0x1B8B  }
0xa3: {  	_ =	swait.ge [sflag:s23], $0x1  }
0xa4: {  	[sflag:s23] =	ssyncset.done $0x0  }
0xa5: {  	s25 =	simm.s32 $0x1B8E;
	s24 =	sld [smem:$0x3FFE];
	[sflag:s23] =	ssyncadd.s32 $0xFFFFFFFF  }
0xa6: {  	s26 =	simm.s32 $execute0_lowered;
	[smem:$0x3FD2] =	sst s25  }
0xa7: {  	s6 =	sshll.u32 s26, $0x1;
	_ =	strace $0x80000046;
	[dreg:$0x1] =	wrdreg $0xFFFFFFFF  }
0xa8: {  	s28 =	simm.s32 $_size_execute0_lowered;
	s4 =	sadd.s32 s4, s6;
	[dreg:$0x0] =	wrdreg $0x0  }
0xa9: {  	s6 =	sshll.u32 s28, $0x1;
	[dreg:$0x2] =	wrdreg s4  }
0xaa: {  	[dreg:$0x3] =	wrdreg s6  }
0xab: {  	[dreg:$0x4] =	wrdreg $0xC0  }
0xac: {  	_ =	task [dreg:s8], $0x5FFFF  }
0xad: {  	[dreg:$0x1] =	wrdreg $0xFFFFFFFF  }
0xae: {  	[dreg:$0x0] =	wrdreg $0x60  }
0xaf: {  	[dreg:$0x2] =	wrdreg s24  }
0xb0: {  	[dreg:$0x3] =	wrdreg s2  }
0xb1: {  	[dreg:$0x4] =	wrdreg s18  }
0xb2: {  	[dreg:$0x5] =	wrdreg $0x9  }
0xb3: {  	_ =	task.clear_ibuf [dreg:s8], $0x6FFFF;
	_ =	strace $0x90000046  }
0xb4: {  	s29 =	simm.s32 $0x9;
	_ =	strace $0x80000048  }
0xb5: {  	_ =	swait.ge [sflag:s29], $0x1  }
0xb6: {  	[sflag:s29] =	ssyncadd.s32 $0xFFFFFFFF  }
0xb7: {  	_ =	strace $0x90000048  }
0xb8: {  	_ =	sfence  }
0xb9: {  	s30 =	sld [smem:$0x0];
	_ =	sdelay $0x2  }
0xba: {  	s31 =	sshll.u32 s1, $0xD;
	s1 =	sshrl.u32 s1, $0x2  }
0xbb: {  	s3 =	sand.u32 $0x4000, s31;
	s1 =	sadd.s32 s1, s30  }
0xbc: {  	s0 =	sor.u32 s3, s0;
	s1 =	sshll.u32 s1, $0x11  }
0xbd: {  	s0 =	sor.u32 s1, s0  }
0xbe: {  	s0 =	sadd.s32 $0x8F2B, s0  }
0xbf: {  	[sflag:s0] =	ssyncadd.remote.s32 $0x1  }
0xc0: {  	_ =	sfence.sel $0xFFFF  }
0xc1: {  	[dreg:$0x0] =	wrdreg $0xFFFFFFFF;
	(pc) =	sbr.abs _section_cstart, $3  }
0xc2: {  	[dreg:$0x1] =	wrdreg $0xFFFFFFFF  }
0xc3: {  	_ =	task.clear_ibuf [dreg:s8], $0x2FFFF;
	_ =	strace $0x9FFFFFFF  }
0xc4: {  	(tm) =	ssettm $0x7FFFFFFF  }
0xc5: {  	_ =	shalt  }
tec
execute0_lowered:
.L_overlay_start_1:
0x0: {  	(tag) =	ssettag $0x1  }
0x1: {  	s0 =	rddreg [dreg:$0x0];
	s1 =	srdreg.scid  }
0x2: {  	s3 =	stileid.u32;
	s2 =	rddreg [dreg:$0x1];
	s20 =	simm.s32 $0x4  }
0x3: {  	s21 =	simm.s32 $0x6000;
	s23 =	simm.s32 $0x1;
	s28 =	simm.s32 $0x6900  }
0x4: {  	s29 =	simm.s32 $0x2;
	s30 =	simm.s32 $0x3;
	s31 =	simm.s32 $0x0  }
0x5: {  	s1 =	sand.u32 $0x1, s1;
	s3 =	sshll.u32 s3, $0x1;
	s5 =	sadd.s32 $0x4A200, s0  }
0x6: {  	s6 =	sadd.s32 $0x4A400, s0;
	s7 =	sadd.s32 $0x4A600, s0;
	s8 =	sadd.s32 $0x4A800, s0  }
0x7: {  	s9 =	sadd.s32 $0x14A800, s0;
	s12 =	sor.u32 s1, s3;
	s3 =	simm.s32 $0x0  }
0x8: {  	s1 =	ssub.s32 $0x2, s1;
	s4 =	smul.u32 $0xC00, s12;
	[smem:$0x7FF] =	sst s3  }
.Ltmp0:
0x9: {  	s11 =	sshrl.u32 s1, $0x1;
	s26 =	sshll.u32 s12, $0x8;
	(pc) =	sbr.rel .LBB2_1-.Ltmp0, $4  }
0xa: {  	s12 =	sshll.u32 s12, $0xF;
	_ =	strace $0x80000047;
	s25 =	ssub.s32 s1, s11  }
0xb: {  	s11 =	sadd.s32 s2, s26;
	s13 =	sadd.s32 s8, s12;
	s14 =	sadd.s32 s9, s12  }
0xc: {  	s26 =	simm.s32 $0x6010;
	s10 =	sadd.s32 s4, s0;
	s4 =	sadd.s32 $0x19400, s0  }
0xd: {  	v0 =	vimm.s32 $0x0;
	s15 =	smax.u32 s25, $0x1;
	s25 =	simm.s32 $0x7A00;
	s10 =	sadd.s32 $0x1400, s10  }
.LBB2_10:
0xe: {  	_ =	swait.ge [sflag:s29], $0x800  }
0xf: {  	[sflag:s29] =	ssyncset.done $0x0  }
0x10: {  	[sflag:s29] =	ssyncadd.s32 $0xFFFFF800  }
0x11: {  	_ =	swait.ge [sflag:s30], $0x800  }
0x12: {  	[sflag:s30] =	ssyncset.done $0x0  }
0x13: {  	[sflag:s30] =	ssyncadd.s32 $0xFFFFF800  }
.LBB2_8:
0x14: {  	s31 =	sadd.s32 $0x1, s31  }
0x15: {  	p0 =	sne.s32 s31, s15  }
.Ltmp1:
0x16: {  	_ = 	snop;
	(pc) =	sbr.rel @!p0 .LBB2_9-.Ltmp1, $1  }
0x17: {  	_ =	sdelay $0x3  }
.LBB2_1:
0x18: {  	s0 =	rddreg [dreg:$0x2];
	s1 =	simm.s32 $0x8A00  }
0x19: {  	[tilespmem:s1], [sflag:$0x4] =	stream.linear.gather [hbm4b:s0+s3], $0x1, $0x38;
	[tilespmem:$0x8A40] =	vst v63  }
0x1a: {  	s17 =	simm.s32 $0x8A10  }
0x1b: {  	[tilespmem:s17], [sflag:$0x4] =	stream.linear.gather [hbm4b:s5+s3], $0x1, $0x38;
	[tilespmem:$0x8A40] =	vst v63  }
0x1c: {  	s18 =	simm.s32 $0x8A20  }
0x1d: {  	[tilespmem:s18], [sflag:$0x4] =	stream.linear.gather [hbm4b:s6+s3], $0x1, $0x38;
	[tilespmem:$0x8A40] =	vst v63  }
0x1e: {  	s19 =	simm.s32 $0x8A30  }
0x1f: {  	[tilespmem:s19], [sflag:$0x4] =	stream.linear.gather [hbm4b:s7+s3], $0x1, $0x38;
	[tilespmem:$0x8A40] =	vst v63  }
0x20: {  	_ =	swait.ge [sflag:s20], $0x1  }
0x21: {  	[sflag:s20] =	ssyncset.done $0x0  }
0x22: {  	[sflag:s20] =	ssyncadd.s32 $0xFFFFFFFF  }
0x23: {  	_ =	swait.ge [sflag:s20], $0x1  }
0x24: {  	[sflag:s20] =	ssyncset.done $0x0  }
0x25: {  	[sflag:s20] =	ssyncadd.s32 $0xFFFFFFFF  }
0x26: {  	_ =	swait.ge [sflag:s20], $0x1  }
0x27: {  	[sflag:s20] =	ssyncset.done $0x0  }
0x28: {  	[sflag:s20] =	ssyncadd.s32 $0xFFFFFFFF  }
0x29: {  	_ =	swait.ge [sflag:s20], $0x1  }
0x2a: {  	[sflag:s20] =	ssyncset.done $0x0  }
0x2b: {  	[sflag:s20] =	ssyncadd.s32 $0xFFFFFFFF  }
0x2c: {  	v1 =	vld [tilespmem:$0x8A20];
	_ =	sdelay $0x4  }
0x2d: {  	(v2sf) =	vpush v1, $0x0;
	_ =	sdelay $0xb  }
0x2e: {  	v2 =	vld.msk [tilespmem:$0x8A10 ss:$0x0], $0xffff  }
0x2f: {  	v3 =	vld.msk [tilespmem:$0x8A30 ss:$0x0], $0xffff  }
0x30: {  	v1 =	vld.msk [tilespmem:$0x8A00 ss:$0x0], $0xffff;
	[tilespmem:s3], [sflag:$0x4] =	stream.linear.gather [hbm4b:s10+s3], $0x6000, $0x38  }
0x31: {  	s1 =	spop (v2sf)  }
0x32: {  	_ =	swait.ge [sflag:s20], $0x6000  }
0x33: {  	[sflag:s20] =	ssyncset.done $0x0  }
0x34: {  	[sflag:s20] =	ssyncadd.s32 $0xFFFFA000  }
0x35: {  	[tilespmem:s21], [sflag:$0x4] =	stream.linear.gather [hbm4b:s11+s3], $0x800, $0x38;
	[tilespmem:$0x8A40] =	vst v63  }
0x36: {  	_ =	swait.ge [sflag:s20], $0x800  }
0x37: {  	[sflag:s20] =	ssyncset.done $0x0  }
0x38: {  	s2 =	simm.s32 $0x10;
	s0 =	simm.s32 $0x6800;
	[sflag:s20] =	ssyncadd.s32 $0xFFFFF800  }
0x39: {  	[tilespmem:s0], [sflag:$0x1] =	stream.indirect.gather [hbm4b:s4+s2], $0x10, s21, s2, $0xb8;
	[tilespmem:$0x8A40] =	vst v63  }
0x3a: {  	_ =	swait.ge [sflag:s23], $0x100  }
0x3b: {  	[sflag:s23] =	ssyncset.done $0x0  }
0x3c: {  	[sflag:s23] =	ssyncadd.s32 $0xFFFFFF00  }
0x3d: {  	v4 =	vld [tilespmem:s0+$0x0];
	_ =	sdelay $0x4  }
0x3e: {  	v5 =	vbroadcast v4, $0x3  }
0x3f: {  	s22 =	simm.s32 $0x0;
	v6 =	vbroadcast v4, $0x5  }
0x40: {  	s2 =	smul.u32 $0xC0, s22;
	v7 =	vbroadcast v4, $0x4;
	(erf) = vrcp.f32 v5  }
0x41: {  	(erf) = vrcp.f32 v6  }
0x42: {  	s2 =	sshra.s32 s2, $0x2;
	(erf) = vrcp.f32 v7  }
0x43: {  	v5 =	vld [tilespmem:s2+$0x0]  }
0x44: {  	(v2sf) =	vpush v4, $0x9;
	v6 =	vld [tilespmem:s2+$0x20]  }
0x45: {  	v8 =	vbroadcast v4, $0x0;
	v7 =	vld [tilespmem:s2+$0x10];
	_ =	sdelay $0x1  }
0x46: {  	v9 =	vbroadcast v4, $0x2  }
0x47: {  	v10 =	vbroadcast v4, $0x1;
	v5 =	vsub.f32 v5, v8  }
0x48: {  	v6 =	vsub.f32 v6, v9;
	v8 =	vpop (erf)  }
0x49: {  	v7 =	vsub.f32 v7, v10;
	v5 =	vmul.f32 v8, v5;
	v8 =	vpop (erf)  }
0x4a: {  	v47 =	vbroadcast v4, $0x7;
	v6 =	vmul.f32 v6, v8;
	v8 =	vpop (erf)  }
0x4b: {  	v48 =	vbroadcast v4, $0x6;
	v5 =	vmax.f32 v5, $9.999999970e-07;
	v7 =	vmul.f32 v7, v8  }
0x4c: {  	v4 =	vbroadcast v4, $0x8;
	v5 =	vmin.f32 v5, $9.999989860e-01;
	v6 =	vmax.f32 v6, $9.999999970e-07  }
0x4d: {  	v5 =	vmul.f32 v5, v48;
	v7 =	vmax.f32 v7, $9.999999970e-07;
	v6 =	vmin.f32 v6, $9.999989860e-01  }
0x4e: {  	v7 =	vmin.f32 v7, $9.999989860e-01;
	v4 =	vmul.f32 v6, v4  }
0x4f: {  	v6 =	vtrunc.f32 v5;
	v7 =	vmul.f32 v7, v47  }
0x50: {  	v6 =	vcvt.f32.s32 v6  }
0x51: {  	v8 =	vtrunc.f32 v4;
	v9 =	vtrunc.f32 v7  }
0x52: {  	s24 =	spop (v2sf);
	v8 =	vcvt.f32.s32 v8;
	v9 =	vcvt.f32.s32 v9  }
0x53: {  	s2 =	scvt.f32.s32 s24;
	v49 =	vcvt.s32.f32 v6  }
0x54: {  	v11 =	vcvt.s32.f32 v8;
	v12 =	vcvt.s32.f32 v9  }
0x55: {  	s2 =	smul.u32 s2, s1;
	v13 =	vmul.u32 v8, v2;
	v14 =	vsub.f32 v5, v49;
	v15 =	vmul.u32 v9, v1  }
0x56: {  	vm0 =	vgt.f32 v4, v11;
	v4 =	vsub.f32 v4, v11;
	v16 =	vsub.f32 v7, v12  }
0x57: {  	v50 =	vxor.u32 s2, v13;
	v51 =	vsel vm0, $0x1, v0;
	v52 =	vsub.f32 $1.000000000e+00, v14  }
0x58: {  	v18 =	vxor.u32 v6, v15;
	vm14 =	vgt.f32 v7, v12;
	v17 =	vsub.f32 $1.000000000e+00, v16  }
0x59: {  	v8 =	vadd.s32 v8, v51;
	v12 =	vsel vm14, $0x1, v0;
	v20 =	vxor.u32 v18, v50  }
0x5a: {  	v7 =	vmul.u32 v2, v8;
	v8 =	vsub.f32 $1.000000000e+00, v4;
	v19 =	vmul.f32 v17, v52  }
0x5b: {  	v9 =	vadd.s32 v9, v12;
	v20 =	vand.u32 v3, v20  }
0x5c: {  	v9 =	vmul.u32 v1, v9;
	v7 =	vxor.u32 s2, v7;
	s2 =	simm.s32 $0x6A40;
	v53 =	vmul.f32 v8, v19  }
0x5d: {  	s16 =	simm.s32 $0x7A40;
	v13 =	vmul.f32 v16, v52;
	v18 =	vxor.u32 v18, v7;
	[tilespmem:s2+$0xFFFFFFC0] =	vst v20  }
0x5e: {  	v54 =	vxor.u32 v6, v9;
	v19 =	vmul.f32 v19, v4;
	v55 =	vand.u32 v3, v18;
	[tilespmem:s16+$0xFFFFFFC0] =	vst v53  }
0x5f: {  	vm15 =	vgt.f32 v5, v49;
	v5 =	vxor.u32 v50, v54;
	[tilespmem:s2+$0xFFFFFFD0] =	vst v55  }
0x60: {  	v10 =	vsel vm15, $0x1, v0;
	v56 =	vmul.f32 v8, v13;
	v5 =	vand.u32 v3, v5;
	[tilespmem:s16+$0xFFFFFFD0] =	vst v19  }
0x61: {  	v57 =	vmul.f32 v17, v14;
	v6 =	vadd.s32 v6, v10;
	v58 =	vxor.u32 v54, v7;
	[tilespmem:s2+$0xFFFFFFE0] =	vst v5  }
0x62: {  	v13 =	vmul.f32 v4, v13;
	v59 =	vand.u32 v3, v58;
	v5 =	vxor.u32 v15, v6;
	[tilespmem:s16+$0xFFFFFFE0] =	vst v56  }
0x63: {  	v15 =	vxor.u32 v50, v5;
	[tilespmem:s2+$0xFFFFFFF0] =	vst v59  }
0x64: {  	v60 =	vmul.f32 v8, v57;
	v61 =	vand.u32 v3, v15;
	[tilespmem:s16+$0xFFFFFFF0] =	vst v13  }
0x65: {  	v62 =	vmul.f32 v16, v14;
	v5 =	vxor.u32 v5, v7;
	[tilespmem:s2+$0x0] =	vst v61  }
0x66: {  	v10 =	vmul.f32 v57, v4;
	v6 =	vxor.u32 v6, v9;
	v63 =	vand.u32 v3, v5;
	[tilespmem:s16+$0x0] =	vst v60  }
0x67: {  	v4 =	vmul.f32 v4, v62;
	v11 =	vxor.u32 v50, v6;
	[tilespmem:s2+$0x10] =	vst v63  }
0x68: {  	s17 =	simm.s32 $0x1;
	s18 =	simm.s32 $0x7A40;
	s19 =	simm.s32 $0x6A40;
	v5 =	vxor.u32 v6, v7;
	v6 =	vmul.f32 v8, v62;
	v7 =	vand.u32 v3, v11;
	[tilespmem:s16+$0x10] =	vst v10  }
.LBB2_2:
0x69: {  	[tilespmem:s2+$0x20] =	vst v7;
	s0 =	sadd.s32 $0x10, s0;
	s16 =	sadd.s32 $0x80, s16;
	s19 =	sadd.s32 $0x80, s19  }
0x6a: {  	p0 =	sne.s32 s17, $0xF;
	v5 =	vand.u32 v3, v5;
	s22 =	smov.u32 s17;
	s17 =	sadd.s32 $0x1, s17;
	[tilespmem:s18+$0x20] =	vst v6  }
0x6b: {  	[tilespmem:s2+$0x30] =	vst v5;
	s2 =	smov.u32 s19  }
0x6c: {  	[tilespmem:s18+$0x30] =	vst v4;
	s18 =	smov.u32 s16  }
0x6d: {  	v4 =	vld [tilespmem:s0+$0x0];
	_ =	sdelay $0x4  }
0x6e: {  	s22 =	sshrl.u32 s22, $0x2;
	v5 =	vbroadcast v4, $0x3;
	v6 =	vbroadcast v4, $0x5;
	(v2sf) =	vpush v4, $0x9  }
0x6f: {  	s22 =	smul.u32 $0xC0, s22;
	v7 =	vbroadcast v4, $0x1;
	v8 =	vbroadcast v4, $0x4  }
0x70: {  	(erf) = vrcp.f32 v5  }
0x71: {  	s22 =	sshra.s32 s22, $0x2;
	(erf) = vrcp.f32 v6  }
0x72: {  	v5 =	vld [tilespmem:s22+$0x20];
	(erf) = vrcp.f32 v8  }
0x73: {  	v6 =	vld [tilespmem:s22+$0x0]  }
0x74: {  	v8 =	vld [tilespmem:s22+$0x10];
	_ =	sdelay $0x1  }
0x75: {  	v9 =	vbroadcast v4, $0x0;
	v10 =	vbroadcast v4, $0x2;
	_ =	sdelay $0x1  }
0x76: {  	v5 =	vsub.f32 v5, v10;
	v6 =	vsub.f32 v6, v9  }
0x77: {  	v7 =	vsub.f32 v8, v7;
	v8 =	vpop (erf)  }
0x78: {  	v6 =	vmul.f32 v8, v6;
	v8 =	vpop (erf)  }
0x79: {  	v9 =	vbroadcast v4, $0x7;
	v5 =	vmul.f32 v5, v8;
	v8 =	vpop (erf)  }
0x7a: {  	v10 =	vbroadcast v4, $0x6;
	v6 =	vmax.f32 v6, $9.999999970e-07;
	v7 =	vmul.f32 v7, v8  }
0x7b: {  	v4 =	vbroadcast v4, $0x8;
	v6 =	vmin.f32 v6, $9.999989860e-01;
	v5 =	vmax.f32 v5, $9.999999970e-07;
	s22 =	spop (v2sf)  }
0x7c: {  	s22 =	scvt.f32.s32 s22;
	v6 =	vmul.f32 v6, v10;
	v7 =	vmax.f32 v7, $9.999999970e-07;
	v5 =	vmin.f32 v5, $9.999989860e-01  }
0x7d: {  	v7 =	vmin.f32 v7, $9.999989860e-01;
	v4 =	vmul.f32 v5, v4  }
0x7e: {  	v5 =	vtrunc.f32 v6;
	v7 =	vmul.f32 v7, v9  }
0x7f: {  	v5 =	vcvt.f32.s32 v5;
	v8 =	vtrunc.f32 v4  }
0x80: {  	v9 =	vtrunc.f32 v7;
	v8 =	vcvt.f32.s32 v8  }
0x81: {  	v10 =	vcvt.s32.f32 v5;
	v9 =	vcvt.f32.s32 v9  }
0x82: {  	s22 =	smul.u32 s22, s1;
	v11 =	vcvt.s32.f32 v8;
	v12 =	vmul.u32 v8, v2  }
0x83: {  	v13 =	vsub.f32 v6, v10;
	v14 =	vcvt.s32.f32 v9;
	v15 =	vmul.u32 v9, v1  }
0x84: {  	v16 =	vsub.f32 v4, v11;
	vm0 =	vgt.f32 v4, v11;
	v4 =	vxor.u32 s22, v12  }
0x85: {  	v11 =	vsub.f32 v7, v14;
	v12 =	vsel vm0, $0x1, v0;
	v17 =	vxor.u32 v5, v15  }
0x86: {  	vm0 =	vgt.f32 v6, v10;
	vm1 =	vgt.f32 v7, v14;
	v6 =	vadd.s32 v8, v12  }
0x87: {  	v7 =	vsub.f32 $1.000000000e+00, v13;
	v6 =	vmul.u32 v2, v6;
	v8 =	vsub.f32 $1.000000000e+00, v11  }
0x88: {  	v10 =	vsel vm0, $0x1, v0;
	v12 =	vsub.f32 $1.000000000e+00, v16;
	v14 =	vxor.u32 v17, v4  }
0x89: {  	v18 =	vsel vm1, $0x1, v0;
	v19 =	vmul.f32 v8, v7;
	v7 =	vmul.f32 v11, v7  }
0x8a: {  	v10 =	vadd.s32 v5, v10;
	v9 =	vadd.s32 v9, v18;
	v6 =	vxor.u32 s22, v6  }
0x8b: {  	v14 =	vand.u32 v3, v14;
	v9 =	vmul.u32 v1, v9;
	v18 =	vmul.f32 v12, v19  }
0x8c: {  	v8 =	vmul.f32 v8, v13;
	v17 =	vxor.u32 v17, v6;
	v19 =	vmul.f32 v19, v16;
	[tilespmem:s19+$0xFFFFFFC0] =	vst v14  }
0x8d: {  	v5 =	vxor.u32 v5, v9;
	v17 =	vand.u32 v3, v17;
	v14 =	vmul.f32 v12, v7;
	[tilespmem:s16+$0xFFFFFFC0] =	vst v18  }
0x8e: {  	v20 =	vmul.f32 v12, v8;
	v18 =	vxor.u32 v4, v5;
	v5 =	vxor.u32 v5, v6;
	[tilespmem:s19+$0xFFFFFFD0] =	vst v17  }
0x8f: {  	v15 =	vxor.u32 v15, v10;
	v7 =	vmul.f32 v16, v7;
	v17 =	vand.u32 v3, v18;
	[tilespmem:s16+$0xFFFFFFD0] =	vst v19  }
0x90: {  	v8 =	vmul.f32 v8, v16;
	v18 =	vxor.u32 v4, v15;
	v15 =	vxor.u32 v15, v6;
	[tilespmem:s19+$0xFFFFFFE0] =	vst v17  }
0x91: {  	v9 =	vxor.u32 v10, v9;
	v10 =	vmul.f32 v11, v13;
	v11 =	vand.u32 v3, v5;
	[tilespmem:s16+$0xFFFFFFE0] =	vst v14  }
0x92: {  	v13 =	vxor.u32 v4, v9;
	v5 =	vxor.u32 v9, v6;
	[tilespmem:s19+$0xFFFFFFF0] =	vst v11  }
.Ltmp2:
0x93: {  	v4 =	vmul.f32 v16, v10;
	v6 =	vand.u32 v3, v18;
	[tilespmem:s16+$0xFFFFFFF0] =	vst v7;
	(pc) =	sbr.rel @p0 .LBB2_2-.Ltmp2, $4  }
0x94: {  	[tilespmem:s19+$0x0] =	vst v6  }
0x95: {  	v6 =	vand.u32 v3, v15;
	[tilespmem:s16+$0x0] =	vst v20  }
0x96: {  	[tilespmem:s19+$0x10] =	vst v6  }
0x97: {  	v7 =	vand.u32 v3, v13;
	v6 =	vmul.f32 v12, v10;
	[tilespmem:s16+$0x10] =	vst v8  }
0x98: {  	[tilespmem:s2+$0x20] =	vst v7  }
0x99: {  	v5 =	vand.u32 v3, v5;
	[tilespmem:s18+$0x20] =	vst v6  }
0x9a: {  	[tilespmem:s2+$0x30] =	vst v5  }
0x9b: {  	s0 =	simm.s32 $0x6A00;
	s2 =	simm.s32 $0x0;
	[tilespmem:s18+$0x30] =	vst v4  }
0x9c: {  	[hbm4b:s13+s2] =	stream.linear.scatter [tilespmem:s0], [sflag:$0x2], $0x800, $0x38;
	[tilespmem:$0x8A40] =	vst v63  }
0x9d: {  	_ = 	snop  }
0x9e: {  	[hbm4b:s14+s2] =	stream.linear.scatter [tilespmem:s25], [sflag:$0x3], $0x800, $0x38;
	[tilespmem:$0x8A40] =	vst v63  }
0x9f: {  	p0 =	por $0x1, $0x1;
	s0 =	simm.s32 $0x10  }
0xa0: {  	[tilespmem:s28], [sflag:$0x1] =	stream.indirect.gather [hbm4b:s4+s0], $0x10, s26, s0, $0xb8;
	[tilespmem:$0x8A40] =	vst v63  }
.LBB2_4:
0xa1: {  	p1 =	seq.s32 s2, $0x7F  }
.Ltmp3:
0xa2: {  	_ = 	snop;
	(pc) =	sbr.rel @p1 .LBB2_10-.Ltmp3, $1  }
0xa3: {  	_ =	sdelay $0x3  }
0xa4: {  	s17 =	simm.s32 $0x1  }
0xa5: {  	_ =	swait.ge [sflag:s23], $0x100;
	s17 =	simm.s32 @!p0 $0x0  }
0xa6: {  	[sflag:s23] =	ssyncset.done $0x0;
	s16 =	sshll.u32 s17, $0x8  }
0xa7: {  	[sflag:s23] =	ssyncadd.s32 $0xFFFFFF00;
	s16 =	sor.u32 $0x6800, s16  }
0xa8: {  	v4 =	vld [tilespmem:s16+$0x0];
	_ =	sdelay $0x4  }
0xa9: {  	v5 =	vbroadcast v4, $0x3  }
0xaa: {  	s18 =	sshrl.u32 s0, $0x2;
	v6 =	vbroadcast v4, $0x5  }
0xab: {  	s18 =	smul.u32 $0xC0, s18;
	v7 =	vbroadcast v4, $0x4;
	(erf) = vrcp.f32 v5  }
0xac: {  	(erf) = vrcp.f32 v6  }
0xad: {  	s18 =	sshra.s32 s18, $0x2;
	(erf) = vrcp.f32 v7  }
0xae: {  	(v2sf) =	vpush v4, $0x9;
	v5 =	vld [tilespmem:s18+$0x0]  }
0xaf: {  	v6 =	vld [tilespmem:s18+$0x20]  }
0xb0: {  	v8 =	vbroadcast v4, $0x0;
	v7 =	vld [tilespmem:s18+$0x10];
	_ =	sdelay $0x1  }
0xb1: {  	v9 =	vbroadcast v4, $0x2  }
0xb2: {  	v10 =	vbroadcast v4, $0x1;
	v5 =	vsub.f32 v5, v8  }
0xb3: {  	v6 =	vsub.f32 v6, v9;
	v8 =	vpop (erf)  }
0xb4: {  	v7 =	vsub.f32 v7, v10;
	v5 =	vmul.f32 v8, v5;
	v8 =	vpop (erf)  }
0xb5: {  	v9 =	vbroadcast v4, $0x7;
	v6 =	vmul.f32 v6, v8;
	v8 =	vpop (erf)  }
0xb6: {  	v10 =	vbroadcast v4, $0x6;
	v5 =	vmax.f32 v5, $9.999999970e-07;
	v7 =	vmul.f32 v7, v8  }
0xb7: {  	v4 =	vbroadcast v4, $0x8;
	v5 =	vmin.f32 v5, $9.999989860e-01;
	v6 =	vmax.f32 v6, $9.999999970e-07  }
0xb8: {  	v8 =	vmul.f32 v5, v10;
	v5 =	vmax.f32 v7, $9.999999970e-07;
	v6 =	vmin.f32 v6, $9.999989860e-01  }
0xb9: {  	v5 =	vmin.f32 v5, $9.999989860e-01;
	v6 =	vmul.f32 v6, v4  }
0xba: {  	v4 =	vtrunc.f32 v8;
	v7 =	vmul.f32 v5, v9  }
0xbb: {  	v9 =	vcvt.f32.s32 v4  }
0xbc: {  	s17 =	sshll.u32 s17, $0xB;
	s22 =	spop (v2sf);
	v4 =	vtrunc.f32 v6;
	v5 =	vtrunc.f32 v7  }
0xbd: {  	s19 =	sadd.s32 $0x6A40, s17;
	s17 =	sadd.s32 $0x7A40, s17;
	s18 =	scvt.f32.s32 s22;
	v10 =	vcvt.f32.s32 v4;
	v11 =	vcvt.s32.f32 v9  }
0xbe: {  	v4 =	vmov s19;
	v12 =	vcvt.f32.s32 v5;
	v5 =	vmov s17  }
0xbf: {  	s24 =	smul.u32 s18, s1;
	v13 =	vcvt.s32.f32 v10;
	v14 =	vmul.u32 v10, v2;
	v15 =	vsub.f32 v8, v11  }
0xc0: {  	v16 =	vcvt.s32.f32 v12;
	v17 =	vmul.u32 v12, v1;
	vm15 =	vgt.f32 v8, v11  }
0xc1: {  	v18 =	vsub.f32 v6, v13;
	vm0 =	vgt.f32 v6, v13;
	v6 =	vxor.u32 s24, v14  }
0xc2: {  	v58 =	vsel vm15, $0x1, v0;
	v53 =	vsub.f32 v7, v16;
	v54 =	vsel vm0, $0x1, v0  }
0xc3: {  	v19 =	vxor.u32 v9, v17;
	vm1 =	vgt.f32 v7, v16;
	v8 =	vsub.f32 $1.000000000e+00, v15  }
0xc4: {  	v7 =	vadd.s32 v10, v54;
	v11 =	vsel vm1, $0x1, v0;
	v10 =	vsub.f32 $1.000000000e+00, v53  }
0xc5: {  	v55 =	vsub.f32 $1.000000000e+00, v18;
	v56 =	vxor.u32 v19, v6;
	v7 =	vmul.u32 v2, v7  }
0xc6: {  	v11 =	vadd.s32 v12, v11;
	v16 =	vand.u32 v3, v56;
	v57 =	vmul.f32 v10, v8  }
0xc7: {  	v11 =	vmul.u32 v1, v11;
	v8 =	vmul.f32 v53, v8;
	v7 =	vxor.u32 s24, v7  }
0xc8: {  	s24 =	simm.s32 $0x0;
	v10 =	vmul.f32 v10, v15;
	v19 =	vxor.u32 v19, v7;
	v20 =	vmul.f32 v55, v57  }
0xc9: {  	v21 =	vxor.u32 v9, v11;
	[tilespmem:v4+s24+$0xFFFFFFC0 ss:$0x1] =	vst.idx.msk $0xffff, v16;
	v9 =	vadd.s32 v9, v58  }
0xca: {  	v12 =	vmul.f32 v57, v18;
	v19 =	vand.u32 v3, v19;
	[tilespmem:v5+s24+$0xFFFFFFC0 ss:$0x1] =	vst.idx.msk $0xffff, v20  }
0xcb: {  	v22 =	vmul.f32 v55, v8;
	v23 =	vxor.u32 v6, v21;
	[tilespmem:v4+s24+$0xFFFFFFD0 ss:$0x1] =	vst.idx.msk $0xffff, v19  }
0xcc: {  	v59 =	vxor.u32 v21, v7;
	v60 =	vand.u32 v3, v23;
	[tilespmem:v5+s24+$0xFFFFFFD0 ss:$0x1] =	vst.idx.msk $0xffff, v12  }
0xcd: {  	v17 =	vxor.u32 v17, v9;
	v8 =	vmul.f32 v18, v8;
	[tilespmem:v4+s24+$0xFFFFFFE0 ss:$0x1] =	vst.idx.msk $0xffff, v60  }
0xce: {  	v61 =	vmul.f32 v55, v10;
	v16 =	vand.u32 v3, v59;
	[tilespmem:v5+s24+$0xFFFFFFE0 ss:$0x1] =	vst.idx.msk $0xffff, v22  }
0xcf: {  	v10 =	vmul.f32 v10, v18;
	v62 =	vxor.u32 v6, v17;
	[tilespmem:v4+s24+$0xFFFFFFF0 ss:$0x1] =	vst.idx.msk $0xffff, v16  }
0xd0: {  	v9 =	vxor.u32 v9, v11;
	[tilespmem:v5+s24+$0xFFFFFFF0 ss:$0x1] =	vst.idx.msk $0xffff, v8;
	v8 =	vand.u32 v3, v62  }
0xd1: {  	v11 =	vmul.f32 v53, v15;
	v17 =	vxor.u32 v17, v7;
	[tilespmem:v4+s24+$0x0 ss:$0x1] =	vst.idx.msk $0xffff, v8  }
0xd2: {  	v63 =	vxor.u32 v6, v9;
	v8 =	vand.u32 v3, v17;
	[tilespmem:v5+s24+$0x0 ss:$0x1] =	vst.idx.msk $0xffff, v61  }
0xd3: {  	v7 =	vxor.u32 v9, v7;
	v6 =	vmul.f32 v18, v11;
	[tilespmem:v4+s24+$0x10 ss:$0x1] =	vst.idx.msk $0xffff, v8  }
0xd4: {  	s18 =	simm.s32 $0x200;
	s19 =	smov.u32 s0;
	s17 =	sadd.s32 $0x1, s2;
	v9 =	vand.u32 v3, v63;
	v8 =	vmul.f32 v55, v11;
	[tilespmem:v5+s24+$0x10 ss:$0x1] =	vst.idx.msk $0xffff, v10  }
.LBB2_6:
0xd5: {  	p1 =	sne.s32 s18, $0x1E00;
	[tilespmem:v4+s24+$0x20 ss:$0x1] =	vst.idx.msk $0xffff, v9;
	s19 =	sadd.s32 $0x1, s19;
	s16 =	sadd.s32 $0x10, s16  }
0xd6: {  	v7 =	vand.u32 v3, v7;
	s22 =	smov.u32 s18;
	s18 =	sadd.s32 $0x200, s18;
	[tilespmem:v5+s24+$0x20 ss:$0x1] =	vst.idx.msk $0xffff, v8  }
0xd7: {  	[tilespmem:v4+s24+$0x30 ss:$0x1] =	vst.idx.msk $0xffff, v7  }
0xd8: {  	[tilespmem:v5+s24+$0x30 ss:$0x1] =	vst.idx.msk $0xffff, v6  }
0xd9: {  	v6 =	vld [tilespmem:s16+$0x0];
	_ =	sdelay $0x4  }
0xda: {  	s24 =	sshrl.u32 s19, $0x2;
	v7 =	vbroadcast v6, $0x3;
	v8 =	vbroadcast v6, $0x5;
	(v2sf) =	vpush v6, $0x9  }
0xdb: {  	s24 =	smul.u32 $0xC0, s24;
	v9 =	vbroadcast v6, $0x4  }
0xdc: {  	(erf) = vrcp.f32 v7  }
0xdd: {  	s24 =	sshra.s32 s24, $0x2;
	(erf) = vrcp.f32 v8  }
0xde: {  	v7 =	vld [tilespmem:s24+$0x20];
	(erf) = vrcp.f32 v9  }
0xdf: {  	v8 =	vld [tilespmem:s24+$0x0]  }
0xe0: {  	v9 =	vld [tilespmem:s24+$0x10]  }
0xe1: {  	v10 =	vbroadcast v6, $0x0  }
0xe2: {  	v11 =	vbroadcast v6, $0x1;
	v12 =	vbroadcast v6, $0x2;
	_ =	sdelay $0x1  }
0xe3: {  	v7 =	vsub.f32 v7, v12;
	v8 =	vsub.f32 v8, v10  }
0xe4: {  	v9 =	vsub.f32 v9, v11;
	v10 =	vpop (erf)  }
0xe5: {  	v8 =	vmul.f32 v10, v8;
	v10 =	vpop (erf)  }
0xe6: {  	v11 =	vbroadcast v6, $0x7;
	v7 =	vmul.f32 v7, v10;
	v10 =	vpop (erf)  }
0xe7: {  	v12 =	vbroadcast v6, $0x6;
	v8 =	vmax.f32 v8, $9.999999970e-07;
	v9 =	vmul.f32 v9, v10  }
0xe8: {  	v6 =	vbroadcast v6, $0x8;
	v8 =	vmin.f32 v8, $9.999989860e-01;
	v7 =	vmax.f32 v7, $9.999999970e-07;
	s24 =	spop (v2sf)  }
0xe9: {  	s24 =	scvt.f32.s32 s24;
	v8 =	vmul.f32 v8, v12;
	v9 =	vmax.f32 v9, $9.999999970e-07;
	v7 =	vmin.f32 v7, $9.999989860e-01  }
0xea: {  	v9 =	vmin.f32 v9, $9.999989860e-01;
	v6 =	vmul.f32 v7, v6  }
0xeb: {  	v7 =	vtrunc.f32 v8;
	v9 =	vmul.f32 v9, v11  }
0xec: {  	v7 =	vcvt.f32.s32 v7;
	v10 =	vtrunc.f32 v6  }
0xed: {  	v11 =	vtrunc.f32 v9;
	v10 =	vcvt.f32.s32 v10  }
0xee: {  	v12 =	vcvt.s32.f32 v7;
	v11 =	vcvt.f32.s32 v11  }
0xef: {  	s24 =	smul.u32 s24, s1;
	v13 =	vcvt.s32.f32 v10;
	v14 =	vmul.u32 v10, v2  }
0xf0: {  	v15 =	vsub.f32 v8, v12;
	v16 =	vcvt.s32.f32 v11;
	v17 =	vmul.u32 v11, v1  }
0xf1: {  	v18 =	vsub.f32 v6, v13;
	vm0 =	vgt.f32 v6, v13;
	v6 =	vxor.u32 s24, v14  }
0xf2: {  	v13 =	vsub.f32 v9, v16;
	v14 =	vsel vm0, $0x1, v0;
	v19 =	vxor.u32 v7, v17  }
0xf3: {  	vm0 =	vgt.f32 v8, v12;
	vm1 =	vgt.f32 v9, v16;
	v8 =	vadd.s32 v10, v14  }
0xf4: {  	v9 =	vsub.f32 $1.000000000e+00, v15;
	v8 =	vmul.u32 v2, v8;
	v10 =	vsub.f32 $1.000000000e+00, v13  }
0xf5: {  	v12 =	vsel vm1, $0x1, v0;
	v14 =	vsub.f32 $1.000000000e+00, v18;
	v16 =	vxor.u32 v19, v6  }
0xf6: {  	v11 =	vadd.s32 v11, v12;
	v12 =	vmul.f32 v10, v9;
	v9 =	vmul.f32 v13, v9  }
0xf7: {  	v16 =	vand.u32 v3, v16;
	v11 =	vmul.u32 v1, v11;
	v8 =	vxor.u32 s24, v8  }
0xf8: {  	s24 =	sshra.s32 s22, $0x2;
	v19 =	vxor.u32 v19, v8;
	v20 =	vmul.f32 v14, v12;
	v12 =	vmul.f32 v12, v18  }
0xf9: {  	v21 =	vsel vm0, $0x1, v0;
	v22 =	vxor.u32 v7, v11;
	v23 =	vmul.f32 v14, v9;
	[tilespmem:v4+s24+$0xFFFFFFC0 ss:$0x1] =	vst.idx.msk $0xffff, v16  }
0xfa: {  	v19 =	vand.u32 v3, v19;
	v16 =	vxor.u32 v6, v22;
	[tilespmem:v5+s24+$0xFFFFFFC0 ss:$0x1] =	vst.idx.msk $0xffff, v20  }
0xfb: {  	v7 =	vadd.s32 v7, v21;
	v20 =	vxor.u32 v22, v8;
	[tilespmem:v4+s24+$0xFFFFFFD0 ss:$0x1] =	vst.idx.msk $0xffff, v19  }
0xfc: {  	v10 =	vmul.f32 v10, v15;
	[tilespmem:v5+s24+$0xFFFFFFD0 ss:$0x1] =	vst.idx.msk $0xffff, v12;
	v12 =	vand.u32 v3, v16  }
0xfd: {  	v9 =	vmul.f32 v18, v9;
	v16 =	vxor.u32 v17, v7;
	[tilespmem:v4+s24+$0xFFFFFFE0 ss:$0x1] =	vst.idx.msk $0xffff, v12  }
0xfe: {  	v17 =	vand.u32 v3, v20;
	v12 =	vmul.f32 v14, v10;
	[tilespmem:v5+s24+$0xFFFFFFE0 ss:$0x1] =	vst.idx.msk $0xffff, v23  }
0xff: {  	v19 =	vxor.u32 v6, v16;
	v16 =	vxor.u32 v16, v8;
	[tilespmem:v4+s24+$0xFFFFFFF0 ss:$0x1] =	vst.idx.msk $0xffff, v17  }
.Ltmp4:
0x100: {  	v10 =	vmul.f32 v10, v18;
	[tilespmem:v5+s24+$0xFFFFFFF0 ss:$0x1] =	vst.idx.msk $0xffff, v9;
	v9 =	vand.u32 v3, v19;
	(pc) =	sbr.rel @p1 .LBB2_6-.Ltmp4, $4  }
0x101: {  	v7 =	vxor.u32 v7, v11;
	v11 =	vmul.f32 v13, v15;
	[tilespmem:v4+s24+$0x0 ss:$0x1] =	vst.idx.msk $0xffff, v9  }
0x102: {  	v9 =	vxor.u32 v6, v7;
	[tilespmem:v5+s24+$0x0 ss:$0x1] =	vst.idx.msk $0xffff, v12;
	v12 =	vand.u32 v3, v16  }
0x103: {  	v7 =	vxor.u32 v7, v8;
	v6 =	vmul.f32 v18, v11;
	[tilespmem:v4+s24+$0x10 ss:$0x1] =	vst.idx.msk $0xffff, v12  }
0x104: {  	v8 =	vmul.f32 v14, v11;
	v9 =	vand.u32 v3, v9;
	[tilespmem:v5+s24+$0x10 ss:$0x1] =	vst.idx.msk $0xffff, v10  }
0x105: {  	_ =	sdelay $0x3  }
0x106: {  	[tilespmem:v4+s24+$0x20 ss:$0x1] =	vst.idx.msk $0xffff, v9;
	p1 =	sgt.u32 s2, $0x7D  }
0x107: {  	v7 =	vand.u32 v3, v7;
	[tilespmem:v5+s24+$0x20 ss:$0x1] =	vst.idx.msk $0xffff, v8;
	s16 =	sshll.u32 @!p1 s2, $0x8;
	s2 =	sshll.u32 @!p1 s2, $0x4  }
0x108: {  	[tilespmem:v4+s24+$0x30 ss:$0x1] =	vst.idx.msk $0xffff, v7;
	s16 =	sand.u32 @!p1 $0x100, s16;
	s2 =	sand.u32 @!p1 $0x3FFFFFF0, s2  }
0x109: {  	s18 =	simm.s32 @!p1 $0x10;
	[tilespmem:v5+s24+$0x30 ss:$0x1] =	vst.idx.msk $0xffff, v6;
	s16 =	sor.u32 @!p1 $0x6800, s16;
	s2 =	sadd.s32 @!p1 $0x6020, s2  }
0x10a: {  	[tilespmem:s16], [sflag:$0x1] =	stream.indirect.gather @!p1 [hbm4b:s4+s18], $0x10, s2, s18, $0xb8;
	[tilespmem:$0x8A40] =	vst v63  }
0x10b: {  	_ =	swait.ge [sflag:s29], $0x800  }
0x10c: {  	[sflag:s29] =	ssyncset.done $0x0  }
0x10d: {  	s19 =	sshll.u32 s17, $0x8;
	[sflag:s29] =	ssyncadd.s32 $0xFFFFF800  }
0x10e: {  	s22 =	sshll.u32 s17, $0xB;
	s2 =	sadd.s32 s12, s19;
	_ =	swait.ge [sflag:s30], $0x800  }
0x10f: {  	s16 =	sand.u32 $0x800, s22;
	p1 =	sne.s32 s17, $0x80;
	[sflag:s30] =	ssyncset.done $0x0  }
0x110: {  	s24 =	sadd.s32 s8, s2;
	s19 =	sadd.s32 $0x6A00, s16;
	[sflag:s30] =	ssyncadd.s32 $0xFFFFF800  }
0x111: {  	[hbm4b:s24+s3] =	stream.linear.scatter [tilespmem:s19], [sflag:$0x2], $0x800, $0x38;
	[tilespmem:$0x8A40] =	vst v63  }
.Ltmp5:
0x112: {  	_ = 	snop;
	(pc) =	sbr.rel @p1 .LBB2_4-.Ltmp5, $4  }
.Ltmp6:
0x113: {  	_ = 	snop;
	(pc) =	sbr.rel @!p1 .LBB2_8-.Ltmp6, $4  }
0x114: {  	s2 =	sadd.s32 s9, s2;
	s16 =	sadd.s32 $0x7A00, s16  }
0x115: {  	[hbm4b:s2+s3] =	stream.linear.scatter [tilespmem:s16], [sflag:$0x3], $0x800, $0x38;
	[tilespmem:$0x8A40] =	vst v63  }
0x116: {  	s0 =	sadd.s32 $0x10, s0;
	p0 =	por !p0, !p0;
	s2 =	smov.u32 s17  }
0x117: {  	_ = 	snop  }
.LBB2_9:
0x118: {  	_ =	sfence.sel $0x180000  }
0x119: {  	[bflag:$0x0] =	sbarrier.arrive $0xFFFF  }
0x11a: {  	_ =	strace $0x90000047  }
0x11b: {  	s0 =	stileid.u32;
	[bflag:$0x2] =	sbarrier.arrive $0xFFFF  }
0x11c: {  	p0 =	sne.s32 s0, $0x0;
	s0 =	rddreg [dreg:$0x3]  }
0x11d: {  	s0 =	sadd.s32 @!p0 $0x100000, s0  }
0x11e: {  	[sflag:s0] =	ssyncadd.tile.s32 @!p0 $0x1;
	_ =	shalt  }
.Lfunc_end2:
_tile_overlayer_lowered:
.L_overlay_start_2:
0x11f: {  	(tag) =	ssettag $0x2  }
0x120: {  	s0 =	rddreg [dreg:$0x0];
	s2 =	stileid.u32  }
0x121: {  	s1 =	rddreg [dreg:$0x1];
	p0 =	sne.s32 s2, $0x0  }
0x122: {  	s3 =	rddreg [dreg:$0x2];
	[bflag:$0x3] =	sbarrier.arrive $0xFFFF;
	s2 =	simm.s32 @!p0 $0x1C04  }
0x123: {  	[timem:s3], [sflag:s2] =	dma.local @!p0 [hbm:s0], s1  }
0x124: {  	s0 =	simm.s32 @!p0 $0x4  }
0x125: {  	_ =	swait.ge @!p0 [sflag:s0], s1  }
0x126: {  	s1 =	ssub.s32 @!p0 $0x0, s1;
	[sflag:s0] =	ssyncset.done @!p0 $0x0  }
0x127: {  	[sflag:s0] =	ssyncadd.s32 @!p0 s1  }
0x128: {  	[bflag:$0x3] =	sbarrier.arrive $0xFFFF  }
0x129: {  	_ =	shalt  }

// kernel: _sc_encode.7.cloned.1.call-start
scs
__scs_entry_jumppad:
0x0: {  	(pc) =	sbr.rel $0x88, $3  }
0x1: {  	(tag) =	ssettag $0x0;
	lr =	simm.s32 $0x1  }
0x2: {  	[smem:$0x3F9D] =	sst lr;
	_ =	strace $0xD0000000  }
0x3: {  	_ = 	snop  }
0x4: {  	_ = 	snop  }
0x5: {  	_ = 	snop  }
0x6: {  	_ = 	snop  }
0x7: {  	_ = 	snop  }
__scs_overlays_trampoline_lowered:
0x8: {  	[smem:$0x3FAC] =	sst s0  }
0x9: {  	[smem:$0x3FAD] =	sst s1  }
0xa: {  	[smem:$0x3FAE] =	sst s2  }
0xb: {  	[smem:$0x3FAF] =	sst s3  }
0xc: {  	[smem:$0x3FB0] =	sst s4  }
0xd: {  	[smem:$0x3FB1] =	sst s5  }
0xe: {  	[smem:$0x3FB2] =	sst s6  }
0xf: {  	[smem:$0x3FB3] =	sst s7  }
0x10: {  	[smem:$0x3FB4] =	sst s8  }
0x11: {  	[smem:$0x3FB5] =	sst s9;
	s0 =	simm.s32 @!p0 $0x0  }
0x12: {  	s1 =	sld [smem:$0x3F9B];
	s0 =	simm.s32 @p0 $0x1  }
0x13: {  	[smem:$0x3FB6] =	sst s0;
	s0 =	simm.s32 @!p1 $0x0  }
0x14: {  	s2 =	sld [smem:$0x3F9A];
	s0 =	simm.s32 @p1 $0x1  }
0x15: {  	[smem:$0x3FB7] =	sst s0;
	s0 =	simm.s32 @!p2 $0x0  }
0x16: {  	s3 =	sld [smem:$0x3FDB];
	s0 =	simm.s32 @p2 $0x1  }
0x17: {  	s4 =	simm.s32 $0x1BF5;
	[smem:$0x3FB9] =	sst s0  }
0x18: {  	s0 =	sld [smem:$0x3F9C];
	_ =	swait.ge [sflag:s4], $0x0  }
0x19: {  	s7 =	sld [smem:$0x3F9D]  }
0x1a: {  	s8 =	sadd.s32 $0xFFFFE003, lr  }
0x1b: {  	s9 =	sadd.s32 $0xFFFFFEF7, lr;
	s5 =	simm.s32 $0xFFFFFFFF;
	p2 =	slt.u32 s8, $0xFFFFF086  }
0x1c: {  	p1 =	slt.u32 s9, $0xF7A;
	s5 =	simm.s32 @!p2 $0x0  }
0x1d: {  	s5 =	simm.s32 @p1 $0x1;
	p0 =	seq.s32 s7, s2  }
0x1e: {  	s7 =	smul.u32 @!p0 $0xF7A, s2;
	p2 =	seq.s32 @!p0 s5, $0x0  }
0x1f: {  	s9 =	smul.u32 $0xF7A, s1;
	s8 =	simm.s32 @!p0 $0x1BF5;
	p2 =	por !p2, p0  }
0x20: {  	[sflag:s8] =	ssyncset.s32 @!p0 $0xFFFFF086;
	s6 =	sadd.s32 @!p0 s3, s7;
	s7 =	simm.s32 @!p0 $0x108  }
0x21: {  	s3 =	sadd.s32 s3, s9;
	s6 =	sadd.s32 @!p0 $0x88, s6;
	s7 =	simm.s32 @p2 $0x1082  }
0x22: {  	[simem:s7], [sflag:s8] =	dma.local @!p0 [hbm:s6], $0xF7A  }
0x23: {  	s9 =	sor.u32 $0xD0000000, s2;
	s6 =	simm.s32 $0x108;
	_ =	swait.ge @!p0 [sflag:s8], $0x0  }
0x24: {  	s3 =	sadd.s32 $0x88, s3;
	s6 =	simm.s32 @!p1 $0x1082;
	[sflag:s4] =	ssyncset.s32 $0xFFFFF086  }
0x25: {  	[simem:s6], [sflag:s4] =	dma.local [hbm:s3], $0xF7A  }
0x26: {  	[smem:$0x3F9D] =	sst s1;
	(tag) =	ssettag s2;
	_ =	strace s9  }
0x27: {  	s1 =	sld [smem:$0x3FAD]  }
0x28: {  	s2 =	sld [smem:$0x3FAE]  }
0x29: {  	s4 =	sld [smem:$0x3FB0]  }
0x2a: {  	p0 =	seq.s32 s5, $0x0;
	s5 =	sld [smem:$0x3FB1]  }
0x2b: {  	s6 =	sld [smem:$0x3FB2]  }
0x2c: {  	s7 =	sld [smem:$0x3FB3]  }
0x2d: {  	s3 =	simm.s32 $0x108;
	s8 =	sld [smem:$0x3FB4]  }
0x2e: {  	s3 =	simm.s32 @!p0 $0x1082;
	s9 =	sld [smem:$0x3FB5]  }
0x2f: {  	lr =	sadd.s32 s0, s3;
	s0 =	sld [smem:$0x3FAC]  }
0x30: {  	s3 =	sld [smem:$0x3FAF]  }
0x31: {  	[smem:$0x3FB8] =	sst s10  }
0x32: {  	s10 =	sld [smem:$0x3FB6];
	_ =	sdelay $0x3  }
0x33: {  	p0 =	seq.s32 s10, $0x1;
	s10 =	sld [smem:$0x3FB8];
	_ =	sdelay $0x3  }
0x34: {  	[smem:$0x3FB8] =	sst s10  }
0x35: {  	s10 =	sld [smem:$0x3FB7];
	_ =	sdelay $0x3  }
0x36: {  	p1 =	seq.s32 s10, $0x1;
	s10 =	sld [smem:$0x3FB8];
	_ =	sdelay $0x3  }
0x37: {  	[smem:$0x3FB8] =	sst s10  }
0x38: {  	s10 =	sld [smem:$0x3FB9]  }
0x39: {  	_ = 	snop;
	(pc) =	sbr.ind lr, $3  }
0x3a: {  	_ = 	snop  }
0x3b: {  	_ = 	snop  }
0x3c: {  	p2 =	seq.s32 s10, $0x1;
	s10 =	sld [smem:$0x3FB8]  }
0x3d: {  	_ =	shalt  }
0x3e: {  	_ =	shalt  }
0x3f: {  	_ =	shalt  }
0x40: {  	_ =	shalt  }
0x41: {  	_ =	shalt  }
0x42: {  	_ =	shalt  }
0x43: {  	_ =	shalt  }
0x44: {  	_ =	shalt  }
0x45: {  	_ =	shalt  }
0x46: {  	_ =	shalt  }
0x47: {  	_ =	shalt  }
0x48: {  	_ =	shalt  }
0x49: {  	_ =	shalt  }
0x4a: {  	_ =	shalt  }
0x4b: {  	_ =	shalt  }
0x4c: {  	_ =	shalt  }
0x4d: {  	_ =	shalt  }
0x4e: {  	_ =	shalt  }
0x4f: {  	_ =	shalt  }
0x50: {  	_ =	shalt  }
0x51: {  	_ =	shalt  }
0x52: {  	_ =	shalt  }
0x53: {  	_ =	shalt  }
0x54: {  	_ =	shalt  }
0x55: {  	_ =	shalt  }
0x56: {  	_ =	shalt  }
0x57: {  	_ =	shalt  }
0x58: {  	_ =	shalt  }
0x59: {  	_ =	shalt  }
0x5a: {  	_ =	shalt  }
0x5b: {  	_ =	shalt  }
0x5c: {  	_ =	shalt  }
0x5d: {  	_ =	shalt  }
0x5e: {  	_ =	shalt  }
0x5f: {  	_ =	shalt  }
0x60: {  	_ =	shalt  }
0x61: {  	_ =	shalt  }
0x62: {  	_ =	shalt  }
0x63: {  	_ =	shalt  }
0x64: {  	_ =	shalt  }
0x65: {  	_ =	shalt  }
0x66: {  	_ =	shalt  }
0x67: {  	_ =	shalt  }
0x68: {  	_ =	shalt  }
0x69: {  	_ =	shalt  }
0x6a: {  	_ =	shalt  }
0x6b: {  	_ =	shalt  }
0x6c: {  	_ =	shalt  }
0x6d: {  	_ =	shalt  }
0x6e: {  	_ =	shalt  }
0x6f: {  	_ =	shalt  }
0x70: {  	_ =	shalt  }
0x71: {  	_ =	shalt  }
0x72: {  	_ =	shalt  }
0x73: {  	_ =	shalt  }
0x74: {  	_ =	shalt  }
0x75: {  	_ =	shalt  }
0x76: {  	_ =	shalt  }
0x77: {  	_ =	shalt  }
0x78: {  	_ =	shalt  }
0x79: {  	_ =	shalt  }
0x7a: {  	_ =	shalt  }
0x7b: {  	_ =	shalt  }
0x7c: {  	_ =	shalt  }
0x7d: {  	_ =	shalt  }
0x7e: {  	_ =	shalt  }
0x7f: {  	_ =	shalt  }
0x80: {  	_ =	shalt  }
0x81: {  	_ =	shalt  }
0x82: {  	_ =	shalt  }
0x83: {  	_ =	shalt  }
0x84: {  	_ =	shalt  }
0x85: {  	_ =	shalt  }
0x86: {  	_ =	shalt  }
0x87: {  	_ =	shalt  }
.Lfunc_end0:
.L_simem_size_0:
called_computation.1_lowered:
.L_overlay_start_0:
0x88: {  	s2 =	sld [smem:$0x3FD9]  }
0x89: {  	s3 =	sld [smem:$0x3FFE];
	_ =	sdelay $0x1  }
0x8a: {  	s1 =	srdreg.scid  }
0x8b: {  	s0 =	sand.u32 $0x1, s1  }
0x8c: {  	s17 =	sshll.u32 s0, $0xA;
	s2 =	sadd.s32 s3, s2  }
0x8d: {  	s2 =	sadd.s32 s2, s17  }
0x8e: {  	[smem:$0x3FC4] =	sst s2  }
0x8f: {  	_ = 	snop  }
0x90: {  	s2 =	sld [smem:$0x3FD0];
	(tm) =	ssettm $0x1  }
0x91: {  	s18 =	sld [smem:$0x3FFB];
	_ =	sdelay $0x3  }
0x92: {  	_ =	strace s18  }
0x93: {  	s3 =	sld [smem:$0x3FFC];
	_ =	sdelay $0x3  }
0x94: {  	_ =	strace s3  }
0x95: {  	s3 =	sld [smem:$0x3FFD];
	_ =	sdelay $0x3  }
0x96: {  	_ =	strace s3  }
0x97: {  	_ =	strace $0x8FFFFFFF  }
0x98: {  	s19 =	sld [smem:$0x3FDB];
	_ =	sdelay $0x1  }
0x99: {  	s4 =	simm.s32 $_scs_section_size  }
0x9a: {  	s5 =	simm.s32 $_size__tile_overlayer_lowered;
	s6 =	simm.s32 $_tile_overlayer_lowered  }
0x9b: {  	s22 =	simm.s32 $0x1BFF;
	s21 =	sshll.u32 s6, $0x1;
	s3 =	sadd.s32 s4, s19  }
0x9c: {  	s7 =	simm.s32 $0x0;
	s20 =	sshll.u32 s5, $0x1;
	s5 =	sadd.s32 s21, s3  }
0x9d: {  	[timem:s7], [sflag:s22] =	dma.local [hbm:s5], s20  }
0x9e: {  	_ =	swait.ge [sflag:s22], s20  }
0x9f: {  	s4 =	ssub.s32 $0x0, s20;
	[sflag:s22] =	ssyncset.done $0x0  }
0xa0: {  	[sflag:s22] =	ssyncadd.s32 s4;
	_ =	sdelay $0x1  }
0xa1: {  	s23 =	simm.s32 $0x1B8B  }
0xa2: {  	_ =	swait.ge [sflag:s23], $0x1  }
0xa3: {  	[sflag:s23] =	ssyncset.done $0x0  }
0xa4: {  	s25 =	simm.s32 $0x1B8E;
	s24 =	sld [smem:$0x3FFE];
	[sflag:s23] =	ssyncadd.s32 $0xFFFFFFFF  }
0xa5: {  	s26 =	simm.s32 $execute0_lowered;
	[smem:$0x3FD2] =	sst s25  }
0xa6: {  	s5 =	sshll.u32 s26, $0x1;
	_ =	strace $0x80000049;
	[dreg:$0x1] =	wrdreg $0xFFFFFFFF  }
0xa7: {  	s28 =	simm.s32 $_size_execute0_lowered;
	s3 =	sadd.s32 s3, s5;
	[dreg:$0x0] =	wrdreg $0x0  }
0xa8: {  	s5 =	sshll.u32 s28, $0x1;
	[dreg:$0x2] =	wrdreg s3  }
0xa9: {  	[dreg:$0x3] =	wrdreg s5  }
0xaa: {  	[dreg:$0x4] =	wrdreg $0xC0  }
0xab: {  	_ =	task [dreg:s7], $0x5FFFF  }
0xac: {  	[dreg:$0x1] =	wrdreg $0xFFFFFFFF  }
0xad: {  	[dreg:$0x0] =	wrdreg $0x60  }
0xae: {  	[dreg:$0x2] =	wrdreg s24  }
0xaf: {  	[dreg:$0x3] =	wrdreg s2  }
0xb0: {  	[dreg:$0x4] =	wrdreg $0x9  }
0xb1: {  	_ =	task.clear_ibuf [dreg:s7], $0x5FFFF;
	_ =	strace $0x90000049  }
0xb2: {  	s29 =	simm.s32 $0x9;
	_ =	strace $0x8000004B  }
0xb3: {  	_ =	swait.ge [sflag:s29], $0x1  }
0xb4: {  	[sflag:s29] =	ssyncadd.s32 $0xFFFFFFFF  }
0xb5: {  	_ =	strace $0x9000004B  }
0xb6: {  	_ =	sfence  }
0xb7: {  	s30 =	sld [smem:$0x0];
	_ =	sdelay $0x2  }
0xb8: {  	s31 =	sshll.u32 s1, $0xD;
	s1 =	sshrl.u32 s1, $0x2  }
0xb9: {  	s3 =	sand.u32 $0x4000, s31;
	s1 =	sadd.s32 s1, s30  }
0xba: {  	s0 =	sor.u32 s3, s0;
	s1 =	sshll.u32 s1, $0x11  }
0xbb: {  	s0 =	sor.u32 s1, s0  }
0xbc: {  	s0 =	sadd.s32 $0x8F2B, s0  }
0xbd: {  	[sflag:s0] =	ssyncadd.remote.s32 $0x1  }
0xbe: {  	_ =	sfence.sel $0xFFFF  }
0xbf: {  	[dreg:$0x0] =	wrdreg $0xFFFFFFFF;
	(pc) =	sbr.abs _section_cstart, $3  }
0xc0: {  	[dreg:$0x1] =	wrdreg $0xFFFFFFFF  }
0xc1: {  	_ =	task.clear_ibuf [dreg:s7], $0x2FFFF;
	_ =	strace $0x9FFFFFFF  }
0xc2: {  	(tm) =	ssettm $0x7FFFFFFF  }
0xc3: {  	_ =	shalt  }
tec
execute0_lowered:
.L_overlay_start_1:
0x0: {  	(tag) =	ssettag $0x1  }
0x1: {  	s0 =	rddreg [dreg:$0x0]  }
0x2: {  	s1 =	rddreg [dreg:$0x1]  }
0x3: {  	s2 =	simm.s32 $0x0;
	s4 =	srdreg.scid;
	s6 =	stileid.u32  }
0x4: {  	s15 =	simm.s32 $0x6;
	s17 =	simm.s32 $0x80;
	s18 =	simm.s32 $0x3000;
	v0 =	vlaneseq.u32  }
0x5: {  	s16 =	simm.s32 $0x800;
	s23 =	simm.s32 $0x1000;
	s24 =	simm.s32 $0x2800;
	v0 =	vmul.u32 $0x10, v0  }
0x6: {  	s25 =	simm.s32 $0x4;
	s26 =	simm.s32 $0x1B000;
	s28 =	simm.s32 $0x5  }
0x7: {  	s29 =	simm.s32 $0x0;
	[smem:$0x7FF] =	sst s2;
	s3 =	sadd.s32 $0x224A800, s0;
	v58 =	vor.u32 $0x700, v0  }
0x8: {  	s5 =	sand.u32 $0x1, s4;
	s6 =	sshll.u32 s6, $0x1;
	s4 =	sadd.s32 $0x4A800, s0;
	v60 =	vor.u32 $0x600, v0;
	v61 =	vor.u32 $0x500, v0;
	v62 =	vor.u32 $0x400, v0  }
0x9: {  	_ =	strace $0x8000004A;
	s7 =	ssub.s32 $0x2, s5;
	s12 =	sor.u32 s5, s6;
	v1 =	vor.u32 $0x300, v0;
	v9 =	vor.u32 $0x200, v0;
	v2 =	vor.u32 $0x100, v0  }
0xa: {  	s5 =	sadd.s32 $0x14A800, s0;
	s31 =	sshrl.u32 s7, $0x1;
	s6 =	sshll.u32 s12, $0xF;
	v4 =	vor.u32 $0x1, v0;
	v5 =	vor.u32 $0x2, v0;
	v6 =	vor.u32 $0x3, v0  }
0xb: {  	s14 =	sshll.u32 s12, $0x10;
	v7 =	vor.u32 $0x4, v0;
	v11 =	vor.u32 $0x5, v0;
	v12 =	vor.u32 $0x6, v0;
	s0 =	ssub.s32 s7, s31;
	s7 =	sadd.s32 s4, s6  }
0xc: {  	v13 =	vor.u32 $0x7, v0;
	v14 =	vor.u32 $0x8, v0;
	v15 =	vor.u32 $0x9, v0;
	s10 =	sor.u32 $0x100, s6;
	s8 =	sadd.s32 s5, s6;
	s13 =	sor.u32 $0x200, s6;
	[tilespmem:$0x1FFD0] =	vst v1  }
0xd: {  	v20 =	vor.u32 $0xA, v0;
	v21 =	vor.u32 $0xB, v0;
	v10 =	vor.u32 $0xF, v0;
	[tilespmem:$0x1FFE0] =	vst v2;
	s9 =	sadd.s32 s4, s10;
	s10 =	sadd.s32 s5, s10;
	s11 =	sadd.s32 s4, s13  }
0xe: {  	v22 =	vor.u32 $0xC, v0;
	v19 =	vor.u32 $0xD, v0;
	v8 =	vor.u32 $0xE, v0;
	[tilespmem:$0x1FFF0] =	vst v10;
	s12 =	sadd.s32 s5, s13;
	s13 =	sadd.s32 s1, s14;
	s14 =	smax.u32 s0, $0x1  }
.LBB2_1:
0xf: {  	[tilespmem:s2], [sflag:$0x6] =	stream.linear.gather [hbm4b:s7+s2], $0x800, $0x38;
	[tilespmem:$0x1C000] =	vst v63  }
0x10: {  	_ =	swait.ge [sflag:s15], $0x800  }
0x11: {  	[sflag:s15] =	ssyncset.done $0x0  }
0x12: {  	s0 =	simm.s32 $0x1800;
	[sflag:s15] =	ssyncadd.s32 $0xFFFFF800  }
0x13: {  	[tilespmem:s0], [sflag:$0x6] =	stream.linear.gather [hbm4b:s8+s2], $0x800, $0x38;
	[tilespmem:$0x1C000] =	vst v63  }
0x14: {  	_ =	swait.ge [sflag:s15], $0x800  }
0x15: {  	[sflag:s15] =	ssyncset.done $0x0  }
0x16: {  	[sflag:s15] =	ssyncadd.s32 $0xFFFFF800  }
0x17: {  	[tilespmem:s18], [sflag:$0x1] =	stream.indirect.gather [hbm4b:s3+s17], $0x10, s2, s17, $0xb8;
	[tilespmem:$0x1C000] =	vst v63  }
0x18: {  	s1 =	simm.s32 $0x3800  }
0x19: {  	[tilespmem:s1], [sflag:$0x1] =	stream.indirect.gather [hbm4b:s3+s17], $0x10, s17, s17, $0xb8;
	[tilespmem:$0x1C000] =	vst v63  }
0x1a: {  	s19 =	simm.s32 $0x100;
	s1 =	simm.s32 $0x4000  }
0x1b: {  	[tilespmem:s1], [sflag:$0x1] =	stream.indirect.gather [hbm4b:s3+s17], $0x10, s19, s17, $0xb8;
	[tilespmem:$0x1C000] =	vst v63  }
0x1c: {  	s20 =	simm.s32 $0x180;
	s21 =	simm.s32 $0x4800  }
0x1d: {  	[tilespmem:s21], [sflag:$0x1] =	stream.indirect.gather [hbm4b:s3+s17], $0x10, s20, s17, $0xb8;
	[tilespmem:$0x1C000] =	vst v63  }
0x1e: {  	s22 =	simm.s32 $0x200;
	s31 =	simm.s32 $0x5000  }
0x1f: {  	[tilespmem:s31], [sflag:$0x1] =	stream.indirect.gather [hbm4b:s3+s17], $0x10, s22, s17, $0xb8;
	[tilespmem:$0x1C000] =	vst v63  }
0x20: {  	s1 =	simm.s32 $0x280;
	s19 =	simm.s32 $0x5800  }
0x21: {  	[tilespmem:s19], [sflag:$0x1] =	stream.indirect.gather [hbm4b:s3+s17], $0x10, s1, s17, $0xb8;
	[tilespmem:$0x1C000] =	vst v63  }
0x22: {  	s20 =	simm.s32 $0x300;
	s21 =	simm.s32 $0x6000  }
0x23: {  	[tilespmem:s21], [sflag:$0x1] =	stream.indirect.gather [hbm4b:s3+s17], $0x10, s20, s17, $0xb8;
	[tilespmem:$0x1C000] =	vst v63  }
0x24: {  	s22 =	simm.s32 $0x380;
	s31 =	simm.s32 $0x6800  }
0x25: {  	[tilespmem:s31], [sflag:$0x1] =	stream.indirect.gather [hbm4b:s3+s17], $0x10, s22, s17, $0xb8;
	[tilespmem:$0x1C000] =	vst v63  }
0x26: {  	s1 =	simm.s32 $0x400;
	s19 =	simm.s32 $0x7000  }
0x27: {  	[tilespmem:s19], [sflag:$0x1] =	stream.indirect.gather [hbm4b:s3+s17], $0x10, s1, s17, $0xb8;
	[tilespmem:$0x1C000] =	vst v63  }
0x28: {  	s20 =	simm.s32 $0x480;
	s21 =	simm.s32 $0x7800  }
0x29: {  	[tilespmem:s21], [sflag:$0x1] =	stream.indirect.gather [hbm4b:s3+s17], $0x10, s20, s17, $0xb8;
	[tilespmem:$0x1C000] =	vst v63  }
0x2a: {  	s22 =	simm.s32 $0x500;
	s31 =	simm.s32 $0x8000  }
0x2b: {  	[tilespmem:s31], [sflag:$0x1] =	stream.indirect.gather [hbm4b:s3+s17], $0x10, s22, s17, $0xb8;
	[tilespmem:$0x1C000] =	vst v63  }
0x2c: {  	s1 =	simm.s32 $0x580;
	s19 =	simm.s32 $0x8800  }
0x2d: {  	[tilespmem:s19], [sflag:$0x1] =	stream.indirect.gather [hbm4b:s3+s17], $0x10, s1, s17, $0xb8;
	[tilespmem:$0x1C000] =	vst v63  }
0x2e: {  	s20 =	simm.s32 $0x600;
	s21 =	simm.s32 $0x9000  }
0x2f: {  	[tilespmem:s21], [sflag:$0x1] =	stream.indirect.gather [hbm4b:s3+s17], $0x10, s20, s17, $0xb8;
	[tilespmem:$0x1C000] =	vst v63  }
0x30: {  	s22 =	simm.s32 $0x680;
	s31 =	simm.s32 $0x9800  }
0x31: {  	[tilespmem:s31], [sflag:$0x1] =	stream.indirect.gather [hbm4b:s3+s17], $0x10, s22, s17, $0xb8;
	[tilespmem:$0x1C000] =	vst v63  }
0x32: {  	s1 =	simm.s32 $0x700;
	s19 =	simm.s32 $0xA000  }
0x33: {  	[tilespmem:s19], [sflag:$0x1] =	stream.indirect.gather [hbm4b:s3+s17], $0x10, s1, s17, $0xb8;
	[tilespmem:$0x1C000] =	vst v63  }
0x34: {  	s20 =	simm.s32 $0x780;
	s21 =	simm.s32 $0xA800  }
0x35: {  	[tilespmem:s21], [sflag:$0x1] =	stream.indirect.gather [hbm4b:s3+s17], $0x10, s20, s17, $0xb8;
	[tilespmem:$0x1C000] =	vst v63  }
0x36: {  	_ = 	snop  }
0x37: {  	[tilespmem:s16], [sflag:$0x6] =	stream.linear.gather [hbm4b:s9+s2], $0x800, $0x38;
	[tilespmem:$0x1C000] =	vst v63  }
0x38: {  	_ =	swait.ge [sflag:s15], $0x800  }
0x39: {  	[sflag:s15] =	ssyncset.done $0x0  }
0x3a: {  	s22 =	simm.s32 $0x2000;
	[sflag:s15] =	ssyncadd.s32 $0xFFFFF800  }
0x3b: {  	[tilespmem:s22], [sflag:$0x6] =	stream.linear.gather [hbm4b:s10+s2], $0x800, $0x38;
	[tilespmem:$0x1C000] =	vst v63  }
0x3c: {  	_ =	swait.ge [sflag:s15], $0x800  }
0x3d: {  	[sflag:s15] =	ssyncset.done $0x0  }
0x3e: {  	s31 =	simm.s32 $0xB000;
	[sflag:s15] =	ssyncadd.s32 $0xFFFFF800  }
0x3f: {  	[tilespmem:s31], [sflag:$0x2] =	stream.indirect.gather [hbm4b:s3+s17], $0x10, s16, s17, $0xb8;
	[tilespmem:$0x1C000] =	vst v63  }
0x40: {  	s1 =	simm.s32 $0x880;
	s19 =	simm.s32 $0xB800  }
0x41: {  	[tilespmem:s19], [sflag:$0x2] =	stream.indirect.gather [hbm4b:s3+s17], $0x10, s1, s17, $0xb8;
	[tilespmem:$0x1C000] =	vst v63  }
0x42: {  	s20 =	simm.s32 $0x900;
	s21 =	simm.s32 $0xC000  }
0x43: {  	[tilespmem:s21], [sflag:$0x2] =	stream.indirect.gather [hbm4b:s3+s17], $0x10, s20, s17, $0xb8;
	[tilespmem:$0x1C000] =	vst v63  }
0x44: {  	s22 =	simm.s32 $0x980;
	s31 =	simm.s32 $0xC800  }
0x45: {  	[tilespmem:s31], [sflag:$0x2] =	stream.indirect.gather [hbm4b:s3+s17], $0x10, s22, s17, $0xb8;
	[tilespmem:$0x1C000] =	vst v63  }
0x46: {  	s1 =	simm.s32 $0xA00;
	s19 =	simm.s32 $0xD000  }
0x47: {  	[tilespmem:s19], [sflag:$0x2] =	stream.indirect.gather [hbm4b:s3+s17], $0x10, s1, s17, $0xb8;
	[tilespmem:$0x1C000] =	vst v63  }
0x48: {  	s20 =	simm.s32 $0xA80;
	s21 =	simm.s32 $0xD800  }
0x49: {  	[tilespmem:s21], [sflag:$0x2] =	stream.indirect.gather [hbm4b:s3+s17], $0x10, s20, s17, $0xb8;
	[tilespmem:$0x1C000] =	vst v63  }
0x4a: {  	s22 =	simm.s32 $0xB00;
	s31 =	simm.s32 $0xE000  }
0x4b: {  	[tilespmem:s31], [sflag:$0x2] =	stream.indirect.gather [hbm4b:s3+s17], $0x10, s22, s17, $0xb8;
	[tilespmem:$0x1C000] =	vst v63  }
0x4c: {  	s1 =	simm.s32 $0xB80;
	s19 =	simm.s32 $0xE800  }
0x4d: {  	[tilespmem:s19], [sflag:$0x2] =	stream.indirect.gather [hbm4b:s3+s17], $0x10, s1, s17, $0xb8;
	[tilespmem:$0x1C000] =	vst v63  }
0x4e: {  	s20 =	simm.s32 $0xC00;
	s21 =	simm.s32 $0xF000  }
0x4f: {  	[tilespmem:s21], [sflag:$0x2] =	stream.indirect.gather [hbm4b:s3+s17], $0x10, s20, s17, $0xb8;
	[tilespmem:$0x1C000] =	vst v63  }
0x50: {  	s22 =	simm.s32 $0xC80;
	s31 =	simm.s32 $0xF800  }
0x51: {  	[tilespmem:s31], [sflag:$0x2] =	stream.indirect.gather [hbm4b:s3+s17], $0x10, s22, s17, $0xb8;
	[tilespmem:$0x1C000] =	vst v63  }
0x52: {  	s1 =	simm.s32 $0xD00;
	s19 =	simm.s32 $0x10000  }
0x53: {  	[tilespmem:s19], [sflag:$0x2] =	stream.indirect.gather [hbm4b:s3+s17], $0x10, s1, s17, $0xb8;
	[tilespmem:$0x1C000] =	vst v63  }
0x54: {  	s20 =	simm.s32 $0xD80;
	s21 =	simm.s32 $0x10800  }
0x55: {  	[tilespmem:s21], [sflag:$0x2] =	stream.indirect.gather [hbm4b:s3+s17], $0x10, s20, s17, $0xb8;
	[tilespmem:$0x1C000] =	vst v63  }
0x56: {  	s22 =	simm.s32 $0xE00;
	s31 =	simm.s32 $0x11000  }
0x57: {  	[tilespmem:s31], [sflag:$0x2] =	stream.indirect.gather [hbm4b:s3+s17], $0x10, s22, s17, $0xb8;
	[tilespmem:$0x1C000] =	vst v63  }
0x58: {  	s1 =	simm.s32 $0xE80;
	s19 =	simm.s32 $0x11800  }
0x59: {  	[tilespmem:s19], [sflag:$0x2] =	stream.indirect.gather [hbm4b:s3+s17], $0x10, s1, s17, $0xb8;
	[tilespmem:$0x1C000] =	vst v63  }
0x5a: {  	s20 =	simm.s32 $0xF00;
	s21 =	simm.s32 $0x12000  }
0x5b: {  	[tilespmem:s21], [sflag:$0x2] =	stream.indirect.gather [hbm4b:s3+s17], $0x10, s20, s17, $0xb8;
	[tilespmem:$0x1C000] =	vst v63  }
0x5c: {  	s22 =	simm.s32 $0xF80;
	s31 =	simm.s32 $0x12800  }
0x5d: {  	[tilespmem:s31], [sflag:$0x2] =	stream.indirect.gather [hbm4b:s3+s17], $0x10, s22, s17, $0xb8;
	[tilespmem:$0x1C000] =	vst v63  }
0x5e: {  	_ = 	snop  }
0x5f: {  	[tilespmem:s23], [sflag:$0x4] =	stream.linear.gather [hbm4b:s11+s2], $0x800, $0x38;
	[tilespmem:$0x1C000] =	vst v63  }
0x60: {  	s30 =	simm.s32 $0x0  }
0x61: {  	[tilespmem:s24], [sflag:$0x4] =	stream.linear.gather [hbm4b:s12+s2], $0x800, $0x38;
	[tilespmem:$0x1C000] =	vst v63  }
.LBB2_2:
0x62: {  	p0 =	sgt.u32 s30, $0x7D  }
.Ltmp0:
0x63: {  	_ = 	snop;
	(pc) =	sbr.rel @p0 .LBB2_37-.Ltmp0, $1  }
0x64: {  	_ =	sdelay $0x3  }
0x65: {  	s0 =	sadd.s32 $0x2, s30  }
0x66: {  	s1 =	sand.u32 $0xFF, s0  }
0x67: {  	s1 =	smul.u32 $0xAB, s1;
	_ =	sdelay $0x1  }
0x68: {  	s1 =	sshrl.u32 s1, $0x9  }
0x69: {  	s1 =	smul.u32 $0x3, s1;
	_ =	sdelay $0x1  }
0x6a: {  	s0 =	ssub.s32 s0, s1  }
0x6b: {  	s0 =	sand.u32 $0xFF, s0  }
0x6c: {  	_ =	swait.ge [sflag:s25], $0x800;
	p0 =	seq.s32 s0, $0x0  }
.Ltmp1:
0x6d: {  	[sflag:s25] =	ssyncset.done $0x0;
	(pc) =	sbr.rel @p0 .LBB2_5-.Ltmp1, $4  }
0x6e: {  	[sflag:s25] =	ssyncadd.s32 $0xFFFFF800  }
0x6f: {  	_ =	swait.ge [sflag:s25], $0x800  }
0x70: {  	s31 =	simm.s32 $0x1;
	s19 =	simm.s32 $0x0;
	[sflag:s25] =	ssyncset.done $0x0  }
0x71: {  	s21 =	simm.s32 $0x0;
	s20 =	simm.s32 $0x1;
	[sflag:s25] =	ssyncadd.s32 $0xFFFFF800  }
0x72: {  	p1 =	seq.s32 s0, $0x2  }
0x73: {  	s20 =	simm.s32 @p1 $0x3;
	s21 =	simm.s32 @p1 $0x1000  }
0x74: {  	s20 =	simm.s32 @!p1 $0x2;
	s21 =	simm.s32 @!p1 $0x800  }
.LBB2_5:
.Ltmp2:
0x75: {  	(pc) =	sbr.rel @p0 .LBB2_7-.Ltmp2, $4  }
0x76: {  	_ = 	snop  }
0x77: {  	s1 =	sshll.u32 s0, $0xF  }
0x78: {  	s22 =	sor.u32 $0x3000, s1  }
0x79: {  	[tilespmem:s22], [sflag:s20] =	stream.indirect.gather [hbm4b:s3+s17], $0x10, s21, s17, $0xb8;
	[tilespmem:$0x1C000] =	vst v63  }
0x7a: {  	p1 =	seq.s32 s0, $0x1  }
0x7b: {  	s31 =	simm.s32 @p1 $0x2;
	s19 =	simm.s32 @p1 $0x800  }
0x7c: {  	s31 =	simm.s32 @!p1 $0x3;
	s19 =	simm.s32 @!p1 $0x1000  }
.LBB2_7:
.Ltmp3:
0x7d: {  	(pc) =	sbr.rel @p0 .LBB2_9-.Ltmp3, $4  }
0x7e: {  	_ = 	snop  }
0x7f: {  	s20 =	sadd.s32 $0x3800, s1;
	s19 =	sadd.s32 $0x80, s19;
	s21 =	simm.s32 $0x0  }
0x80: {  	[tilespmem:s20], [sflag:s31] =	stream.indirect.gather [hbm4b:s3+s17], $0x10, s19, s17, $0xb8;
	[tilespmem:$0x1C000] =	vst v63  }
0x81: {  	s31 =	simm.s32 $0x1;
	s19 =	simm.s32 $0x0;
	s20 =	simm.s32 $0x1  }
0x82: {  	p1 =	seq.s32 s0, $0x1  }
0x83: {  	s20 =	simm.s32 @p1 $0x2;
	s21 =	simm.s32 @p1 $0x800  }
0x84: {  	s20 =	simm.s32 @!p1 $0x3;
	s21 =	simm.s32 @!p1 $0x1000  }
.LBB2_9:
.Ltmp4:
0x85: {  	(pc) =	sbr.rel @p0 .LBB2_11-.Ltmp4, $3  }
0x86: {  	_ =	sdelay $0x1  }
0x87: {  	s22 =	sadd.s32 $0x4000, s1;
	s21 =	sadd.s32 $0x100, s21  }
0x88: {  	[tilespmem:s22], [sflag:s20] =	stream.indirect.gather [hbm4b:s3+s17], $0x10, s21, s17, $0xb8;
	[tilespmem:$0x1C000] =	vst v63  }
0x89: {  	p1 =	seq.s32 s0, $0x1  }
0x8a: {  	s31 =	simm.s32 @p1 $0x2;
	s19 =	simm.s32 @p1 $0x800  }
0x8b: {  	s31 =	simm.s32 @!p1 $0x3;
	s19 =	simm.s32 @!p1 $0x1000  }
.LBB2_11:
.Ltmp5:
0x8c: {  	(pc) =	sbr.rel @p0 .LBB2_13-.Ltmp5, $4  }
0x8d: {  	_ = 	snop  }
0x8e: {  	s20 =	sadd.s32 $0x4800, s1;
	s19 =	sadd.s32 $0x180, s19;
	s21 =	simm.s32 $0x0  }
0x8f: {  	[tilespmem:s20], [sflag:s31] =	stream.indirect.gather [hbm4b:s3+s17], $0x10, s19, s17, $0xb8;
	[tilespmem:$0x1C000] =	vst v63  }
0x90: {  	s31 =	simm.s32 $0x1;
	s19 =	simm.s32 $0x0;
	s20 =	simm.s32 $0x1  }
0x91: {  	p1 =	seq.s32 s0, $0x1  }
0x92: {  	s20 =	simm.s32 @p1 $0x2;
	s21 =	simm.s32 @p1 $0x800  }
0x93: {  	s20 =	simm.s32 @!p1 $0x3;
	s21 =	simm.s32 @!p1 $0x1000  }
.LBB2_13:
.Ltmp6:
0x94: {  	(pc) =	sbr.rel @p0 .LBB2_15-.Ltmp6, $3  }
0x95: {  	_ =	sdelay $0x1  }
0x96: {  	s22 =	sadd.s32 $0x5000, s1;
	s21 =	sadd.s32 $0x200, s21  }
0x97: {  	[tilespmem:s22], [sflag:s20] =	stream.indirect.gather [hbm4b:s3+s17], $0x10, s21, s17, $0xb8;
	[tilespmem:$0x1C000] =	vst v63  }
0x98: {  	p1 =	seq.s32 s0, $0x1  }
0x99: {  	s31 =	simm.s32 @p1 $0x2;
	s19 =	simm.s32 @p1 $0x800  }
0x9a: {  	s31 =	simm.s32 @!p1 $0x3;
	s19 =	simm.s32 @!p1 $0x1000  }
.LBB2_15:
.Ltmp7:
0x9b: {  	(pc) =	sbr.rel @p0 .LBB2_17-.Ltmp7, $4  }
0x9c: {  	_ = 	snop  }
0x9d: {  	s20 =	sadd.s32 $0x5800, s1;
	s19 =	sadd.s32 $0x280, s19;
	s21 =	simm.s32 $0x0  }
0x9e: {  	[tilespmem:s20], [sflag:s31] =	stream.indirect.gather [hbm4b:s3+s17], $0x10, s19, s17, $0xb8;
	[tilespmem:$0x1C000] =	vst v63  }
0x9f: {  	s31 =	simm.s32 $0x1;
	s19 =	simm.s32 $0x0;
	s20 =	simm.s32 $0x1  }
0xa0: {  	p1 =	seq.s32 s0, $0x1  }
0xa1: {  	s20 =	simm.s32 @p1 $0x2;
	s21 =	simm.s32 @p1 $0x800  }
0xa2: {  	s20 =	simm.s32 @!p1 $0x3;
	s21 =	simm.s32 @!p1 $0x1000  }
.LBB2_17:
.Ltmp8:
0xa3: {  	(pc) =	sbr.rel @p0 .LBB2_19-.Ltmp8, $3  }
0xa4: {  	_ =	sdelay $0x1  }
0xa5: {  	s22 =	sadd.s32 $0x6000, s1;
	s21 =	sadd.s32 $0x300, s21  }
0xa6: {  	[tilespmem:s22], [sflag:s20] =	stream.indirect.gather [hbm4b:s3+s17], $0x10, s21, s17, $0xb8;
	[tilespmem:$0x1C000] =	vst v63  }
0xa7: {  	p1 =	seq.s32 s0, $0x1  }
0xa8: {  	s31 =	simm.s32 @p1 $0x2;
	s19 =	simm.s32 @p1 $0x800  }
0xa9: {  	s31 =	simm.s32 @!p1 $0x3;
	s19 =	simm.s32 @!p1 $0x1000  }
.LBB2_19:
.Ltmp9:
0xaa: {  	(pc) =	sbr.rel @p0 .LBB2_21-.Ltmp9, $4  }
0xab: {  	_ = 	snop  }
0xac: {  	s20 =	sadd.s32 $0x6800, s1;
	s19 =	sadd.s32 $0x380, s19;
	s21 =	simm.s32 $0x0  }
0xad: {  	[tilespmem:s20], [sflag:s31] =	stream.indirect.gather [hbm4b:s3+s17], $0x10, s19, s17, $0xb8;
	[tilespmem:$0x1C000] =	vst v63  }
0xae: {  	s31 =	simm.s32 $0x1;
	s19 =	simm.s32 $0x0;
	s20 =	simm.s32 $0x1  }
0xaf: {  	p1 =	seq.s32 s0, $0x1  }
0xb0: {  	s20 =	simm.s32 @p1 $0x2;
	s21 =	simm.s32 @p1 $0x800  }
0xb1: {  	s20 =	simm.s32 @!p1 $0x3;
	s21 =	simm.s32 @!p1 $0x1000  }
.LBB2_21:
.Ltmp10:
0xb2: {  	(pc) =	sbr.rel @p0 .LBB2_23-.Ltmp10, $3  }
0xb3: {  	_ =	sdelay $0x1  }
0xb4: {  	s22 =	sadd.s32 $0x7000, s1;
	s21 =	sadd.s32 $0x400, s21  }
0xb5: {  	[tilespmem:s22], [sflag:s20] =	stream.indirect.gather [hbm4b:s3+s17], $0x10, s21, s17, $0xb8;
	[tilespmem:$0x1C000] =	vst v63  }
0xb6: {  	p1 =	seq.s32 s0, $0x1  }
0xb7: {  	s31 =	simm.s32 @p1 $0x2;
	s19 =	simm.s32 @p1 $0x800  }
0xb8: {  	s31 =	simm.s32 @!p1 $0x3;
	s19 =	simm.s32 @!p1 $0x1000  }
.LBB2_23:
.Ltmp11:
0xb9: {  	(pc) =	sbr.rel @p0 .LBB2_25-.Ltmp11, $4  }
0xba: {  	_ = 	snop  }
0xbb: {  	s20 =	sadd.s32 $0x7800, s1;
	s19 =	sadd.s32 $0x480, s19;
	s21 =	simm.s32 $0x0  }
0xbc: {  	[tilespmem:s20], [sflag:s31] =	stream.indirect.gather [hbm4b:s3+s17], $0x10, s19, s17, $0xb8;
	[tilespmem:$0x1C000] =	vst v63  }
0xbd: {  	s31 =	simm.s32 $0x1;
	s19 =	simm.s32 $0x0;
	s20 =	simm.s32 $0x1  }
0xbe: {  	p1 =	seq.s32 s0, $0x1  }
0xbf: {  	s20 =	simm.s32 @p1 $0x2;
	s21 =	simm.s32 @p1 $0x800  }
0xc0: {  	s20 =	simm.s32 @!p1 $0x3;
	s21 =	simm.s32 @!p1 $0x1000  }
.LBB2_25:
.Ltmp12:
0xc1: {  	(pc) =	sbr.rel @p0 .LBB2_27-.Ltmp12, $3  }
0xc2: {  	_ =	sdelay $0x1  }
0xc3: {  	s22 =	sadd.s32 $0x8000, s1;
	s21 =	sadd.s32 $0x500, s21  }
0xc4: {  	[tilespmem:s22], [sflag:s20] =	stream.indirect.gather [hbm4b:s3+s17], $0x10, s21, s17, $0xb8;
	[tilespmem:$0x1C000] =	vst v63  }
0xc5: {  	p1 =	seq.s32 s0, $0x1  }
0xc6: {  	s31 =	simm.s32 @p1 $0x2;
	s19 =	simm.s32 @p1 $0x800  }
0xc7: {  	s31 =	simm.s32 @!p1 $0x3;
	s19 =	simm.s32 @!p1 $0x1000  }
.LBB2_27:
.Ltmp13:
0xc8: {  	(pc) =	sbr.rel @p0 .LBB2_29-.Ltmp13, $4  }
0xc9: {  	_ = 	snop  }
0xca: {  	s20 =	sadd.s32 $0x8800, s1;
	s19 =	sadd.s32 $0x580, s19;
	s21 =	simm.s32 $0x0  }
0xcb: {  	[tilespmem:s20], [sflag:s31] =	stream.indirect.gather [hbm4b:s3+s17], $0x10, s19, s17, $0xb8;
	[tilespmem:$0x1C000] =	vst v63  }
0xcc: {  	s31 =	simm.s32 $0x1;
	s19 =	simm.s32 $0x0;
	s20 =	simm.s32 $0x1  }
0xcd: {  	p1 =	seq.s32 s0, $0x1  }
0xce: {  	s20 =	simm.s32 @p1 $0x2;
	s21 =	simm.s32 @p1 $0x800  }
0xcf: {  	s20 =	simm.s32 @!p1 $0x3;
	s21 =	simm.s32 @!p1 $0x1000  }
.LBB2_29:
.Ltmp14:
0xd0: {  	(pc) =	sbr.rel @p0 .LBB2_31-.Ltmp14, $3  }
0xd1: {  	_ =	sdelay $0x1  }
0xd2: {  	s22 =	sadd.s32 $0x9000, s1;
	s21 =	sadd.s32 $0x600, s21  }
0xd3: {  	[tilespmem:s22], [sflag:s20] =	stream.indirect.gather [hbm4b:s3+s17], $0x10, s21, s17, $0xb8;
	[tilespmem:$0x1C000] =	vst v63  }
0xd4: {  	p1 =	seq.s32 s0, $0x1  }
0xd5: {  	s31 =	simm.s32 @p1 $0x2;
	s19 =	simm.s32 @p1 $0x800  }
0xd6: {  	s31 =	simm.s32 @!p1 $0x3;
	s19 =	simm.s32 @!p1 $0x1000  }
.LBB2_31:
.Ltmp15:
0xd7: {  	(pc) =	sbr.rel @p0 .LBB2_33-.Ltmp15, $4  }
0xd8: {  	_ = 	snop  }
0xd9: {  	s20 =	sadd.s32 $0x9800, s1;
	s19 =	sadd.s32 $0x680, s19;
	s21 =	simm.s32 $0x0  }
0xda: {  	[tilespmem:s20], [sflag:s31] =	stream.indirect.gather [hbm4b:s3+s17], $0x10, s19, s17, $0xb8;
	[tilespmem:$0x1C000] =	vst v63  }
0xdb: {  	s31 =	simm.s32 $0x1;
	s19 =	simm.s32 $0x0;
	s20 =	simm.s32 $0x1  }
0xdc: {  	p1 =	seq.s32 s0, $0x1  }
0xdd: {  	s20 =	simm.s32 @p1 $0x2;
	s21 =	simm.s32 @p1 $0x800  }
0xde: {  	s20 =	simm.s32 @!p1 $0x3;
	s21 =	simm.s32 @!p1 $0x1000  }
.LBB2_33:
.Ltmp16:
0xdf: {  	(pc) =	sbr.rel @p0 .LBB2_35-.Ltmp16, $3  }
0xe0: {  	_ =	sdelay $0x1  }
0xe1: {  	s22 =	sadd.s32 $0xA000, s1;
	s21 =	sadd.s32 $0x700, s21  }
0xe2: {  	[tilespmem:s22], [sflag:s20] =	stream.indirect.gather [hbm4b:s3+s17], $0x10, s21, s17, $0xb8;
	[tilespmem:$0x1C000] =	vst v63  }
0xe3: {  	p0 =	seq.s32 s0, $0x1  }
0xe4: {  	s31 =	simm.s32 @p0 $0x2;
	s19 =	simm.s32 @p0 $0x800  }
0xe5: {  	s31 =	simm.s32 @!p0 $0x3;
	s19 =	simm.s32 @!p0 $0x1000  }
.LBB2_35:
0xe6: {  	p0 =	seq.s32 s30, $0x0  }
.Ltmp17:
0xe7: {  	_ = 	snop;
	(pc) =	sbr.rel @p0 .LBB2_36-.Ltmp17, $3  }
0xe8: {  	_ =	sdelay $0x1  }
0xe9: {  	s0 =	sadd.s32 $0xA800, s1;
	s22 =	sadd.s32 $0x780, s19  }
0xea: {  	[tilespmem:s0], [sflag:s31] =	stream.indirect.gather [hbm4b:s3+s17], $0x10, s22, s17, $0xb8;
	[tilespmem:$0x1C000] =	vst v63  }
.LBB2_37:
0xeb: {  	s0 =	smulhi.u32 $0xAAAAAAAB, s30;
	_ =	sdelay $0x1  }
0xec: {  	s0 =	sshrl.u32 s0, $0x1  }
0xed: {  	s0 =	smul.u32 $0x3, s0;
	_ =	sdelay $0x1  }
0xee: {  	s31 =	ssub.s32 s30, s0  }
0xef: {  	p0 =	seq.s32 s31, $0x0  }
.Ltmp18:
0xf0: {  	_ = 	snop;
	(pc) =	sbr.rel @p0 .LBB2_38-.Ltmp18, $4  }
0xf1: {  	_ = 	snop  }
0xf2: {  	_ =	swait.ge [sflag:s28], $0x1000  }
0xf3: {  	[sflag:s28] =	ssyncset.done $0x0  }
0xf4: {  	[sflag:s28] =	ssyncadd.s32 $0xFFFFF000  }
.Ltmp19:
0xf5: {  	(pc) =	sbr.rel .LBB2_40-.Ltmp19, $4  }
0xf6: {  	_ = 	snop  }
0xf7: {  	p0 =	seq.s32 s31, $0x2  }
0xf8: {  	s31 =	simm.s32 @p0 $0x1000;
	s0 =	simm.s32 @p0 $0x3  }
0xf9: {  	s31 =	simm.s32 @!p0 $0x800;
	s0 =	simm.s32 @!p0 $0x2  }
.LBB2_38:
.Ltmp20:
0xfa: {  	(pc) =	sbr.rel .LBB2_40-.Ltmp20, $2  }
0xfb: {  	_ =	sdelay $0x2  }
0xfc: {  	s0 =	simm.s32 $0x1  }
.LBB2_36:
0xfd: {  	s31 =	simm.s32 $0x0;
	s0 =	simm.s32 $0x1  }
.LBB2_40:
0xfe: {  	_ =	swait.ge [sflag:s0], $0x800  }
0xff: {  	[sflag:s0] =	ssyncset.done $0x0  }
0x100: {  	[sflag:s0] =	ssyncadd.s32 $0xFFFFF800  }
0x101: {  	_ =	swait.ge [sflag:s0], $0x800  }
0x102: {  	[sflag:s0] =	ssyncset.done $0x0  }
0x103: {  	[sflag:s0] =	ssyncadd.s32 $0xFFFFF800  }
0x104: {  	_ =	swait.ge [sflag:s0], $0x800  }
0x105: {  	[sflag:s0] =	ssyncset.done $0x0  }
0x106: {  	[sflag:s0] =	ssyncadd.s32 $0xFFFFF800  }
0x107: {  	_ =	swait.ge [sflag:s0], $0x800  }
0x108: {  	[sflag:s0] =	ssyncset.done $0x0  }
0x109: {  	[sflag:s0] =	ssyncadd.s32 $0xFFFFF800  }
0x10a: {  	_ =	swait.ge [sflag:s0], $0x800  }
0x10b: {  	[sflag:s0] =	ssyncset.done $0x0  }
0x10c: {  	[sflag:s0] =	ssyncadd.s32 $0xFFFFF800  }
0x10d: {  	_ =	swait.ge [sflag:s0], $0x800  }
0x10e: {  	[sflag:s0] =	ssyncset.done $0x0  }
0x10f: {  	[sflag:s0] =	ssyncadd.s32 $0xFFFFF800  }
0x110: {  	_ =	swait.ge [sflag:s0], $0x800  }
0x111: {  	[sflag:s0] =	ssyncset.done $0x0  }
0x112: {  	[sflag:s0] =	ssyncadd.s32 $0xFFFFF800  }
0x113: {  	_ =	swait.ge [sflag:s0], $0x800  }
0x114: {  	[sflag:s0] =	ssyncset.done $0x0  }
0x115: {  	[sflag:s0] =	ssyncadd.s32 $0xFFFFF800  }
0x116: {  	_ =	swait.ge [sflag:s0], $0x800  }
0x117: {  	[sflag:s0] =	ssyncset.done $0x0  }
0x118: {  	[sflag:s0] =	ssyncadd.s32 $0xFFFFF800  }
0x119: {  	_ =	swait.ge [sflag:s0], $0x800  }
0x11a: {  	[sflag:s0] =	ssyncset.done $0x0  }
0x11b: {  	[sflag:s0] =	ssyncadd.s32 $0xFFFFF800  }
0x11c: {  	_ =	swait.ge [sflag:s0], $0x800  }
0x11d: {  	[sflag:s0] =	ssyncset.done $0x0  }
0x11e: {  	[sflag:s0] =	ssyncadd.s32 $0xFFFFF800  }
0x11f: {  	_ =	swait.ge [sflag:s0], $0x800  }
0x120: {  	[sflag:s0] =	ssyncset.done $0x0  }
0x121: {  	[sflag:s0] =	ssyncadd.s32 $0xFFFFF800  }
0x122: {  	_ =	swait.ge [sflag:s0], $0x800  }
0x123: {  	[sflag:s0] =	ssyncset.done $0x0  }
0x124: {  	[sflag:s0] =	ssyncadd.s32 $0xFFFFF800  }
0x125: {  	_ =	swait.ge [sflag:s0], $0x800  }
0x126: {  	[sflag:s0] =	ssyncset.done $0x0  }
0x127: {  	[sflag:s0] =	ssyncadd.s32 $0xFFFFF800  }
0x128: {  	_ =	swait.ge [sflag:s0], $0x800  }
0x129: {  	[sflag:s0] =	ssyncset.done $0x0  }
0x12a: {  	[sflag:s0] =	ssyncadd.s32 $0xFFFFF800  }
0x12b: {  	s1 =	sshll.u32 s31, $0x2;
	_ =	swait.ge [sflag:s0], $0x800  }
0x12c: {  	s1 =	sshra.s32 s1, $0x2;
	[sflag:s0] =	ssyncset.done $0x0  }
0x12d: {  	[sflag:s0] =	ssyncadd.s32 $0xFFFFF800;
	s0 =	sadd.s32 $0x1840, s1;
	s1 =	simm.s32 $0x0  }
.LBB2_41:
0x12e: {  	v23 =	vmov s31  }
0x12f: {  	v31 =	vld [tilespmem:s0+$0xFFFFFFC0];
	v25 =	vshll.u32 v23, $0x4  }
0x130: {  	v30 =	vld [tilespmem:s0+$0xFFFFFFD0];
	v32 =	vor.u32 v0, v25  }
0x131: {  	v29 =	vld [tilespmem:s0+$0xFFFFFFE0];
	v33 =	vor.u32 $0x1, v32  }
0x132: {  	v28 =	vld [tilespmem:s0+$0xFFFFFFF0];
	v34 =	vor.u32 $0x2, v32  }
0x133: {  	v27 =	vld [tilespmem:s0+$0x0];
	v35 =	vor.u32 $0x3, v32  }
0x134: {  	v26 =	vld [tilespmem:s0+$0x10];
	v36 =	vor.u32 $0x4, v32  }
0x135: {  	v38 =	vor.u32 $0x5, v32;
	v37 =	vld.idx.msk [tilespmem:v32+s18+$0x0], $0xffff  }
0x136: {  	v39 =	vor.u32 $0x6, v32;
	v33 =	vld.idx.msk [tilespmem:v33+s18+$0x0], $0xffff  }
0x137: {  	v40 =	vor.u32 $0x7, v32;
	v34 =	vld.idx.msk [tilespmem:v34+s18+$0x0], $0xffff  }
0x138: {  	v41 =	vor.u32 $0x8, v32;
	v35 =	vld.idx.msk [tilespmem:v35+s18+$0x0], $0xffff  }
0x139: {  	v42 =	vor.u32 $0x9, v32;
	v36 =	vld.idx.msk [tilespmem:v36+s18+$0x0], $0xffff  }
0x13a: {  	v43 =	vor.u32 $0xA, v32;
	v38 =	vld.idx.msk [tilespmem:v38+s18+$0x0], $0xffff  }
0x13b: {  	v44 =	vor.u32 $0xB, v32;
	v39 =	vld.idx.msk [tilespmem:v39+s18+$0x0], $0xffff  }
0x13c: {  	v45 =	vor.u32 $0xC, v32;
	v40 =	vld.idx.msk [tilespmem:v40+s18+$0x0], $0xffff  }
0x13d: {  	v46 =	vor.u32 $0xD, v32;
	v41 =	vld.idx.msk [tilespmem:v41+s18+$0x0], $0xffff  }
0x13e: {  	v1 =	vor.u32 v9, v25;
	v47 =	vor.u32 $0xE, v32;
	v42 =	vld.idx.msk [tilespmem:v42+s18+$0x0], $0xffff  }
0x13f: {  	v3 =	vor.u32 $0x5, v1;
	v43 =	vld.idx.msk [tilespmem:v43+s18+$0x0], $0xffff  }
0x140: {  	v48 =	vor.u32 v2, v25;
	v44 =	vld.idx.msk [tilespmem:v44+s18+$0x0], $0xffff  }
0x141: {  	v2 =	vor.u32 $0x1, v1;
	v45 =	vld.idx.msk [tilespmem:v45+s18+$0x0], $0xffff  }
0x142: {  	v49 =	vor.u32 $0x1, v48;
	v46 =	vld.idx.msk [tilespmem:v46+s18+$0x0], $0xffff  }
0x143: {  	v32 =	vor.u32 $0xF, v32;
	v47 =	vld.idx.msk [tilespmem:v47+s18+$0x0], $0xffff  }
0x144: {  	v10 =	vmovc v8;
	v8 =	vmov v0;
	v16 =	vmov v12;
	v50 =	vor.u32 $0x2, v48;
	v3 =	vld.idx.msk [tilespmem:v3+s18+$0x0], $0xffff  }
0x145: {  	v12 =	vmovc v5;
	v5 =	vmovc v60;
	v17 =	vmov v13;
	v51 =	vor.u32 $0x3, v48;
	v53 =	vld.idx.msk [tilespmem:v48+s18+$0x0], $0xffff;
	v37 =	vmul.f32 v37, v31  }
0x146: {  	v13 =	vmovc v6;
	v52 =	vor.u32 $0x4, v48;
	v2 =	vld.idx.msk [tilespmem:v2+s18+$0x0], $0xffff;
	v33 =	vmul.f32 v33, v31;
	v34 =	vmul.f32 v34, v31  }
0x147: {  	v0 =	vmovc v19;
	v54 =	vor.u32 $0x5, v48;
	v49 =	vld.idx.msk [tilespmem:v49+s18+$0x0], $0xffff;
	v35 =	vmul.f32 v35, v31;
	v36 =	vmul.f32 v36, v31  }
0x148: {  	v19 =	vmovc v15;
	v55 =	vor.u32 $0x6, v48;
	v32 =	vld.idx.msk [tilespmem:v32+s18+$0x0], $0xffff;
	v38 =	vmul.f32 v38, v31;
	v39 =	vmul.f32 v39, v31  }
0x149: {  	v15 =	vmovc v11;
	v56 =	vor.u32 $0x7, v48;
	v50 =	vld.idx.msk [tilespmem:v50+s18+$0x0], $0xffff;
	v40 =	vmul.f32 v40, v31;
	v41 =	vmul.f32 v41, v31  }
0x14a: {  	v11 =	vmovc v4;
	v57 =	vor.u32 $0x8, v48;
	v51 =	vld.idx.msk [tilespmem:v51+s18+$0x0], $0xffff;
	v42 =	vmul.f32 v42, v31;
	v43 =	vmul.f32 v43, v31  }
0x14b: {  	v4 =	vmovc v58;
	v58 =	vor.u32 $0x9, v48;
	v52 =	vld.idx.msk [tilespmem:v52+s18+$0x0], $0xffff;
	v44 =	vmul.f32 v44, v31;
	v45 =	vmul.f32 v45, v31  }
0x14c: {  	v6 =	vmovc v61;
	v59 =	vor.u32 $0xA, v48;
	v54 =	vld.idx.msk [tilespmem:v54+s18+$0x0], $0xffff;
	v46 =	vmul.f32 v46, v31;
	v47 =	vmul.f32 v47, v31  }
0x14d: {  	v18 =	vmovc v14;
	v60 =	vor.u32 $0xB, v48;
	v55 =	vld.idx.msk [tilespmem:v55+s18+$0x0], $0xffff;
	v31 =	vmul.f32 v32, v31;
	v32 =	vmul.f32 v49, v30  }
0x14e: {  	v14 =	vmovc v7;
	v7 =	vmovc v62;
	v61 =	vor.u32 $0xC, v48;
	v62 =	vor.u32 $0xD, v48;
	v56 =	vld.idx.msk [tilespmem:v56+s18+$0x0], $0xffff;
	v50 =	vmul.f32 v50, v30  }
0x14f: {  	v63 =	vor.u32 $0xE, v48;
	v57 =	vld.idx.msk [tilespmem:v57+s18+$0x0], $0xffff;
	v32 =	vadd.f32 v32, v33;
	v33 =	vmul.f32 v51, v30  }
0x150: {  	v58 =	vld.idx.msk [tilespmem:v58+s18+$0x0], $0xffff;
	v53 =	vmul.f32 v53, v30;
	v34 =	vadd.f32 v50, v34;
	v50 =	vmul.f32 v52, v30  }
0x151: {  	v48 =	vor.u32 $0xF, v48;
	v59 =	vld.idx.msk [tilespmem:v59+s18+$0x0], $0xffff;
	v33 =	vadd.f32 v33, v35;
	v35 =	vmul.f32 v54, v30  }
0x152: {  	v60 =	vld.idx.msk [tilespmem:v60+s18+$0x0], $0xffff;
	v37 =	vadd.f32 v53, v37;
	v36 =	vadd.f32 v50, v36;
	v50 =	vmul.f32 v55, v30  }
0x153: {  	v49 =	vld.idx.msk [tilespmem:v62+s18+$0x0], $0xffff;
	v62 =	vor.u32 $0x2, v1;
	v35 =	vadd.f32 v35, v38;
	v38 =	vmul.f32 v56, v30  }
0x154: {  	v53 =	vld.idx.msk [tilespmem:v63+s18+$0x0], $0xffff;
	v63 =	vor.u32 $0x3, v1;
	v39 =	vadd.f32 v50, v39;
	v50 =	vmul.f32 v57, v30  }
0x155: {  	v61 =	vld.idx.msk [tilespmem:v61+s18+$0x0], $0xffff;
	v51 =	vor.u32 $0x4, v1;
	v38 =	vadd.f32 v38, v40;
	v40 =	vmul.f32 v58, v30  }
0x156: {  	v48 =	vld.idx.msk [tilespmem:v48+s18+$0x0], $0xffff;
	v41 =	vadd.f32 v50, v41;
	v50 =	vmul.f32 v59, v30;
	v59 =	vor.u32 $0xB, v1  }
0x157: {  	v52 =	vld.idx.msk [tilespmem:v1+s18+$0x0], $0xffff;
	v40 =	vadd.f32 v40, v42;
	v42 =	vmul.f32 v60, v30  }
0x158: {  	v55 =	vld.idx.msk [tilespmem:v62+s18+$0x0], $0xffff;
	v62 =	vor.u32 $0x7, v1  }
0x159: {  	v56 =	vld.idx.msk [tilespmem:v63+s18+$0x0], $0xffff;
	v63 =	vor.u32 $0x8, v1;
	v42 =	vadd.f32 v42, v44;
	v44 =	vmul.f32 v49, v30  }
0x15a: {  	v57 =	vor.u32 $0x9, v1;
	v51 =	vld.idx.msk [tilespmem:v51+s18+$0x0], $0xffff  }
0x15b: {  	v54 =	vor.u32 $0x6, v1;
	v44 =	vadd.f32 v44, v46;
	v46 =	vld.idx.msk [tilespmem:v59+s18+$0x0], $0xffff  }
0x15c: {  	v58 =	vor.u32 $0xA, v1;
	v59 =	vld [tilespmem:$0x1FFD0]  }
0x15d: {  	v43 =	vadd.f32 v50, v43;
	v50 =	vmul.f32 v61, v30;
	v60 =	vld.idx.msk [tilespmem:v62+s18+$0x0], $0xffff;
	v62 =	vor.u32 $0xC, v1  }
0x15e: {  	v3 =	vmul.f32 v3, v29;
	v61 =	vld.idx.msk [tilespmem:v63+s18+$0x0], $0xffff;
	v63 =	vor.u32 $0xD, v1  }
0x15f: {  	v45 =	vadd.f32 v50, v45;
	v50 =	vmul.f32 v53, v30;
	v49 =	vld.idx.msk [tilespmem:v57+s18+$0x0], $0xffff;
	v57 =	vor.u32 $0xE, v1  }
0x160: {  	v2 =	vmul.f32 v2, v29;
	v54 =	vld.idx.msk [tilespmem:v54+s18+$0x0], $0xffff;
	v1 =	vor.u32 $0xF, v1;
	v30 =	vmul.f32 v48, v30  }
0x161: {  	v47 =	vadd.f32 v50, v47;
	v50 =	vmul.f32 v52, v29;
	v53 =	vld.idx.msk [tilespmem:v58+s18+$0x0], $0xffff;
	v48 =	vor.u32 v59, v25  }
0x162: {  	v2 =	vadd.f32 v2, v32;
	v30 =	vadd.f32 v30, v31;
	v52 =	vld.idx.msk [tilespmem:v62+s18+$0x0], $0xffff;
	v58 =	vor.u32 $0x1, v48  }
0x163: {  	v37 =	vadd.f32 v50, v37;
	v50 =	vmul.f32 v51, v29;
	v31 =	vld.idx.msk [tilespmem:v63+s18+$0x0], $0xffff;
	v59 =	vor.u32 $0x2, v48  }
0x164: {  	v3 =	vadd.f32 v3, v35;
	v62 =	vmul.f32 v55, v29;
	v55 =	vld.idx.msk [tilespmem:v57+s18+$0x0], $0xffff;
	v57 =	vor.u32 $0x3, v48  }
0x165: {  	v32 =	vmul.f32 v56, v29;
	v36 =	vadd.f32 v50, v36;
	v1 =	vld.idx.msk [tilespmem:v1+s18+$0x0], $0xffff;
	v56 =	vor.u32 $0x4, v48  }
0x166: {  	v50 =	vmul.f32 v54, v29;
	v34 =	vadd.f32 v62, v34;
	v62 =	vor.u32 $0x5, v48;
	v51 =	vld.idx.msk [tilespmem:v48+s18+$0x0], $0xffff  }
0x167: {  	v32 =	vadd.f32 v32, v33;
	v35 =	vmul.f32 v60, v29;
	v60 =	vor.u32 $0x8, v48;
	v33 =	vld.idx.msk [tilespmem:v58+s18+$0x0], $0xffff  }
0x168: {  	v39 =	vadd.f32 v50, v39;
	v50 =	vmul.f32 v61, v29;
	v61 =	vor.u32 $0x9, v48;
	v54 =	vld.idx.msk [tilespmem:v59+s18+$0x0], $0xffff  }
0x169: {  	v35 =	vadd.f32 v35, v38;
	v38 =	vmul.f32 v49, v29;
	v58 =	vor.u32 $0x6, v48;
	v57 =	vld.idx.msk [tilespmem:v57+s18+$0x0], $0xffff  }
0x16a: {  	v63 =	vmul.f32 v53, v29;
	v59 =	vor.u32 $0x7, v48;
	v56 =	vld.idx.msk [tilespmem:v56+s18+$0x0], $0xffff  }
0x16b: {  	v38 =	vadd.f32 v38, v40;
	v40 =	vmul.f32 v46, v29;
	v49 =	vld.idx.msk [tilespmem:v62+s18+$0x0], $0xffff;
	v62 =	vor.u32 $0xA, v48  }
0x16c: {  	v41 =	vadd.f32 v50, v41;
	v50 =	vmul.f32 v52, v29;
	v52 =	vld.idx.msk [tilespmem:v60+s18+$0x0], $0xffff;
	v60 =	vor.u32 $0xD, v48  }
0x16d: {  	v40 =	vadd.f32 v40, v42;
	v31 =	vmul.f32 v31, v29;
	v42 =	vld.idx.msk [tilespmem:v61+s18+$0x0], $0xffff;
	v61 =	vor.u32 $0xE, v48  }
0x16e: {  	v45 =	vadd.f32 v50, v45;
	v50 =	vmul.f32 v55, v29;
	v53 =	vld.idx.msk [tilespmem:v58+s18+$0x0], $0xffff;
	v58 =	vor.u32 $0xB, v48  }
0x16f: {  	v43 =	vadd.f32 v63, v43;
	v1 =	vmul.f32 v1, v29;
	v46 =	vld.idx.msk [tilespmem:v59+s18+$0x0], $0xffff;
	v59 =	vor.u32 $0xC, v48  }
0x170: {  	v31 =	vadd.f32 v31, v44;
	v47 =	vadd.f32 v50, v47;
	v55 =	vld.idx.msk [tilespmem:v62+s18+$0x0], $0xffff;
	v62 =	vmovc v7;
	v48 =	vor.u32 $0xF, v48  }
0x171: {  	v1 =	vadd.f32 v1, v30;
	v30 =	vmul.f32 v33, v28;
	v33 =	vld.idx.msk [tilespmem:v60+s18+$0x0], $0xffff;
	v44 =	vor.u32 v62, v25  }
0x172: {  	v63 =	vmul.f32 v51, v28;
	v50 =	vmul.f32 v54, v28;
	v54 =	vld.idx.msk [tilespmem:v61+s18+$0x0], $0xffff;
	v60 =	vor.u32 $0x3, v44  }
0x173: {  	v2 =	vadd.f32 v30, v2;
	v30 =	vmul.f32 v57, v28;
	v57 =	vor.u32 $0x4, v44;
	v29 =	vld.idx.msk [tilespmem:v58+s18+$0x0], $0xffff  }
0x174: {  	v34 =	vadd.f32 v50, v34;
	v50 =	vmul.f32 v56, v28;
	v61 =	vor.u32 $0x5, v44;
	v51 =	vld.idx.msk [tilespmem:v59+s18+$0x0], $0xffff  }
0x175: {  	v37 =	vadd.f32 v63, v37;
	v63 =	vmul.f32 v49, v28;
	v58 =	vor.u32 $0x1, v44;
	v48 =	vld.idx.msk [tilespmem:v48+s18+$0x0], $0xffff  }
0x176: {  	v36 =	vadd.f32 v50, v36;
	v59 =	vor.u32 $0x2, v44;
	v50 =	vmul.f32 v53, v28;
	v56 =	vld.idx.msk [tilespmem:v44+s18+$0x0], $0xffff  }
0x177: {  	v30 =	vadd.f32 v30, v32;
	v32 =	vmul.f32 v46, v28;
	v46 =	vld.idx.msk [tilespmem:v60+s18+$0x0], $0xffff;
	v60 =	vor.u32 $0x8, v44  }
0x178: {  	v39 =	vadd.f32 v50, v39;
	v50 =	vmul.f32 v52, v28;
	v52 =	vld.idx.msk [tilespmem:v57+s18+$0x0], $0xffff;
	v57 =	vor.u32 $0x9, v44  }
0x179: {  	v32 =	vadd.f32 v32, v35;
	v35 =	vmul.f32 v42, v28;
	v42 =	vld.idx.msk [tilespmem:v61+s18+$0x0], $0xffff;
	v61 =	vor.u32 $0xA, v44  }
0x17a: {  	v3 =	vadd.f32 v63, v3;
	v63 =	vmul.f32 v55, v28;
	v49 =	vld.idx.msk [tilespmem:v58+s18+$0x0], $0xffff;
	v58 =	vor.u32 $0x6, v44  }
0x17b: {  	v33 =	vmul.f32 v33, v28;
	v53 =	vld.idx.msk [tilespmem:v59+s18+$0x0], $0xffff;
	v29 =	vmul.f32 v29, v28  }
0x17c: {  	v41 =	vadd.f32 v50, v41;
	v59 =	vor.u32 $0x7, v44;
	v50 =	vmul.f32 v51, v28;
	v51 =	vld.idx.msk [tilespmem:v60+s18+$0x0], $0xffff  }
0x17d: {  	v43 =	vadd.f32 v63, v43;
	v60 =	vor.u32 $0xD, v44;
	v29 =	vadd.f32 v29, v40;
	v40 =	vld.idx.msk [tilespmem:v57+s18+$0x0], $0xffff  }
0x17e: {  	v57 =	vor.u32 $0xE, v44;
	v45 =	vadd.f32 v50, v45;
	v50 =	vmul.f32 v54, v28;
	v54 =	vld.idx.msk [tilespmem:v61+s18+$0x0], $0xffff  }
0x17f: {  	v31 =	vadd.f32 v33, v31;
	v61 =	vmovc v6;
	v28 =	vmul.f32 v48, v28;
	v55 =	vld.idx.msk [tilespmem:v58+s18+$0x0], $0xffff;
	v58 =	vor.u32 $0xB, v44  }
0x180: {  	v24 =	vld [tilespmem:s0+$0x20];
	v35 =	vadd.f32 v35, v38;
	v48 =	vor.u32 v61, v25;
	v47 =	vadd.f32 v50, v47  }
0x181: {  	v50 =	vmul.f32 v56, v27;
	v1 =	vadd.f32 v28, v1;
	v38 =	vld.idx.msk [tilespmem:v59+s18+$0x0], $0xffff;
	v59 =	vor.u32 $0xC, v44  }
0x182: {  	v28 =	vmul.f32 v46, v27;
	v46 =	vor.u32 $0x4, v48;
	v63 =	vmul.f32 v49, v27;
	v49 =	vld.idx.msk [tilespmem:v60+s18+$0x0], $0xffff  }
0x183: {  	v44 =	vor.u32 $0xF, v44;
	v60 =	vmul.f32 v53, v27;
	v53 =	vld.idx.msk [tilespmem:v57+s18+$0x0], $0xffff;
	v57 =	vor.u32 $0x3, v48  }
0x184: {  	v37 =	vadd.f32 v50, v37;
	v50 =	vmul.f32 v52, v27;
	v33 =	vld.idx.msk [tilespmem:v58+s18+$0x0], $0xffff;
	v58 =	vor.u32 $0x1, v48  }
0x185: {  	v28 =	vadd.f32 v28, v30;
	v2 =	vadd.f32 v63, v2;
	v63 =	vmul.f32 v42, v27;
	v52 =	vld.idx.msk [tilespmem:v48+s18+$0x0], $0xffff  }
0x186: {  	v36 =	vadd.f32 v50, v36;
	v56 =	vld.idx.msk [tilespmem:v59+s18+$0x0], $0xffff;
	v59 =	vor.u32 $0x2, v48;
	v50 =	vmul.f32 v55, v27  }
0x187: {  	v34 =	vadd.f32 v60, v34;
	v60 =	vor.u32 $0x5, v48;
	v3 =	vadd.f32 v63, v3;
	v46 =	vld.idx.msk [tilespmem:v46+s18+$0x0], $0xffff  }
0x188: {  	v63 =	vmul.f32 v38, v27;
	v38 =	vld.idx.msk [tilespmem:v57+s18+$0x0], $0xffff;
	v57 =	vor.u32 $0x8, v48;
	v39 =	vadd.f32 v50, v39  }
0x189: {  	v50 =	vmul.f32 v51, v27;
	v51 =	vor.u32 $0x9, v48;
	v42 =	vld.idx.msk [tilespmem:v58+s18+$0x0], $0xffff;
	v58 =	vor.u32 $0x6, v48  }
0x18a: {  	v44 =	vld.idx.msk [tilespmem:v44+s18+$0x0], $0xffff;
	v30 =	vadd.f32 v63, v32;
	v32 =	vmul.f32 v40, v27;
	v63 =	vmul.f32 v54, v27  }
0x18b: {  	v41 =	vadd.f32 v50, v41;
	v55 =	vld.idx.msk [tilespmem:v59+s18+$0x0], $0xffff;
	v59 =	vor.u32 $0x7, v48  }
0x18c: {  	v40 =	vld.idx.msk [tilespmem:v60+s18+$0x0], $0xffff;
	v60 =	vor.u32 $0xA, v48;
	v32 =	vadd.f32 v32, v35;
	v43 =	vadd.f32 v63, v43  }
0x18d: {  	v33 =	vmul.f32 v33, v27;
	v63 =	vmul.f32 v56, v27;
	v56 =	vld.idx.msk [tilespmem:v57+s18+$0x0], $0xffff;
	v57 =	vor.u32 $0xD, v48  }
0x18e: {  	v50 =	vmul.f32 v53, v27;
	v46 =	vmul.f32 v46, v26;
	v54 =	vld.idx.msk [tilespmem:v58+s18+$0x0], $0xffff;
	v58 =	vor.u32 $0xB, v48  }
0x18f: {  	v29 =	vadd.f32 v33, v29;
	v33 =	vmul.f32 v49, v27;
	v49 =	vld.idx.msk [tilespmem:v51+s18+$0x0], $0xffff;
	v51 =	vor.u32 $0xE, v48  }
0x190: {  	v47 =	vadd.f32 v50, v47;
	v50 =	vmul.f32 v52, v26;
	v35 =	vld.idx.msk [tilespmem:v59+s18+$0x0], $0xffff;
	v59 =	vor.u32 $0xC, v48  }
0x191: {  	v36 =	vadd.f32 v46, v36;
	v45 =	vadd.f32 v63, v45;
	v53 =	vld.idx.msk [tilespmem:v60+s18+$0x0], $0xffff;
	v60 =	vmovc v5;
	v48 =	vor.u32 $0xF, v48  }
0x192: {  	v27 =	vmul.f32 v44, v27;
	v44 =	vor.u32 v60, v25;
	v63 =	vmul.f32 v42, v26;
	v42 =	vld.idx.msk [tilespmem:v57+s18+$0x0], $0xffff  }
0x193: {  	v37 =	vadd.f32 v50, v37;
	v31 =	vadd.f32 v33, v31;
	v33 =	vld.idx.msk [tilespmem:v58+s18+$0x0], $0xffff;
	v58 =	vor.u32 $0x1, v44  }
0x194: {  	v57 =	vor.u32 $0x2, v44;
	v51 =	vld.idx.msk [tilespmem:v51+s18+$0x0], $0xffff;
	v2 =	vadd.f32 v63, v2;
	v63 =	vmul.f32 v38, v26  }
0x195: {  	v1 =	vadd.f32 v27, v1;
	v52 =	vld.idx.msk [tilespmem:v59+s18+$0x0], $0xffff;
	v59 =	vmul.f32 v55, v26;
	v55 =	vor.u32 $0x3, v44  }
0x196: {  	v27 =	vadd.f32 v63, v28;
	v28 =	vmul.f32 v40, v26;
	v38 =	vld.idx.msk [tilespmem:v48+s18+$0x0], $0xffff;
	v48 =	vor.u32 $0x4, v44  }
0x197: {  	v50 =	vld.idx.msk [tilespmem:v44+s18+$0x0], $0xffff;
	v63 =	vmul.f32 v54, v26;
	v34 =	vadd.f32 v59, v34;
	v59 =	vor.u32 $0x5, v44  }
0x198: {  	v3 =	vadd.f32 v28, v3;
	v28 =	vmul.f32 v35, v26;
	v40 =	vld.idx.msk [tilespmem:v58+s18+$0x0], $0xffff;
	v58 =	vor.u32 $0x6, v44  }
0x199: {  	v54 =	vld.idx.msk [tilespmem:v57+s18+$0x0], $0xffff;
	v57 =	vor.u32 $0x7, v44;
	v39 =	vadd.f32 v63, v39;
	v63 =	vmul.f32 v56, v26  }
0x19a: {  	v56 =	vor.u32 $0x9, v44;
	v28 =	vadd.f32 v28, v30;
	v30 =	vmul.f32 v49, v26;
	v35 =	vld.idx.msk [tilespmem:v55+s18+$0x0], $0xffff  }
0x19b: {  	v41 =	vadd.f32 v63, v41;
	v63 =	vmul.f32 v53, v26;
	v55 =	vor.u32 $0x8, v44;
	v48 =	vld.idx.msk [tilespmem:v48+s18+$0x0], $0xffff  }
0x19c: {  	v30 =	vadd.f32 v30, v32;
	v32 =	vmul.f32 v33, v26;
	v49 =	vld.idx.msk [tilespmem:v59+s18+$0x0], $0xffff;
	v59 =	vor.u32 $0xA, v44  }
0x19d: {  	v43 =	vadd.f32 v63, v43;
	v63 =	vmul.f32 v52, v26;
	v53 =	vld.idx.msk [tilespmem:v58+s18+$0x0], $0xffff;
	v58 =	vor.u32 $0xB, v44  }
0x19e: {  	v33 =	vld.idx.msk [tilespmem:v57+s18+$0x0], $0xffff;
	v57 =	vor.u32 $0xC, v44;
	v29 =	vadd.f32 v32, v29;
	v32 =	vmul.f32 v42, v26  }
0x19f: {  	v42 =	vld.idx.msk [tilespmem:v56+s18+$0x0], $0xffff;
	v45 =	vadd.f32 v63, v45;
	v63 =	vmul.f32 v51, v26;
	v26 =	vmul.f32 v38, v26  }
0x1a0: {  	v56 =	vor.u32 $0xE, v44;
	v31 =	vadd.f32 v32, v31;
	v52 =	vld.idx.msk [tilespmem:v55+s18+$0x0], $0xffff;
	v55 =	vor.u32 $0xD, v44  }
0x1a1: {  	v38 =	vadd.f32 v63, v47;
	v1 =	vadd.f32 v26, v1;
	v26 =	vmul.f32 v40, v24;
	v51 =	vld.idx.msk [tilespmem:v59+s18+$0x0], $0xffff  }
0x1a2: {  	v44 =	vor.u32 $0xF, v44;
	v63 =	vmul.f32 v54, v24;
	v59 =	vmul.f32 v50, v24;
	v32 =	vld.idx.msk [tilespmem:v58+s18+$0x0], $0xffff;
	v58 =	vmovc v4  }
0x1a3: {  	v23 =	vld [tilespmem:s0+$0x30];
	v2 =	vadd.f32 v26, v2;
	v26 =	vmul.f32 v35, v24;
	v25 =	vor.u32 v58, v25  }
0x1a4: {  	v47 =	vld.idx.msk [tilespmem:v57+s18+$0x0], $0xffff;
	v34 =	vadd.f32 v63, v34;
	v63 =	vmul.f32 v48, v24;
	v50 =	vor.u32 $0x1, v25  }
0x1a5: {  	v37 =	vadd.f32 v59, v37;
	v59 =	vmul.f32 v49, v24;
	v40 =	vld.idx.msk [tilespmem:v55+s18+$0x0], $0xffff;
	v55 =	vor.u32 $0x2, v25  }
0x1a6: {  	v54 =	vld.idx.msk [tilespmem:v56+s18+$0x0], $0xffff;
	v36 =	vadd.f32 v63, v36;
	v63 =	vmul.f32 v33, v24;
	v56 =	vor.u32 $0x3, v25  }
0x1a7: {  	v26 =	vadd.f32 v26, v27;
	v35 =	vld.idx.msk [tilespmem:v44+s18+$0x0], $0xffff;
	v46 =	vmul.f32 v53, v24;
	v44 =	vor.u32 $0x4, v25  }
0x1a8: {  	v3 =	vadd.f32 v59, v3;
	v27 =	vadd.f32 v63, v28;
	v57 =	vor.u32 $0x5, v25;
	v48 =	vld.idx.msk [tilespmem:v25+s18+$0x0], $0xffff  }
0x1a9: {  	v39 =	vadd.f32 v46, v39;
	v46 =	vmul.f32 v52, v24;
	v52 =	vor.u32 $0x9, v25;
	v49 =	vld.idx.msk [tilespmem:v50+s18+$0x0], $0xffff  }
0x1aa: {  	v63 =	vmul.f32 v42, v24;
	v59 =	vmul.f32 v51, v24;
	v51 =	vor.u32 $0xB, v25;
	v53 =	vld.idx.msk [tilespmem:v55+s18+$0x0], $0xffff  }
0x1ab: {  	v55 =	vor.u32 $0x7, v25;
	v33 =	vld.idx.msk [tilespmem:v56+s18+$0x0], $0xffff  }
0x1ac: {  	v28 =	vadd.f32 v63, v30;
	v43 =	vadd.f32 v59, v43;
	v56 =	vor.u32 $0x8, v25;
	v44 =	vld.idx.msk [tilespmem:v44+s18+$0x0], $0xffff  }
0x1ad: {  	v30 =	vmul.f32 v32, v24;
	v59 =	vmul.f32 v40, v24;
	v50 =	vor.u32 $0x6, v25;
	v42 =	vld.idx.msk [tilespmem:v57+s18+$0x0], $0xffff  }
0x1ae: {  	v4 =	vmovc v11;
	v11 =	vmov v15;
	v63 =	vmul.f32 v47, v24;
	v57 =	vor.u32 $0xA, v25;
	v40 =	vld.idx.msk [tilespmem:v52+s18+$0x0], $0xffff  }
0x1af: {  	v15 =	vmovc v19;
	v29 =	vadd.f32 v30, v29;
	v52 =	vor.u32 $0xE, v25;
	v30 =	vadd.f32 v59, v31;
	v31 =	vld.idx.msk [tilespmem:v51+s18+$0x0], $0xffff  }
0x1b0: {  	v19 =	vmovc v0;
	v45 =	vadd.f32 v63, v45;
	v63 =	vmul.f32 v54, v24;
	v32 =	vld.idx.msk [tilespmem:v55+s18+$0x0], $0xffff;
	v55 =	vor.u32 $0xC, v25  }
0x1b1: {  	v0 =	vmovc v8;
	v41 =	vadd.f32 v46, v41;
	v24 =	vmul.f32 v35, v24;
	v47 =	vld.idx.msk [tilespmem:v56+s18+$0x0], $0xffff;
	v56 =	vor.u32 $0xD, v25  }
0x1b2: {  	v35 =	vor.u32 s1, v0;
	v38 =	vadd.f32 v63, v38;
	v50 =	vld.idx.msk [tilespmem:v50+s18+$0x0], $0xffff;
	v25 =	vor.u32 $0xF, v25  }
0x1b3: {  	v5 =	vmovc v12;
	v51 =	vor.u32 s1, v4;
	v1 =	vadd.f32 v24, v1;
	v59 =	vmul.f32 v48, v23;
	v54 =	vld.idx.msk [tilespmem:v57+s18+$0x0], $0xffff  }
0x1b4: {  	v6 =	vmovc v13;
	v63 =	vmul.f32 v49, v23;
	v57 =	vor.u32 s1, v5;
	v52 =	vld.idx.msk [tilespmem:v52+s18+$0x0], $0xffff;
	v44 =	vmul.f32 v44, v23  }
0x1b5: {  	v7 =	vmovc v14;
	v37 =	vadd.f32 v59, v37;
	v59 =	vmul.f32 v53, v23;
	v53 =	vor.u32 s1, v6;
	v48 =	vld.idx.msk [tilespmem:v55+s18+$0x0], $0xffff  }
0x1b6: {  	v2 =	vadd.f32 v63, v2;
	v63 =	vmul.f32 v33, v23;
	v33 =	vor.u32 s1, v7;
	v49 =	vld.idx.msk [tilespmem:v56+s18+$0x0], $0xffff  }
0x1b7: {  	v8 =	vmov v10;
	v34 =	vadd.f32 v59, v34;
	v25 =	vld.idx.msk [tilespmem:v25+s18+$0x0], $0xffff;
	[tilespmem:v35+s26+$0x0] =	vst.idx.msk $0xffff, v37;
	v37 =	vor.u32 s1, v11  }
0x1b8: {  	v46 =	vmul.f32 v42, v23;
	[tilespmem:v51+s26+$0x0] =	vst.idx.msk $0xffff, v2;
	v2 =	vadd.f32 v63, v26;
	v51 =	vor.u32 s1, v16  }
0x1b9: {  	v59 =	vor.u32 s1, v17;
	v56 =	vadd.f32 v44, v36;
	[tilespmem:v57+s26+$0x0] =	vst.idx.msk $0xffff, v34;
	v57 =	vmul.f32 v50, v23  }
0x1ba: {  	v63 =	vor.u32 s1, v18;
	[tilespmem:v53+s26+$0x0] =	vst.idx.msk $0xffff, v2;
	v2 =	vadd.f32 v46, v3;
	v3 =	vmul.f32 v32, v23  }
0x1bb: {  	v42 =	vmul.f32 v47, v23;
	v44 =	vor.u32 s1, v15;
	[tilespmem:v33+s26+$0x0] =	vst.idx.msk $0xffff, v56;
	v39 =	vadd.f32 v57, v39  }
0x1bc: {  	v10 =	vld [tilespmem:$0x1FFF0];
	v46 =	vmul.f32 v40, v23;
	v3 =	vadd.f32 v3, v27;
	[tilespmem:v37+s26+$0x0] =	vst.idx.msk $0xffff, v2;
	v2 =	vor.u32 s1, v20  }
0x1bd: {  	v47 =	vmul.f32 v54, v23;
	v50 =	vor.u32 s1, v21;
	v33 =	vadd.f32 v42, v41;
	[tilespmem:v51+s26+$0x0] =	vst.idx.msk $0xffff, v39  }
0x1be: {  	v27 =	vadd.f32 v46, v28;
	v51 =	vmul.f32 v31, v23;
	[tilespmem:v59+s26+$0x0] =	vst.idx.msk $0xffff, v3;
	v3 =	vor.u32 s1, v22  }
0x1bf: {  	v55 =	vor.u32 s1, v19;
	v53 =	vadd.f32 v47, v43;
	v54 =	vmul.f32 v48, v23;
	[tilespmem:v63+s26+$0x0] =	vst.idx.msk $0xffff, v33  }
0x1c0: {  	v57 =	vor.u32 s1, v8;
	v56 =	vmul.f32 v49, v23;
	v28 =	vadd.f32 v51, v29;
	[tilespmem:v44+s26+$0x0] =	vst.idx.msk $0xffff, v27  }
0x1c1: {  	p0 =	sne.s32 s1, $0xF00;
	v32 =	vadd.f32 v54, v45;
	v59 =	vmul.f32 v52, v23;
	[tilespmem:v2+s26+$0x0] =	vst.idx.msk $0xffff, v53;
	v2 =	vor.u32 s1, v10  }
.Ltmp21:
0x1c2: {  	v23 =	vmul.f32 v25, v23;
	v29 =	vadd.f32 v56, v30;
	[tilespmem:v50+s26+$0x0] =	vst.idx.msk $0xffff, v28;
	(pc) =	sbr.rel @p0 .LBB2_41-.Ltmp21, $4  }
0x1c3: {  	v63 =	vadd.f32 v59, v38;
	[tilespmem:v3+s26+$0x0] =	vst.idx.msk $0xffff, v32  }
0x1c4: {  	v1 =	vadd.f32 v23, v1;
	[tilespmem:v55+s26+$0x0] =	vst.idx.msk $0xffff, v29  }
0x1c5: {  	[tilespmem:v57+s26+$0x0] =	vst.idx.msk $0xffff, v63  }
0x1c6: {  	s31 =	sadd.s32 $0x80, s31;
	s0 =	sadd.s32 $0x80, s0;
	v14 =	vmov v18;
	v13 =	vmov v17;
	v12 =	vmov v16;
	s1 =	sadd.s32 $0x100, s1;
	[tilespmem:v2+s26+$0x0] =	vst.idx.msk $0xffff, v1;
	v2 =	vld [tilespmem:$0x1FFE0]  }
0x1c7: {  	p0 =	sgt.u32 s30, $0x7C  }
0x1c8: {  	s0 =	sadd.s32 @!p0 $0x3, s30  }
0x1c9: {  	s1 =	smul.u32 @!p0 $0xAB, s0;
	_ =	sdelay $0x1  }
0x1ca: {  	s1 =	sshrl.u32 @!p0 s1, $0x9  }
0x1cb: {  	s19 =	sshll.u32 s30, $0x9;
	s1 =	sand.u32 @!p0 $0x7F, s1  }
0x1cc: {  	s19 =	sadd.s32 s19, s13;
	s1 =	smul.u32 @!p0 $0x3, s1  }
0x1cd: {  	[hbm4b:s19+s2] =	stream.linear.scatter [tilespmem:s26], [sflag:$0x5], $0x1000, $0x38;
	[tilespmem:$0x1C000] =	vst v63  }
0x1ce: {  	s1 =	ssub.s32 @!p0 s0, s1;
	s0 =	sshll.u32 @!p0 s0, $0x8  }
0x1cf: {  	s1 =	sand.u32 @!p0 $0xFF, s1;
	s0 =	sadd.s32 @!p0 s6, s0  }
0x1d0: {  	s20 =	simm.s32 @!p0 $0x0;
	s1 =	sshll.u32 @!p0 s1, $0xB;
	s19 =	sadd.s32 @!p0 s4, s0  }
0x1d1: {  	[tilespmem:s1], [sflag:$0x4] =	stream.linear.gather @!p0 [hbm4b:s19+s20], $0x800, $0x38;
	[tilespmem:$0x1C000] =	vst v63  }
0x1d2: {  	s30 =	sadd.s32 $0x1, s30;
	s0 =	sadd.s32 @!p0 s5, s0;
	s1 =	sadd.s32 @!p0 $0x1800, s1  }
0x1d3: {  	[tilespmem:s1], [sflag:$0x4] =	stream.linear.gather @!p0 [hbm4b:s0+s20], $0x800, $0x38;
	[tilespmem:$0x1C000] =	vst v63  }
0x1d4: {  	p0 =	sne.s32 s30, $0x80  }
.Ltmp22:
0x1d5: {  	_ = 	snop;
	(pc) =	sbr.rel @p0 .LBB2_2-.Ltmp22, $1  }
0x1d6: {  	_ =	sdelay $0x3  }
0x1d7: {  	s29 =	sadd.s32 $0x1, s29  }
0x1d8: {  	p0 =	sne.s32 s29, s14  }
.Ltmp23:
0x1d9: {  	_ = 	snop;
	(pc) =	sbr.rel @p0 .LBB2_1-.Ltmp23, $4  }
0x1da: {  	_ = 	snop  }
0x1db: {  	_ =	swait.ge [sflag:s28], $0x1000  }
0x1dc: {  	[sflag:s28] =	ssyncset.done $0x0  }
0x1dd: {  	[sflag:s28] =	ssyncadd.s32 $0xFFFFF000  }
0x1de: {  	_ =	sfence.sel $0x180000  }
0x1df: {  	[bflag:$0x0] =	sbarrier.arrive $0xFFFF  }
0x1e0: {  	_ =	strace $0x9000004A  }
0x1e1: {  	s0 =	stileid.u32;
	[bflag:$0x2] =	sbarrier.arrive $0xFFFF  }
0x1e2: {  	p0 =	sne.s32 s0, $0x0;
	s0 =	rddreg [dreg:$0x2]  }
0x1e3: {  	s0 =	sadd.s32 @!p0 $0x100000, s0  }
0x1e4: {  	[sflag:s0] =	ssyncadd.tile.s32 @!p0 $0x1;
	_ =	shalt  }
.Lfunc_end2:
_tile_overlayer_lowered:
.L_overlay_start_2:
0x1e5: {  	(tag) =	ssettag $0x2  }
0x1e6: {  	s0 =	rddreg [dreg:$0x0];
	s2 =	stileid.u32  }
0x1e7: {  	s1 =	rddreg [dreg:$0x1];
	p0 =	sne.s32 s2, $0x0  }
0x1e8: {  	s3 =	rddreg [dreg:$0x2];
	[bflag:$0x3] =	sbarrier.arrive $0xFFFF;
	s2 =	simm.s32 @!p0 $0x1C06  }
0x1e9: {  	[timem:s3], [sflag:s2] =	dma.local @!p0 [hbm:s0], s1  }
0x1ea: {  	s0 =	simm.s32 @!p0 $0x6  }
0x1eb: {  	_ =	swait.ge @!p0 [sflag:s0], s1  }
0x1ec: {  	s1 =	ssub.s32 @!p0 $0x0, s1;
	[sflag:s0] =	ssyncset.done @!p0 $0x0  }
0x1ed: {  	[sflag:s0] =	ssyncadd.s32 @!p0 s1  }
0x1ee: {  	[bflag:$0x3] =	sbarrier.arrive $0xFFFF  }
0x1ef: {  	_ =	shalt  }

</sc_bundles>
